<compile_context>
chip_gen: v7x
topology: tpu7x:2x2x1
jax: 0.10.2.dev20260603
libtpu: 0.0.44.dev20260713+nightly
codegen_flags: <defaults>
</compile_context>

<pallas_src>
import functools

import jax
import jax.numpy as jnp
from jax import lax
from jax.experimental import pallas as pl
from jax.experimental.pallas import tpu as pltpu
from jax.experimental.pallas import tpu_sc as plsc

N = 10000
E = 10000
NNZ = 320000
NSUB = 16
DUMMY = N
ACC_ROWS = 10112
ZSLC = ACC_ROWS // NSUB
BN = 1000
NB = N // BN

CH = 64


def _make_sc_segsum(kj: int):
    assert kj % 4 == 0
    mesh = plsc.VectorSubcoreMesh(core_axis_name="c", subcore_axis_name="s")

    @functools.partial(
        pl.kernel,
        out_type=jax.ShapeDtypeStruct((2, ACC_ROWS, 128), jnp.float32),
        mesh=mesh,
        compiler_params=pltpu.CompilerParams(use_tc_tiling_on_sc=False),
        scratch_types=[
            [pltpu.VMEM((CH,), jnp.int32) for _ in range(4)],
            [pltpu.VMEM((CH,), jnp.int32) for _ in range(4)],
            [pltpu.VMEM((CH, 128), jnp.float32) for _ in range(4)],
            pltpu.VMEM_SHARED((ACC_ROWS, 128), jnp.float32),
            [pltpu.SemaphoreType.DMA for _ in range(4)],
            [pltpu.SemaphoreType.DMA for _ in range(4)],
            [pltpu.SemaphoreType.DMA for _ in range(2)],
        ],
    )
    def segsum(table_hbm, cidx_hbm, zeros_hbm, out_hbm,
               GI, SI, GB, acc, CS, GS_, SS_):
        c = lax.axis_index("c")
        w = lax.axis_index("s")

        def il(j, s):
            pltpu.async_copy(cidx_hbm.at[c, w, j], GI[s], CS[s])

        def iw(j, s):
            pltpu.make_async_copy(cidx_hbm.at[c, w, j], GI[s], CS[s]).wait()
            for g in range(CH // 16):
                x = GI[s][pl.ds(16 * g, 16)]
                SI[s][pl.ds(16 * g, 16)] = x >> 16
                GI[s][pl.ds(16 * g, 16)] = x & jnp.int32(0xFFFF)

        def gs(s):
            pltpu.async_copy(table_hbm.at[GI[s]], GB[s], GS_[s])

        def gw(s):
            pltpu.make_async_copy(table_hbm.at[GI[s]], GB[s], GS_[s]).wait()

        def ss(s, fp):
            pltpu.async_copy(GB[s], acc.at[SI[s]], SS_[fp], add=True)

        def sw(s, fp):
            pltpu.make_async_copy(GB[s], acc.at[SI[s]], SS_[fp]).wait()

        pltpu.sync_copy(zeros_hbm.at[pl.ds(w * ZSLC, ZSLC)],
                        acc.at[pl.ds(w * ZSLC, ZSLC)])
        plsc.subcore_barrier()

        il(0, 0)
        il(1, 1)
        il(2, 2)
        il(3, 3)
        iw(0, 0)
        gs(0)
        iw(1, 1)
        gs(1)

        def body(i, carry):
            j = 4 * i
            for k in range(4):
                jk = j + k
                s = k
                fp = k % 2
                gw(s)

                if k < 2:
                    @pl.when(i >= 1)
                    def _():
                        sw((k + 2) % 4, fp)
                else:
                    sw((k + 2) % 4, fp)

                ss(s, fp)

                @pl.when(jk + 2 < kj)
                def _():
                    iw(jk + 2, (k + 2) % 4)
                    gs((k + 2) % 4)

                @pl.when(jk + 4 < kj)
                def _():
                    il(jk + 4, s)
            return carry

        lax.fori_loop(0, kj // 4, body, 0)
        sw(2, 0)
        sw(3, 1)
        plsc.subcore_barrier()
        pltpu.sync_copy(acc.at[pl.ds(w * ZSLC, ZSLC)],
                        out_hbm.at[c, pl.ds(w * ZSLC, ZSLC)])

    return segsum


_sc_segsum_full = _make_sc_segsum(316)
_sc_segsum_half = _make_sc_segsum(160)


def _pad_idx(idx, n_sc, fill):
    per = idx.shape[0] // (n_sc * NSUB)
    kj = -(-per // CH)
    kj += (-kj) % 4
    a = idx.reshape(n_sc, NSUB, per)
    a = jnp.pad(a, ((0, 0), (0, 0), (0, kj * CH - per)), constant_values=fill)
    return a.reshape(n_sc, NSUB, kj, CH)


def _vspec():
    return pl.BlockSpec((BN, 1), lambda i: (i, 0))


def _split_spec():
    return pl.BlockSpec((2, BN, 128), lambda i: (0, i, 0))


def _tc1_body(x_ref, w_ref, b_ref, dvb_ref, out_ref):
    h = jnp.dot(x_ref[...], w_ref[...], preferred_element_type=jnp.float32)
    h = (h + b_ref[...]) * dvb_ref[...]
    out_ref[0] = h[:, :128]
    out_ref[1] = h[:, 128:]


_tc1 = pl.pallas_call(
    _tc1_body,
    grid=(NB,),
    in_specs=[
        pl.BlockSpec((BN, 128), lambda i: (i, 0)),
        pl.BlockSpec((128, 256), lambda i: (0, 0)),
        pl.BlockSpec((1, 256), lambda i: (0, 0)),
        _vspec(),
    ],
    out_specs=_split_spec(),
    out_shape=jax.ShapeDtypeStruct((2, N, 128), jnp.float32),
)


def _tc2_body(a_ref, debi_ref, dea_ref, u_ref, c_ref, out_ref):
    debi = debi_ref[...]
    t0 = jax.nn.relu(a_ref[0] * debi)
    t1 = jax.nn.relu(a_ref[1] * debi)
    o = jnp.dot(t0, u_ref[:128, :], preferred_element_type=jnp.float32)
    o += jnp.dot(t1, u_ref[128:, :], preferred_element_type=jnp.float32)
    o = (o + c_ref[...]) * dea_ref[...]
    out_ref[0] = o[:, :128]
    out_ref[1] = o[:, 128:]


_tc2 = pl.pallas_call(
    _tc2_body,
    grid=(NB,),
    in_specs=[
        _split_spec(),
        _vspec(),
        _vspec(),
        pl.BlockSpec((256, 256), lambda i: (0, 0)),
        pl.BlockSpec((1, 256), lambda i: (0, 0)),
    ],
    out_specs=_split_spec(),
    out_shape=jax.ShapeDtypeStruct((2, E, 128), jnp.float32),
)


def _tc3_body(a_ref, dvai_ref, dvb_ref, w_ref, b_ref, out_ref):
    dvai = dvai_ref[...]
    t0 = jax.nn.relu(a_ref[0] * dvai)
    t1 = jax.nn.relu(a_ref[1] * dvai)
    h = jnp.dot(t0, w_ref[:128, :], preferred_element_type=jnp.float32)
    h += jnp.dot(t1, w_ref[128:, :], preferred_element_type=jnp.float32)
    h = (h + b_ref[...]) * dvb_ref[...]
    out_ref[0] = h[:, :128]
    out_ref[1] = h[:, 128:]


_tc3 = pl.pallas_call(
    _tc3_body,
    grid=(NB,),
    in_specs=[
        _split_spec(),
        _vspec(),
        _vspec(),
        pl.BlockSpec((256, 256), lambda i: (0, 0)),
        pl.BlockSpec((1, 256), lambda i: (0, 0)),
    ],
    out_specs=_split_spec(),
    out_shape=jax.ShapeDtypeStruct((2, N, 128), jnp.float32),
)


def _tc4_body(a_ref, debi_ref, dea_ref, u_ref, c_ref, e_ref, o_ref):
    debi = debi_ref[...]
    e0 = a_ref[0] * debi
    e1 = a_ref[1] * debi
    e_ref[:, :128] = e0
    e_ref[:, 128:] = e1
    o = jnp.dot(jax.nn.relu(e0), u_ref[:128, :],
                preferred_element_type=jnp.float32)
    o += jnp.dot(jax.nn.relu(e1), u_ref[128:, :],
                 preferred_element_type=jnp.float32)
    o = (o + c_ref[...]) * dea_ref[...]
    o_ref[...] = o


_tc4 = pl.pallas_call(
    _tc4_body,
    grid=(NB,),
    in_specs=[
        _split_spec(),
        _vspec(),
        _vspec(),
        pl.BlockSpec((256, 128), lambda i: (0, 0)),
        pl.BlockSpec((1, 128), lambda i: (0, 0)),
    ],
    out_specs=[
        pl.BlockSpec((BN, 256), lambda i: (i, 0)),
        pl.BlockSpec((BN, 128), lambda i: (i, 0)),
    ],
    out_shape=[
        jax.ShapeDtypeStruct((E, 256), jnp.float32),
        jax.ShapeDtypeStruct((E, 128), jnp.float32),
    ],
)


def _tc5_body(p_ref, dvai_ref, out_ref):
    out_ref[...] = (p_ref[0] + p_ref[1]) * dvai_ref[...]


_tc5 = pl.pallas_call(
    _tc5_body,
    grid=(NB,),
    in_specs=[_split_spec(), _vspec()],
    out_specs=pl.BlockSpec((BN, 128), lambda i: (i, 0)),
    out_shape=jax.ShapeDtypeStruct((N, 128), jnp.float32),
)


def kernel(x, hyperedge_index, D_v_beta, D_e_beta_inv, D_e_alpha, D_v_alpha_inv,
           W1, b1, U1, c1, W2, b2, U2, c2):
    src = hyperedge_index[0]
    dst = hyperedge_index[1]

    src_g = _pad_idx(src, 1, 0)[0]
    src_s = _pad_idx(src, 1, DUMMY)[0]
    dst_g = _pad_idx(dst, 1, 0)[0]
    dst_s = _pad_idx(dst, 1, DUMMY)[0]
    dst_sh = dst_s << 16
    src_sh = src_s << 16
    cidx_a = jnp.stack([src_g | dst_sh, (src_g + N) | dst_sh])
    cidx_b = jnp.stack([dst_g | src_sh, (dst_g + E) | src_sh])
    cidx_d = _pad_idx(dst, 2, 0) | (_pad_idx(src, 2, DUMMY) << 16)

    zeros = jnp.zeros((ACC_ROWS, 128), jnp.float32)
    dvb = D_v_beta.reshape(N, 1)
    debi = D_e_beta_inv.reshape(E, 1)
    dea = D_e_alpha.reshape(E, 1)
    dvai = D_v_alpha_inv.reshape(N, 1)

    h = _tc1(x, W1, b1.reshape(1, 256), dvb)
    ae = _sc_segsum_full(h.reshape(2 * N, 128), cidx_a, zeros)
    o = _tc2(ae, debi, dea, U1, c1.reshape(1, 256))
    av = _sc_segsum_full(o.reshape(2 * E, 128), cidx_b, zeros)
    h2 = _tc3(av, dvai, dvb, W2, b2.reshape(1, 256))
    ae2 = _sc_segsum_full(h2.reshape(2 * N, 128), cidx_a, zeros)
    e_out, o2 = _tc4(ae2, debi, dea, U2, c2.reshape(1, 128))
    p = _sc_segsum_half(o2, cidx_d, zeros)
    out = _tc5(p, dvai)
    return (out, e_out)

# --- scband reference (transcript-rebuilt; emitter-appended) ---
"""Pipeline reference for scband-hnhn-67619965108618 (READ-ONLY COPY).

The authoritative reference and input builder live on the scoring server;
editing this copy changes nothing except your own understanding.
"""

import jax, jax.numpy as jnp
import numpy as np

N = 10000
E_HE = 10000
NNZ = 320000
DIN = 128
DH = 256
DOUT = 128

def setup_inputs(seed: int = 0) -> dict:
    key = jax.random.key(seed)
    ks = jax.random.split(key, 16)
    x = jax.random.normal(ks[0], (N, DIN), dtype=jnp.float32)
    hyperedge_index = jax.random.randint(ks[1], (2, NNZ), 0, E_HE, dtype=jnp.int32)
    D_v_beta = jax.random.uniform(ks[2], (N,), dtype=jnp.float32) + 0.5
    D_e_beta_inv = jax.random.uniform(ks[3], (E_HE,), dtype=jnp.float32) + 0.5
    D_e_alpha = jax.random.uniform(ks[4], (E_HE,), dtype=jnp.float32) + 0.5
    D_v_alpha_inv = jax.random.uniform(ks[5], (N,), dtype=jnp.float32) + 0.5
    W1 = jax.random.normal(ks[6], (DIN, DH), dtype=jnp.float32) / np.sqrt(DIN)
    b1 = jnp.zeros((DH,), dtype=jnp.float32)
    U1 = jax.random.normal(ks[7], (DH, DH), dtype=jnp.float32) / np.sqrt(DH)
    c1 = jnp.zeros((DH,), dtype=jnp.float32)
    W2 = jax.random.normal(ks[8], (DH, DH), dtype=jnp.float32) / np.sqrt(DH)
    b2 = jnp.zeros((DH,), dtype=jnp.float32)
    U2 = jax.random.normal(ks[9], (DH, DOUT), dtype=jnp.float32) / np.sqrt(DH)
    c2 = jnp.zeros((DOUT,), dtype=jnp.float32)
    return {"x": x, "hyperedge_index": hyperedge_index, "D_v_beta": D_v_beta,
            "D_e_beta_inv": D_e_beta_inv, "D_e_alpha": D_e_alpha, "D_v_alpha_inv": D_v_alpha_inv,
            "W1": W1, "b1": b1, "U1": U1, "c1": c1, "W2": W2, "b2": b2, "U2": U2, "c2": c2}

def _hnhn_conv(x, src, dst, dvb, debi, dea, dvai, W, b, U, c):
    # weight_v2e
    h = x @ W + b
    h = dvb[:, None] * h
    # propagate source_to_target: message = norm_i * x_j, norm_i = D_e_beta_inv[dst], x_j = h[src], aggr add at dst (edges)
    msg = debi[dst][:, None] * h[src]
    out_e = jax.ops.segment_sum(msg, dst, num_segments=E_HE)
    edge_embed = out_e
    # nonlinear_inbetween
    o = jax.nn.relu(out_e)
    # weight_e2v
    o = o @ U + c
    o = dea[:, None] * o
    # propagate target_to_source: x_j = o[dst], norm_i = D_v_alpha_inv[src], aggr add at src (nodes)
    msg2 = dvai[src][:, None] * o[dst]
    out_v = jax.ops.segment_sum(msg2, src, num_segments=N)
    return out_v, edge_embed

def reference(x, hyperedge_index, D_v_beta, D_e_beta_inv, D_e_alpha, D_v_alpha_inv,
              W1, b1, U1, c1, W2, b2, U2, c2):
    src = hyperedge_index[0]
    dst = hyperedge_index[1]
    # layer 1
    h, e = _hnhn_conv(x, src, dst, D_v_beta, D_e_beta_inv, D_e_alpha, D_v_alpha_inv, W1, b1, U1, c1)
    h = jax.nn.relu(h)
    # dropout p=0.0 (eval) -> identity
    # layer 2 (last)
    out, e = _hnhn_conv(h, src, dst, D_v_beta, D_e_beta_inv, D_e_alpha, D_v_alpha_inv, W2, b2, U2, c2)
    return (out, e)

if __name__ == "__main__":
    import jax
    _d = setup_inputs()
    print(jax.jit(kernel)(*tuple(_d.values())))

</pallas_src>

<mosaic_0001>
#map = affine_map<(d0, d1) -> (0, 0)>
#map1 = affine_map<(d0, d1) -> (0, 0, 0, 0)>
#map2 = affine_map<(d0, d1) -> (0, 0, 0)>
module attributes {stable_mosaic.version = 14 : i64} {
  func.func @segsum(%arg0: i32, %arg1: i32, %arg2: memref<10000x128xf32, #tpu.memory_space<hbm>>, %arg3: memref<2x16x160x64xi32, #tpu.memory_space<hbm>>, %arg4: memref<10112x128xf32, #tpu.memory_space<hbm>>, %arg5: memref<2x10112x128xf32, #tpu.memory_space<hbm>>, %arg6: memref<64xi32, #tpu.memory_space<vmem>>, %arg7: memref<64xi32, #tpu.memory_space<vmem>>, %arg8: memref<64xi32, #tpu.memory_space<vmem>>, %arg9: memref<64xi32, #tpu.memory_space<vmem>>, %arg10: memref<64xi32, #tpu.memory_space<vmem>>, %arg11: memref<64xi32, #tpu.memory_space<vmem>>, %arg12: memref<64xi32, #tpu.memory_space<vmem>>, %arg13: memref<64xi32, #tpu.memory_space<vmem>>, %arg14: memref<64x128xf32, #tpu.memory_space<vmem>>, %arg15: memref<64x128xf32, #tpu.memory_space<vmem>>, %arg16: memref<64x128xf32, #tpu.memory_space<vmem>>, %arg17: memref<64x128xf32, #tpu.memory_space<vmem>>, %arg18: memref<10112x128xf32, #tpu.memory_space<vmem_shared>>, %arg19: memref<!tpu.dma_semaphore, #tpu.memory_space<semaphore_mem>>, %arg20: memref<!tpu.dma_semaphore, #tpu.memory_space<semaphore_mem>>, %arg21: memref<!tpu.dma_semaphore, #tpu.memory_space<semaphore_mem>>, %arg22: memref<!tpu.dma_semaphore, #tpu.memory_space<semaphore_mem>>, %arg23: memref<!tpu.dma_semaphore, #tpu.memory_space<semaphore_mem>>, %arg24: memref<!tpu.dma_semaphore, #tpu.memory_space<semaphore_mem>>, %arg25: memref<!tpu.dma_semaphore, #tpu.memory_space<semaphore_mem>>, %arg26: memref<!tpu.dma_semaphore, #tpu.memory_space<semaphore_mem>>, %arg27: memref<!tpu.dma_semaphore, #tpu.memory_space<semaphore_mem>>, %arg28: memref<!tpu.dma_semaphore, #tpu.memory_space<semaphore_mem>>) attributes {dimension_semantics = [#tpu.dimension_semantics<core_parallel>, #tpu.dimension_semantics<subcore_parallel>], iteration_bounds = array<i64: 2, 16>, scalar_prefetch = 0 : i64, scratch_operands = 23 : i64, tpu.core_type = #tpu.core_type<sc_vector_subcore>, window_params = [{transform_indices = #map}, {transform_indices = #map1}, {transform_indices = #map}, {transform_indices = #map2}]} {
    %mul3A = arith.constant 632 : i32
    %mul3A_0 = arith.muli %arg1, %mul3A : i32
    %mul3A_1 = arith.constant 632 : i32
    %mul3A_2 = arith.muli %arg1, %mul3A_1 : i32
    "tpu.region"() ({
      %run_scoped3A = tpu.sem_alloc : memref<!tpu.dma_semaphore, #tpu.memory_space<semaphore_mem>>
      %dma_start3A_197 = arith.constant 0 : i32
      %dma_start3A_198 = tpu.memref_slice %arg18[%mul3A_2, %dma_start3A_197] : memref<10112x128xf32, #tpu.memory_space<vmem_shared>> -> memref<632x128xf32, #tpu.memory_space<vmem_shared>>
      %dma_start3A_199 = arith.constant 0 : i32
      %dma_start3A_200 = tpu.memref_slice %arg4[%mul3A_0, %dma_start3A_199] : memref<10112x128xf32, #tpu.memory_space<hbm>> -> memref<632x128xf32, #tpu.memory_space<hbm>>
      tpu.enqueue_dma source(%dma_start3A_200 : memref<632x128xf32, #tpu.memory_space<hbm>>) target(%dma_start3A_198 : memref<632x128xf32, #tpu.memory_space<vmem_shared>>) target_semaphore(%run_scoped3A : memref<!tpu.dma_semaphore, #tpu.memory_space<semaphore_mem>>)
      %dma_wait3A_201 = arith.constant 0 : i32
      %dma_wait3A_202 = tpu.memref_slice %arg18[%mul3A_2, %dma_wait3A_201] : memref<10112x128xf32, #tpu.memory_space<vmem_shared>> -> memref<632x128xf32, #tpu.memory_space<vmem_shared>>
      %dma_wait3A_203 = arith.constant 0 : i32
      %dma_wait3A_204 = tpu.memref_slice %arg4[%mul3A_0, %dma_wait3A_203] : memref<10112x128xf32, #tpu.memory_space<hbm>> -> memref<632x128xf32, #tpu.memory_space<hbm>>
      tpu.wait_dma2 semaphore(%run_scoped3A : memref<!tpu.dma_semaphore, #tpu.memory_space<semaphore_mem>>) src(%dma_wait3A_204 : memref<632x128xf32, #tpu.memory_space<hbm>>) dst(%dma_wait3A_202 : memref<632x128xf32, #tpu.memory_space<vmem_shared>>)
      tpu.yield
    }) : () -> ()
    %barrier3A = arith.constant 0 : index
    tpu.barrier barrier_id(%barrier3A)
    %dma_start3A = arith.constant 0 : i32
    %dma_start3A_3 = arith.constant 0 : i32
    %dma_start3A_4 = tpu.memref_slice %arg3[%arg0, %arg1, %dma_start3A, %dma_start3A_3] : memref<2x16x160x64xi32, #tpu.memory_space<hbm>> -> memref<1x1x1x64xi32, #tpu.memory_space<hbm>>
    %dma_start3A_5 = tpu.memref_squeeze %dma_start3A_4 : memref<1x1x1x64xi32, #tpu.memory_space<hbm>> -> memref<64xi32, #tpu.memory_space<hbm>>
    %dma_start3A_6 = arith.constant 0 : i32
    %dma_start3A_7 = tpu.memref_slice %arg3[%arg0, %arg1, %dma_start3A, %dma_start3A_6] : memref<2x16x160x64xi32, #tpu.memory_space<hbm>> -> memref<1x1x1x64xi32, #tpu.memory_space<hbm>>
    %dma_start3A_8 = tpu.memref_squeeze %dma_start3A_7 : memref<1x1x1x64xi32, #tpu.memory_space<hbm>> -> memref<64xi32, #tpu.memory_space<hbm>>
    tpu.enqueue_dma source(%dma_start3A_8 : memref<64xi32, #tpu.memory_space<hbm>>) target(%arg6 : memref<64xi32, #tpu.memory_space<vmem>>) target_semaphore(%arg19 : memref<!tpu.dma_semaphore, #tpu.memory_space<semaphore_mem>>)
    %dma_start3A_9 = arith.constant 1 : i32
    %dma_start3A_10 = arith.constant 0 : i32
    %dma_start3A_11 = tpu.memref_slice %arg3[%arg0, %arg1, %dma_start3A_9, %dma_start3A_10] : memref<2x16x160x64xi32, #tpu.memory_space<hbm>> -> memref<1x1x1x64xi32, #tpu.memory_space<hbm>>
    %dma_start3A_12 = tpu.memref_squeeze %dma_start3A_11 : memref<1x1x1x64xi32, #tpu.memory_space<hbm>> -> memref<64xi32, #tpu.memory_space<hbm>>
    %dma_start3A_13 = arith.constant 0 : i32
    %dma_start3A_14 = tpu.memref_slice %arg3[%arg0, %arg1, %dma_start3A_9, %dma_start3A_13] : memref<2x16x160x64xi32, #tpu.memory_space<hbm>> -> memref<1x1x1x64xi32, #tpu.memory_space<hbm>>
    %dma_start3A_15 = tpu.memref_squeeze %dma_start3A_14 : memref<1x1x1x64xi32, #tpu.memory_space<hbm>> -> memref<64xi32, #tpu.memory_space<hbm>>
    tpu.enqueue_dma source(%dma_start3A_15 : memref<64xi32, #tpu.memory_space<hbm>>) target(%arg7 : memref<64xi32, #tpu.memory_space<vmem>>) target_semaphore(%arg20 : memref<!tpu.dma_semaphore, #tpu.memory_space<semaphore_mem>>)
    %dma_start3A_16 = arith.constant 2 : i32
    %dma_start3A_17 = arith.constant 0 : i32
    %dma_start3A_18 = tpu.memref_slice %arg3[%arg0, %arg1, %dma_start3A_16, %dma_start3A_17] : memref<2x16x160x64xi32, #tpu.memory_space<hbm>> -> memref<1x1x1x64xi32, #tpu.memory_space<hbm>>
    %dma_start3A_19 = tpu.memref_squeeze %dma_start3A_18 : memref<1x1x1x64xi32, #tpu.memory_space<hbm>> -> memref<64xi32, #tpu.memory_space<hbm>>
    %dma_start3A_20 = arith.constant 0 : i32
    %dma_start3A_21 = tpu.memref_slice %arg3[%arg0, %arg1, %dma_start3A_16, %dma_start3A_20] : memref<2x16x160x64xi32, #tpu.memory_space<hbm>> -> memref<1x1x1x64xi32, #tpu.memory_space<hbm>>
    %dma_start3A_22 = tpu.memref_squeeze %dma_start3A_21 : memref<1x1x1x64xi32, #tpu.memory_space<hbm>> -> memref<64xi32, #tpu.memory_space<hbm>>
    tpu.enqueue_dma source(%dma_start3A_22 : memref<64xi32, #tpu.memory_space<hbm>>) target(%arg8 : memref<64xi32, #tpu.memory_space<vmem>>) target_semaphore(%arg21 : memref<!tpu.dma_semaphore, #tpu.memory_space<semaphore_mem>>)
    %dma_start3A_23 = arith.constant 3 : i32
    %dma_start3A_24 = arith.constant 0 : i32
    %dma_start3A_25 = tpu.memref_slice %arg3[%arg0, %arg1, %dma_start3A_23, %dma_start3A_24] : memref<2x16x160x64xi32, #tpu.memory_space<hbm>> -> memref<1x1x1x64xi32, #tpu.memory_space<hbm>>
    %dma_start3A_26 = tpu.memref_squeeze %dma_start3A_25 : memref<1x1x1x64xi32, #tpu.memory_space<hbm>> -> memref<64xi32, #tpu.memory_space<hbm>>
    %dma_start3A_27 = arith.constant 0 : i32
    %dma_start3A_28 = tpu.memref_slice %arg3[%arg0, %arg1, %dma_start3A_23, %dma_start3A_27] : memref<2x16x160x64xi32, #tpu.memory_space<hbm>> -> memref<1x1x1x64xi32, #tpu.memory_space<hbm>>
    %dma_start3A_29 = tpu.memref_squeeze %dma_start3A_28 : memref<1x1x1x64xi32, #tpu.memory_space<hbm>> -> memref<64xi32, #tpu.memory_space<hbm>>
    tpu.enqueue_dma source(%dma_start3A_29 : memref<64xi32, #tpu.memory_space<hbm>>) target(%arg9 : memref<64xi32, #tpu.memory_space<vmem>>) target_semaphore(%arg22 : memref<!tpu.dma_semaphore, #tpu.memory_space<semaphore_mem>>)
    %dma_wait3A = arith.constant 0 : i32
    %dma_wait3A_30 = arith.constant 0 : i32
    %dma_wait3A_31 = tpu.memref_slice %arg3[%arg0, %arg1, %dma_wait3A, %dma_wait3A_30] : memref<2x16x160x64xi32, #tpu.memory_space<hbm>> -> memref<1x1x1x64xi32, #tpu.memory_space<hbm>>
    %dma_wait3A_32 = tpu.memref_squeeze %dma_wait3A_31 : memref<1x1x1x64xi32, #tpu.memory_space<hbm>> -> memref<64xi32, #tpu.memory_space<hbm>>
    %dma_wait3A_33 = arith.constant 0 : i32
    %dma_wait3A_34 = tpu.memref_slice %arg3[%arg0, %arg1, %dma_wait3A, %dma_wait3A_33] : memref<2x16x160x64xi32, #tpu.memory_space<hbm>> -> memref<1x1x1x64xi32, #tpu.memory_space<hbm>>
    %dma_wait3A_35 = tpu.memref_squeeze %dma_wait3A_34 : memref<1x1x1x64xi32, #tpu.memory_space<hbm>> -> memref<64xi32, #tpu.memory_space<hbm>>
    tpu.wait_dma2 semaphore(%arg19 : memref<!tpu.dma_semaphore, #tpu.memory_space<semaphore_mem>>) src(%dma_wait3A_35 : memref<64xi32, #tpu.memory_space<hbm>>) dst(%arg6 : memref<64xi32, #tpu.memory_space<vmem>>)
    %get3A = arith.constant 0 : index
    %get3A_36 = tpu.vector_load %arg6[%get3A] {strides = array<i32>} : memref<64xi32, #tpu.memory_space<vmem>>, vector<16xi32>,
    %get3A_37 = vector.shape_cast %get3A_36 : vector<16xi32> to vector<16xi32>
    %shift_right_arithmetic3A = arith.constant 16 : i32
    %shift_right_arithmetic3A_38 = vector.broadcast %shift_right_arithmetic3A : i32 to vector<16xi32>
    %shift_right_arithmetic3A_39 = arith.shrsi %get3A_37, %shift_right_arithmetic3A_38 : vector<16xi32>
    %swap3A = arith.constant 0 : index
    %swap3A_40 = tpu.vector_load %arg10[%swap3A] {strides = array<i32>} : memref<64xi32, #tpu.memory_space<vmem>>, vector<16xi32>,
    %swap3A_41 = vector.shape_cast %swap3A_40 : vector<16xi32> to vector<16xi32>
    %swap3A_42 = vector.shape_cast %shift_right_arithmetic3A_39 : vector<16xi32> to vector<16xi32>
    tpu.vector_store %arg10[%swap3A], %swap3A_42 {strides = array<i32>} : memref<64xi32, #tpu.memory_space<vmem>>, vector<16xi32>,
    %and3A = arith.constant 65535 : i32
    %and3A_43 = vector.broadcast %and3A : i32 to vector<16xi32>
    %and3A_44 = arith.andi %get3A_37, %and3A_43 : vector<16xi32>
    %swap3A_45 = arith.constant 0 : index
    %swap3A_46 = tpu.vector_load %arg6[%swap3A_45] {strides = array<i32>} : memref<64xi32, #tpu.memory_space<vmem>>, vector<16xi32>,
    %swap3A_47 = vector.shape_cast %swap3A_46 : vector<16xi32> to vector<16xi32>
    %swap3A_48 = vector.shape_cast %and3A_44 : vector<16xi32> to vector<16xi32>
    tpu.vector_store %arg6[%swap3A_45], %swap3A_48 {strides = array<i32>} : memref<64xi32, #tpu.memory_space<vmem>>, vector<16xi32>,
    %get3A_49 = arith.constant 16 : index
    %get3A_50 = tpu.vector_load %arg6[%get3A_49] {strides = array<i32>} : memref<64xi32, #tpu.memory_space<vmem>>, vector<16xi32>,
    %get3A_51 = vector.shape_cast %get3A_50 : vector<16xi32> to vector<16xi32>
    %shift_right_arithmetic3A_52 = arith.constant 16 : i32
    %shift_right_arithmetic3A_53 = vector.broadcast %shift_right_arithmetic3A_52 : i32 to vector<16xi32>
    %shift_right_arithmetic3A_54 = arith.shrsi %get3A_51, %shift_right_arithmetic3A_53 : vector<16xi32>
    %swap3A_55 = arith.constant 16 : index
    %swap3A_56 = tpu.vector_load %arg10[%swap3A_55] {strides = array<i32>} : memref<64xi32, #tpu.memory_space<vmem>>, vector<16xi32>,
    %swap3A_57 = vector.shape_cast %swap3A_56 : vector<16xi32> to vector<16xi32>
    %swap3A_58 = vector.shape_cast %shift_right_arithmetic3A_54 : vector<16xi32> to vector<16xi32>
    tpu.vector_store %arg10[%swap3A_55], %swap3A_58 {strides = array<i32>} : memref<64xi32, #tpu.memory_space<vmem>>, vector<16xi32>,
    %and3A_59 = arith.constant 65535 : i32
    %and3A_60 = vector.broadcast %and3A_59 : i32 to vector<16xi32>
    %and3A_61 = arith.andi %get3A_51, %and3A_60 : vector<16xi32>
    %swap3A_62 = arith.constant 16 : index
    %swap3A_63 = tpu.vector_load %arg6[%swap3A_62] {strides = array<i32>} : memref<64xi32, #tpu.memory_space<vmem>>, vector<16xi32>,
    %swap3A_64 = vector.shape_cast %swap3A_63 : vector<16xi32> to vector<16xi32>
    %swap3A_65 = vector.shape_cast %and3A_61 : vector<16xi32> to vector<16xi32>
    tpu.vector_store %arg6[%swap3A_62], %swap3A_65 {strides = array<i32>} : memref<64xi32, #tpu.memory_space<vmem>>, vector<16xi32>,
    %get3A_66 = arith.constant 32 : index
    %get3A_67 = tpu.vector_load %arg6[%get3A_66] {strides = array<i32>} : memref<64xi32, #tpu.memory_space<vmem>>, vector<16xi32>,
    %get3A_68 = vector.shape_cast %get3A_67 : vector<16xi32> to vector<16xi32>
    %shift_right_arithmetic3A_69 = arith.constant 16 : i32
    %shift_right_arithmetic3A_70 = vector.broadcast %shift_right_arithmetic3A_69 : i32 to vector<16xi32>
    %shift_right_arithmetic3A_71 = arith.shrsi %get3A_68, %shift_right_arithmetic3A_70 : vector<16xi32>
    %swap3A_72 = arith.constant 32 : index
    %swap3A_73 = tpu.vector_load %arg10[%swap3A_72] {strides = array<i32>} : memref<64xi32, #tpu.memory_space<vmem>>, vector<16xi32>,
    %swap3A_74 = vector.shape_cast %swap3A_73 : vector<16xi32> to vector<16xi32>
    %swap3A_75 = vector.shape_cast %shift_right_arithmetic3A_71 : vector<16xi32> to vector<16xi32>
    tpu.vector_store %arg10[%swap3A_72], %swap3A_75 {strides = array<i32>} : memref<64xi32, #tpu.memory_space<vmem>>, vector<16xi32>,
    %and3A_76 = arith.constant 65535 : i32
    %and3A_77 = vector.broadcast %and3A_76 : i32 to vector<16xi32>
    %and3A_78 = arith.andi %get3A_68, %and3A_77 : vector<16xi32>
    %swap3A_79 = arith.constant 32 : index
    %swap3A_80 = tpu.vector_load %arg6[%swap3A_79] {strides = array<i32>} : memref<64xi32, #tpu.memory_space<vmem>>, vector<16xi32>,
    %swap3A_81 = vector.shape_cast %swap3A_80 : vector<16xi32> to vector<16xi32>
    %swap3A_82 = vector.shape_cast %and3A_78 : vector<16xi32> to vector<16xi32>
    tpu.vector_store %arg6[%swap3A_79], %swap3A_82 {strides = array<i32>} : memref<64xi32, #tpu.memory_space<vmem>>, vector<16xi32>,
    %get3A_83 = arith.constant 48 : index
    %get3A_84 = tpu.vector_load %arg6[%get3A_83] {strides = array<i32>} : memref<64xi32, #tpu.memory_space<vmem>>, vector<16xi32>,
    %get3A_85 = vector.shape_cast %get3A_84 : vector<16xi32> to vector<16xi32>
    %shift_right_arithmetic3A_86 = arith.constant 16 : i32
    %shift_right_arithmetic3A_87 = vector.broadcast %shift_right_arithmetic3A_86 : i32 to vector<16xi32>
    %shift_right_arithmetic3A_88 = arith.shrsi %get3A_85, %shift_right_arithmetic3A_87 : vector<16xi32>
    %swap3A_89 = arith.constant 48 : index
    %swap3A_90 = tpu.vector_load %arg10[%swap3A_89] {strides = array<i32>} : memref<64xi32, #tpu.memory_space<vmem>>, vector<16xi32>,
    %swap3A_91 = vector.shape_cast %swap3A_90 : vector<16xi32> to vector<16xi32>
    %swap3A_92 = vector.shape_cast %shift_right_arithmetic3A_88 : vector<16xi32> to vector<16xi32>
    tpu.vector_store %arg10[%swap3A_89], %swap3A_92 {strides = array<i32>} : memref<64xi32, #tpu.memory_space<vmem>>, vector<16xi32>,
    %and3A_93 = arith.constant 65535 : i32
    %and3A_94 = vector.broadcast %and3A_93 : i32 to vector<16xi32>
    %and3A_95 = arith.andi %get3A_85, %and3A_94 : vector<16xi32>
    %swap3A_96 = arith.constant 48 : index
    %swap3A_97 = tpu.vector_load %arg6[%swap3A_96] {strides = array<i32>} : memref<64xi32, #tpu.memory_space<vmem>>, vector<16xi32>,
    %swap3A_98 = vector.shape_cast %swap3A_97 : vector<16xi32> to vector<16xi32>
    %swap3A_99 = vector.shape_cast %and3A_95 : vector<16xi32> to vector<16xi32>
    tpu.vector_store %arg6[%swap3A_96], %swap3A_99 {strides = array<i32>} : memref<64xi32, #tpu.memory_space<vmem>>, vector<16xi32>,
    %dma_start3A_100 = arith.constant 0 : i32
    %dma_start3A_101 = arith.constant 0 : i32
    %dma_start3A_102 = tpu.memref_slice %arg2[%dma_start3A_100, %dma_start3A_101] : memref<10000x128xf32, #tpu.memory_space<hbm>> -> memref<10000x128xf32, #tpu.memory_space<hbm>>
    tpu.enqueue_indirect_dma source(%dma_start3A_102 : memref<10000x128xf32, #tpu.memory_space<hbm>>) target(%arg14 : memref<64x128xf32, #tpu.memory_space<vmem>>) offsets(%arg6 : memref<64xi32, #tpu.memory_space<vmem>>) semaphore(%arg23 : memref<!tpu.dma_semaphore, #tpu.memory_space<semaphore_mem>>)
    %dma_wait3A_103 = arith.constant 1 : i32
    %dma_wait3A_104 = arith.constant 0 : i32
    %dma_wait3A_105 = tpu.memref_slice %arg3[%arg0, %arg1, %dma_wait3A_103, %dma_wait3A_104] : memref<2x16x160x64xi32, #tpu.memory_space<hbm>> -> memref<1x1x1x64xi32, #tpu.memory_space<hbm>>
    %dma_wait3A_106 = tpu.memref_squeeze %dma_wait3A_105 : memref<1x1x1x64xi32, #tpu.memory_space<hbm>> -> memref<64xi32, #tpu.memory_space<hbm>>
    %dma_wait3A_107 = arith.constant 0 : i32
    %dma_wait3A_108 = tpu.memref_slice %arg3[%arg0, %arg1, %dma_wait3A_103, %dma_wait3A_107] : memref<2x16x160x64xi32, #tpu.memory_space<hbm>> -> memref<1x1x1x64xi32, #tpu.memory_space<hbm>>
    %dma_wait3A_109 = tpu.memref_squeeze %dma_wait3A_108 : memref<1x1x1x64xi32, #tpu.memory_space<hbm>> -> memref<64xi32, #tpu.memory_space<hbm>>
    tpu.wait_dma2 semaphore(%arg20 : memref<!tpu.dma_semaphore, #tpu.memory_space<semaphore_mem>>) src(%dma_wait3A_109 : memref<64xi32, #tpu.memory_space<hbm>>) dst(%arg7 : memref<64xi32, #tpu.memory_space<vmem>>)
    %get3A_110 = arith.constant 0 : index
    %get3A_111 = tpu.vector_load %arg7[%get3A_110] {strides = array<i32>} : memref<64xi32, #tpu.memory_space<vmem>>, vector<16xi32>,
    %get3A_112 = vector.shape_cast %get3A_111 : vector<16xi32> to vector<16xi32>
    %shift_right_arithmetic3A_113 = arith.constant 16 : i32
    %shift_right_arithmetic3A_114 = vector.broadcast %shift_right_arithmetic3A_113 : i32 to vector<16xi32>
    %shift_right_arithmetic3A_115 = arith.shrsi %get3A_112, %shift_right_arithmetic3A_114 : vector<16xi32>
    %swap3A_116 = arith.constant 0 : index
    %swap3A_117 = tpu.vector_load %arg11[%swap3A_116] {strides = array<i32>} : memref<64xi32, #tpu.memory_space<vmem>>, vector<16xi32>,
    %swap3A_118 = vector.shape_cast %swap3A_117 : vector<16xi32> to vector<16xi32>
    %swap3A_119 = vector.shape_cast %shift_right_arithmetic3A_115 : vector<16xi32> to vector<16xi32>
    tpu.vector_store %arg11[%swap3A_116], %swap3A_119 {strides = array<i32>} : memref<64xi32, #tpu.memory_space<vmem>>, vector<16xi32>,
    %and3A_120 = arith.constant 65535 : i32
    %and3A_121 = vector.broadcast %and3A_120 : i32 to vector<16xi32>
    %and3A_122 = arith.andi %get3A_112, %and3A_121 : vector<16xi32>
    %swap3A_123 = arith.constant 0 : index
    %swap3A_124 = tpu.vector_load %arg7[%swap3A_123] {strides = array<i32>} : memref<64xi32, #tpu.memory_space<vmem>>, vector<16xi32>,
    %swap3A_125 = vector.shape_cast %swap3A_124 : vector<16xi32> to vector<16xi32>
    %swap3A_126 = vector.shape_cast %and3A_122 : vector<16xi32> to vector<16xi32>
    tpu.vector_store %arg7[%swap3A_123], %swap3A_126 {strides = array<i32>} : memref<64xi32, #tpu.memory_space<vmem>>, vector<16xi32>,
    %get3A_127 = arith.constant 16 : index
    %get3A_128 = tpu.vector_load %arg7[%get3A_127] {strides = array<i32>} : memref<64xi32, #tpu.memory_space<vmem>>, vector<16xi32>,
    %get3A_129 = vector.shape_cast %get3A_128 : vector<16xi32> to vector<16xi32>
    %shift_right_arithmetic3A_130 = arith.constant 16 : i32
    %shift_right_arithmetic3A_131 = vector.broadcast %shift_right_arithmetic3A_130 : i32 to vector<16xi32>
    %shift_right_arithmetic3A_132 = arith.shrsi %get3A_129, %shift_right_arithmetic3A_131 : vector<16xi32>
    %swap3A_133 = arith.constant 16 : index
    %swap3A_134 = tpu.vector_load %arg11[%swap3A_133] {strides = array<i32>} : memref<64xi32, #tpu.memory_space<vmem>>, vector<16xi32>,
    %swap3A_135 = vector.shape_cast %swap3A_134 : vector<16xi32> to vector<16xi32>
    %swap3A_136 = vector.shape_cast %shift_right_arithmetic3A_132 : vector<16xi32> to vector<16xi32>
    tpu.vector_store %arg11[%swap3A_133], %swap3A_136 {strides = array<i32>} : memref<64xi32, #tpu.memory_space<vmem>>, vector<16xi32>,
    %and3A_137 = arith.constant 65535 : i32
    %and3A_138 = vector.broadcast %and3A_137 : i32 to vector<16xi32>
    %and3A_139 = arith.andi %get3A_129, %and3A_138 : vector<16xi32>
    %swap3A_140 = arith.constant 16 : index
    %swap3A_141 = tpu.vector_load %arg7[%swap3A_140] {strides = array<i32>} : memref<64xi32, #tpu.memory_space<vmem>>, vector<16xi32>,
    %swap3A_142 = vector.shape_cast %swap3A_141 : vector<16xi32> to vector<16xi32>
    %swap3A_143 = vector.shape_cast %and3A_139 : vector<16xi32> to vector<16xi32>
    tpu.vector_store %arg7[%swap3A_140], %swap3A_143 {strides = array<i32>} : memref<64xi32, #tpu.memory_space<vmem>>, vector<16xi32>,
    %get3A_144 = arith.constant 32 : index
    %get3A_145 = tpu.vector_load %arg7[%get3A_144] {strides = array<i32>} : memref<64xi32, #tpu.memory_space<vmem>>, vector<16xi32>,
    %get3A_146 = vector.shape_cast %get3A_145 : vector<16xi32> to vector<16xi32>
    %shift_right_arithmetic3A_147 = arith.constant 16 : i32
    %shift_right_arithmetic3A_148 = vector.broadcast %shift_right_arithmetic3A_147 : i32 to vector<16xi32>
    %shift_right_arithmetic3A_149 = arith.shrsi %get3A_146, %shift_right_arithmetic3A_148 : vector<16xi32>
    %swap3A_150 = arith.constant 32 : index
    %swap3A_151 = tpu.vector_load %arg11[%swap3A_150] {strides = array<i32>} : memref<64xi32, #tpu.memory_space<vmem>>, vector<16xi32>,
    %swap3A_152 = vector.shape_cast %swap3A_151 : vector<16xi32> to vector<16xi32>
    %swap3A_153 = vector.shape_cast %shift_right_arithmetic3A_149 : vector<16xi32> to vector<16xi32>
    tpu.vector_store %arg11[%swap3A_150], %swap3A_153 {strides = array<i32>} : memref<64xi32, #tpu.memory_space<vmem>>, vector<16xi32>,
    %and3A_154 = arith.constant 65535 : i32
    %and3A_155 = vector.broadcast %and3A_154 : i32 to vector<16xi32>
    %and3A_156 = arith.andi %get3A_146, %and3A_155 : vector<16xi32>
    %swap3A_157 = arith.constant 32 : index
    %swap3A_158 = tpu.vector_load %arg7[%swap3A_157] {strides = array<i32>} : memref<64xi32, #tpu.memory_space<vmem>>, vector<16xi32>,
    %swap3A_159 = vector.shape_cast %swap3A_158 : vector<16xi32> to vector<16xi32>
    %swap3A_160 = vector.shape_cast %and3A_156 : vector<16xi32> to vector<16xi32>
    tpu.vector_store %arg7[%swap3A_157], %swap3A_160 {strides = array<i32>} : memref<64xi32, #tpu.memory_space<vmem>>, vector<16xi32>,
    %get3A_161 = arith.constant 48 : index
    %get3A_162 = tpu.vector_load %arg7[%get3A_161] {strides = array<i32>} : memref<64xi32, #tpu.memory_space<vmem>>, vector<16xi32>,
    %get3A_163 = vector.shape_cast %get3A_162 : vector<16xi32> to vector<16xi32>
    %shift_right_arithmetic3A_164 = arith.constant 16 : i32
    %shift_right_arithmetic3A_165 = vector.broadcast %shift_right_arithmetic3A_164 : i32 to vector<16xi32>
    %shift_right_arithmetic3A_166 = arith.shrsi %get3A_163, %shift_right_arithmetic3A_165 : vector<16xi32>
    %swap3A_167 = arith.constant 48 : index
    %swap3A_168 = tpu.vector_load %arg11[%swap3A_167] {strides = array<i32>} : memref<64xi32, #tpu.memory_space<vmem>>, vector<16xi32>,
    %swap3A_169 = vector.shape_cast %swap3A_168 : vector<16xi32> to vector<16xi32>
    %swap3A_170 = vector.shape_cast %shift_right_arithmetic3A_166 : vector<16xi32> to vector<16xi32>
    tpu.vector_store %arg11[%swap3A_167], %swap3A_170 {strides = array<i32>} : memref<64xi32, #tpu.memory_space<vmem>>, vector<16xi32>,
    %and3A_171 = arith.constant 65535 : i32
    %and3A_172 = vector.broadcast %and3A_171 : i32 to vector<16xi32>
    %and3A_173 = arith.andi %get3A_163, %and3A_172 : vector<16xi32>
    %swap3A_174 = arith.constant 48 : index
    %swap3A_175 = tpu.vector_load %arg7[%swap3A_174] {strides = array<i32>} : memref<64xi32, #tpu.memory_space<vmem>>, vector<16xi32>,
    %swap3A_176 = vector.shape_cast %swap3A_175 : vector<16xi32> to vector<16xi32>
    %swap3A_177 = vector.shape_cast %and3A_173 : vector<16xi32> to vector<16xi32>
    tpu.vector_store %arg7[%swap3A_174], %swap3A_177 {strides = array<i32>} : memref<64xi32, #tpu.memory_space<vmem>>, vector<16xi32>,
    %dma_start3A_178 = arith.constant 0 : i32
    %dma_start3A_179 = arith.constant 0 : i32
    %dma_start3A_180 = tpu.memref_slice %arg2[%dma_start3A_178, %dma_start3A_179] : memref<10000x128xf32, #tpu.memory_space<hbm>> -> memref<10000x128xf32, #tpu.memory_space<hbm>>
    tpu.enqueue_indirect_dma source(%dma_start3A_180 : memref<10000x128xf32, #tpu.memory_space<hbm>>) target(%arg15 : memref<64x128xf32, #tpu.memory_space<vmem>>) offsets(%arg7 : memref<64xi32, #tpu.memory_space<vmem>>) semaphore(%arg24 : memref<!tpu.dma_semaphore, #tpu.memory_space<semaphore_mem>>)
    %scan3A = arith.constant 0 : i32
    %scan3A_181 = arith.constant 0 : i32
    %scan3A_182 = arith.constant 40 : i32
    %scan3A_183 = arith.addi %scan3A_181, %scan3A_182 : i32
    %scan3A_184 = arith.constant 1 : i32
    scf.for %scan3A_197 = %scan3A_181 to %scan3A_183 step %scan3A_184  : i32 {
      %mul3A_198 = arith.constant 4 : i32
      %mul3A_199 = arith.muli %mul3A_198, %scan3A_197 : i32
      %add3A = arith.constant 0 : i32
      %add3A_200 = arith.addi %mul3A_199, %add3A : i32
      %dma_wait3A_201 = arith.constant 0 : i32
      %dma_wait3A_202 = arith.constant 0 : i32
      %dma_wait3A_203 = tpu.memref_slice %arg2[%dma_wait3A_201, %dma_wait3A_202] : memref<10000x128xf32, #tpu.memory_space<hbm>> -> memref<10000x128xf32, #tpu.memory_space<hbm>>
      tpu.wait_indirect_dma semaphore(%arg23 : memref<!tpu.dma_semaphore, #tpu.memory_space<semaphore_mem>>) src(%dma_wait3A_203 : memref<10000x128xf32, #tpu.memory_space<hbm>>) dst(%arg14 : memref<64x128xf32, #tpu.memory_space<vmem>>)
      %ge3A = arith.constant 1 : i32
      %ge3A_204 = arith.cmpi sge, %scan3A_197, %ge3A : i32
      %convert_element_type3A = arith.extui %ge3A_204 : i1 to i32
      %cond3A = arith.constant 0 : i32
      %cond3A_205 = arith.cmpi ne, %convert_element_type3A, %cond3A : i32
      scf.if %cond3A_205 {
        %dma_wait3A_299 = arith.constant 0 : i32
        %dma_wait3A_300 = arith.constant 0 : i32
        %dma_wait3A_301 = tpu.memref_slice %arg18[%dma_wait3A_299, %dma_wait3A_300] : memref<10112x128xf32, #tpu.memory_space<vmem_shared>> -> memref<10112x128xf32, #tpu.memory_space<vmem_shared>>
        tpu.wait_indirect_dma semaphore(%arg27 : memref<!tpu.dma_semaphore, #tpu.memory_space<semaphore_mem>>) src(%arg16 : memref<64x128xf32, #tpu.memory_space<vmem>>) dst(%dma_wait3A_301 : memref<10112x128xf32, #tpu.memory_space<vmem_shared>>)
      } else {
      }
      %dma_start3A_206 = arith.constant 0 : i32
      %dma_start3A_207 = arith.constant 0 : i32
      %dma_start3A_208 = tpu.memref_slice %arg18[%dma_start3A_206, %dma_start3A_207] : memref<10112x128xf32, #tpu.memory_space<vmem_shared>> -> memref<10112x128xf32, #tpu.memory_space<vmem_shared>>
      tpu.enqueue_indirect_dma source(%arg14 : memref<64x128xf32, #tpu.memory_space<vmem>>) target(%dma_start3A_208 : memref<10112x128xf32, #tpu.memory_space<vmem_shared>>) offsets(%arg10 : memref<64xi32, #tpu.memory_space<vmem>>) semaphore(%arg27 : memref<!tpu.dma_semaphore, #tpu.memory_space<semaphore_mem>>) {add = true}
      %add3A_209 = arith.constant 2 : i32
      %add3A_210 = arith.addi %add3A_200, %add3A_209 : i32
      %lt3A = arith.constant 160 : i32
      %lt3A_211 = arith.cmpi slt, %add3A_210, %lt3A : i32
      %convert_element_type3A_212 = arith.extui %lt3A_211 : i1 to i32
      %cond3A_213 = arith.constant 0 : i32
      %cond3A_214 = arith.cmpi ne, %convert_element_type3A_212, %cond3A_213 : i32
      scf.if %cond3A_214 {
        %add3A_299 = arith.constant 2 : i32
        %add3A_300 = arith.addi %add3A_200, %add3A_299 : i32
        %dma_wait3A_301 = arith.constant 0 : i32
        %dma_wait3A_302 = tpu.memref_slice %arg3[%arg0, %arg1, %add3A_300, %dma_wait3A_301] : memref<2x16x160x64xi32, #tpu.memory_space<hbm>> -> memref<1x1x1x64xi32, #tpu.memory_space<hbm>>
        %dma_wait3A_303 = tpu.memref_squeeze %dma_wait3A_302 : memref<1x1x1x64xi32, #tpu.memory_space<hbm>> -> memref<64xi32, #tpu.memory_space<hbm>>
        %dma_wait3A_304 = arith.constant 0 : i32
        %dma_wait3A_305 = tpu.memref_slice %arg3[%arg0, %arg1, %add3A_300, %dma_wait3A_304] : memref<2x16x160x64xi32, #tpu.memory_space<hbm>> -> memref<1x1x1x64xi32, #tpu.memory_space<hbm>>
        %dma_wait3A_306 = tpu.memref_squeeze %dma_wait3A_305 : memref<1x1x1x64xi32, #tpu.memory_space<hbm>> -> memref<64xi32, #tpu.memory_space<hbm>>
        tpu.wait_dma2 semaphore(%arg21 : memref<!tpu.dma_semaphore, #tpu.memory_space<semaphore_mem>>) src(%dma_wait3A_306 : memref<64xi32, #tpu.memory_space<hbm>>) dst(%arg8 : memref<64xi32, #tpu.memory_space<vmem>>)
        %get3A_307 = arith.constant 0 : index
        %get3A_308 = tpu.vector_load %arg8[%get3A_307] {strides = array<i32>} : memref<64xi32, #tpu.memory_space<vmem>>, vector<16xi32>,
        %get3A_309 = vector.shape_cast %get3A_308 : vector<16xi32> to vector<16xi32>
        %shift_right_arithmetic3A_310 = arith.constant 16 : i32
        %shift_right_arithmetic3A_311 = vector.broadcast %shift_right_arithmetic3A_310 : i32 to vector<16xi32>
        %shift_right_arithmetic3A_312 = arith.shrsi %get3A_309, %shift_right_arithmetic3A_311 : vector<16xi32>
        %swap3A_313 = arith.constant 0 : index
        %swap3A_314 = tpu.vector_load %arg12[%swap3A_313] {strides = array<i32>} : memref<64xi32, #tpu.memory_space<vmem>>, vector<16xi32>,
        %swap3A_315 = vector.shape_cast %swap3A_314 : vector<16xi32> to vector<16xi32>
        %swap3A_316 = vector.shape_cast %shift_right_arithmetic3A_312 : vector<16xi32> to vector<16xi32>
        tpu.vector_store %arg12[%swap3A_313], %swap3A_316 {strides = array<i32>} : memref<64xi32, #tpu.memory_space<vmem>>, vector<16xi32>,
        %and3A_317 = arith.constant 65535 : i32
        %and3A_318 = vector.broadcast %and3A_317 : i32 to vector<16xi32>
        %and3A_319 = arith.andi %get3A_309, %and3A_318 : vector<16xi32>
        %swap3A_320 = arith.constant 0 : index
        %swap3A_321 = tpu.vector_load %arg8[%swap3A_320] {strides = array<i32>} : memref<64xi32, #tpu.memory_space<vmem>>, vector<16xi32>,
        %swap3A_322 = vector.shape_cast %swap3A_321 : vector<16xi32> to vector<16xi32>
        %swap3A_323 = vector.shape_cast %and3A_319 : vector<16xi32> to vector<16xi32>
        tpu.vector_store %arg8[%swap3A_320], %swap3A_323 {strides = array<i32>} : memref<64xi32, #tpu.memory_space<vmem>>, vector<16xi32>,
        %get3A_324 = arith.constant 16 : index
        %get3A_325 = tpu.vector_load %arg8[%get3A_324] {strides = array<i32>} : memref<64xi32, #tpu.memory_space<vmem>>, vector<16xi32>,
        %get3A_326 = vector.shape_cast %get3A_325 : vector<16xi32> to vector<16xi32>
        %shift_right_arithmetic3A_327 = arith.constant 16 : i32
        %shift_right_arithmetic3A_328 = vector.broadcast %shift_right_arithmetic3A_327 : i32 to vector<16xi32>
        %shift_right_arithmetic3A_329 = arith.shrsi %get3A_326, %shift_right_arithmetic3A_328 : vector<16xi32>
        %swap3A_330 = arith.constant 16 : index
        %swap3A_331 = tpu.vector_load %arg12[%swap3A_330] {strides = array<i32>} : memref<64xi32, #tpu.memory_space<vmem>>, vector<16xi32>,
        %swap3A_332 = vector.shape_cast %swap3A_331 : vector<16xi32> to vector<16xi32>
        %swap3A_333 = vector.shape_cast %shift_right_arithmetic3A_329 : vector<16xi32> to vector<16xi32>
        tpu.vector_store %arg12[%swap3A_330], %swap3A_333 {strides = array<i32>} : memref<64xi32, #tpu.memory_space<vmem>>, vector<16xi32>,
        %and3A_334 = arith.constant 65535 : i32
        %and3A_335 = vector.broadcast %and3A_334 : i32 to vector<16xi32>
        %and3A_336 = arith.andi %get3A_326, %and3A_335 : vector<16xi32>
        %swap3A_337 = arith.constant 16 : index
        %swap3A_338 = tpu.vector_load %arg8[%swap3A_337] {strides = array<i32>} : memref<64xi32, #tpu.memory_space<vmem>>, vector<16xi32>,
        %swap3A_339 = vector.shape_cast %swap3A_338 : vector<16xi32> to vector<16xi32>
        %swap3A_340 = vector.shape_cast %and3A_336 : vector<16xi32> to vector<16xi32>
        tpu.vector_store %arg8[%swap3A_337], %swap3A_340 {strides = array<i32>} : memref<64xi32, #tpu.memory_space<vmem>>, vector<16xi32>,
        %get3A_341 = arith.constant 32 : index
        %get3A_342 = tpu.vector_load %arg8[%get3A_341] {strides = array<i32>} : memref<64xi32, #tpu.memory_space<vmem>>, vector<16xi32>,
        %get3A_343 = vector.shape_cast %get3A_342 : vector<16xi32> to vector<16xi32>
        %shift_right_arithmetic3A_344 = arith.constant 16 : i32
        %shift_right_arithmetic3A_345 = vector.broadcast %shift_right_arithmetic3A_344 : i32 to vector<16xi32>
        %shift_right_arithmetic3A_346 = arith.shrsi %get3A_343, %shift_right_arithmetic3A_345 : vector<16xi32>
        %swap3A_347 = arith.constant 32 : index
        %swap3A_348 = tpu.vector_load %arg12[%swap3A_347] {strides = array<i32>} : memref<64xi32, #tpu.memory_space<vmem>>, vector<16xi32>,
        %swap3A_349 = vector.shape_cast %swap3A_348 : vector<16xi32> to vector<16xi32>
        %swap3A_350 = vector.shape_cast %shift_right_arithmetic3A_346 : vector<16xi32> to vector<16xi32>
        tpu.vector_store %arg12[%swap3A_347], %swap3A_350 {strides = array<i32>} : memref<64xi32, #tpu.memory_space<vmem>>, vector<16xi32>,
        %and3A_351 = arith.constant 65535 : i32
        %and3A_352 = vector.broadcast %and3A_351 : i32 to vector<16xi32>
        %and3A_353 = arith.andi %get3A_343, %and3A_352 : vector<16xi32>
        %swap3A_354 = arith.constant 32 : index
        %swap3A_355 = tpu.vector_load %arg8[%swap3A_354] {strides = array<i32>} : memref<64xi32, #tpu.memory_space<vmem>>, vector<16xi32>,
        %swap3A_356 = vector.shape_cast %swap3A_355 : vector<16xi32> to vector<16xi32>
        %swap3A_357 = vector.shape_cast %and3A_353 : vector<16xi32> to vector<16xi32>
        tpu.vector_store %arg8[%swap3A_354], %swap3A_357 {strides = array<i32>} : memref<64xi32, #tpu.memory_space<vmem>>, vector<16xi32>,
        %get3A_358 = arith.constant 48 : index
        %get3A_359 = tpu.vector_load %arg8[%get3A_358] {strides = array<i32>} : memref<64xi32, #tpu.memory_space<vmem>>, vector<16xi32>,
        %get3A_360 = vector.shape_cast %get3A_359 : vector<16xi32> to vector<16xi32>
        %shift_right_arithmetic3A_361 = arith.constant 16 : i32
        %shift_right_arithmetic3A_362 = vector.broadcast %shift_right_arithmetic3A_361 : i32 to vector<16xi32>
        %shift_right_arithmetic3A_363 = arith.shrsi %get3A_360, %shift_right_arithmetic3A_362 : vector<16xi32>
        %swap3A_364 = arith.constant 48 : index
        %swap3A_365 = tpu.vector_load %arg12[%swap3A_364] {strides = array<i32>} : memref<64xi32, #tpu.memory_space<vmem>>, vector<16xi32>,
        %swap3A_366 = vector.shape_cast %swap3A_365 : vector<16xi32> to vector<16xi32>
        %swap3A_367 = vector.shape_cast %shift_right_arithmetic3A_363 : vector<16xi32> to vector<16xi32>
        tpu.vector_store %arg12[%swap3A_364], %swap3A_367 {strides = array<i32>} : memref<64xi32, #tpu.memory_space<vmem>>, vector<16xi32>,
        %and3A_368 = arith.constant 65535 : i32
        %and3A_369 = vector.broadcast %and3A_368 : i32 to vector<16xi32>
        %and3A_370 = arith.andi %get3A_360, %and3A_369 : vector<16xi32>
        %swap3A_371 = arith.constant 48 : index
        %swap3A_372 = tpu.vector_load %arg8[%swap3A_371] {strides = array<i32>} : memref<64xi32, #tpu.memory_space<vmem>>, vector<16xi32>,
        %swap3A_373 = vector.shape_cast %swap3A_372 : vector<16xi32> to vector<16xi32>
        %swap3A_374 = vector.shape_cast %and3A_370 : vector<16xi32> to vector<16xi32>
        tpu.vector_store %arg8[%swap3A_371], %swap3A_374 {strides = array<i32>} : memref<64xi32, #tpu.memory_space<vmem>>, vector<16xi32>,
        %dma_start3A_375 = arith.constant 0 : i32
        %dma_start3A_376 = arith.constant 0 : i32
        %dma_start3A_377 = tpu.memref_slice %arg2[%dma_start3A_375, %dma_start3A_376] : memref<10000x128xf32, #tpu.memory_space<hbm>> -> memref<10000x128xf32, #tpu.memory_space<hbm>>
        tpu.enqueue_indirect_dma source(%dma_start3A_377 : memref<10000x128xf32, #tpu.memory_space<hbm>>) target(%arg16 : memref<64x128xf32, #tpu.memory_space<vmem>>) offsets(%arg8 : memref<64xi32, #tpu.memory_space<vmem>>) semaphore(%arg25 : memref<!tpu.dma_semaphore, #tpu.memory_space<semaphore_mem>>)
      } else {
      }
      %add3A_215 = arith.constant 4 : i32
      %add3A_216 = arith.addi %add3A_200, %add3A_215 : i32
      %lt3A_217 = arith.constant 160 : i32
      %lt3A_218 = arith.cmpi slt, %add3A_216, %lt3A_217 : i32
      %convert_element_type3A_219 = arith.extui %lt3A_218 : i1 to i32
      %cond3A_220 = arith.constant 0 : i32
      %cond3A_221 = arith.cmpi ne, %convert_element_type3A_219, %cond3A_220 : i32
      scf.if %cond3A_221 {
        %add3A_299 = arith.constant 4 : i32
        %add3A_300 = arith.addi %add3A_200, %add3A_299 : i32
        %dma_start3A_301 = arith.constant 0 : i32
        %dma_start3A_302 = tpu.memref_slice %arg3[%arg0, %arg1, %add3A_300, %dma_start3A_301] : memref<2x16x160x64xi32, #tpu.memory_space<hbm>> -> memref<1x1x1x64xi32, #tpu.memory_space<hbm>>
        %dma_start3A_303 = tpu.memref_squeeze %dma_start3A_302 : memref<1x1x1x64xi32, #tpu.memory_space<hbm>> -> memref<64xi32, #tpu.memory_space<hbm>>
        %dma_start3A_304 = arith.constant 0 : i32
        %dma_start3A_305 = tpu.memref_slice %arg3[%arg0, %arg1, %add3A_300, %dma_start3A_304] : memref<2x16x160x64xi32, #tpu.memory_space<hbm>> -> memref<1x1x1x64xi32, #tpu.memory_space<hbm>>
        %dma_start3A_306 = tpu.memref_squeeze %dma_start3A_305 : memref<1x1x1x64xi32, #tpu.memory_space<hbm>> -> memref<64xi32, #tpu.memory_space<hbm>>
        tpu.enqueue_dma source(%dma_start3A_306 : memref<64xi32, #tpu.memory_space<hbm>>) target(%arg6 : memref<64xi32, #tpu.memory_space<vmem>>) target_semaphore(%arg19 : memref<!tpu.dma_semaphore, #tpu.memory_space<semaphore_mem>>)
      } else {
      }
      %add3A_222 = arith.constant 1 : i32
      %add3A_223 = arith.addi %mul3A_199, %add3A_222 : i32
      %dma_wait3A_224 = arith.constant 0 : i32
      %dma_wait3A_225 = arith.constant 0 : i32
      %dma_wait3A_226 = tpu.memref_slice %arg2[%dma_wait3A_224, %dma_wait3A_225] : memref<10000x128xf32, #tpu.memory_space<hbm>> -> memref<10000x128xf32, #tpu.memory_space<hbm>>
      tpu.wait_indirect_dma semaphore(%arg24 : memref<!tpu.dma_semaphore, #tpu.memory_space<semaphore_mem>>) src(%dma_wait3A_226 : memref<10000x128xf32, #tpu.memory_space<hbm>>) dst(%arg15 : memref<64x128xf32, #tpu.memory_space<vmem>>)
      %ge3A_227 = arith.constant 1 : i32
      %ge3A_228 = arith.cmpi sge, %scan3A_197, %ge3A_227 : i32
      %convert_element_type3A_229 = arith.extui %ge3A_228 : i1 to i32
      %cond3A_230 = arith.constant 0 : i32
      %cond3A_231 = arith.cmpi ne, %convert_element_type3A_229, %cond3A_230 : i32
      scf.if %cond3A_231 {
        %dma_wait3A_299 = arith.constant 0 : i32
        %dma_wait3A_300 = arith.constant 0 : i32
        %dma_wait3A_301 = tpu.memref_slice %arg18[%dma_wait3A_299, %dma_wait3A_300] : memref<10112x128xf32, #tpu.memory_space<vmem_shared>> -> memref<10112x128xf32, #tpu.memory_space<vmem_shared>>
        tpu.wait_indirect_dma semaphore(%arg28 : memref<!tpu.dma_semaphore, #tpu.memory_space<semaphore_mem>>) src(%arg17 : memref<64x128xf32, #tpu.memory_space<vmem>>) dst(%dma_wait3A_301 : memref<10112x128xf32, #tpu.memory_space<vmem_shared>>)
      } else {
      }
      %dma_start3A_232 = arith.constant 0 : i32
      %dma_start3A_233 = arith.constant 0 : i32
      %dma_start3A_234 = tpu.memref_slice %arg18[%dma_start3A_232, %dma_start3A_233] : memref<10112x128xf32, #tpu.memory_space<vmem_shared>> -> memref<10112x128xf32, #tpu.memory_space<vmem_shared>>
      tpu.enqueue_indirect_dma source(%arg15 : memref<64x128xf32, #tpu.memory_space<vmem>>) target(%dma_start3A_234 : memref<10112x128xf32, #tpu.memory_space<vmem_shared>>) offsets(%arg11 : memref<64xi32, #tpu.memory_space<vmem>>) semaphore(%arg28 : memref<!tpu.dma_semaphore, #tpu.memory_space<semaphore_mem>>) {add = true}
      %add3A_235 = arith.constant 2 : i32
      %add3A_236 = arith.addi %add3A_223, %add3A_235 : i32
      %lt3A_237 = arith.constant 160 : i32
      %lt3A_238 = arith.cmpi slt, %add3A_236, %lt3A_237 : i32
      %convert_element_type3A_239 = arith.extui %lt3A_238 : i1 to i32
      %cond3A_240 = arith.constant 0 : i32
      %cond3A_241 = arith.cmpi ne, %convert_element_type3A_239, %cond3A_240 : i32
      scf.if %cond3A_241 {
        %add3A_299 = arith.constant 2 : i32
        %add3A_300 = arith.addi %add3A_223, %add3A_299 : i32
        %dma_wait3A_301 = arith.constant 0 : i32
        %dma_wait3A_302 = tpu.memref_slice %arg3[%arg0, %arg1, %add3A_300, %dma_wait3A_301] : memref<2x16x160x64xi32, #tpu.memory_space<hbm>> -> memref<1x1x1x64xi32, #tpu.memory_space<hbm>>
        %dma_wait3A_303 = tpu.memref_squeeze %dma_wait3A_302 : memref<1x1x1x64xi32, #tpu.memory_space<hbm>> -> memref<64xi32, #tpu.memory_space<hbm>>
        %dma_wait3A_304 = arith.constant 0 : i32
        %dma_wait3A_305 = tpu.memref_slice %arg3[%arg0, %arg1, %add3A_300, %dma_wait3A_304] : memref<2x16x160x64xi32, #tpu.memory_space<hbm>> -> memref<1x1x1x64xi32, #tpu.memory_space<hbm>>
        %dma_wait3A_306 = tpu.memref_squeeze %dma_wait3A_305 : memref<1x1x1x64xi32, #tpu.memory_space<hbm>> -> memref<64xi32, #tpu.memory_space<hbm>>
        tpu.wait_dma2 semaphore(%arg22 : memref<!tpu.dma_semaphore, #tpu.memory_space<semaphore_mem>>) src(%dma_wait3A_306 : memref<64xi32, #tpu.memory_space<hbm>>) dst(%arg9 : memref<64xi32, #tpu.memory_space<vmem>>)
        %get3A_307 = arith.constant 0 : index
        %get3A_308 = tpu.vector_load %arg9[%get3A_307] {strides = array<i32>} : memref<64xi32, #tpu.memory_space<vmem>>, vector<16xi32>,
        %get3A_309 = vector.shape_cast %get3A_308 : vector<16xi32> to vector<16xi32>
        %shift_right_arithmetic3A_310 = arith.constant 16 : i32
        %shift_right_arithmetic3A_311 = vector.broadcast %shift_right_arithmetic3A_310 : i32 to vector<16xi32>
        %shift_right_arithmetic3A_312 = arith.shrsi %get3A_309, %shift_right_arithmetic3A_311 : vector<16xi32>
        %swap3A_313 = arith.constant 0 : index
        %swap3A_314 = tpu.vector_load %arg13[%swap3A_313] {strides = array<i32>} : memref<64xi32, #tpu.memory_space<vmem>>, vector<16xi32>,
        %swap3A_315 = vector.shape_cast %swap3A_314 : vector<16xi32> to vector<16xi32>
        %swap3A_316 = vector.shape_cast %shift_right_arithmetic3A_312 : vector<16xi32> to vector<16xi32>
        tpu.vector_store %arg13[%swap3A_313], %swap3A_316 {strides = array<i32>} : memref<64xi32, #tpu.memory_space<vmem>>, vector<16xi32>,
        %and3A_317 = arith.constant 65535 : i32
        %and3A_318 = vector.broadcast %and3A_317 : i32 to vector<16xi32>
        %and3A_319 = arith.andi %get3A_309, %and3A_318 : vector<16xi32>
        %swap3A_320 = arith.constant 0 : index
        %swap3A_321 = tpu.vector_load %arg9[%swap3A_320] {strides = array<i32>} : memref<64xi32, #tpu.memory_space<vmem>>, vector<16xi32>,
        %swap3A_322 = vector.shape_cast %swap3A_321 : vector<16xi32> to vector<16xi32>
        %swap3A_323 = vector.shape_cast %and3A_319 : vector<16xi32> to vector<16xi32>
        tpu.vector_store %arg9[%swap3A_320], %swap3A_323 {strides = array<i32>} : memref<64xi32, #tpu.memory_space<vmem>>, vector<16xi32>,
        %get3A_324 = arith.constant 16 : index
        %get3A_325 = tpu.vector_load %arg9[%get3A_324] {strides = array<i32>} : memref<64xi32, #tpu.memory_space<vmem>>, vector<16xi32>,
        %get3A_326 = vector.shape_cast %get3A_325 : vector<16xi32> to vector<16xi32>
        %shift_right_arithmetic3A_327 = arith.constant 16 : i32
        %shift_right_arithmetic3A_328 = vector.broadcast %shift_right_arithmetic3A_327 : i32 to vector<16xi32>
        %shift_right_arithmetic3A_329 = arith.shrsi %get3A_326, %shift_right_arithmetic3A_328 : vector<16xi32>
        %swap3A_330 = arith.constant 16 : index
        %swap3A_331 = tpu.vector_load %arg13[%swap3A_330] {strides = array<i32>} : memref<64xi32, #tpu.memory_space<vmem>>, vector<16xi32>,
        %swap3A_332 = vector.shape_cast %swap3A_331 : vector<16xi32> to vector<16xi32>
        %swap3A_333 = vector.shape_cast %shift_right_arithmetic3A_329 : vector<16xi32> to vector<16xi32>
        tpu.vector_store %arg13[%swap3A_330], %swap3A_333 {strides = array<i32>} : memref<64xi32, #tpu.memory_space<vmem>>, vector<16xi32>,
        %and3A_334 = arith.constant 65535 : i32
        %and3A_335 = vector.broadcast %and3A_334 : i32 to vector<16xi32>
        %and3A_336 = arith.andi %get3A_326, %and3A_335 : vector<16xi32>
        %swap3A_337 = arith.constant 16 : index
        %swap3A_338 = tpu.vector_load %arg9[%swap3A_337] {strides = array<i32>} : memref<64xi32, #tpu.memory_space<vmem>>, vector<16xi32>,
        %swap3A_339 = vector.shape_cast %swap3A_338 : vector<16xi32> to vector<16xi32>
        %swap3A_340 = vector.shape_cast %and3A_336 : vector<16xi32> to vector<16xi32>
        tpu.vector_store %arg9[%swap3A_337], %swap3A_340 {strides = array<i32>} : memref<64xi32, #tpu.memory_space<vmem>>, vector<16xi32>,
        %get3A_341 = arith.constant 32 : index
        %get3A_342 = tpu.vector_load %arg9[%get3A_341] {strides = array<i32>} : memref<64xi32, #tpu.memory_space<vmem>>, vector<16xi32>,
        %get3A_343 = vector.shape_cast %get3A_342 : vector<16xi32> to vector<16xi32>
        %shift_right_arithmetic3A_344 = arith.constant 16 : i32
        %shift_right_arithmetic3A_345 = vector.broadcast %shift_right_arithmetic3A_344 : i32 to vector<16xi32>
        %shift_right_arithmetic3A_346 = arith.shrsi %get3A_343, %shift_right_arithmetic3A_345 : vector<16xi32>
        %swap3A_347 = arith.constant 32 : index
        %swap3A_348 = tpu.vector_load %arg13[%swap3A_347] {strides = array<i32>} : memref<64xi32, #tpu.memory_space<vmem>>, vector<16xi32>,
        %swap3A_349 = vector.shape_cast %swap3A_348 : vector<16xi32> to vector<16xi32>
        %swap3A_350 = vector.shape_cast %shift_right_arithmetic3A_346 : vector<16xi32> to vector<16xi32>
        tpu.vector_store %arg13[%swap3A_347], %swap3A_350 {strides = array<i32>} : memref<64xi32, #tpu.memory_space<vmem>>, vector<16xi32>,
        %and3A_351 = arith.constant 65535 : i32
        %and3A_352 = vector.broadcast %and3A_351 : i32 to vector<16xi32>
        %and3A_353 = arith.andi %get3A_343, %and3A_352 : vector<16xi32>
        %swap3A_354 = arith.constant 32 : index
        %swap3A_355 = tpu.vector_load %arg9[%swap3A_354] {strides = array<i32>} : memref<64xi32, #tpu.memory_space<vmem>>, vector<16xi32>,
        %swap3A_356 = vector.shape_cast %swap3A_355 : vector<16xi32> to vector<16xi32>
        %swap3A_357 = vector.shape_cast %and3A_353 : vector<16xi32> to vector<16xi32>
        tpu.vector_store %arg9[%swap3A_354], %swap3A_357 {strides = array<i32>} : memref<64xi32, #tpu.memory_space<vmem>>, vector<16xi32>,
        %get3A_358 = arith.constant 48 : index
        %get3A_359 = tpu.vector_load %arg9[%get3A_358] {strides = array<i32>} : memref<64xi32, #tpu.memory_space<vmem>>, vector<16xi32>,
        %get3A_360 = vector.shape_cast %get3A_359 : vector<16xi32> to vector<16xi32>
        %shift_right_arithmetic3A_361 = arith.constant 16 : i32
        %shift_right_arithmetic3A_362 = vector.broadcast %shift_right_arithmetic3A_361 : i32 to vector<16xi32>
        %shift_right_arithmetic3A_363 = arith.shrsi %get3A_360, %shift_right_arithmetic3A_362 : vector<16xi32>
        %swap3A_364 = arith.constant 48 : index
        %swap3A_365 = tpu.vector_load %arg13[%swap3A_364] {strides = array<i32>} : memref<64xi32, #tpu.memory_space<vmem>>, vector<16xi32>,
        %swap3A_366 = vector.shape_cast %swap3A_365 : vector<16xi32> to vector<16xi32>
        %swap3A_367 = vector.shape_cast %shift_right_arithmetic3A_363 : vector<16xi32> to vector<16xi32>
        tpu.vector_store %arg13[%swap3A_364], %swap3A_367 {strides = array<i32>} : memref<64xi32, #tpu.memory_space<vmem>>, vector<16xi32>,
        %and3A_368 = arith.constant 65535 : i32
        %and3A_369 = vector.broadcast %and3A_368 : i32 to vector<16xi32>
        %and3A_370 = arith.andi %get3A_360, %and3A_369 : vector<16xi32>
        %swap3A_371 = arith.constant 48 : index
        %swap3A_372 = tpu.vector_load %arg9[%swap3A_371] {strides = array<i32>} : memref<64xi32, #tpu.memory_space<vmem>>, vector<16xi32>,
        %swap3A_373 = vector.shape_cast %swap3A_372 : vector<16xi32> to vector<16xi32>
        %swap3A_374 = vector.shape_cast %and3A_370 : vector<16xi32> to vector<16xi32>
        tpu.vector_store %arg9[%swap3A_371], %swap3A_374 {strides = array<i32>} : memref<64xi32, #tpu.memory_space<vmem>>, vector<16xi32>,
        %dma_start3A_375 = arith.constant 0 : i32
        %dma_start3A_376 = arith.constant 0 : i32
        %dma_start3A_377 = tpu.memref_slice %arg2[%dma_start3A_375, %dma_start3A_376] : memref<10000x128xf32, #tpu.memory_space<hbm>> -> memref<10000x128xf32, #tpu.memory_space<hbm>>
        tpu.enqueue_indirect_dma source(%dma_start3A_377 : memref<10000x128xf32, #tpu.memory_space<hbm>>) target(%arg17 : memref<64x128xf32, #tpu.memory_space<vmem>>) offsets(%arg9 : memref<64xi32, #tpu.memory_space<vmem>>) semaphore(%arg26 : memref<!tpu.dma_semaphore, #tpu.memory_space<semaphore_mem>>)
      } else {
      }
      %add3A_242 = arith.constant 4 : i32
      %add3A_243 = arith.addi %add3A_223, %add3A_242 : i32
      %lt3A_244 = arith.constant 160 : i32
      %lt3A_245 = arith.cmpi slt, %add3A_243, %lt3A_244 : i32
      %convert_element_type3A_246 = arith.extui %lt3A_245 : i1 to i32
      %cond3A_247 = arith.constant 0 : i32
      %cond3A_248 = arith.cmpi ne, %convert_element_type3A_246, %cond3A_247 : i32
      scf.if %cond3A_248 {
        %add3A_299 = arith.constant 4 : i32
        %add3A_300 = arith.addi %add3A_223, %add3A_299 : i32
        %dma_start3A_301 = arith.constant 0 : i32
        %dma_start3A_302 = tpu.memref_slice %arg3[%arg0, %arg1, %add3A_300, %dma_start3A_301] : memref<2x16x160x64xi32, #tpu.memory_space<hbm>> -> memref<1x1x1x64xi32, #tpu.memory_space<hbm>>
        %dma_start3A_303 = tpu.memref_squeeze %dma_start3A_302 : memref<1x1x1x64xi32, #tpu.memory_space<hbm>> -> memref<64xi32, #tpu.memory_space<hbm>>
        %dma_start3A_304 = arith.constant 0 : i32
        %dma_start3A_305 = tpu.memref_slice %arg3[%arg0, %arg1, %add3A_300, %dma_start3A_304] : memref<2x16x160x64xi32, #tpu.memory_space<hbm>> -> memref<1x1x1x64xi32, #tpu.memory_space<hbm>>
        %dma_start3A_306 = tpu.memref_squeeze %dma_start3A_305 : memref<1x1x1x64xi32, #tpu.memory_space<hbm>> -> memref<64xi32, #tpu.memory_space<hbm>>
        tpu.enqueue_dma source(%dma_start3A_306 : memref<64xi32, #tpu.memory_space<hbm>>) target(%arg7 : memref<64xi32, #tpu.memory_space<vmem>>) target_semaphore(%arg20 : memref<!tpu.dma_semaphore, #tpu.memory_space<semaphore_mem>>)
      } else {
      }
      %add3A_249 = arith.constant 2 : i32
      %add3A_250 = arith.addi %mul3A_199, %add3A_249 : i32
      %dma_wait3A_251 = arith.constant 0 : i32
      %dma_wait3A_252 = arith.constant 0 : i32
      %dma_wait3A_253 = tpu.memref_slice %arg2[%dma_wait3A_251, %dma_wait3A_252] : memref<10000x128xf32, #tpu.memory_space<hbm>> -> memref<10000x128xf32, #tpu.memory_space<hbm>>
      tpu.wait_indirect_dma semaphore(%arg25 : memref<!tpu.dma_semaphore, #tpu.memory_space<semaphore_mem>>) src(%dma_wait3A_253 : memref<10000x128xf32, #tpu.memory_space<hbm>>) dst(%arg16 : memref<64x128xf32, #tpu.memory_space<vmem>>)
      %dma_wait3A_254 = arith.constant 0 : i32
      %dma_wait3A_255 = arith.constant 0 : i32
      %dma_wait3A_256 = tpu.memref_slice %arg18[%dma_wait3A_254, %dma_wait3A_255] : memref<10112x128xf32, #tpu.memory_space<vmem_shared>> -> memref<10112x128xf32, #tpu.memory_space<vmem_shared>>
      tpu.wait_indirect_dma semaphore(%arg27 : memref<!tpu.dma_semaphore, #tpu.memory_space<semaphore_mem>>) src(%arg14 : memref<64x128xf32, #tpu.memory_space<vmem>>) dst(%dma_wait3A_256 : memref<10112x128xf32, #tpu.memory_space<vmem_shared>>)
      %dma_start3A_257 = arith.constant 0 : i32
      %dma_start3A_258 = arith.constant 0 : i32
      %dma_start3A_259 = tpu.memref_slice %arg18[%dma_start3A_257, %dma_start3A_258] : memref<10112x128xf32, #tpu.memory_space<vmem_shared>> -> memref<10112x128xf32, #tpu.memory_space<vmem_shared>>
      tpu.enqueue_indirect_dma source(%arg16 : memref<64x128xf32, #tpu.memory_space<vmem>>) target(%dma_start3A_259 : memref<10112x128xf32, #tpu.memory_space<vmem_shared>>) offsets(%arg12 : memref<64xi32, #tpu.memory_space<vmem>>) semaphore(%arg27 : memref<!tpu.dma_semaphore, #tpu.memory_space<semaphore_mem>>) {add = true}
      %add3A_260 = arith.constant 2 : i32
      %add3A_261 = arith.addi %add3A_250, %add3A_260 : i32
      %lt3A_262 = arith.constant 160 : i32
      %lt3A_263 = arith.cmpi slt, %add3A_261, %lt3A_262 : i32
      %convert_element_type3A_264 = arith.extui %lt3A_263 : i1 to i32
      %cond3A_265 = arith.constant 0 : i32
      %cond3A_266 = arith.cmpi ne, %convert_element_type3A_264, %cond3A_265 : i32
      scf.if %cond3A_266 {
        %add3A_299 = arith.constant 2 : i32
        %add3A_300 = arith.addi %add3A_250, %add3A_299 : i32
        %dma_wait3A_301 = arith.constant 0 : i32
        %dma_wait3A_302 = tpu.memref_slice %arg3[%arg0, %arg1, %add3A_300, %dma_wait3A_301] : memref<2x16x160x64xi32, #tpu.memory_space<hbm>> -> memref<1x1x1x64xi32, #tpu.memory_space<hbm>>
        %dma_wait3A_303 = tpu.memref_squeeze %dma_wait3A_302 : memref<1x1x1x64xi32, #tpu.memory_space<hbm>> -> memref<64xi32, #tpu.memory_space<hbm>>
        %dma_wait3A_304 = arith.constant 0 : i32
        %dma_wait3A_305 = tpu.memref_slice %arg3[%arg0, %arg1, %add3A_300, %dma_wait3A_304] : memref<2x16x160x64xi32, #tpu.memory_space<hbm>> -> memref<1x1x1x64xi32, #tpu.memory_space<hbm>>
        %dma_wait3A_306 = tpu.memref_squeeze %dma_wait3A_305 : memref<1x1x1x64xi32, #tpu.memory_space<hbm>> -> memref<64xi32, #tpu.memory_space<hbm>>
        tpu.wait_dma2 semaphore(%arg19 : memref<!tpu.dma_semaphore, #tpu.memory_space<semaphore_mem>>) src(%dma_wait3A_306 : memref<64xi32, #tpu.memory_space<hbm>>) dst(%arg6 : memref<64xi32, #tpu.memory_space<vmem>>)
        %get3A_307 = arith.constant 0 : index
        %get3A_308 = tpu.vector_load %arg6[%get3A_307] {strides = array<i32>} : memref<64xi32, #tpu.memory_space<vmem>>, vector<16xi32>,
        %get3A_309 = vector.shape_cast %get3A_308 : vector<16xi32> to vector<16xi32>
        %shift_right_arithmetic3A_310 = arith.constant 16 : i32
        %shift_right_arithmetic3A_311 = vector.broadcast %shift_right_arithmetic3A_310 : i32 to vector<16xi32>
        %shift_right_arithmetic3A_312 = arith.shrsi %get3A_309, %shift_right_arithmetic3A_311 : vector<16xi32>
        %swap3A_313 = arith.constant 0 : index
        %swap3A_314 = tpu.vector_load %arg10[%swap3A_313] {strides = array<i32>} : memref<64xi32, #tpu.memory_space<vmem>>, vector<16xi32>,
        %swap3A_315 = vector.shape_cast %swap3A_314 : vector<16xi32> to vector<16xi32>
        %swap3A_316 = vector.shape_cast %shift_right_arithmetic3A_312 : vector<16xi32> to vector<16xi32>
        tpu.vector_store %arg10[%swap3A_313], %swap3A_316 {strides = array<i32>} : memref<64xi32, #tpu.memory_space<vmem>>, vector<16xi32>,
        %and3A_317 = arith.constant 65535 : i32
        %and3A_318 = vector.broadcast %and3A_317 : i32 to vector<16xi32>
        %and3A_319 = arith.andi %get3A_309, %and3A_318 : vector<16xi32>
        %swap3A_320 = arith.constant 0 : index
        %swap3A_321 = tpu.vector_load %arg6[%swap3A_320] {strides = array<i32>} : memref<64xi32, #tpu.memory_space<vmem>>, vector<16xi32>,
        %swap3A_322 = vector.shape_cast %swap3A_321 : vector<16xi32> to vector<16xi32>
        %swap3A_323 = vector.shape_cast %and3A_319 : vector<16xi32> to vector<16xi32>
        tpu.vector_store %arg6[%swap3A_320], %swap3A_323 {strides = array<i32>} : memref<64xi32, #tpu.memory_space<vmem>>, vector<16xi32>,
        %get3A_324 = arith.constant 16 : index
        %get3A_325 = tpu.vector_load %arg6[%get3A_324] {strides = array<i32>} : memref<64xi32, #tpu.memory_space<vmem>>, vector<16xi32>,
        %get3A_326 = vector.shape_cast %get3A_325 : vector<16xi32> to vector<16xi32>
        %shift_right_arithmetic3A_327 = arith.constant 16 : i32
        %shift_right_arithmetic3A_328 = vector.broadcast %shift_right_arithmetic3A_327 : i32 to vector<16xi32>
        %shift_right_arithmetic3A_329 = arith.shrsi %get3A_326, %shift_right_arithmetic3A_328 : vector<16xi32>
        %swap3A_330 = arith.constant 16 : index
        %swap3A_331 = tpu.vector_load %arg10[%swap3A_330] {strides = array<i32>} : memref<64xi32, #tpu.memory_space<vmem>>, vector<16xi32>,
        %swap3A_332 = vector.shape_cast %swap3A_331 : vector<16xi32> to vector<16xi32>
        %swap3A_333 = vector.shape_cast %shift_right_arithmetic3A_329 : vector<16xi32> to vector<16xi32>
        tpu.vector_store %arg10[%swap3A_330], %swap3A_333 {strides = array<i32>} : memref<64xi32, #tpu.memory_space<vmem>>, vector<16xi32>,
        %and3A_334 = arith.constant 65535 : i32
        %and3A_335 = vector.broadcast %and3A_334 : i32 to vector<16xi32>
        %and3A_336 = arith.andi %get3A_326, %and3A_335 : vector<16xi32>
        %swap3A_337 = arith.constant 16 : index
        %swap3A_338 = tpu.vector_load %arg6[%swap3A_337] {strides = array<i32>} : memref<64xi32, #tpu.memory_space<vmem>>, vector<16xi32>,
        %swap3A_339 = vector.shape_cast %swap3A_338 : vector<16xi32> to vector<16xi32>
        %swap3A_340 = vector.shape_cast %and3A_336 : vector<16xi32> to vector<16xi32>
        tpu.vector_store %arg6[%swap3A_337], %swap3A_340 {strides = array<i32>} : memref<64xi32, #tpu.memory_space<vmem>>, vector<16xi32>,
        %get3A_341 = arith.constant 32 : index
        %get3A_342 = tpu.vector_load %arg6[%get3A_341] {strides = array<i32>} : memref<64xi32, #tpu.memory_space<vmem>>, vector<16xi32>,
        %get3A_343 = vector.shape_cast %get3A_342 : vector<16xi32> to vector<16xi32>
        %shift_right_arithmetic3A_344 = arith.constant 16 : i32
        %shift_right_arithmetic3A_345 = vector.broadcast %shift_right_arithmetic3A_344 : i32 to vector<16xi32>
        %shift_right_arithmetic3A_346 = arith.shrsi %get3A_343, %shift_right_arithmetic3A_345 : vector<16xi32>
        %swap3A_347 = arith.constant 32 : index
        %swap3A_348 = tpu.vector_load %arg10[%swap3A_347] {strides = array<i32>} : memref<64xi32, #tpu.memory_space<vmem>>, vector<16xi32>,
        %swap3A_349 = vector.shape_cast %swap3A_348 : vector<16xi32> to vector<16xi32>
        %swap3A_350 = vector.shape_cast %shift_right_arithmetic3A_346 : vector<16xi32> to vector<16xi32>
        tpu.vector_store %arg10[%swap3A_347], %swap3A_350 {strides = array<i32>} : memref<64xi32, #tpu.memory_space<vmem>>, vector<16xi32>,
        %and3A_351 = arith.constant 65535 : i32
        %and3A_352 = vector.broadcast %and3A_351 : i32 to vector<16xi32>
        %and3A_353 = arith.andi %get3A_343, %and3A_352 : vector<16xi32>
        %swap3A_354 = arith.constant 32 : index
        %swap3A_355 = tpu.vector_load %arg6[%swap3A_354] {strides = array<i32>} : memref<64xi32, #tpu.memory_space<vmem>>, vector<16xi32>,
        %swap3A_356 = vector.shape_cast %swap3A_355 : vector<16xi32> to vector<16xi32>
        %swap3A_357 = vector.shape_cast %and3A_353 : vector<16xi32> to vector<16xi32>
        tpu.vector_store %arg6[%swap3A_354], %swap3A_357 {strides = array<i32>} : memref<64xi32, #tpu.memory_space<vmem>>, vector<16xi32>,
        %get3A_358 = arith.constant 48 : index
        %get3A_359 = tpu.vector_load %arg6[%get3A_358] {strides = array<i32>} : memref<64xi32, #tpu.memory_space<vmem>>, vector<16xi32>,
        %get3A_360 = vector.shape_cast %get3A_359 : vector<16xi32> to vector<16xi32>
        %shift_right_arithmetic3A_361 = arith.constant 16 : i32
        %shift_right_arithmetic3A_362 = vector.broadcast %shift_right_arithmetic3A_361 : i32 to vector<16xi32>
        %shift_right_arithmetic3A_363 = arith.shrsi %get3A_360, %shift_right_arithmetic3A_362 : vector<16xi32>
        %swap3A_364 = arith.constant 48 : index
        %swap3A_365 = tpu.vector_load %arg10[%swap3A_364] {strides = array<i32>} : memref<64xi32, #tpu.memory_space<vmem>>, vector<16xi32>,
        %swap3A_366 = vector.shape_cast %swap3A_365 : vector<16xi32> to vector<16xi32>
        %swap3A_367 = vector.shape_cast %shift_right_arithmetic3A_363 : vector<16xi32> to vector<16xi32>
        tpu.vector_store %arg10[%swap3A_364], %swap3A_367 {strides = array<i32>} : memref<64xi32, #tpu.memory_space<vmem>>, vector<16xi32>,
        %and3A_368 = arith.constant 65535 : i32
        %and3A_369 = vector.broadcast %and3A_368 : i32 to vector<16xi32>
        %and3A_370 = arith.andi %get3A_360, %and3A_369 : vector<16xi32>
        %swap3A_371 = arith.constant 48 : index
        %swap3A_372 = tpu.vector_load %arg6[%swap3A_371] {strides = array<i32>} : memref<64xi32, #tpu.memory_space<vmem>>, vector<16xi32>,
        %swap3A_373 = vector.shape_cast %swap3A_372 : vector<16xi32> to vector<16xi32>
        %swap3A_374 = vector.shape_cast %and3A_370 : vector<16xi32> to vector<16xi32>
        tpu.vector_store %arg6[%swap3A_371], %swap3A_374 {strides = array<i32>} : memref<64xi32, #tpu.memory_space<vmem>>, vector<16xi32>,
        %dma_start3A_375 = arith.constant 0 : i32
        %dma_start3A_376 = arith.constant 0 : i32
        %dma_start3A_377 = tpu.memref_slice %arg2[%dma_start3A_375, %dma_start3A_376] : memref<10000x128xf32, #tpu.memory_space<hbm>> -> memref<10000x128xf32, #tpu.memory_space<hbm>>
        tpu.enqueue_indirect_dma source(%dma_start3A_377 : memref<10000x128xf32, #tpu.memory_space<hbm>>) target(%arg14 : memref<64x128xf32, #tpu.memory_space<vmem>>) offsets(%arg6 : memref<64xi32, #tpu.memory_space<vmem>>) semaphore(%arg23 : memref<!tpu.dma_semaphore, #tpu.memory_space<semaphore_mem>>)
      } else {
      }
      %add3A_267 = arith.constant 4 : i32
      %add3A_268 = arith.addi %add3A_250, %add3A_267 : i32
      %lt3A_269 = arith.constant 160 : i32
      %lt3A_270 = arith.cmpi slt, %add3A_268, %lt3A_269 : i32
      %convert_element_type3A_271 = arith.extui %lt3A_270 : i1 to i32
      %cond3A_272 = arith.constant 0 : i32
      %cond3A_273 = arith.cmpi ne, %convert_element_type3A_271, %cond3A_272 : i32
      scf.if %cond3A_273 {
        %add3A_299 = arith.constant 4 : i32
        %add3A_300 = arith.addi %add3A_250, %add3A_299 : i32
        %dma_start3A_301 = arith.constant 0 : i32
        %dma_start3A_302 = tpu.memref_slice %arg3[%arg0, %arg1, %add3A_300, %dma_start3A_301] : memref<2x16x160x64xi32, #tpu.memory_space<hbm>> -> memref<1x1x1x64xi32, #tpu.memory_space<hbm>>
        %dma_start3A_303 = tpu.memref_squeeze %dma_start3A_302 : memref<1x1x1x64xi32, #tpu.memory_space<hbm>> -> memref<64xi32, #tpu.memory_space<hbm>>
        %dma_start3A_304 = arith.constant 0 : i32
        %dma_start3A_305 = tpu.memref_slice %arg3[%arg0, %arg1, %add3A_300, %dma_start3A_304] : memref<2x16x160x64xi32, #tpu.memory_space<hbm>> -> memref<1x1x1x64xi32, #tpu.memory_space<hbm>>
        %dma_start3A_306 = tpu.memref_squeeze %dma_start3A_305 : memref<1x1x1x64xi32, #tpu.memory_space<hbm>> -> memref<64xi32, #tpu.memory_space<hbm>>
        tpu.enqueue_dma source(%dma_start3A_306 : memref<64xi32, #tpu.memory_space<hbm>>) target(%arg8 : memref<64xi32, #tpu.memory_space<vmem>>) target_semaphore(%arg21 : memref<!tpu.dma_semaphore, #tpu.memory_space<semaphore_mem>>)
      } else {
      }
      %add3A_274 = arith.constant 3 : i32
      %add3A_275 = arith.addi %mul3A_199, %add3A_274 : i32
      %dma_wait3A_276 = arith.constant 0 : i32
      %dma_wait3A_277 = arith.constant 0 : i32
      %dma_wait3A_278 = tpu.memref_slice %arg2[%dma_wait3A_276, %dma_wait3A_277] : memref<10000x128xf32, #tpu.memory_space<hbm>> -> memref<10000x128xf32, #tpu.memory_space<hbm>>
      tpu.wait_indirect_dma semaphore(%arg26 : memref<!tpu.dma_semaphore, #tpu.memory_space<semaphore_mem>>) src(%dma_wait3A_278 : memref<10000x128xf32, #tpu.memory_space<hbm>>) dst(%arg17 : memref<64x128xf32, #tpu.memory_space<vmem>>)
      %dma_wait3A_279 = arith.constant 0 : i32
      %dma_wait3A_280 = arith.constant 0 : i32
      %dma_wait3A_281 = tpu.memref_slice %arg18[%dma_wait3A_279, %dma_wait3A_280] : memref<10112x128xf32, #tpu.memory_space<vmem_shared>> -> memref<10112x128xf32, #tpu.memory_space<vmem_shared>>
      tpu.wait_indirect_dma semaphore(%arg28 : memref<!tpu.dma_semaphore, #tpu.memory_space<semaphore_mem>>) src(%arg15 : memref<64x128xf32, #tpu.memory_space<vmem>>) dst(%dma_wait3A_281 : memref<10112x128xf32, #tpu.memory_space<vmem_shared>>)
      %dma_start3A_282 = arith.constant 0 : i32
      %dma_start3A_283 = arith.constant 0 : i32
      %dma_start3A_284 = tpu.memref_slice %arg18[%dma_start3A_282, %dma_start3A_283] : memref<10112x128xf32, #tpu.memory_space<vmem_shared>> -> memref<10112x128xf32, #tpu.memory_space<vmem_shared>>
      tpu.enqueue_indirect_dma source(%arg17 : memref<64x128xf32, #tpu.memory_space<vmem>>) target(%dma_start3A_284 : memref<10112x128xf32, #tpu.memory_space<vmem_shared>>) offsets(%arg13 : memref<64xi32, #tpu.memory_space<vmem>>) semaphore(%arg28 : memref<!tpu.dma_semaphore, #tpu.memory_space<semaphore_mem>>) {add = true}
      %add3A_285 = arith.constant 2 : i32
      %add3A_286 = arith.addi %add3A_275, %add3A_285 : i32
      %lt3A_287 = arith.constant 160 : i32
      %lt3A_288 = arith.cmpi slt, %add3A_286, %lt3A_287 : i32
      %convert_element_type3A_289 = arith.extui %lt3A_288 : i1 to i32
      %cond3A_290 = arith.constant 0 : i32
      %cond3A_291 = arith.cmpi ne, %convert_element_type3A_289, %cond3A_290 : i32
      scf.if %cond3A_291 {
        %add3A_299 = arith.constant 2 : i32
        %add3A_300 = arith.addi %add3A_275, %add3A_299 : i32
        %dma_wait3A_301 = arith.constant 0 : i32
        %dma_wait3A_302 = tpu.memref_slice %arg3[%arg0, %arg1, %add3A_300, %dma_wait3A_301] : memref<2x16x160x64xi32, #tpu.memory_space<hbm>> -> memref<1x1x1x64xi32, #tpu.memory_space<hbm>>
        %dma_wait3A_303 = tpu.memref_squeeze %dma_wait3A_302 : memref<1x1x1x64xi32, #tpu.memory_space<hbm>> -> memref<64xi32, #tpu.memory_space<hbm>>
        %dma_wait3A_304 = arith.constant 0 : i32
        %dma_wait3A_305 = tpu.memref_slice %arg3[%arg0, %arg1, %add3A_300, %dma_wait3A_304] : memref<2x16x160x64xi32, #tpu.memory_space<hbm>> -> memref<1x1x1x64xi32, #tpu.memory_space<hbm>>
        %dma_wait3A_306 = tpu.memref_squeeze %dma_wait3A_305 : memref<1x1x1x64xi32, #tpu.memory_space<hbm>> -> memref<64xi32, #tpu.memory_space<hbm>>
        tpu.wait_dma2 semaphore(%arg20 : memref<!tpu.dma_semaphore, #tpu.memory_space<semaphore_mem>>) src(%dma_wait3A_306 : memref<64xi32, #tpu.memory_space<hbm>>) dst(%arg7 : memref<64xi32, #tpu.memory_space<vmem>>)
        %get3A_307 = arith.constant 0 : index
        %get3A_308 = tpu.vector_load %arg7[%get3A_307] {strides = array<i32>} : memref<64xi32, #tpu.memory_space<vmem>>, vector<16xi32>,
        %get3A_309 = vector.shape_cast %get3A_308 : vector<16xi32> to vector<16xi32>
        %shift_right_arithmetic3A_310 = arith.constant 16 : i32
        %shift_right_arithmetic3A_311 = vector.broadcast %shift_right_arithmetic3A_310 : i32 to vector<16xi32>
        %shift_right_arithmetic3A_312 = arith.shrsi %get3A_309, %shift_right_arithmetic3A_311 : vector<16xi32>
        %swap3A_313 = arith.constant 0 : index
        %swap3A_314 = tpu.vector_load %arg11[%swap3A_313] {strides = array<i32>} : memref<64xi32, #tpu.memory_space<vmem>>, vector<16xi32>,
        %swap3A_315 = vector.shape_cast %swap3A_314 : vector<16xi32> to vector<16xi32>
        %swap3A_316 = vector.shape_cast %shift_right_arithmetic3A_312 : vector<16xi32> to vector<16xi32>
        tpu.vector_store %arg11[%swap3A_313], %swap3A_316 {strides = array<i32>} : memref<64xi32, #tpu.memory_space<vmem>>, vector<16xi32>,
        %and3A_317 = arith.constant 65535 : i32
        %and3A_318 = vector.broadcast %and3A_317 : i32 to vector<16xi32>
        %and3A_319 = arith.andi %get3A_309, %and3A_318 : vector<16xi32>
        %swap3A_320 = arith.constant 0 : index
        %swap3A_321 = tpu.vector_load %arg7[%swap3A_320] {strides = array<i32>} : memref<64xi32, #tpu.memory_space<vmem>>, vector<16xi32>,
        %swap3A_322 = vector.shape_cast %swap3A_321 : vector<16xi32> to vector<16xi32>
        %swap3A_323 = vector.shape_cast %and3A_319 : vector<16xi32> to vector<16xi32>
        tpu.vector_store %arg7[%swap3A_320], %swap3A_323 {strides = array<i32>} : memref<64xi32, #tpu.memory_space<vmem>>, vector<16xi32>,
        %get3A_324 = arith.constant 16 : index
        %get3A_325 = tpu.vector_load %arg7[%get3A_324] {strides = array<i32>} : memref<64xi32, #tpu.memory_space<vmem>>, vector<16xi32>,
        %get3A_326 = vector.shape_cast %get3A_325 : vector<16xi32> to vector<16xi32>
        %shift_right_arithmetic3A_327 = arith.constant 16 : i32
        %shift_right_arithmetic3A_328 = vector.broadcast %shift_right_arithmetic3A_327 : i32 to vector<16xi32>
        %shift_right_arithmetic3A_329 = arith.shrsi %get3A_326, %shift_right_arithmetic3A_328 : vector<16xi32>
        %swap3A_330 = arith.constant 16 : index
        %swap3A_331 = tpu.vector_load %arg11[%swap3A_330] {strides = array<i32>} : memref<64xi32, #tpu.memory_space<vmem>>, vector<16xi32>,
        %swap3A_332 = vector.shape_cast %swap3A_331 : vector<16xi32> to vector<16xi32>
        %swap3A_333 = vector.shape_cast %shift_right_arithmetic3A_329 : vector<16xi32> to vector<16xi32>
        tpu.vector_store %arg11[%swap3A_330], %swap3A_333 {strides = array<i32>} : memref<64xi32, #tpu.memory_space<vmem>>, vector<16xi32>,
        %and3A_334 = arith.constant 65535 : i32
        %and3A_335 = vector.broadcast %and3A_334 : i32 to vector<16xi32>
        %and3A_336 = arith.andi %get3A_326, %and3A_335 : vector<16xi32>
        %swap3A_337 = arith.constant 16 : index
        %swap3A_338 = tpu.vector_load %arg7[%swap3A_337] {strides = array<i32>} : memref<64xi32, #tpu.memory_space<vmem>>, vector<16xi32>,
        %swap3A_339 = vector.shape_cast %swap3A_338 : vector<16xi32> to vector<16xi32>
        %swap3A_340 = vector.shape_cast %and3A_336 : vector<16xi32> to vector<16xi32>
        tpu.vector_store %arg7[%swap3A_337], %swap3A_340 {strides = array<i32>} : memref<64xi32, #tpu.memory_space<vmem>>, vector<16xi32>,
        %get3A_341 = arith.constant 32 : index
        %get3A_342 = tpu.vector_load %arg7[%get3A_341] {strides = array<i32>} : memref<64xi32, #tpu.memory_space<vmem>>, vector<16xi32>,
        %get3A_343 = vector.shape_cast %get3A_342 : vector<16xi32> to vector<16xi32>
        %shift_right_arithmetic3A_344 = arith.constant 16 : i32
        %shift_right_arithmetic3A_345 = vector.broadcast %shift_right_arithmetic3A_344 : i32 to vector<16xi32>
        %shift_right_arithmetic3A_346 = arith.shrsi %get3A_343, %shift_right_arithmetic3A_345 : vector<16xi32>
        %swap3A_347 = arith.constant 32 : index
        %swap3A_348 = tpu.vector_load %arg11[%swap3A_347] {strides = array<i32>} : memref<64xi32, #tpu.memory_space<vmem>>, vector<16xi32>,
        %swap3A_349 = vector.shape_cast %swap3A_348 : vector<16xi32> to vector<16xi32>
        %swap3A_350 = vector.shape_cast %shift_right_arithmetic3A_346 : vector<16xi32> to vector<16xi32>
        tpu.vector_store %arg11[%swap3A_347], %swap3A_350 {strides = array<i32>} : memref<64xi32, #tpu.memory_space<vmem>>, vector<16xi32>,
        %and3A_351 = arith.constant 65535 : i32
        %and3A_352 = vector.broadcast %and3A_351 : i32 to vector<16xi32>
        %and3A_353 = arith.andi %get3A_343, %and3A_352 : vector<16xi32>
        %swap3A_354 = arith.constant 32 : index
        %swap3A_355 = tpu.vector_load %arg7[%swap3A_354] {strides = array<i32>} : memref<64xi32, #tpu.memory_space<vmem>>, vector<16xi32>,
        %swap3A_356 = vector.shape_cast %swap3A_355 : vector<16xi32> to vector<16xi32>
        %swap3A_357 = vector.shape_cast %and3A_353 : vector<16xi32> to vector<16xi32>
        tpu.vector_store %arg7[%swap3A_354], %swap3A_357 {strides = array<i32>} : memref<64xi32, #tpu.memory_space<vmem>>, vector<16xi32>,
        %get3A_358 = arith.constant 48 : index
        %get3A_359 = tpu.vector_load %arg7[%get3A_358] {strides = array<i32>} : memref<64xi32, #tpu.memory_space<vmem>>, vector<16xi32>,
        %get3A_360 = vector.shape_cast %get3A_359 : vector<16xi32> to vector<16xi32>
        %shift_right_arithmetic3A_361 = arith.constant 16 : i32
        %shift_right_arithmetic3A_362 = vector.broadcast %shift_right_arithmetic3A_361 : i32 to vector<16xi32>
        %shift_right_arithmetic3A_363 = arith.shrsi %get3A_360, %shift_right_arithmetic3A_362 : vector<16xi32>
        %swap3A_364 = arith.constant 48 : index
        %swap3A_365 = tpu.vector_load %arg11[%swap3A_364] {strides = array<i32>} : memref<64xi32, #tpu.memory_space<vmem>>, vector<16xi32>,
        %swap3A_366 = vector.shape_cast %swap3A_365 : vector<16xi32> to vector<16xi32>
        %swap3A_367 = vector.shape_cast %shift_right_arithmetic3A_363 : vector<16xi32> to vector<16xi32>
        tpu.vector_store %arg11[%swap3A_364], %swap3A_367 {strides = array<i32>} : memref<64xi32, #tpu.memory_space<vmem>>, vector<16xi32>,
        %and3A_368 = arith.constant 65535 : i32
        %and3A_369 = vector.broadcast %and3A_368 : i32 to vector<16xi32>
        %and3A_370 = arith.andi %get3A_360, %and3A_369 : vector<16xi32>
        %swap3A_371 = arith.constant 48 : index
        %swap3A_372 = tpu.vector_load %arg7[%swap3A_371] {strides = array<i32>} : memref<64xi32, #tpu.memory_space<vmem>>, vector<16xi32>,
        %swap3A_373 = vector.shape_cast %swap3A_372 : vector<16xi32> to vector<16xi32>
        %swap3A_374 = vector.shape_cast %and3A_370 : vector<16xi32> to vector<16xi32>
        tpu.vector_store %arg7[%swap3A_371], %swap3A_374 {strides = array<i32>} : memref<64xi32, #tpu.memory_space<vmem>>, vector<16xi32>,
        %dma_start3A_375 = arith.constant 0 : i32
        %dma_start3A_376 = arith.constant 0 : i32
        %dma_start3A_377 = tpu.memref_slice %arg2[%dma_start3A_375, %dma_start3A_376] : memref<10000x128xf32, #tpu.memory_space<hbm>> -> memref<10000x128xf32, #tpu.memory_space<hbm>>
        tpu.enqueue_indirect_dma source(%dma_start3A_377 : memref<10000x128xf32, #tpu.memory_space<hbm>>) target(%arg15 : memref<64x128xf32, #tpu.memory_space<vmem>>) offsets(%arg7 : memref<64xi32, #tpu.memory_space<vmem>>) semaphore(%arg24 : memref<!tpu.dma_semaphore, #tpu.memory_space<semaphore_mem>>)
      } else {
      }
      %add3A_292 = arith.constant 4 : i32
      %add3A_293 = arith.addi %add3A_275, %add3A_292 : i32
      %lt3A_294 = arith.constant 160 : i32
      %lt3A_295 = arith.cmpi slt, %add3A_293, %lt3A_294 : i32
      %convert_element_type3A_296 = arith.extui %lt3A_295 : i1 to i32
      %cond3A_297 = arith.constant 0 : i32
      %cond3A_298 = arith.cmpi ne, %convert_element_type3A_296, %cond3A_297 : i32
      scf.if %cond3A_298 {
        %add3A_299 = arith.constant 4 : i32
        %add3A_300 = arith.addi %add3A_275, %add3A_299 : i32
        %dma_start3A_301 = arith.constant 0 : i32
        %dma_start3A_302 = tpu.memref_slice %arg3[%arg0, %arg1, %add3A_300, %dma_start3A_301] : memref<2x16x160x64xi32, #tpu.memory_space<hbm>> -> memref<1x1x1x64xi32, #tpu.memory_space<hbm>>
        %dma_start3A_303 = tpu.memref_squeeze %dma_start3A_302 : memref<1x1x1x64xi32, #tpu.memory_space<hbm>> -> memref<64xi32, #tpu.memory_space<hbm>>
        %dma_start3A_304 = arith.constant 0 : i32
        %dma_start3A_305 = tpu.memref_slice %arg3[%arg0, %arg1, %add3A_300, %dma_start3A_304] : memref<2x16x160x64xi32, #tpu.memory_space<hbm>> -> memref<1x1x1x64xi32, #tpu.memory_space<hbm>>
        %dma_start3A_306 = tpu.memref_squeeze %dma_start3A_305 : memref<1x1x1x64xi32, #tpu.memory_space<hbm>> -> memref<64xi32, #tpu.memory_space<hbm>>
        tpu.enqueue_dma source(%dma_start3A_306 : memref<64xi32, #tpu.memory_space<hbm>>) target(%arg9 : memref<64xi32, #tpu.memory_space<vmem>>) target_semaphore(%arg22 : memref<!tpu.dma_semaphore, #tpu.memory_space<semaphore_mem>>)
      } else {
      }
    }
    %scan3A_185 = arith.constant 40 : i32
    %dma_wait3A_186 = arith.constant 0 : i32
    %dma_wait3A_187 = arith.constant 0 : i32
    %dma_wait3A_188 = tpu.memref_slice %arg18[%dma_wait3A_186, %dma_wait3A_187] : memref<10112x128xf32, #tpu.memory_space<vmem_shared>> -> memref<10112x128xf32, #tpu.memory_space<vmem_shared>>
    tpu.wait_indirect_dma semaphore(%arg27 : memref<!tpu.dma_semaphore, #tpu.memory_space<semaphore_mem>>) src(%arg16 : memref<64x128xf32, #tpu.memory_space<vmem>>) dst(%dma_wait3A_188 : memref<10112x128xf32, #tpu.memory_space<vmem_shared>>)
    %dma_wait3A_189 = arith.constant 0 : i32
    %dma_wait3A_190 = arith.constant 0 : i32
    %dma_wait3A_191 = tpu.memref_slice %arg18[%dma_wait3A_189, %dma_wait3A_190] : memref<10112x128xf32, #tpu.memory_space<vmem_shared>> -> memref<10112x128xf32, #tpu.memory_space<vmem_shared>>
    tpu.wait_indirect_dma semaphore(%arg28 : memref<!tpu.dma_semaphore, #tpu.memory_space<semaphore_mem>>) src(%arg17 : memref<64x128xf32, #tpu.memory_space<vmem>>) dst(%dma_wait3A_191 : memref<10112x128xf32, #tpu.memory_space<vmem_shared>>)
    %barrier3A_192 = arith.constant 0 : index
    tpu.barrier barrier_id(%barrier3A_192)
    %mul3A_193 = arith.constant 632 : i32
    %mul3A_194 = arith.muli %arg1, %mul3A_193 : i32
    %mul3A_195 = arith.constant 632 : i32
    %mul3A_196 = arith.muli %arg1, %mul3A_195 : i32
    "tpu.region"() ({
      %run_scoped3A = tpu.sem_alloc : memref<!tpu.dma_semaphore, #tpu.memory_space<semaphore_mem>>
      %dma_start3A_197 = arith.constant 0 : i32
      %dma_start3A_198 = tpu.memref_slice %arg5[%arg0, %mul3A_196, %dma_start3A_197] : memref<2x10112x128xf32, #tpu.memory_space<hbm>> -> memref<1x632x128xf32, #tpu.memory_space<hbm>>
      %dma_start3A_199 = tpu.memref_squeeze %dma_start3A_198 : memref<1x632x128xf32, #tpu.memory_space<hbm>> -> memref<632x128xf32, #tpu.memory_space<hbm>>
      %dma_start3A_200 = arith.constant 0 : i32
      %dma_start3A_201 = tpu.memref_slice %arg18[%mul3A_194, %dma_start3A_200] : memref<10112x128xf32, #tpu.memory_space<vmem_shared>> -> memref<632x128xf32, #tpu.memory_space<vmem_shared>>
      tpu.enqueue_dma source(%dma_start3A_201 : memref<632x128xf32, #tpu.memory_space<vmem_shared>>) target(%dma_start3A_199 : memref<632x128xf32, #tpu.memory_space<hbm>>) target_semaphore(%run_scoped3A : memref<!tpu.dma_semaphore, #tpu.memory_space<semaphore_mem>>)
      %dma_wait3A_202 = arith.constant 0 : i32
      %dma_wait3A_203 = tpu.memref_slice %arg5[%arg0, %mul3A_196, %dma_wait3A_202] : memref<2x10112x128xf32, #tpu.memory_space<hbm>> -> memref<1x632x128xf32, #tpu.memory_space<hbm>>
      %dma_wait3A_204 = tpu.memref_squeeze %dma_wait3A_203 : memref<1x632x128xf32, #tpu.memory_space<hbm>> -> memref<632x128xf32, #tpu.memory_space<hbm>>
      %dma_wait3A_205 = arith.constant 0 : i32
      %dma_wait3A_206 = tpu.memref_slice %arg18[%mul3A_194, %dma_wait3A_205] : memref<10112x128xf32, #tpu.memory_space<vmem_shared>> -> memref<632x128xf32, #tpu.memory_space<vmem_shared>>
      tpu.wait_dma2 semaphore(%run_scoped3A : memref<!tpu.dma_semaphore, #tpu.memory_space<semaphore_mem>>) src(%dma_wait3A_206 : memref<632x128xf32, #tpu.memory_space<vmem_shared>>) dst(%dma_wait3A_204 : memref<632x128xf32, #tpu.memory_space<hbm>>)
      tpu.yield
    }) : () -> ()
    return
  }
}

#map = affine_map<(d0, d1) -> (0, 0)>
#map1 = affine_map<(d0, d1) -> (0, 0, 0, 0)>
#map2 = affine_map<(d0, d1) -> (0, 0, 0)>
module attributes {stable_mosaic.version = 14 : i64} {
  func.func @segsum(%arg0: i32, %arg1: i32, %arg2: memref<20000x128xf32, #tpu.memory_space<hbm>>, %arg3: memref<2x16x316x64xi32, #tpu.memory_space<hbm>>, %arg4: memref<10112x128xf32, #tpu.memory_space<hbm>>, %arg5: memref<2x10112x128xf32, #tpu.memory_space<hbm>>, %arg6: memref<64xi32, #tpu.memory_space<vmem>>, %arg7: memref<64xi32, #tpu.memory_space<vmem>>, %arg8: memref<64xi32, #tpu.memory_space<vmem>>, %arg9: memref<64xi32, #tpu.memory_space<vmem>>, %arg10: memref<64xi32, #tpu.memory_space<vmem>>, %arg11: memref<64xi32, #tpu.memory_space<vmem>>, %arg12: memref<64xi32, #tpu.memory_space<vmem>>, %arg13: memref<64xi32, #tpu.memory_space<vmem>>, %arg14: memref<64x128xf32, #tpu.memory_space<vmem>>, %arg15: memref<64x128xf32, #tpu.memory_space<vmem>>, %arg16: memref<64x128xf32, #tpu.memory_space<vmem>>, %arg17: memref<64x128xf32, #tpu.memory_space<vmem>>, %arg18: memref<10112x128xf32, #tpu.memory_space<vmem_shared>>, %arg19: memref<!tpu.dma_semaphore, #tpu.memory_space<semaphore_mem>>, %arg20: memref<!tpu.dma_semaphore, #tpu.memory_space<semaphore_mem>>, %arg21: memref<!tpu.dma_semaphore, #tpu.memory_space<semaphore_mem>>, %arg22: memref<!tpu.dma_semaphore, #tpu.memory_space<semaphore_mem>>, %arg23: memref<!tpu.dma_semaphore, #tpu.memory_space<semaphore_mem>>, %arg24: memref<!tpu.dma_semaphore, #tpu.memory_space<semaphore_mem>>, %arg25: memref<!tpu.dma_semaphore, #tpu.memory_space<semaphore_mem>>, %arg26: memref<!tpu.dma_semaphore, #tpu.memory_space<semaphore_mem>>, %arg27: memref<!tpu.dma_semaphore, #tpu.memory_space<semaphore_mem>>, %arg28: memref<!tpu.dma_semaphore, #tpu.memory_space<semaphore_mem>>) attributes {dimension_semantics = [#tpu.dimension_semantics<core_parallel>, #tpu.dimension_semantics<subcore_parallel>], iteration_bounds = array<i64: 2, 16>, scalar_prefetch = 0 : i64, scratch_operands = 23 : i64, tpu.core_type = #tpu.core_type<sc_vector_subcore>, window_params = [{transform_indices = #map}, {transform_indices = #map1}, {transform_indices = #map}, {transform_indices = #map2}]} {
    %mul3A = arith.constant 632 : i32
    %mul3A_0 = arith.muli %arg1, %mul3A : i32
    %mul3A_1 = arith.constant 632 : i32
    %mul3A_2 = arith.muli %arg1, %mul3A_1 : i32
    "tpu.region"() ({
      %run_scoped3A = tpu.sem_alloc : memref<!tpu.dma_semaphore, #tpu.memory_space<semaphore_mem>>
      %dma_start3A_197 = arith.constant 0 : i32
      %dma_start3A_198 = tpu.memref_slice %arg18[%mul3A_2, %dma_start3A_197] : memref<10112x128xf32, #tpu.memory_space<vmem_shared>> -> memref<632x128xf32, #tpu.memory_space<vmem_shared>>
      %dma_start3A_199 = arith.constant 0 : i32
      %dma_start3A_200 = tpu.memref_slice %arg4[%mul3A_0, %dma_start3A_199] : memref<10112x128xf32, #tpu.memory_space<hbm>> -> memref<632x128xf32, #tpu.memory_space<hbm>>
      tpu.enqueue_dma source(%dma_start3A_200 : memref<632x128xf32, #tpu.memory_space<hbm>>) target(%dma_start3A_198 : memref<632x128xf32, #tpu.memory_space<vmem_shared>>) target_semaphore(%run_scoped3A : memref<!tpu.dma_semaphore, #tpu.memory_space<semaphore_mem>>)
      %dma_wait3A_201 = arith.constant 0 : i32
      %dma_wait3A_202 = tpu.memref_slice %arg18[%mul3A_2, %dma_wait3A_201] : memref<10112x128xf32, #tpu.memory_space<vmem_shared>> -> memref<632x128xf32, #tpu.memory_space<vmem_shared>>
      %dma_wait3A_203 = arith.constant 0 : i32
      %dma_wait3A_204 = tpu.memref_slice %arg4[%mul3A_0, %dma_wait3A_203] : memref<10112x128xf32, #tpu.memory_space<hbm>> -> memref<632x128xf32, #tpu.memory_space<hbm>>
      tpu.wait_dma2 semaphore(%run_scoped3A : memref<!tpu.dma_semaphore, #tpu.memory_space<semaphore_mem>>) src(%dma_wait3A_204 : memref<632x128xf32, #tpu.memory_space<hbm>>) dst(%dma_wait3A_202 : memref<632x128xf32, #tpu.memory_space<vmem_shared>>)
      tpu.yield
    }) : () -> ()
    %barrier3A = arith.constant 0 : index
    tpu.barrier barrier_id(%barrier3A)
    %dma_start3A = arith.constant 0 : i32
    %dma_start3A_3 = arith.constant 0 : i32
    %dma_start3A_4 = tpu.memref_slice %arg3[%arg0, %arg1, %dma_start3A, %dma_start3A_3] : memref<2x16x316x64xi32, #tpu.memory_space<hbm>> -> memref<1x1x1x64xi32, #tpu.memory_space<hbm>>
    %dma_start3A_5 = tpu.memref_squeeze %dma_start3A_4 : memref<1x1x1x64xi32, #tpu.memory_space<hbm>> -> memref<64xi32, #tpu.memory_space<hbm>>
    %dma_start3A_6 = arith.constant 0 : i32
    %dma_start3A_7 = tpu.memref_slice %arg3[%arg0, %arg1, %dma_start3A, %dma_start3A_6] : memref<2x16x316x64xi32, #tpu.memory_space<hbm>> -> memref<1x1x1x64xi32, #tpu.memory_space<hbm>>
    %dma_start3A_8 = tpu.memref_squeeze %dma_start3A_7 : memref<1x1x1x64xi32, #tpu.memory_space<hbm>> -> memref<64xi32, #tpu.memory_space<hbm>>
    tpu.enqueue_dma source(%dma_start3A_8 : memref<64xi32, #tpu.memory_space<hbm>>) target(%arg6 : memref<64xi32, #tpu.memory_space<vmem>>) target_semaphore(%arg19 : memref<!tpu.dma_semaphore, #tpu.memory_space<semaphore_mem>>)
    %dma_start3A_9 = arith.constant 1 : i32
    %dma_start3A_10 = arith.constant 0 : i32
    %dma_start3A_11 = tpu.memref_slice %arg3[%arg0, %arg1, %dma_start3A_9, %dma_start3A_10] : memref<2x16x316x64xi32, #tpu.memory_space<hbm>> -> memref<1x1x1x64xi32, #tpu.memory_space<hbm>>
    %dma_start3A_12 = tpu.memref_squeeze %dma_start3A_11 : memref<1x1x1x64xi32, #tpu.memory_space<hbm>> -> memref<64xi32, #tpu.memory_space<hbm>>
    %dma_start3A_13 = arith.constant 0 : i32
    %dma_start3A_14 = tpu.memref_slice %arg3[%arg0, %arg1, %dma_start3A_9, %dma_start3A_13] : memref<2x16x316x64xi32, #tpu.memory_space<hbm>> -> memref<1x1x1x64xi32, #tpu.memory_space<hbm>>
    %dma_start3A_15 = tpu.memref_squeeze %dma_start3A_14 : memref<1x1x1x64xi32, #tpu.memory_space<hbm>> -> memref<64xi32, #tpu.memory_space<hbm>>
    tpu.enqueue_dma source(%dma_start3A_15 : memref<64xi32, #tpu.memory_space<hbm>>) target(%arg7 : memref<64xi32, #tpu.memory_space<vmem>>) target_semaphore(%arg20 : memref<!tpu.dma_semaphore, #tpu.memory_space<semaphore_mem>>)
    %dma_start3A_16 = arith.constant 2 : i32
    %dma_start3A_17 = arith.constant 0 : i32
    %dma_start3A_18 = tpu.memref_slice %arg3[%arg0, %arg1, %dma_start3A_16, %dma_start3A_17] : memref<2x16x316x64xi32, #tpu.memory_space<hbm>> -> memref<1x1x1x64xi32, #tpu.memory_space<hbm>>
    %dma_start3A_19 = tpu.memref_squeeze %dma_start3A_18 : memref<1x1x1x64xi32, #tpu.memory_space<hbm>> -> memref<64xi32, #tpu.memory_space<hbm>>
    %dma_start3A_20 = arith.constant 0 : i32
    %dma_start3A_21 = tpu.memref_slice %arg3[%arg0, %arg1, %dma_start3A_16, %dma_start3A_20] : memref<2x16x316x64xi32, #tpu.memory_space<hbm>> -> memref<1x1x1x64xi32, #tpu.memory_space<hbm>>
    %dma_start3A_22 = tpu.memref_squeeze %dma_start3A_21 : memref<1x1x1x64xi32, #tpu.memory_space<hbm>> -> memref<64xi32, #tpu.memory_space<hbm>>
    tpu.enqueue_dma source(%dma_start3A_22 : memref<64xi32, #tpu.memory_space<hbm>>) target(%arg8 : memref<64xi32, #tpu.memory_space<vmem>>) target_semaphore(%arg21 : memref<!tpu.dma_semaphore, #tpu.memory_space<semaphore_mem>>)
    %dma_start3A_23 = arith.constant 3 : i32
    %dma_start3A_24 = arith.constant 0 : i32
    %dma_start3A_25 = tpu.memref_slice %arg3[%arg0, %arg1, %dma_start3A_23, %dma_start3A_24] : memref<2x16x316x64xi32, #tpu.memory_space<hbm>> -> memref<1x1x1x64xi32, #tpu.memory_space<hbm>>
    %dma_start3A_26 = tpu.memref_squeeze %dma_start3A_25 : memref<1x1x1x64xi32, #tpu.memory_space<hbm>> -> memref<64xi32, #tpu.memory_space<hbm>>
    %dma_start3A_27 = arith.constant 0 : i32
    %dma_start3A_28 = tpu.memref_slice %arg3[%arg0, %arg1, %dma_start3A_23, %dma_start3A_27] : memref<2x16x316x64xi32, #tpu.memory_space<hbm>> -> memref<1x1x1x64xi32, #tpu.memory_space<hbm>>
    %dma_start3A_29 = tpu.memref_squeeze %dma_start3A_28 : memref<1x1x1x64xi32, #tpu.memory_space<hbm>> -> memref<64xi32, #tpu.memory_space<hbm>>
    tpu.enqueue_dma source(%dma_start3A_29 : memref<64xi32, #tpu.memory_space<hbm>>) target(%arg9 : memref<64xi32, #tpu.memory_space<vmem>>) target_semaphore(%arg22 : memref<!tpu.dma_semaphore, #tpu.memory_space<semaphore_mem>>)
    %dma_wait3A = arith.constant 0 : i32
    %dma_wait3A_30 = arith.constant 0 : i32
    %dma_wait3A_31 = tpu.memref_slice %arg3[%arg0, %arg1, %dma_wait3A, %dma_wait3A_30] : memref<2x16x316x64xi32, #tpu.memory_space<hbm>> -> memref<1x1x1x64xi32, #tpu.memory_space<hbm>>
    %dma_wait3A_32 = tpu.memref_squeeze %dma_wait3A_31 : memref<1x1x1x64xi32, #tpu.memory_space<hbm>> -> memref<64xi32, #tpu.memory_space<hbm>>
    %dma_wait3A_33 = arith.constant 0 : i32
    %dma_wait3A_34 = tpu.memref_slice %arg3[%arg0, %arg1, %dma_wait3A, %dma_wait3A_33] : memref<2x16x316x64xi32, #tpu.memory_space<hbm>> -> memref<1x1x1x64xi32, #tpu.memory_space<hbm>>
    %dma_wait3A_35 = tpu.memref_squeeze %dma_wait3A_34 : memref<1x1x1x64xi32, #tpu.memory_space<hbm>> -> memref<64xi32, #tpu.memory_space<hbm>>
    tpu.wait_dma2 semaphore(%arg19 : memref<!tpu.dma_semaphore, #tpu.memory_space<semaphore_mem>>) src(%dma_wait3A_35 : memref<64xi32, #tpu.memory_space<hbm>>) dst(%arg6 : memref<64xi32, #tpu.memory_space<vmem>>)
    %get3A = arith.constant 0 : index
    %get3A_36 = tpu.vector_load %arg6[%get3A] {strides = array<i32>} : memref<64xi32, #tpu.memory_space<vmem>>, vector<16xi32>,
    %get3A_37 = vector.shape_cast %get3A_36 : vector<16xi32> to vector<16xi32>
    %shift_right_arithmetic3A = arith.constant 16 : i32
    %shift_right_arithmetic3A_38 = vector.broadcast %shift_right_arithmetic3A : i32 to vector<16xi32>
    %shift_right_arithmetic3A_39 = arith.shrsi %get3A_37, %shift_right_arithmetic3A_38 : vector<16xi32>
    %swap3A = arith.constant 0 : index
    %swap3A_40 = tpu.vector_load %arg10[%swap3A] {strides = array<i32>} : memref<64xi32, #tpu.memory_space<vmem>>, vector<16xi32>,
    %swap3A_41 = vector.shape_cast %swap3A_40 : vector<16xi32> to vector<16xi32>
    %swap3A_42 = vector.shape_cast %shift_right_arithmetic3A_39 : vector<16xi32> to vector<16xi32>
    tpu.vector_store %arg10[%swap3A], %swap3A_42 {strides = array<i32>} : memref<64xi32, #tpu.memory_space<vmem>>, vector<16xi32>,
    %and3A = arith.constant 65535 : i32
    %and3A_43 = vector.broadcast %and3A : i32 to vector<16xi32>
    %and3A_44 = arith.andi %get3A_37, %and3A_43 : vector<16xi32>
    %swap3A_45 = arith.constant 0 : index
    %swap3A_46 = tpu.vector_load %arg6[%swap3A_45] {strides = array<i32>} : memref<64xi32, #tpu.memory_space<vmem>>, vector<16xi32>,
    %swap3A_47 = vector.shape_cast %swap3A_46 : vector<16xi32> to vector<16xi32>
    %swap3A_48 = vector.shape_cast %and3A_44 : vector<16xi32> to vector<16xi32>
    tpu.vector_store %arg6[%swap3A_45], %swap3A_48 {strides = array<i32>} : memref<64xi32, #tpu.memory_space<vmem>>, vector<16xi32>,
    %get3A_49 = arith.constant 16 : index
    %get3A_50 = tpu.vector_load %arg6[%get3A_49] {strides = array<i32>} : memref<64xi32, #tpu.memory_space<vmem>>, vector<16xi32>,
    %get3A_51 = vector.shape_cast %get3A_50 : vector<16xi32> to vector<16xi32>
    %shift_right_arithmetic3A_52 = arith.constant 16 : i32
    %shift_right_arithmetic3A_53 = vector.broadcast %shift_right_arithmetic3A_52 : i32 to vector<16xi32>
    %shift_right_arithmetic3A_54 = arith.shrsi %get3A_51, %shift_right_arithmetic3A_53 : vector<16xi32>
    %swap3A_55 = arith.constant 16 : index
    %swap3A_56 = tpu.vector_load %arg10[%swap3A_55] {strides = array<i32>} : memref<64xi32, #tpu.memory_space<vmem>>, vector<16xi32>,
    %swap3A_57 = vector.shape_cast %swap3A_56 : vector<16xi32> to vector<16xi32>
    %swap3A_58 = vector.shape_cast %shift_right_arithmetic3A_54 : vector<16xi32> to vector<16xi32>
    tpu.vector_store %arg10[%swap3A_55], %swap3A_58 {strides = array<i32>} : memref<64xi32, #tpu.memory_space<vmem>>, vector<16xi32>,
    %and3A_59 = arith.constant 65535 : i32
    %and3A_60 = vector.broadcast %and3A_59 : i32 to vector<16xi32>
    %and3A_61 = arith.andi %get3A_51, %and3A_60 : vector<16xi32>
    %swap3A_62 = arith.constant 16 : index
    %swap3A_63 = tpu.vector_load %arg6[%swap3A_62] {strides = array<i32>} : memref<64xi32, #tpu.memory_space<vmem>>, vector<16xi32>,
    %swap3A_64 = vector.shape_cast %swap3A_63 : vector<16xi32> to vector<16xi32>
    %swap3A_65 = vector.shape_cast %and3A_61 : vector<16xi32> to vector<16xi32>
    tpu.vector_store %arg6[%swap3A_62], %swap3A_65 {strides = array<i32>} : memref<64xi32, #tpu.memory_space<vmem>>, vector<16xi32>,
    %get3A_66 = arith.constant 32 : index
    %get3A_67 = tpu.vector_load %arg6[%get3A_66] {strides = array<i32>} : memref<64xi32, #tpu.memory_space<vmem>>, vector<16xi32>,
    %get3A_68 = vector.shape_cast %get3A_67 : vector<16xi32> to vector<16xi32>
    %shift_right_arithmetic3A_69 = arith.constant 16 : i32
    %shift_right_arithmetic3A_70 = vector.broadcast %shift_right_arithmetic3A_69 : i32 to vector<16xi32>
    %shift_right_arithmetic3A_71 = arith.shrsi %get3A_68, %shift_right_arithmetic3A_70 : vector<16xi32>
    %swap3A_72 = arith.constant 32 : index
    %swap3A_73 = tpu.vector_load %arg10[%swap3A_72] {strides = array<i32>} : memref<64xi32, #tpu.memory_space<vmem>>, vector<16xi32>,
    %swap3A_74 = vector.shape_cast %swap3A_73 : vector<16xi32> to vector<16xi32>
    %swap3A_75 = vector.shape_cast %shift_right_arithmetic3A_71 : vector<16xi32> to vector<16xi32>
    tpu.vector_store %arg10[%swap3A_72], %swap3A_75 {strides = array<i32>} : memref<64xi32, #tpu.memory_space<vmem>>, vector<16xi32>,
    %and3A_76 = arith.constant 65535 : i32
    %and3A_77 = vector.broadcast %and3A_76 : i32 to vector<16xi32>
    %and3A_78 = arith.andi %get3A_68, %and3A_77 : vector<16xi32>
    %swap3A_79 = arith.constant 32 : index
    %swap3A_80 = tpu.vector_load %arg6[%swap3A_79] {strides = array<i32>} : memref<64xi32, #tpu.memory_space<vmem>>, vector<16xi32>,
    %swap3A_81 = vector.shape_cast %swap3A_80 : vector<16xi32> to vector<16xi32>
    %swap3A_82 = vector.shape_cast %and3A_78 : vector<16xi32> to vector<16xi32>
    tpu.vector_store %arg6[%swap3A_79], %swap3A_82 {strides = array<i32>} : memref<64xi32, #tpu.memory_space<vmem>>, vector<16xi32>,
    %get3A_83 = arith.constant 48 : index
    %get3A_84 = tpu.vector_load %arg6[%get3A_83] {strides = array<i32>} : memref<64xi32, #tpu.memory_space<vmem>>, vector<16xi32>,
    %get3A_85 = vector.shape_cast %get3A_84 : vector<16xi32> to vector<16xi32>
    %shift_right_arithmetic3A_86 = arith.constant 16 : i32
    %shift_right_arithmetic3A_87 = vector.broadcast %shift_right_arithmetic3A_86 : i32 to vector<16xi32>
    %shift_right_arithmetic3A_88 = arith.shrsi %get3A_85, %shift_right_arithmetic3A_87 : vector<16xi32>
    %swap3A_89 = arith.constant 48 : index
    %swap3A_90 = tpu.vector_load %arg10[%swap3A_89] {strides = array<i32>} : memref<64xi32, #tpu.memory_space<vmem>>, vector<16xi32>,
    %swap3A_91 = vector.shape_cast %swap3A_90 : vector<16xi32> to vector<16xi32>
    %swap3A_92 = vector.shape_cast %shift_right_arithmetic3A_88 : vector<16xi32> to vector<16xi32>
    tpu.vector_store %arg10[%swap3A_89], %swap3A_92 {strides = array<i32>} : memref<64xi32, #tpu.memory_space<vmem>>, vector<16xi32>,
    %and3A_93 = arith.constant 65535 : i32
    %and3A_94 = vector.broadcast %and3A_93 : i32 to vector<16xi32>
    %and3A_95 = arith.andi %get3A_85, %and3A_94 : vector<16xi32>
    %swap3A_96 = arith.constant 48 : index
    %swap3A_97 = tpu.vector_load %arg6[%swap3A_96] {strides = array<i32>} : memref<64xi32, #tpu.memory_space<vmem>>, vector<16xi32>,
    %swap3A_98 = vector.shape_cast %swap3A_97 : vector<16xi32> to vector<16xi32>
    %swap3A_99 = vector.shape_cast %and3A_95 : vector<16xi32> to vector<16xi32>
    tpu.vector_store %arg6[%swap3A_96], %swap3A_99 {strides = array<i32>} : memref<64xi32, #tpu.memory_space<vmem>>, vector<16xi32>,
    %dma_start3A_100 = arith.constant 0 : i32
    %dma_start3A_101 = arith.constant 0 : i32
    %dma_start3A_102 = tpu.memref_slice %arg2[%dma_start3A_100, %dma_start3A_101] : memref<20000x128xf32, #tpu.memory_space<hbm>> -> memref<20000x128xf32, #tpu.memory_space<hbm>>
    tpu.enqueue_indirect_dma source(%dma_start3A_102 : memref<20000x128xf32, #tpu.memory_space<hbm>>) target(%arg14 : memref<64x128xf32, #tpu.memory_space<vmem>>) offsets(%arg6 : memref<64xi32, #tpu.memory_space<vmem>>) semaphore(%arg23 : memref<!tpu.dma_semaphore, #tpu.memory_space<semaphore_mem>>)
    %dma_wait3A_103 = arith.constant 1 : i32
    %dma_wait3A_104 = arith.constant 0 : i32
    %dma_wait3A_105 = tpu.memref_slice %arg3[%arg0, %arg1, %dma_wait3A_103, %dma_wait3A_104] : memref<2x16x316x64xi32, #tpu.memory_space<hbm>> -> memref<1x1x1x64xi32, #tpu.memory_space<hbm>>
    %dma_wait3A_106 = tpu.memref_squeeze %dma_wait3A_105 : memref<1x1x1x64xi32, #tpu.memory_space<hbm>> -> memref<64xi32, #tpu.memory_space<hbm>>
    %dma_wait3A_107 = arith.constant 0 : i32
    %dma_wait3A_108 = tpu.memref_slice %arg3[%arg0, %arg1, %dma_wait3A_103, %dma_wait3A_107] : memref<2x16x316x64xi32, #tpu.memory_space<hbm>> -> memref<1x1x1x64xi32, #tpu.memory_space<hbm>>
    %dma_wait3A_109 = tpu.memref_squeeze %dma_wait3A_108 : memref<1x1x1x64xi32, #tpu.memory_space<hbm>> -> memref<64xi32, #tpu.memory_space<hbm>>
    tpu.wait_dma2 semaphore(%arg20 : memref<!tpu.dma_semaphore, #tpu.memory_space<semaphore_mem>>) src(%dma_wait3A_109 : memref<64xi32, #tpu.memory_space<hbm>>) dst(%arg7 : memref<64xi32, #tpu.memory_space<vmem>>)
    %get3A_110 = arith.constant 0 : index
    %get3A_111 = tpu.vector_load %arg7[%get3A_110] {strides = array<i32>} : memref<64xi32, #tpu.memory_space<vmem>>, vector<16xi32>,
    %get3A_112 = vector.shape_cast %get3A_111 : vector<16xi32> to vector<16xi32>
    %shift_right_arithmetic3A_113 = arith.constant 16 : i32
    %shift_right_arithmetic3A_114 = vector.broadcast %shift_right_arithmetic3A_113 : i32 to vector<16xi32>
    %shift_right_arithmetic3A_115 = arith.shrsi %get3A_112, %shift_right_arithmetic3A_114 : vector<16xi32>
    %swap3A_116 = arith.constant 0 : index
    %swap3A_117 = tpu.vector_load %arg11[%swap3A_116] {strides = array<i32>} : memref<64xi32, #tpu.memory_space<vmem>>, vector<16xi32>,
    %swap3A_118 = vector.shape_cast %swap3A_117 : vector<16xi32> to vector<16xi32>
    %swap3A_119 = vector.shape_cast %shift_right_arithmetic3A_115 : vector<16xi32> to vector<16xi32>
    tpu.vector_store %arg11[%swap3A_116], %swap3A_119 {strides = array<i32>} : memref<64xi32, #tpu.memory_space<vmem>>, vector<16xi32>,
    %and3A_120 = arith.constant 65535 : i32
    %and3A_121 = vector.broadcast %and3A_120 : i32 to vector<16xi32>
    %and3A_122 = arith.andi %get3A_112, %and3A_121 : vector<16xi32>
    %swap3A_123 = arith.constant 0 : index
    %swap3A_124 = tpu.vector_load %arg7[%swap3A_123] {strides = array<i32>} : memref<64xi32, #tpu.memory_space<vmem>>, vector<16xi32>,
    %swap3A_125 = vector.shape_cast %swap3A_124 : vector<16xi32> to vector<16xi32>
    %swap3A_126 = vector.shape_cast %and3A_122 : vector<16xi32> to vector<16xi32>
    tpu.vector_store %arg7[%swap3A_123], %swap3A_126 {strides = array<i32>} : memref<64xi32, #tpu.memory_space<vmem>>, vector<16xi32>,
    %get3A_127 = arith.constant 16 : index
    %get3A_128 = tpu.vector_load %arg7[%get3A_127] {strides = array<i32>} : memref<64xi32, #tpu.memory_space<vmem>>, vector<16xi32>,
    %get3A_129 = vector.shape_cast %get3A_128 : vector<16xi32> to vector<16xi32>
    %shift_right_arithmetic3A_130 = arith.constant 16 : i32
    %shift_right_arithmetic3A_131 = vector.broadcast %shift_right_arithmetic3A_130 : i32 to vector<16xi32>
    %shift_right_arithmetic3A_132 = arith.shrsi %get3A_129, %shift_right_arithmetic3A_131 : vector<16xi32>
    %swap3A_133 = arith.constant 16 : index
    %swap3A_134 = tpu.vector_load %arg11[%swap3A_133] {strides = array<i32>} : memref<64xi32, #tpu.memory_space<vmem>>, vector<16xi32>,
    %swap3A_135 = vector.shape_cast %swap3A_134 : vector<16xi32> to vector<16xi32>
    %swap3A_136 = vector.shape_cast %shift_right_arithmetic3A_132 : vector<16xi32> to vector<16xi32>
    tpu.vector_store %arg11[%swap3A_133], %swap3A_136 {strides = array<i32>} : memref<64xi32, #tpu.memory_space<vmem>>, vector<16xi32>,
    %and3A_137 = arith.constant 65535 : i32
    %and3A_138 = vector.broadcast %and3A_137 : i32 to vector<16xi32>
    %and3A_139 = arith.andi %get3A_129, %and3A_138 : vector<16xi32>
    %swap3A_140 = arith.constant 16 : index
    %swap3A_141 = tpu.vector_load %arg7[%swap3A_140] {strides = array<i32>} : memref<64xi32, #tpu.memory_space<vmem>>, vector<16xi32>,
    %swap3A_142 = vector.shape_cast %swap3A_141 : vector<16xi32> to vector<16xi32>
    %swap3A_143 = vector.shape_cast %and3A_139 : vector<16xi32> to vector<16xi32>
    tpu.vector_store %arg7[%swap3A_140], %swap3A_143 {strides = array<i32>} : memref<64xi32, #tpu.memory_space<vmem>>, vector<16xi32>,
    %get3A_144 = arith.constant 32 : index
    %get3A_145 = tpu.vector_load %arg7[%get3A_144] {strides = array<i32>} : memref<64xi32, #tpu.memory_space<vmem>>, vector<16xi32>,
    %get3A_146 = vector.shape_cast %get3A_145 : vector<16xi32> to vector<16xi32>
    %shift_right_arithmetic3A_147 = arith.constant 16 : i32
    %shift_right_arithmetic3A_148 = vector.broadcast %shift_right_arithmetic3A_147 : i32 to vector<16xi32>
    %shift_right_arithmetic3A_149 = arith.shrsi %get3A_146, %shift_right_arithmetic3A_148 : vector<16xi32>
    %swap3A_150 = arith.constant 32 : index
    %swap3A_151 = tpu.vector_load %arg11[%swap3A_150] {strides = array<i32>} : memref<64xi32, #tpu.memory_space<vmem>>, vector<16xi32>,
    %swap3A_152 = vector.shape_cast %swap3A_151 : vector<16xi32> to vector<16xi32>
    %swap3A_153 = vector.shape_cast %shift_right_arithmetic3A_149 : vector<16xi32> to vector<16xi32>
    tpu.vector_store %arg11[%swap3A_150], %swap3A_153 {strides = array<i32>} : memref<64xi32, #tpu.memory_space<vmem>>, vector<16xi32>,
    %and3A_154 = arith.constant 65535 : i32
    %and3A_155 = vector.broadcast %and3A_154 : i32 to vector<16xi32>
    %and3A_156 = arith.andi %get3A_146, %and3A_155 : vector<16xi32>
    %swap3A_157 = arith.constant 32 : index
    %swap3A_158 = tpu.vector_load %arg7[%swap3A_157] {strides = array<i32>} : memref<64xi32, #tpu.memory_space<vmem>>, vector<16xi32>,
    %swap3A_159 = vector.shape_cast %swap3A_158 : vector<16xi32> to vector<16xi32>
    %swap3A_160 = vector.shape_cast %and3A_156 : vector<16xi32> to vector<16xi32>
    tpu.vector_store %arg7[%swap3A_157], %swap3A_160 {strides = array<i32>} : memref<64xi32, #tpu.memory_space<vmem>>, vector<16xi32>,
    %get3A_161 = arith.constant 48 : index
    %get3A_162 = tpu.vector_load %arg7[%get3A_161] {strides = array<i32>} : memref<64xi32, #tpu.memory_space<vmem>>, vector<16xi32>,
    %get3A_163 = vector.shape_cast %get3A_162 : vector<16xi32> to vector<16xi32>
    %shift_right_arithmetic3A_164 = arith.constant 16 : i32
    %shift_right_arithmetic3A_165 = vector.broadcast %shift_right_arithmetic3A_164 : i32 to vector<16xi32>
    %shift_right_arithmetic3A_166 = arith.shrsi %get3A_163, %shift_right_arithmetic3A_165 : vector<16xi32>
    %swap3A_167 = arith.constant 48 : index
    %swap3A_168 = tpu.vector_load %arg11[%swap3A_167] {strides = array<i32>} : memref<64xi32, #tpu.memory_space<vmem>>, vector<16xi32>,
    %swap3A_169 = vector.shape_cast %swap3A_168 : vector<16xi32> to vector<16xi32>
    %swap3A_170 = vector.shape_cast %shift_right_arithmetic3A_166 : vector<16xi32> to vector<16xi32>
    tpu.vector_store %arg11[%swap3A_167], %swap3A_170 {strides = array<i32>} : memref<64xi32, #tpu.memory_space<vmem>>, vector<16xi32>,
    %and3A_171 = arith.constant 65535 : i32
    %and3A_172 = vector.broadcast %and3A_171 : i32 to vector<16xi32>
    %and3A_173 = arith.andi %get3A_163, %and3A_172 : vector<16xi32>
    %swap3A_174 = arith.constant 48 : index
    %swap3A_175 = tpu.vector_load %arg7[%swap3A_174] {strides = array<i32>} : memref<64xi32, #tpu.memory_space<vmem>>, vector<16xi32>,
    %swap3A_176 = vector.shape_cast %swap3A_175 : vector<16xi32> to vector<16xi32>
    %swap3A_177 = vector.shape_cast %and3A_173 : vector<16xi32> to vector<16xi32>
    tpu.vector_store %arg7[%swap3A_174], %swap3A_177 {strides = array<i32>} : memref<64xi32, #tpu.memory_space<vmem>>, vector<16xi32>,
    %dma_start3A_178 = arith.constant 0 : i32
    %dma_start3A_179 = arith.constant 0 : i32
    %dma_start3A_180 = tpu.memref_slice %arg2[%dma_start3A_178, %dma_start3A_179] : memref<20000x128xf32, #tpu.memory_space<hbm>> -> memref<20000x128xf32, #tpu.memory_space<hbm>>
    tpu.enqueue_indirect_dma source(%dma_start3A_180 : memref<20000x128xf32, #tpu.memory_space<hbm>>) target(%arg15 : memref<64x128xf32, #tpu.memory_space<vmem>>) offsets(%arg7 : memref<64xi32, #tpu.memory_space<vmem>>) semaphore(%arg24 : memref<!tpu.dma_semaphore, #tpu.memory_space<semaphore_mem>>)
    %scan3A = arith.constant 0 : i32
    %scan3A_181 = arith.constant 0 : i32
    %scan3A_182 = arith.constant 79 : i32
    %scan3A_183 = arith.addi %scan3A_181, %scan3A_182 : i32
    %scan3A_184 = arith.constant 1 : i32
    scf.for %scan3A_197 = %scan3A_181 to %scan3A_183 step %scan3A_184  : i32 {
      %mul3A_198 = arith.constant 4 : i32
      %mul3A_199 = arith.muli %mul3A_198, %scan3A_197 : i32
      %add3A = arith.constant 0 : i32
      %add3A_200 = arith.addi %mul3A_199, %add3A : i32
      %dma_wait3A_201 = arith.constant 0 : i32
      %dma_wait3A_202 = arith.constant 0 : i32
      %dma_wait3A_203 = tpu.memref_slice %arg2[%dma_wait3A_201, %dma_wait3A_202] : memref<20000x128xf32, #tpu.memory_space<hbm>> -> memref<20000x128xf32, #tpu.memory_space<hbm>>
      tpu.wait_indirect_dma semaphore(%arg23 : memref<!tpu.dma_semaphore, #tpu.memory_space<semaphore_mem>>) src(%dma_wait3A_203 : memref<20000x128xf32, #tpu.memory_space<hbm>>) dst(%arg14 : memref<64x128xf32, #tpu.memory_space<vmem>>)
      %ge3A = arith.constant 1 : i32
      %ge3A_204 = arith.cmpi sge, %scan3A_197, %ge3A : i32
      %convert_element_type3A = arith.extui %ge3A_204 : i1 to i32
      %cond3A = arith.constant 0 : i32
      %cond3A_205 = arith.cmpi ne, %convert_element_type3A, %cond3A : i32
      scf.if %cond3A_205 {
        %dma_wait3A_299 = arith.constant 0 : i32
        %dma_wait3A_300 = arith.constant 0 : i32
        %dma_wait3A_301 = tpu.memref_slice %arg18[%dma_wait3A_299, %dma_wait3A_300] : memref<10112x128xf32, #tpu.memory_space<vmem_shared>> -> memref<10112x128xf32, #tpu.memory_space<vmem_shared>>
        tpu.wait_indirect_dma semaphore(%arg27 : memref<!tpu.dma_semaphore, #tpu.memory_space<semaphore_mem>>) src(%arg16 : memref<64x128xf32, #tpu.memory_space<vmem>>) dst(%dma_wait3A_301 : memref<10112x128xf32, #tpu.memory_space<vmem_shared>>)
      } else {
      }
      %dma_start3A_206 = arith.constant 0 : i32
      %dma_start3A_207 = arith.constant 0 : i32
      %dma_start3A_208 = tpu.memref_slice %arg18[%dma_start3A_206, %dma_start3A_207] : memref<10112x128xf32, #tpu.memory_space<vmem_shared>> -> memref<10112x128xf32, #tpu.memory_space<vmem_shared>>
      tpu.enqueue_indirect_dma source(%arg14 : memref<64x128xf32, #tpu.memory_space<vmem>>) target(%dma_start3A_208 : memref<10112x128xf32, #tpu.memory_space<vmem_shared>>) offsets(%arg10 : memref<64xi32, #tpu.memory_space<vmem>>) semaphore(%arg27 : memref<!tpu.dma_semaphore, #tpu.memory_space<semaphore_mem>>) {add = true}
      %add3A_209 = arith.constant 2 : i32
      %add3A_210 = arith.addi %add3A_200, %add3A_209 : i32
      %lt3A = arith.constant 316 : i32
      %lt3A_211 = arith.cmpi slt, %add3A_210, %lt3A : i32
      %convert_element_type3A_212 = arith.extui %lt3A_211 : i1 to i32
      %cond3A_213 = arith.constant 0 : i32
      %cond3A_214 = arith.cmpi ne, %convert_element_type3A_212, %cond3A_213 : i32
      scf.if %cond3A_214 {
        %add3A_299 = arith.constant 2 : i32
        %add3A_300 = arith.addi %add3A_200, %add3A_299 : i32
        %dma_wait3A_301 = arith.constant 0 : i32
        %dma_wait3A_302 = tpu.memref_slice %arg3[%arg0, %arg1, %add3A_300, %dma_wait3A_301] : memref<2x16x316x64xi32, #tpu.memory_space<hbm>> -> memref<1x1x1x64xi32, #tpu.memory_space<hbm>>
        %dma_wait3A_303 = tpu.memref_squeeze %dma_wait3A_302 : memref<1x1x1x64xi32, #tpu.memory_space<hbm>> -> memref<64xi32, #tpu.memory_space<hbm>>
        %dma_wait3A_304 = arith.constant 0 : i32
        %dma_wait3A_305 = tpu.memref_slice %arg3[%arg0, %arg1, %add3A_300, %dma_wait3A_304] : memref<2x16x316x64xi32, #tpu.memory_space<hbm>> -> memref<1x1x1x64xi32, #tpu.memory_space<hbm>>
        %dma_wait3A_306 = tpu.memref_squeeze %dma_wait3A_305 : memref<1x1x1x64xi32, #tpu.memory_space<hbm>> -> memref<64xi32, #tpu.memory_space<hbm>>
        tpu.wait_dma2 semaphore(%arg21 : memref<!tpu.dma_semaphore, #tpu.memory_space<semaphore_mem>>) src(%dma_wait3A_306 : memref<64xi32, #tpu.memory_space<hbm>>) dst(%arg8 : memref<64xi32, #tpu.memory_space<vmem>>)
        %get3A_307 = arith.constant 0 : index
        %get3A_308 = tpu.vector_load %arg8[%get3A_307] {strides = array<i32>} : memref<64xi32, #tpu.memory_space<vmem>>, vector<16xi32>,
        %get3A_309 = vector.shape_cast %get3A_308 : vector<16xi32> to vector<16xi32>
        %shift_right_arithmetic3A_310 = arith.constant 16 : i32
        %shift_right_arithmetic3A_311 = vector.broadcast %shift_right_arithmetic3A_310 : i32 to vector<16xi32>
        %shift_right_arithmetic3A_312 = arith.shrsi %get3A_309, %shift_right_arithmetic3A_311 : vector<16xi32>
        %swap3A_313 = arith.constant 0 : index
        %swap3A_314 = tpu.vector_load %arg12[%swap3A_313] {strides = array<i32>} : memref<64xi32, #tpu.memory_space<vmem>>, vector<16xi32>,
        %swap3A_315 = vector.shape_cast %swap3A_314 : vector<16xi32> to vector<16xi32>
        %swap3A_316 = vector.shape_cast %shift_right_arithmetic3A_312 : vector<16xi32> to vector<16xi32>
        tpu.vector_store %arg12[%swap3A_313], %swap3A_316 {strides = array<i32>} : memref<64xi32, #tpu.memory_space<vmem>>, vector<16xi32>,
        %and3A_317 = arith.constant 65535 : i32
        %and3A_318 = vector.broadcast %and3A_317 : i32 to vector<16xi32>
        %and3A_319 = arith.andi %get3A_309, %and3A_318 : vector<16xi32>
        %swap3A_320 = arith.constant 0 : index
        %swap3A_321 = tpu.vector_load %arg8[%swap3A_320] {strides = array<i32>} : memref<64xi32, #tpu.memory_space<vmem>>, vector<16xi32>,
        %swap3A_322 = vector.shape_cast %swap3A_321 : vector<16xi32> to vector<16xi32>
        %swap3A_323 = vector.shape_cast %and3A_319 : vector<16xi32> to vector<16xi32>
        tpu.vector_store %arg8[%swap3A_320], %swap3A_323 {strides = array<i32>} : memref<64xi32, #tpu.memory_space<vmem>>, vector<16xi32>,
        %get3A_324 = arith.constant 16 : index
        %get3A_325 = tpu.vector_load %arg8[%get3A_324] {strides = array<i32>} : memref<64xi32, #tpu.memory_space<vmem>>, vector<16xi32>,
        %get3A_326 = vector.shape_cast %get3A_325 : vector<16xi32> to vector<16xi32>
        %shift_right_arithmetic3A_327 = arith.constant 16 : i32
        %shift_right_arithmetic3A_328 = vector.broadcast %shift_right_arithmetic3A_327 : i32 to vector<16xi32>
        %shift_right_arithmetic3A_329 = arith.shrsi %get3A_326, %shift_right_arithmetic3A_328 : vector<16xi32>
        %swap3A_330 = arith.constant 16 : index
        %swap3A_331 = tpu.vector_load %arg12[%swap3A_330] {strides = array<i32>} : memref<64xi32, #tpu.memory_space<vmem>>, vector<16xi32>,
        %swap3A_332 = vector.shape_cast %swap3A_331 : vector<16xi32> to vector<16xi32>
        %swap3A_333 = vector.shape_cast %shift_right_arithmetic3A_329 : vector<16xi32> to vector<16xi32>
        tpu.vector_store %arg12[%swap3A_330], %swap3A_333 {strides = array<i32>} : memref<64xi32, #tpu.memory_space<vmem>>, vector<16xi32>,
        %and3A_334 = arith.constant 65535 : i32
        %and3A_335 = vector.broadcast %and3A_334 : i32 to vector<16xi32>
        %and3A_336 = arith.andi %get3A_326, %and3A_335 : vector<16xi32>
        %swap3A_337 = arith.constant 16 : index
        %swap3A_338 = tpu.vector_load %arg8[%swap3A_337] {strides = array<i32>} : memref<64xi32, #tpu.memory_space<vmem>>, vector<16xi32>,
        %swap3A_339 = vector.shape_cast %swap3A_338 : vector<16xi32> to vector<16xi32>
        %swap3A_340 = vector.shape_cast %and3A_336 : vector<16xi32> to vector<16xi32>
        tpu.vector_store %arg8[%swap3A_337], %swap3A_340 {strides = array<i32>} : memref<64xi32, #tpu.memory_space<vmem>>, vector<16xi32>,
        %get3A_341 = arith.constant 32 : index
        %get3A_342 = tpu.vector_load %arg8[%get3A_341] {strides = array<i32>} : memref<64xi32, #tpu.memory_space<vmem>>, vector<16xi32>,
        %get3A_343 = vector.shape_cast %get3A_342 : vector<16xi32> to vector<16xi32>
        %shift_right_arithmetic3A_344 = arith.constant 16 : i32
        %shift_right_arithmetic3A_345 = vector.broadcast %shift_right_arithmetic3A_344 : i32 to vector<16xi32>
        %shift_right_arithmetic3A_346 = arith.shrsi %get3A_343, %shift_right_arithmetic3A_345 : vector<16xi32>
        %swap3A_347 = arith.constant 32 : index
        %swap3A_348 = tpu.vector_load %arg12[%swap3A_347] {strides = array<i32>} : memref<64xi32, #tpu.memory_space<vmem>>, vector<16xi32>,
        %swap3A_349 = vector.shape_cast %swap3A_348 : vector<16xi32> to vector<16xi32>
        %swap3A_350 = vector.shape_cast %shift_right_arithmetic3A_346 : vector<16xi32> to vector<16xi32>
        tpu.vector_store %arg12[%swap3A_347], %swap3A_350 {strides = array<i32>} : memref<64xi32, #tpu.memory_space<vmem>>, vector<16xi32>,
        %and3A_351 = arith.constant 65535 : i32
        %and3A_352 = vector.broadcast %and3A_351 : i32 to vector<16xi32>
        %and3A_353 = arith.andi %get3A_343, %and3A_352 : vector<16xi32>
        %swap3A_354 = arith.constant 32 : index
        %swap3A_355 = tpu.vector_load %arg8[%swap3A_354] {strides = array<i32>} : memref<64xi32, #tpu.memory_space<vmem>>, vector<16xi32>,
        %swap3A_356 = vector.shape_cast %swap3A_355 : vector<16xi32> to vector<16xi32>
        %swap3A_357 = vector.shape_cast %and3A_353 : vector<16xi32> to vector<16xi32>
        tpu.vector_store %arg8[%swap3A_354], %swap3A_357 {strides = array<i32>} : memref<64xi32, #tpu.memory_space<vmem>>, vector<16xi32>,
        %get3A_358 = arith.constant 48 : index
        %get3A_359 = tpu.vector_load %arg8[%get3A_358] {strides = array<i32>} : memref<64xi32, #tpu.memory_space<vmem>>, vector<16xi32>,
        %get3A_360 = vector.shape_cast %get3A_359 : vector<16xi32> to vector<16xi32>
        %shift_right_arithmetic3A_361 = arith.constant 16 : i32
        %shift_right_arithmetic3A_362 = vector.broadcast %shift_right_arithmetic3A_361 : i32 to vector<16xi32>
        %shift_right_arithmetic3A_363 = arith.shrsi %get3A_360, %shift_right_arithmetic3A_362 : vector<16xi32>
        %swap3A_364 = arith.constant 48 : index
        %swap3A_365 = tpu.vector_load %arg12[%swap3A_364] {strides = array<i32>} : memref<64xi32, #tpu.memory_space<vmem>>, vector<16xi32>,
        %swap3A_366 = vector.shape_cast %swap3A_365 : vector<16xi32> to vector<16xi32>
        %swap3A_367 = vector.shape_cast %shift_right_arithmetic3A_363 : vector<16xi32> to vector<16xi32>
        tpu.vector_store %arg12[%swap3A_364], %swap3A_367 {strides = array<i32>} : memref<64xi32, #tpu.memory_space<vmem>>, vector<16xi32>,
        %and3A_368 = arith.constant 65535 : i32
        %and3A_369 = vector.broadcast %and3A_368 : i32 to vector<16xi32>
        %and3A_370 = arith.andi %get3A_360, %and3A_369 : vector<16xi32>
        %swap3A_371 = arith.constant 48 : index
        %swap3A_372 = tpu.vector_load %arg8[%swap3A_371] {strides = array<i32>} : memref<64xi32, #tpu.memory_space<vmem>>, vector<16xi32>,
        %swap3A_373 = vector.shape_cast %swap3A_372 : vector<16xi32> to vector<16xi32>
        %swap3A_374 = vector.shape_cast %and3A_370 : vector<16xi32> to vector<16xi32>
        tpu.vector_store %arg8[%swap3A_371], %swap3A_374 {strides = array<i32>} : memref<64xi32, #tpu.memory_space<vmem>>, vector<16xi32>,
        %dma_start3A_375 = arith.constant 0 : i32
        %dma_start3A_376 = arith.constant 0 : i32
        %dma_start3A_377 = tpu.memref_slice %arg2[%dma_start3A_375, %dma_start3A_376] : memref<20000x128xf32, #tpu.memory_space<hbm>> -> memref<20000x128xf32, #tpu.memory_space<hbm>>
        tpu.enqueue_indirect_dma source(%dma_start3A_377 : memref<20000x128xf32, #tpu.memory_space<hbm>>) target(%arg16 : memref<64x128xf32, #tpu.memory_space<vmem>>) offsets(%arg8 : memref<64xi32, #tpu.memory_space<vmem>>) semaphore(%arg25 : memref<!tpu.dma_semaphore, #tpu.memory_space<semaphore_mem>>)
      } else {
      }
      %add3A_215 = arith.constant 4 : i32
      %add3A_216 = arith.addi %add3A_200, %add3A_215 : i32
      %lt3A_217 = arith.constant 316 : i32
      %lt3A_218 = arith.cmpi slt, %add3A_216, %lt3A_217 : i32
      %convert_element_type3A_219 = arith.extui %lt3A_218 : i1 to i32
      %cond3A_220 = arith.constant 0 : i32
      %cond3A_221 = arith.cmpi ne, %convert_element_type3A_219, %cond3A_220 : i32
      scf.if %cond3A_221 {
        %add3A_299 = arith.constant 4 : i32
        %add3A_300 = arith.addi %add3A_200, %add3A_299 : i32
        %dma_start3A_301 = arith.constant 0 : i32
        %dma_start3A_302 = tpu.memref_slice %arg3[%arg0, %arg1, %add3A_300, %dma_start3A_301] : memref<2x16x316x64xi32, #tpu.memory_space<hbm>> -> memref<1x1x1x64xi32, #tpu.memory_space<hbm>>
        %dma_start3A_303 = tpu.memref_squeeze %dma_start3A_302 : memref<1x1x1x64xi32, #tpu.memory_space<hbm>> -> memref<64xi32, #tpu.memory_space<hbm>>
        %dma_start3A_304 = arith.constant 0 : i32
        %dma_start3A_305 = tpu.memref_slice %arg3[%arg0, %arg1, %add3A_300, %dma_start3A_304] : memref<2x16x316x64xi32, #tpu.memory_space<hbm>> -> memref<1x1x1x64xi32, #tpu.memory_space<hbm>>
        %dma_start3A_306 = tpu.memref_squeeze %dma_start3A_305 : memref<1x1x1x64xi32, #tpu.memory_space<hbm>> -> memref<64xi32, #tpu.memory_space<hbm>>
        tpu.enqueue_dma source(%dma_start3A_306 : memref<64xi32, #tpu.memory_space<hbm>>) target(%arg6 : memref<64xi32, #tpu.memory_space<vmem>>) target_semaphore(%arg19 : memref<!tpu.dma_semaphore, #tpu.memory_space<semaphore_mem>>)
      } else {
      }
      %add3A_222 = arith.constant 1 : i32
      %add3A_223 = arith.addi %mul3A_199, %add3A_222 : i32
      %dma_wait3A_224 = arith.constant 0 : i32
      %dma_wait3A_225 = arith.constant 0 : i32
      %dma_wait3A_226 = tpu.memref_slice %arg2[%dma_wait3A_224, %dma_wait3A_225] : memref<20000x128xf32, #tpu.memory_space<hbm>> -> memref<20000x128xf32, #tpu.memory_space<hbm>>
      tpu.wait_indirect_dma semaphore(%arg24 : memref<!tpu.dma_semaphore, #tpu.memory_space<semaphore_mem>>) src(%dma_wait3A_226 : memref<20000x128xf32, #tpu.memory_space<hbm>>) dst(%arg15 : memref<64x128xf32, #tpu.memory_space<vmem>>)
      %ge3A_227 = arith.constant 1 : i32
      %ge3A_228 = arith.cmpi sge, %scan3A_197, %ge3A_227 : i32
      %convert_element_type3A_229 = arith.extui %ge3A_228 : i1 to i32
      %cond3A_230 = arith.constant 0 : i32
      %cond3A_231 = arith.cmpi ne, %convert_element_type3A_229, %cond3A_230 : i32
      scf.if %cond3A_231 {
        %dma_wait3A_299 = arith.constant 0 : i32
        %dma_wait3A_300 = arith.constant 0 : i32
        %dma_wait3A_301 = tpu.memref_slice %arg18[%dma_wait3A_299, %dma_wait3A_300] : memref<10112x128xf32, #tpu.memory_space<vmem_shared>> -> memref<10112x128xf32, #tpu.memory_space<vmem_shared>>
        tpu.wait_indirect_dma semaphore(%arg28 : memref<!tpu.dma_semaphore, #tpu.memory_space<semaphore_mem>>) src(%arg17 : memref<64x128xf32, #tpu.memory_space<vmem>>) dst(%dma_wait3A_301 : memref<10112x128xf32, #tpu.memory_space<vmem_shared>>)
      } else {
      }
      %dma_start3A_232 = arith.constant 0 : i32
      %dma_start3A_233 = arith.constant 0 : i32
      %dma_start3A_234 = tpu.memref_slice %arg18[%dma_start3A_232, %dma_start3A_233] : memref<10112x128xf32, #tpu.memory_space<vmem_shared>> -> memref<10112x128xf32, #tpu.memory_space<vmem_shared>>
      tpu.enqueue_indirect_dma source(%arg15 : memref<64x128xf32, #tpu.memory_space<vmem>>) target(%dma_start3A_234 : memref<10112x128xf32, #tpu.memory_space<vmem_shared>>) offsets(%arg11 : memref<64xi32, #tpu.memory_space<vmem>>) semaphore(%arg28 : memref<!tpu.dma_semaphore, #tpu.memory_space<semaphore_mem>>) {add = true}
      %add3A_235 = arith.constant 2 : i32
      %add3A_236 = arith.addi %add3A_223, %add3A_235 : i32
      %lt3A_237 = arith.constant 316 : i32
      %lt3A_238 = arith.cmpi slt, %add3A_236, %lt3A_237 : i32
      %convert_element_type3A_239 = arith.extui %lt3A_238 : i1 to i32
      %cond3A_240 = arith.constant 0 : i32
      %cond3A_241 = arith.cmpi ne, %convert_element_type3A_239, %cond3A_240 : i32
      scf.if %cond3A_241 {
        %add3A_299 = arith.constant 2 : i32
        %add3A_300 = arith.addi %add3A_223, %add3A_299 : i32
        %dma_wait3A_301 = arith.constant 0 : i32
        %dma_wait3A_302 = tpu.memref_slice %arg3[%arg0, %arg1, %add3A_300, %dma_wait3A_301] : memref<2x16x316x64xi32, #tpu.memory_space<hbm>> -> memref<1x1x1x64xi32, #tpu.memory_space<hbm>>
        %dma_wait3A_303 = tpu.memref_squeeze %dma_wait3A_302 : memref<1x1x1x64xi32, #tpu.memory_space<hbm>> -> memref<64xi32, #tpu.memory_space<hbm>>
        %dma_wait3A_304 = arith.constant 0 : i32
        %dma_wait3A_305 = tpu.memref_slice %arg3[%arg0, %arg1, %add3A_300, %dma_wait3A_304] : memref<2x16x316x64xi32, #tpu.memory_space<hbm>> -> memref<1x1x1x64xi32, #tpu.memory_space<hbm>>
        %dma_wait3A_306 = tpu.memref_squeeze %dma_wait3A_305 : memref<1x1x1x64xi32, #tpu.memory_space<hbm>> -> memref<64xi32, #tpu.memory_space<hbm>>
        tpu.wait_dma2 semaphore(%arg22 : memref<!tpu.dma_semaphore, #tpu.memory_space<semaphore_mem>>) src(%dma_wait3A_306 : memref<64xi32, #tpu.memory_space<hbm>>) dst(%arg9 : memref<64xi32, #tpu.memory_space<vmem>>)
        %get3A_307 = arith.constant 0 : index
        %get3A_308 = tpu.vector_load %arg9[%get3A_307] {strides = array<i32>} : memref<64xi32, #tpu.memory_space<vmem>>, vector<16xi32>,
        %get3A_309 = vector.shape_cast %get3A_308 : vector<16xi32> to vector<16xi32>
        %shift_right_arithmetic3A_310 = arith.constant 16 : i32
        %shift_right_arithmetic3A_311 = vector.broadcast %shift_right_arithmetic3A_310 : i32 to vector<16xi32>
        %shift_right_arithmetic3A_312 = arith.shrsi %get3A_309, %shift_right_arithmetic3A_311 : vector<16xi32>
        %swap3A_313 = arith.constant 0 : index
        %swap3A_314 = tpu.vector_load %arg13[%swap3A_313] {strides = array<i32>} : memref<64xi32, #tpu.memory_space<vmem>>, vector<16xi32>,
        %swap3A_315 = vector.shape_cast %swap3A_314 : vector<16xi32> to vector<16xi32>
        %swap3A_316 = vector.shape_cast %shift_right_arithmetic3A_312 : vector<16xi32> to vector<16xi32>
        tpu.vector_store %arg13[%swap3A_313], %swap3A_316 {strides = array<i32>} : memref<64xi32, #tpu.memory_space<vmem>>, vector<16xi32>,
        %and3A_317 = arith.constant 65535 : i32
        %and3A_318 = vector.broadcast %and3A_317 : i32 to vector<16xi32>
        %and3A_319 = arith.andi %get3A_309, %and3A_318 : vector<16xi32>
        %swap3A_320 = arith.constant 0 : index
        %swap3A_321 = tpu.vector_load %arg9[%swap3A_320] {strides = array<i32>} : memref<64xi32, #tpu.memory_space<vmem>>, vector<16xi32>,
        %swap3A_322 = vector.shape_cast %swap3A_321 : vector<16xi32> to vector<16xi32>
        %swap3A_323 = vector.shape_cast %and3A_319 : vector<16xi32> to vector<16xi32>
        tpu.vector_store %arg9[%swap3A_320], %swap3A_323 {strides = array<i32>} : memref<64xi32, #tpu.memory_space<vmem>>, vector<16xi32>,
        %get3A_324 = arith.constant 16 : index
        %get3A_325 = tpu.vector_load %arg9[%get3A_324] {strides = array<i32>} : memref<64xi32, #tpu.memory_space<vmem>>, vector<16xi32>,
        %get3A_326 = vector.shape_cast %get3A_325 : vector<16xi32> to vector<16xi32>
        %shift_right_arithmetic3A_327 = arith.constant 16 : i32
        %shift_right_arithmetic3A_328 = vector.broadcast %shift_right_arithmetic3A_327 : i32 to vector<16xi32>
        %shift_right_arithmetic3A_329 = arith.shrsi %get3A_326, %shift_right_arithmetic3A_328 : vector<16xi32>
        %swap3A_330 = arith.constant 16 : index
        %swap3A_331 = tpu.vector_load %arg13[%swap3A_330] {strides = array<i32>} : memref<64xi32, #tpu.memory_space<vmem>>, vector<16xi32>,
        %swap3A_332 = vector.shape_cast %swap3A_331 : vector<16xi32> to vector<16xi32>
        %swap3A_333 = vector.shape_cast %shift_right_arithmetic3A_329 : vector<16xi32> to vector<16xi32>
        tpu.vector_store %arg13[%swap3A_330], %swap3A_333 {strides = array<i32>} : memref<64xi32, #tpu.memory_space<vmem>>, vector<16xi32>,
        %and3A_334 = arith.constant 65535 : i32
        %and3A_335 = vector.broadcast %and3A_334 : i32 to vector<16xi32>
        %and3A_336 = arith.andi %get3A_326, %and3A_335 : vector<16xi32>
        %swap3A_337 = arith.constant 16 : index
        %swap3A_338 = tpu.vector_load %arg9[%swap3A_337] {strides = array<i32>} : memref<64xi32, #tpu.memory_space<vmem>>, vector<16xi32>,
        %swap3A_339 = vector.shape_cast %swap3A_338 : vector<16xi32> to vector<16xi32>
        %swap3A_340 = vector.shape_cast %and3A_336 : vector<16xi32> to vector<16xi32>
        tpu.vector_store %arg9[%swap3A_337], %swap3A_340 {strides = array<i32>} : memref<64xi32, #tpu.memory_space<vmem>>, vector<16xi32>,
        %get3A_341 = arith.constant 32 : index
        %get3A_342 = tpu.vector_load %arg9[%get3A_341] {strides = array<i32>} : memref<64xi32, #tpu.memory_space<vmem>>, vector<16xi32>,
        %get3A_343 = vector.shape_cast %get3A_342 : vector<16xi32> to vector<16xi32>
        %shift_right_arithmetic3A_344 = arith.constant 16 : i32
        %shift_right_arithmetic3A_345 = vector.broadcast %shift_right_arithmetic3A_344 : i32 to vector<16xi32>
        %shift_right_arithmetic3A_346 = arith.shrsi %get3A_343, %shift_right_arithmetic3A_345 : vector<16xi32>
        %swap3A_347 = arith.constant 32 : index
        %swap3A_348 = tpu.vector_load %arg13[%swap3A_347] {strides = array<i32>} : memref<64xi32, #tpu.memory_space<vmem>>, vector<16xi32>,
        %swap3A_349 = vector.shape_cast %swap3A_348 : vector<16xi32> to vector<16xi32>
        %swap3A_350 = vector.shape_cast %shift_right_arithmetic3A_346 : vector<16xi32> to vector<16xi32>
        tpu.vector_store %arg13[%swap3A_347], %swap3A_350 {strides = array<i32>} : memref<64xi32, #tpu.memory_space<vmem>>, vector<16xi32>,
        %and3A_351 = arith.constant 65535 : i32
        %and3A_352 = vector.broadcast %and3A_351 : i32 to vector<16xi32>
        %and3A_353 = arith.andi %get3A_343, %and3A_352 : vector<16xi32>
        %swap3A_354 = arith.constant 32 : index
        %swap3A_355 = tpu.vector_load %arg9[%swap3A_354] {strides = array<i32>} : memref<64xi32, #tpu.memory_space<vmem>>, vector<16xi32>,
        %swap3A_356 = vector.shape_cast %swap3A_355 : vector<16xi32> to vector<16xi32>
        %swap3A_357 = vector.shape_cast %and3A_353 : vector<16xi32> to vector<16xi32>
        tpu.vector_store %arg9[%swap3A_354], %swap3A_357 {strides = array<i32>} : memref<64xi32, #tpu.memory_space<vmem>>, vector<16xi32>,
        %get3A_358 = arith.constant 48 : index
        %get3A_359 = tpu.vector_load %arg9[%get3A_358] {strides = array<i32>} : memref<64xi32, #tpu.memory_space<vmem>>, vector<16xi32>,
        %get3A_360 = vector.shape_cast %get3A_359 : vector<16xi32> to vector<16xi32>
        %shift_right_arithmetic3A_361 = arith.constant 16 : i32
        %shift_right_arithmetic3A_362 = vector.broadcast %shift_right_arithmetic3A_361 : i32 to vector<16xi32>
        %shift_right_arithmetic3A_363 = arith.shrsi %get3A_360, %shift_right_arithmetic3A_362 : vector<16xi32>
        %swap3A_364 = arith.constant 48 : index
        %swap3A_365 = tpu.vector_load %arg13[%swap3A_364] {strides = array<i32>} : memref<64xi32, #tpu.memory_space<vmem>>, vector<16xi32>,
        %swap3A_366 = vector.shape_cast %swap3A_365 : vector<16xi32> to vector<16xi32>
        %swap3A_367 = vector.shape_cast %shift_right_arithmetic3A_363 : vector<16xi32> to vector<16xi32>
        tpu.vector_store %arg13[%swap3A_364], %swap3A_367 {strides = array<i32>} : memref<64xi32, #tpu.memory_space<vmem>>, vector<16xi32>,
        %and3A_368 = arith.constant 65535 : i32
        %and3A_369 = vector.broadcast %and3A_368 : i32 to vector<16xi32>
        %and3A_370 = arith.andi %get3A_360, %and3A_369 : vector<16xi32>
        %swap3A_371 = arith.constant 48 : index
        %swap3A_372 = tpu.vector_load %arg9[%swap3A_371] {strides = array<i32>} : memref<64xi32, #tpu.memory_space<vmem>>, vector<16xi32>,
        %swap3A_373 = vector.shape_cast %swap3A_372 : vector<16xi32> to vector<16xi32>
        %swap3A_374 = vector.shape_cast %and3A_370 : vector<16xi32> to vector<16xi32>
        tpu.vector_store %arg9[%swap3A_371], %swap3A_374 {strides = array<i32>} : memref<64xi32, #tpu.memory_space<vmem>>, vector<16xi32>,
        %dma_start3A_375 = arith.constant 0 : i32
        %dma_start3A_376 = arith.constant 0 : i32
        %dma_start3A_377 = tpu.memref_slice %arg2[%dma_start3A_375, %dma_start3A_376] : memref<20000x128xf32, #tpu.memory_space<hbm>> -> memref<20000x128xf32, #tpu.memory_space<hbm>>
        tpu.enqueue_indirect_dma source(%dma_start3A_377 : memref<20000x128xf32, #tpu.memory_space<hbm>>) target(%arg17 : memref<64x128xf32, #tpu.memory_space<vmem>>) offsets(%arg9 : memref<64xi32, #tpu.memory_space<vmem>>) semaphore(%arg26 : memref<!tpu.dma_semaphore, #tpu.memory_space<semaphore_mem>>)
      } else {
      }
      %add3A_242 = arith.constant 4 : i32
      %add3A_243 = arith.addi %add3A_223, %add3A_242 : i32
      %lt3A_244 = arith.constant 316 : i32
      %lt3A_245 = arith.cmpi slt, %add3A_243, %lt3A_244 : i32
      %convert_element_type3A_246 = arith.extui %lt3A_245 : i1 to i32
      %cond3A_247 = arith.constant 0 : i32
      %cond3A_248 = arith.cmpi ne, %convert_element_type3A_246, %cond3A_247 : i32
      scf.if %cond3A_248 {
        %add3A_299 = arith.constant 4 : i32
        %add3A_300 = arith.addi %add3A_223, %add3A_299 : i32
        %dma_start3A_301 = arith.constant 0 : i32
        %dma_start3A_302 = tpu.memref_slice %arg3[%arg0, %arg1, %add3A_300, %dma_start3A_301] : memref<2x16x316x64xi32, #tpu.memory_space<hbm>> -> memref<1x1x1x64xi32, #tpu.memory_space<hbm>>
        %dma_start3A_303 = tpu.memref_squeeze %dma_start3A_302 : memref<1x1x1x64xi32, #tpu.memory_space<hbm>> -> memref<64xi32, #tpu.memory_space<hbm>>
        %dma_start3A_304 = arith.constant 0 : i32
        %dma_start3A_305 = tpu.memref_slice %arg3[%arg0, %arg1, %add3A_300, %dma_start3A_304] : memref<2x16x316x64xi32, #tpu.memory_space<hbm>> -> memref<1x1x1x64xi32, #tpu.memory_space<hbm>>
        %dma_start3A_306 = tpu.memref_squeeze %dma_start3A_305 : memref<1x1x1x64xi32, #tpu.memory_space<hbm>> -> memref<64xi32, #tpu.memory_space<hbm>>
        tpu.enqueue_dma source(%dma_start3A_306 : memref<64xi32, #tpu.memory_space<hbm>>) target(%arg7 : memref<64xi32, #tpu.memory_space<vmem>>) target_semaphore(%arg20 : memref<!tpu.dma_semaphore, #tpu.memory_space<semaphore_mem>>)
      } else {
      }
      %add3A_249 = arith.constant 2 : i32
      %add3A_250 = arith.addi %mul3A_199, %add3A_249 : i32
      %dma_wait3A_251 = arith.constant 0 : i32
      %dma_wait3A_252 = arith.constant 0 : i32
      %dma_wait3A_253 = tpu.memref_slice %arg2[%dma_wait3A_251, %dma_wait3A_252] : memref<20000x128xf32, #tpu.memory_space<hbm>> -> memref<20000x128xf32, #tpu.memory_space<hbm>>
      tpu.wait_indirect_dma semaphore(%arg25 : memref<!tpu.dma_semaphore, #tpu.memory_space<semaphore_mem>>) src(%dma_wait3A_253 : memref<20000x128xf32, #tpu.memory_space<hbm>>) dst(%arg16 : memref<64x128xf32, #tpu.memory_space<vmem>>)
      %dma_wait3A_254 = arith.constant 0 : i32
      %dma_wait3A_255 = arith.constant 0 : i32
      %dma_wait3A_256 = tpu.memref_slice %arg18[%dma_wait3A_254, %dma_wait3A_255] : memref<10112x128xf32, #tpu.memory_space<vmem_shared>> -> memref<10112x128xf32, #tpu.memory_space<vmem_shared>>
      tpu.wait_indirect_dma semaphore(%arg27 : memref<!tpu.dma_semaphore, #tpu.memory_space<semaphore_mem>>) src(%arg14 : memref<64x128xf32, #tpu.memory_space<vmem>>) dst(%dma_wait3A_256 : memref<10112x128xf32, #tpu.memory_space<vmem_shared>>)
      %dma_start3A_257 = arith.constant 0 : i32
      %dma_start3A_258 = arith.constant 0 : i32
      %dma_start3A_259 = tpu.memref_slice %arg18[%dma_start3A_257, %dma_start3A_258] : memref<10112x128xf32, #tpu.memory_space<vmem_shared>> -> memref<10112x128xf32, #tpu.memory_space<vmem_shared>>
      tpu.enqueue_indirect_dma source(%arg16 : memref<64x128xf32, #tpu.memory_space<vmem>>) target(%dma_start3A_259 : memref<10112x128xf32, #tpu.memory_space<vmem_shared>>) offsets(%arg12 : memref<64xi32, #tpu.memory_space<vmem>>) semaphore(%arg27 : memref<!tpu.dma_semaphore, #tpu.memory_space<semaphore_mem>>) {add = true}
      %add3A_260 = arith.constant 2 : i32
      %add3A_261 = arith.addi %add3A_250, %add3A_260 : i32
      %lt3A_262 = arith.constant 316 : i32
      %lt3A_263 = arith.cmpi slt, %add3A_261, %lt3A_262 : i32
      %convert_element_type3A_264 = arith.extui %lt3A_263 : i1 to i32
      %cond3A_265 = arith.constant 0 : i32
      %cond3A_266 = arith.cmpi ne, %convert_element_type3A_264, %cond3A_265 : i32
      scf.if %cond3A_266 {
        %add3A_299 = arith.constant 2 : i32
        %add3A_300 = arith.addi %add3A_250, %add3A_299 : i32
        %dma_wait3A_301 = arith.constant 0 : i32
        %dma_wait3A_302 = tpu.memref_slice %arg3[%arg0, %arg1, %add3A_300, %dma_wait3A_301] : memref<2x16x316x64xi32, #tpu.memory_space<hbm>> -> memref<1x1x1x64xi32, #tpu.memory_space<hbm>>
        %dma_wait3A_303 = tpu.memref_squeeze %dma_wait3A_302 : memref<1x1x1x64xi32, #tpu.memory_space<hbm>> -> memref<64xi32, #tpu.memory_space<hbm>>
        %dma_wait3A_304 = arith.constant 0 : i32
        %dma_wait3A_305 = tpu.memref_slice %arg3[%arg0, %arg1, %add3A_300, %dma_wait3A_304] : memref<2x16x316x64xi32, #tpu.memory_space<hbm>> -> memref<1x1x1x64xi32, #tpu.memory_space<hbm>>
        %dma_wait3A_306 = tpu.memref_squeeze %dma_wait3A_305 : memref<1x1x1x64xi32, #tpu.memory_space<hbm>> -> memref<64xi32, #tpu.memory_space<hbm>>
        tpu.wait_dma2 semaphore(%arg19 : memref<!tpu.dma_semaphore, #tpu.memory_space<semaphore_mem>>) src(%dma_wait3A_306 : memref<64xi32, #tpu.memory_space<hbm>>) dst(%arg6 : memref<64xi32, #tpu.memory_space<vmem>>)
        %get3A_307 = arith.constant 0 : index
        %get3A_308 = tpu.vector_load %arg6[%get3A_307] {strides = array<i32>} : memref<64xi32, #tpu.memory_space<vmem>>, vector<16xi32>,
        %get3A_309 = vector.shape_cast %get3A_308 : vector<16xi32> to vector<16xi32>
        %shift_right_arithmetic3A_310 = arith.constant 16 : i32
        %shift_right_arithmetic3A_311 = vector.broadcast %shift_right_arithmetic3A_310 : i32 to vector<16xi32>
        %shift_right_arithmetic3A_312 = arith.shrsi %get3A_309, %shift_right_arithmetic3A_311 : vector<16xi32>
        %swap3A_313 = arith.constant 0 : index
        %swap3A_314 = tpu.vector_load %arg10[%swap3A_313] {strides = array<i32>} : memref<64xi32, #tpu.memory_space<vmem>>, vector<16xi32>,
        %swap3A_315 = vector.shape_cast %swap3A_314 : vector<16xi32> to vector<16xi32>
        %swap3A_316 = vector.shape_cast %shift_right_arithmetic3A_312 : vector<16xi32> to vector<16xi32>
        tpu.vector_store %arg10[%swap3A_313], %swap3A_316 {strides = array<i32>} : memref<64xi32, #tpu.memory_space<vmem>>, vector<16xi32>,
        %and3A_317 = arith.constant 65535 : i32
        %and3A_318 = vector.broadcast %and3A_317 : i32 to vector<16xi32>
        %and3A_319 = arith.andi %get3A_309, %and3A_318 : vector<16xi32>
        %swap3A_320 = arith.constant 0 : index
        %swap3A_321 = tpu.vector_load %arg6[%swap3A_320] {strides = array<i32>} : memref<64xi32, #tpu.memory_space<vmem>>, vector<16xi32>,
        %swap3A_322 = vector.shape_cast %swap3A_321 : vector<16xi32> to vector<16xi32>
        %swap3A_323 = vector.shape_cast %and3A_319 : vector<16xi32> to vector<16xi32>
        tpu.vector_store %arg6[%swap3A_320], %swap3A_323 {strides = array<i32>} : memref<64xi32, #tpu.memory_space<vmem>>, vector<16xi32>,
        %get3A_324 = arith.constant 16 : index
        %get3A_325 = tpu.vector_load %arg6[%get3A_324] {strides = array<i32>} : memref<64xi32, #tpu.memory_space<vmem>>, vector<16xi32>,
        %get3A_326 = vector.shape_cast %get3A_325 : vector<16xi32> to vector<16xi32>
        %shift_right_arithmetic3A_327 = arith.constant 16 : i32
        %shift_right_arithmetic3A_328 = vector.broadcast %shift_right_arithmetic3A_327 : i32 to vector<16xi32>
        %shift_right_arithmetic3A_329 = arith.shrsi %get3A_326, %shift_right_arithmetic3A_328 : vector<16xi32>
        %swap3A_330 = arith.constant 16 : index
        %swap3A_331 = tpu.vector_load %arg10[%swap3A_330] {strides = array<i32>} : memref<64xi32, #tpu.memory_space<vmem>>, vector<16xi32>,
        %swap3A_332 = vector.shape_cast %swap3A_331 : vector<16xi32> to vector<16xi32>
        %swap3A_333 = vector.shape_cast %shift_right_arithmetic3A_329 : vector<16xi32> to vector<16xi32>
        tpu.vector_store %arg10[%swap3A_330], %swap3A_333 {strides = array<i32>} : memref<64xi32, #tpu.memory_space<vmem>>, vector<16xi32>,
        %and3A_334 = arith.constant 65535 : i32
        %and3A_335 = vector.broadcast %and3A_334 : i32 to vector<16xi32>
        %and3A_336 = arith.andi %get3A_326, %and3A_335 : vector<16xi32>
        %swap3A_337 = arith.constant 16 : index
        %swap3A_338 = tpu.vector_load %arg6[%swap3A_337] {strides = array<i32>} : memref<64xi32, #tpu.memory_space<vmem>>, vector<16xi32>,
        %swap3A_339 = vector.shape_cast %swap3A_338 : vector<16xi32> to vector<16xi32>
        %swap3A_340 = vector.shape_cast %and3A_336 : vector<16xi32> to vector<16xi32>
        tpu.vector_store %arg6[%swap3A_337], %swap3A_340 {strides = array<i32>} : memref<64xi32, #tpu.memory_space<vmem>>, vector<16xi32>,
        %get3A_341 = arith.constant 32 : index
        %get3A_342 = tpu.vector_load %arg6[%get3A_341] {strides = array<i32>} : memref<64xi32, #tpu.memory_space<vmem>>, vector<16xi32>,
        %get3A_343 = vector.shape_cast %get3A_342 : vector<16xi32> to vector<16xi32>
        %shift_right_arithmetic3A_344 = arith.constant 16 : i32
        %shift_right_arithmetic3A_345 = vector.broadcast %shift_right_arithmetic3A_344 : i32 to vector<16xi32>
        %shift_right_arithmetic3A_346 = arith.shrsi %get3A_343, %shift_right_arithmetic3A_345 : vector<16xi32>
        %swap3A_347 = arith.constant 32 : index
        %swap3A_348 = tpu.vector_load %arg10[%swap3A_347] {strides = array<i32>} : memref<64xi32, #tpu.memory_space<vmem>>, vector<16xi32>,
        %swap3A_349 = vector.shape_cast %swap3A_348 : vector<16xi32> to vector<16xi32>
        %swap3A_350 = vector.shape_cast %shift_right_arithmetic3A_346 : vector<16xi32> to vector<16xi32>
        tpu.vector_store %arg10[%swap3A_347], %swap3A_350 {strides = array<i32>} : memref<64xi32, #tpu.memory_space<vmem>>, vector<16xi32>,
        %and3A_351 = arith.constant 65535 : i32
        %and3A_352 = vector.broadcast %and3A_351 : i32 to vector<16xi32>
        %and3A_353 = arith.andi %get3A_343, %and3A_352 : vector<16xi32>
        %swap3A_354 = arith.constant 32 : index
        %swap3A_355 = tpu.vector_load %arg6[%swap3A_354] {strides = array<i32>} : memref<64xi32, #tpu.memory_space<vmem>>, vector<16xi32>,
        %swap3A_356 = vector.shape_cast %swap3A_355 : vector<16xi32> to vector<16xi32>
        %swap3A_357 = vector.shape_cast %and3A_353 : vector<16xi32> to vector<16xi32>
        tpu.vector_store %arg6[%swap3A_354], %swap3A_357 {strides = array<i32>} : memref<64xi32, #tpu.memory_space<vmem>>, vector<16xi32>,
        %get3A_358 = arith.constant 48 : index
        %get3A_359 = tpu.vector_load %arg6[%get3A_358] {strides = array<i32>} : memref<64xi32, #tpu.memory_space<vmem>>, vector<16xi32>,
        %get3A_360 = vector.shape_cast %get3A_359 : vector<16xi32> to vector<16xi32>
        %shift_right_arithmetic3A_361 = arith.constant 16 : i32
        %shift_right_arithmetic3A_362 = vector.broadcast %shift_right_arithmetic3A_361 : i32 to vector<16xi32>
        %shift_right_arithmetic3A_363 = arith.shrsi %get3A_360, %shift_right_arithmetic3A_362 : vector<16xi32>
        %swap3A_364 = arith.constant 48 : index
        %swap3A_365 = tpu.vector_load %arg10[%swap3A_364] {strides = array<i32>} : memref<64xi32, #tpu.memory_space<vmem>>, vector<16xi32>,
        %swap3A_366 = vector.shape_cast %swap3A_365 : vector<16xi32> to vector<16xi32>
        %swap3A_367 = vector.shape_cast %shift_right_arithmetic3A_363 : vector<16xi32> to vector<16xi32>
        tpu.vector_store %arg10[%swap3A_364], %swap3A_367 {strides = array<i32>} : memref<64xi32, #tpu.memory_space<vmem>>, vector<16xi32>,
        %and3A_368 = arith.constant 65535 : i32
        %and3A_369 = vector.broadcast %and3A_368 : i32 to vector<16xi32>
        %and3A_370 = arith.andi %get3A_360, %and3A_369 : vector<16xi32>
        %swap3A_371 = arith.constant 48 : index
        %swap3A_372 = tpu.vector_load %arg6[%swap3A_371] {strides = array<i32>} : memref<64xi32, #tpu.memory_space<vmem>>, vector<16xi32>,
        %swap3A_373 = vector.shape_cast %swap3A_372 : vector<16xi32> to vector<16xi32>
        %swap3A_374 = vector.shape_cast %and3A_370 : vector<16xi32> to vector<16xi32>
        tpu.vector_store %arg6[%swap3A_371], %swap3A_374 {strides = array<i32>} : memref<64xi32, #tpu.memory_space<vmem>>, vector<16xi32>,
        %dma_start3A_375 = arith.constant 0 : i32
        %dma_start3A_376 = arith.constant 0 : i32
        %dma_start3A_377 = tpu.memref_slice %arg2[%dma_start3A_375, %dma_start3A_376] : memref<20000x128xf32, #tpu.memory_space<hbm>> -> memref<20000x128xf32, #tpu.memory_space<hbm>>
        tpu.enqueue_indirect_dma source(%dma_start3A_377 : memref<20000x128xf32, #tpu.memory_space<hbm>>) target(%arg14 : memref<64x128xf32, #tpu.memory_space<vmem>>) offsets(%arg6 : memref<64xi32, #tpu.memory_space<vmem>>) semaphore(%arg23 : memref<!tpu.dma_semaphore, #tpu.memory_space<semaphore_mem>>)
      } else {
      }
      %add3A_267 = arith.constant 4 : i32
      %add3A_268 = arith.addi %add3A_250, %add3A_267 : i32
      %lt3A_269 = arith.constant 316 : i32
      %lt3A_270 = arith.cmpi slt, %add3A_268, %lt3A_269 : i32
      %convert_element_type3A_271 = arith.extui %lt3A_270 : i1 to i32
      %cond3A_272 = arith.constant 0 : i32
      %cond3A_273 = arith.cmpi ne, %convert_element_type3A_271, %cond3A_272 : i32
      scf.if %cond3A_273 {
        %add3A_299 = arith.constant 4 : i32
        %add3A_300 = arith.addi %add3A_250, %add3A_299 : i32
        %dma_start3A_301 = arith.constant 0 : i32
        %dma_start3A_302 = tpu.memref_slice %arg3[%arg0, %arg1, %add3A_300, %dma_start3A_301] : memref<2x16x316x64xi32, #tpu.memory_space<hbm>> -> memref<1x1x1x64xi32, #tpu.memory_space<hbm>>
        %dma_start3A_303 = tpu.memref_squeeze %dma_start3A_302 : memref<1x1x1x64xi32, #tpu.memory_space<hbm>> -> memref<64xi32, #tpu.memory_space<hbm>>
        %dma_start3A_304 = arith.constant 0 : i32
        %dma_start3A_305 = tpu.memref_slice %arg3[%arg0, %arg1, %add3A_300, %dma_start3A_304] : memref<2x16x316x64xi32, #tpu.memory_space<hbm>> -> memref<1x1x1x64xi32, #tpu.memory_space<hbm>>
        %dma_start3A_306 = tpu.memref_squeeze %dma_start3A_305 : memref<1x1x1x64xi32, #tpu.memory_space<hbm>> -> memref<64xi32, #tpu.memory_space<hbm>>
        tpu.enqueue_dma source(%dma_start3A_306 : memref<64xi32, #tpu.memory_space<hbm>>) target(%arg8 : memref<64xi32, #tpu.memory_space<vmem>>) target_semaphore(%arg21 : memref<!tpu.dma_semaphore, #tpu.memory_space<semaphore_mem>>)
      } else {
      }
      %add3A_274 = arith.constant 3 : i32
      %add3A_275 = arith.addi %mul3A_199, %add3A_274 : i32
      %dma_wait3A_276 = arith.constant 0 : i32
      %dma_wait3A_277 = arith.constant 0 : i32
      %dma_wait3A_278 = tpu.memref_slice %arg2[%dma_wait3A_276, %dma_wait3A_277] : memref<20000x128xf32, #tpu.memory_space<hbm>> -> memref<20000x128xf32, #tpu.memory_space<hbm>>
      tpu.wait_indirect_dma semaphore(%arg26 : memref<!tpu.dma_semaphore, #tpu.memory_space<semaphore_mem>>) src(%dma_wait3A_278 : memref<20000x128xf32, #tpu.memory_space<hbm>>) dst(%arg17 : memref<64x128xf32, #tpu.memory_space<vmem>>)
      %dma_wait3A_279 = arith.constant 0 : i32
      %dma_wait3A_280 = arith.constant 0 : i32
      %dma_wait3A_281 = tpu.memref_slice %arg18[%dma_wait3A_279, %dma_wait3A_280] : memref<10112x128xf32, #tpu.memory_space<vmem_shared>> -> memref<10112x128xf32, #tpu.memory_space<vmem_shared>>
      tpu.wait_indirect_dma semaphore(%arg28 : memref<!tpu.dma_semaphore, #tpu.memory_space<semaphore_mem>>) src(%arg15 : memref<64x128xf32, #tpu.memory_space<vmem>>) dst(%dma_wait3A_281 : memref<10112x128xf32, #tpu.memory_space<vmem_shared>>)
      %dma_start3A_282 = arith.constant 0 : i32
      %dma_start3A_283 = arith.constant 0 : i32
      %dma_start3A_284 = tpu.memref_slice %arg18[%dma_start3A_282, %dma_start3A_283] : memref<10112x128xf32, #tpu.memory_space<vmem_shared>> -> memref<10112x128xf32, #tpu.memory_space<vmem_shared>>
      tpu.enqueue_indirect_dma source(%arg17 : memref<64x128xf32, #tpu.memory_space<vmem>>) target(%dma_start3A_284 : memref<10112x128xf32, #tpu.memory_space<vmem_shared>>) offsets(%arg13 : memref<64xi32, #tpu.memory_space<vmem>>) semaphore(%arg28 : memref<!tpu.dma_semaphore, #tpu.memory_space<semaphore_mem>>) {add = true}
      %add3A_285 = arith.constant 2 : i32
      %add3A_286 = arith.addi %add3A_275, %add3A_285 : i32
      %lt3A_287 = arith.constant 316 : i32
      %lt3A_288 = arith.cmpi slt, %add3A_286, %lt3A_287 : i32
      %convert_element_type3A_289 = arith.extui %lt3A_288 : i1 to i32
      %cond3A_290 = arith.constant 0 : i32
      %cond3A_291 = arith.cmpi ne, %convert_element_type3A_289, %cond3A_290 : i32
      scf.if %cond3A_291 {
        %add3A_299 = arith.constant 2 : i32
        %add3A_300 = arith.addi %add3A_275, %add3A_299 : i32
        %dma_wait3A_301 = arith.constant 0 : i32
        %dma_wait3A_302 = tpu.memref_slice %arg3[%arg0, %arg1, %add3A_300, %dma_wait3A_301] : memref<2x16x316x64xi32, #tpu.memory_space<hbm>> -> memref<1x1x1x64xi32, #tpu.memory_space<hbm>>
        %dma_wait3A_303 = tpu.memref_squeeze %dma_wait3A_302 : memref<1x1x1x64xi32, #tpu.memory_space<hbm>> -> memref<64xi32, #tpu.memory_space<hbm>>
        %dma_wait3A_304 = arith.constant 0 : i32
        %dma_wait3A_305 = tpu.memref_slice %arg3[%arg0, %arg1, %add3A_300, %dma_wait3A_304] : memref<2x16x316x64xi32, #tpu.memory_space<hbm>> -> memref<1x1x1x64xi32, #tpu.memory_space<hbm>>
        %dma_wait3A_306 = tpu.memref_squeeze %dma_wait3A_305 : memref<1x1x1x64xi32, #tpu.memory_space<hbm>> -> memref<64xi32, #tpu.memory_space<hbm>>
        tpu.wait_dma2 semaphore(%arg20 : memref<!tpu.dma_semaphore, #tpu.memory_space<semaphore_mem>>) src(%dma_wait3A_306 : memref<64xi32, #tpu.memory_space<hbm>>) dst(%arg7 : memref<64xi32, #tpu.memory_space<vmem>>)
        %get3A_307 = arith.constant 0 : index
        %get3A_308 = tpu.vector_load %arg7[%get3A_307] {strides = array<i32>} : memref<64xi32, #tpu.memory_space<vmem>>, vector<16xi32>,
        %get3A_309 = vector.shape_cast %get3A_308 : vector<16xi32> to vector<16xi32>
        %shift_right_arithmetic3A_310 = arith.constant 16 : i32
        %shift_right_arithmetic3A_311 = vector.broadcast %shift_right_arithmetic3A_310 : i32 to vector<16xi32>
        %shift_right_arithmetic3A_312 = arith.shrsi %get3A_309, %shift_right_arithmetic3A_311 : vector<16xi32>
        %swap3A_313 = arith.constant 0 : index
        %swap3A_314 = tpu.vector_load %arg11[%swap3A_313] {strides = array<i32>} : memref<64xi32, #tpu.memory_space<vmem>>, vector<16xi32>,
        %swap3A_315 = vector.shape_cast %swap3A_314 : vector<16xi32> to vector<16xi32>
        %swap3A_316 = vector.shape_cast %shift_right_arithmetic3A_312 : vector<16xi32> to vector<16xi32>
        tpu.vector_store %arg11[%swap3A_313], %swap3A_316 {strides = array<i32>} : memref<64xi32, #tpu.memory_space<vmem>>, vector<16xi32>,
        %and3A_317 = arith.constant 65535 : i32
        %and3A_318 = vector.broadcast %and3A_317 : i32 to vector<16xi32>
        %and3A_319 = arith.andi %get3A_309, %and3A_318 : vector<16xi32>
        %swap3A_320 = arith.constant 0 : index
        %swap3A_321 = tpu.vector_load %arg7[%swap3A_320] {strides = array<i32>} : memref<64xi32, #tpu.memory_space<vmem>>, vector<16xi32>,
        %swap3A_322 = vector.shape_cast %swap3A_321 : vector<16xi32> to vector<16xi32>
        %swap3A_323 = vector.shape_cast %and3A_319 : vector<16xi32> to vector<16xi32>
        tpu.vector_store %arg7[%swap3A_320], %swap3A_323 {strides = array<i32>} : memref<64xi32, #tpu.memory_space<vmem>>, vector<16xi32>,
        %get3A_324 = arith.constant 16 : index
        %get3A_325 = tpu.vector_load %arg7[%get3A_324] {strides = array<i32>} : memref<64xi32, #tpu.memory_space<vmem>>, vector<16xi32>,
        %get3A_326 = vector.shape_cast %get3A_325 : vector<16xi32> to vector<16xi32>
        %shift_right_arithmetic3A_327 = arith.constant 16 : i32
        %shift_right_arithmetic3A_328 = vector.broadcast %shift_right_arithmetic3A_327 : i32 to vector<16xi32>
        %shift_right_arithmetic3A_329 = arith.shrsi %get3A_326, %shift_right_arithmetic3A_328 : vector<16xi32>
        %swap3A_330 = arith.constant 16 : index
        %swap3A_331 = tpu.vector_load %arg11[%swap3A_330] {strides = array<i32>} : memref<64xi32, #tpu.memory_space<vmem>>, vector<16xi32>,
        %swap3A_332 = vector.shape_cast %swap3A_331 : vector<16xi32> to vector<16xi32>
        %swap3A_333 = vector.shape_cast %shift_right_arithmetic3A_329 : vector<16xi32> to vector<16xi32>
        tpu.vector_store %arg11[%swap3A_330], %swap3A_333 {strides = array<i32>} : memref<64xi32, #tpu.memory_space<vmem>>, vector<16xi32>,
        %and3A_334 = arith.constant 65535 : i32
        %and3A_335 = vector.broadcast %and3A_334 : i32 to vector<16xi32>
        %and3A_336 = arith.andi %get3A_326, %and3A_335 : vector<16xi32>
        %swap3A_337 = arith.constant 16 : index
        %swap3A_338 = tpu.vector_load %arg7[%swap3A_337] {strides = array<i32>} : memref<64xi32, #tpu.memory_space<vmem>>, vector<16xi32>,
        %swap3A_339 = vector.shape_cast %swap3A_338 : vector<16xi32> to vector<16xi32>
        %swap3A_340 = vector.shape_cast %and3A_336 : vector<16xi32> to vector<16xi32>
        tpu.vector_store %arg7[%swap3A_337], %swap3A_340 {strides = array<i32>} : memref<64xi32, #tpu.memory_space<vmem>>, vector<16xi32>,
        %get3A_341 = arith.constant 32 : index
        %get3A_342 = tpu.vector_load %arg7[%get3A_341] {strides = array<i32>} : memref<64xi32, #tpu.memory_space<vmem>>, vector<16xi32>,
        %get3A_343 = vector.shape_cast %get3A_342 : vector<16xi32> to vector<16xi32>
        %shift_right_arithmetic3A_344 = arith.constant 16 : i32
        %shift_right_arithmetic3A_345 = vector.broadcast %shift_right_arithmetic3A_344 : i32 to vector<16xi32>
        %shift_right_arithmetic3A_346 = arith.shrsi %get3A_343, %shift_right_arithmetic3A_345 : vector<16xi32>
        %swap3A_347 = arith.constant 32 : index
        %swap3A_348 = tpu.vector_load %arg11[%swap3A_347] {strides = array<i32>} : memref<64xi32, #tpu.memory_space<vmem>>, vector<16xi32>,
        %swap3A_349 = vector.shape_cast %swap3A_348 : vector<16xi32> to vector<16xi32>
        %swap3A_350 = vector.shape_cast %shift_right_arithmetic3A_346 : vector<16xi32> to vector<16xi32>
        tpu.vector_store %arg11[%swap3A_347], %swap3A_350 {strides = array<i32>} : memref<64xi32, #tpu.memory_space<vmem>>, vector<16xi32>,
        %and3A_351 = arith.constant 65535 : i32
        %and3A_352 = vector.broadcast %and3A_351 : i32 to vector<16xi32>
        %and3A_353 = arith.andi %get3A_343, %and3A_352 : vector<16xi32>
        %swap3A_354 = arith.constant 32 : index
        %swap3A_355 = tpu.vector_load %arg7[%swap3A_354] {strides = array<i32>} : memref<64xi32, #tpu.memory_space<vmem>>, vector<16xi32>,
        %swap3A_356 = vector.shape_cast %swap3A_355 : vector<16xi32> to vector<16xi32>
        %swap3A_357 = vector.shape_cast %and3A_353 : vector<16xi32> to vector<16xi32>
        tpu.vector_store %arg7[%swap3A_354], %swap3A_357 {strides = array<i32>} : memref<64xi32, #tpu.memory_space<vmem>>, vector<16xi32>,
        %get3A_358 = arith.constant 48 : index
        %get3A_359 = tpu.vector_load %arg7[%get3A_358] {strides = array<i32>} : memref<64xi32, #tpu.memory_space<vmem>>, vector<16xi32>,
        %get3A_360 = vector.shape_cast %get3A_359 : vector<16xi32> to vector<16xi32>
        %shift_right_arithmetic3A_361 = arith.constant 16 : i32
        %shift_right_arithmetic3A_362 = vector.broadcast %shift_right_arithmetic3A_361 : i32 to vector<16xi32>
        %shift_right_arithmetic3A_363 = arith.shrsi %get3A_360, %shift_right_arithmetic3A_362 : vector<16xi32>
        %swap3A_364 = arith.constant 48 : index
        %swap3A_365 = tpu.vector_load %arg11[%swap3A_364] {strides = array<i32>} : memref<64xi32, #tpu.memory_space<vmem>>, vector<16xi32>,
        %swap3A_366 = vector.shape_cast %swap3A_365 : vector<16xi32> to vector<16xi32>
        %swap3A_367 = vector.shape_cast %shift_right_arithmetic3A_363 : vector<16xi32> to vector<16xi32>
        tpu.vector_store %arg11[%swap3A_364], %swap3A_367 {strides = array<i32>} : memref<64xi32, #tpu.memory_space<vmem>>, vector<16xi32>,
        %and3A_368 = arith.constant 65535 : i32
        %and3A_369 = vector.broadcast %and3A_368 : i32 to vector<16xi32>
        %and3A_370 = arith.andi %get3A_360, %and3A_369 : vector<16xi32>
        %swap3A_371 = arith.constant 48 : index
        %swap3A_372 = tpu.vector_load %arg7[%swap3A_371] {strides = array<i32>} : memref<64xi32, #tpu.memory_space<vmem>>, vector<16xi32>,
        %swap3A_373 = vector.shape_cast %swap3A_372 : vector<16xi32> to vector<16xi32>
        %swap3A_374 = vector.shape_cast %and3A_370 : vector<16xi32> to vector<16xi32>
        tpu.vector_store %arg7[%swap3A_371], %swap3A_374 {strides = array<i32>} : memref<64xi32, #tpu.memory_space<vmem>>, vector<16xi32>,
        %dma_start3A_375 = arith.constant 0 : i32
        %dma_start3A_376 = arith.constant 0 : i32
        %dma_start3A_377 = tpu.memref_slice %arg2[%dma_start3A_375, %dma_start3A_376] : memref<20000x128xf32, #tpu.memory_space<hbm>> -> memref<20000x128xf32, #tpu.memory_space<hbm>>
        tpu.enqueue_indirect_dma source(%dma_start3A_377 : memref<20000x128xf32, #tpu.memory_space<hbm>>) target(%arg15 : memref<64x128xf32, #tpu.memory_space<vmem>>) offsets(%arg7 : memref<64xi32, #tpu.memory_space<vmem>>) semaphore(%arg24 : memref<!tpu.dma_semaphore, #tpu.memory_space<semaphore_mem>>)
      } else {
      }
      %add3A_292 = arith.constant 4 : i32
      %add3A_293 = arith.addi %add3A_275, %add3A_292 : i32
      %lt3A_294 = arith.constant 316 : i32
      %lt3A_295 = arith.cmpi slt, %add3A_293, %lt3A_294 : i32
      %convert_element_type3A_296 = arith.extui %lt3A_295 : i1 to i32
      %cond3A_297 = arith.constant 0 : i32
      %cond3A_298 = arith.cmpi ne, %convert_element_type3A_296, %cond3A_297 : i32
      scf.if %cond3A_298 {
        %add3A_299 = arith.constant 4 : i32
        %add3A_300 = arith.addi %add3A_275, %add3A_299 : i32
        %dma_start3A_301 = arith.constant 0 : i32
        %dma_start3A_302 = tpu.memref_slice %arg3[%arg0, %arg1, %add3A_300, %dma_start3A_301] : memref<2x16x316x64xi32, #tpu.memory_space<hbm>> -> memref<1x1x1x64xi32, #tpu.memory_space<hbm>>
        %dma_start3A_303 = tpu.memref_squeeze %dma_start3A_302 : memref<1x1x1x64xi32, #tpu.memory_space<hbm>> -> memref<64xi32, #tpu.memory_space<hbm>>
        %dma_start3A_304 = arith.constant 0 : i32
        %dma_start3A_305 = tpu.memref_slice %arg3[%arg0, %arg1, %add3A_300, %dma_start3A_304] : memref<2x16x316x64xi32, #tpu.memory_space<hbm>> -> memref<1x1x1x64xi32, #tpu.memory_space<hbm>>
        %dma_start3A_306 = tpu.memref_squeeze %dma_start3A_305 : memref<1x1x1x64xi32, #tpu.memory_space<hbm>> -> memref<64xi32, #tpu.memory_space<hbm>>
        tpu.enqueue_dma source(%dma_start3A_306 : memref<64xi32, #tpu.memory_space<hbm>>) target(%arg9 : memref<64xi32, #tpu.memory_space<vmem>>) target_semaphore(%arg22 : memref<!tpu.dma_semaphore, #tpu.memory_space<semaphore_mem>>)
      } else {
      }
    }
    %scan3A_185 = arith.constant 79 : i32
    %dma_wait3A_186 = arith.constant 0 : i32
    %dma_wait3A_187 = arith.constant 0 : i32
    %dma_wait3A_188 = tpu.memref_slice %arg18[%dma_wait3A_186, %dma_wait3A_187] : memref<10112x128xf32, #tpu.memory_space<vmem_shared>> -> memref<10112x128xf32, #tpu.memory_space<vmem_shared>>
    tpu.wait_indirect_dma semaphore(%arg27 : memref<!tpu.dma_semaphore, #tpu.memory_space<semaphore_mem>>) src(%arg16 : memref<64x128xf32, #tpu.memory_space<vmem>>) dst(%dma_wait3A_188 : memref<10112x128xf32, #tpu.memory_space<vmem_shared>>)
    %dma_wait3A_189 = arith.constant 0 : i32
    %dma_wait3A_190 = arith.constant 0 : i32
    %dma_wait3A_191 = tpu.memref_slice %arg18[%dma_wait3A_189, %dma_wait3A_190] : memref<10112x128xf32, #tpu.memory_space<vmem_shared>> -> memref<10112x128xf32, #tpu.memory_space<vmem_shared>>
    tpu.wait_indirect_dma semaphore(%arg28 : memref<!tpu.dma_semaphore, #tpu.memory_space<semaphore_mem>>) src(%arg17 : memref<64x128xf32, #tpu.memory_space<vmem>>) dst(%dma_wait3A_191 : memref<10112x128xf32, #tpu.memory_space<vmem_shared>>)
    %barrier3A_192 = arith.constant 0 : index
    tpu.barrier barrier_id(%barrier3A_192)
    %mul3A_193 = arith.constant 632 : i32
    %mul3A_194 = arith.muli %arg1, %mul3A_193 : i32
    %mul3A_195 = arith.constant 632 : i32
    %mul3A_196 = arith.muli %arg1, %mul3A_195 : i32
    "tpu.region"() ({
      %run_scoped3A = tpu.sem_alloc : memref<!tpu.dma_semaphore, #tpu.memory_space<semaphore_mem>>
      %dma_start3A_197 = arith.constant 0 : i32
      %dma_start3A_198 = tpu.memref_slice %arg5[%arg0, %mul3A_196, %dma_start3A_197] : memref<2x10112x128xf32, #tpu.memory_space<hbm>> -> memref<1x632x128xf32, #tpu.memory_space<hbm>>
      %dma_start3A_199 = tpu.memref_squeeze %dma_start3A_198 : memref<1x632x128xf32, #tpu.memory_space<hbm>> -> memref<632x128xf32, #tpu.memory_space<hbm>>
      %dma_start3A_200 = arith.constant 0 : i32
      %dma_start3A_201 = tpu.memref_slice %arg18[%mul3A_194, %dma_start3A_200] : memref<10112x128xf32, #tpu.memory_space<vmem_shared>> -> memref<632x128xf32, #tpu.memory_space<vmem_shared>>
      tpu.enqueue_dma source(%dma_start3A_201 : memref<632x128xf32, #tpu.memory_space<vmem_shared>>) target(%dma_start3A_199 : memref<632x128xf32, #tpu.memory_space<hbm>>) target_semaphore(%run_scoped3A : memref<!tpu.dma_semaphore, #tpu.memory_space<semaphore_mem>>)
      %dma_wait3A_202 = arith.constant 0 : i32
      %dma_wait3A_203 = tpu.memref_slice %arg5[%arg0, %mul3A_196, %dma_wait3A_202] : memref<2x10112x128xf32, #tpu.memory_space<hbm>> -> memref<1x632x128xf32, #tpu.memory_space<hbm>>
      %dma_wait3A_204 = tpu.memref_squeeze %dma_wait3A_203 : memref<1x632x128xf32, #tpu.memory_space<hbm>> -> memref<632x128xf32, #tpu.memory_space<hbm>>
      %dma_wait3A_205 = arith.constant 0 : i32
      %dma_wait3A_206 = tpu.memref_slice %arg18[%mul3A_194, %dma_wait3A_205] : memref<10112x128xf32, #tpu.memory_space<vmem_shared>> -> memref<632x128xf32, #tpu.memory_space<vmem_shared>>
      tpu.wait_dma2 semaphore(%run_scoped3A : memref<!tpu.dma_semaphore, #tpu.memory_space<semaphore_mem>>) src(%dma_wait3A_206 : memref<632x128xf32, #tpu.memory_space<vmem_shared>>) dst(%dma_wait3A_204 : memref<632x128xf32, #tpu.memory_space<hbm>>)
      tpu.yield
    }) : () -> ()
    return
  }
}

#map = affine_map<(d0, d1) -> (0, 0)>
#map1 = affine_map<(d0, d1) -> (0, 0, 0, 0)>
#map2 = affine_map<(d0, d1) -> (0, 0, 0)>
module attributes {stable_mosaic.version = 14 : i64} {
  func.func @segsum(%arg0: i32, %arg1: i32, %arg2: memref<20000x128xf32, #tpu.memory_space<hbm>>, %arg3: memref<2x16x316x64xi32, #tpu.memory_space<hbm>>, %arg4: memref<10112x128xf32, #tpu.memory_space<hbm>>, %arg5: memref<2x10112x128xf32, #tpu.memory_space<hbm>>, %arg6: memref<64xi32, #tpu.memory_space<vmem>>, %arg7: memref<64xi32, #tpu.memory_space<vmem>>, %arg8: memref<64xi32, #tpu.memory_space<vmem>>, %arg9: memref<64xi32, #tpu.memory_space<vmem>>, %arg10: memref<64xi32, #tpu.memory_space<vmem>>, %arg11: memref<64xi32, #tpu.memory_space<vmem>>, %arg12: memref<64xi32, #tpu.memory_space<vmem>>, %arg13: memref<64xi32, #tpu.memory_space<vmem>>, %arg14: memref<64x128xf32, #tpu.memory_space<vmem>>, %arg15: memref<64x128xf32, #tpu.memory_space<vmem>>, %arg16: memref<64x128xf32, #tpu.memory_space<vmem>>, %arg17: memref<64x128xf32, #tpu.memory_space<vmem>>, %arg18: memref<10112x128xf32, #tpu.memory_space<vmem_shared>>, %arg19: memref<!tpu.dma_semaphore, #tpu.memory_space<semaphore_mem>>, %arg20: memref<!tpu.dma_semaphore, #tpu.memory_space<semaphore_mem>>, %arg21: memref<!tpu.dma_semaphore, #tpu.memory_space<semaphore_mem>>, %arg22: memref<!tpu.dma_semaphore, #tpu.memory_space<semaphore_mem>>, %arg23: memref<!tpu.dma_semaphore, #tpu.memory_space<semaphore_mem>>, %arg24: memref<!tpu.dma_semaphore, #tpu.memory_space<semaphore_mem>>, %arg25: memref<!tpu.dma_semaphore, #tpu.memory_space<semaphore_mem>>, %arg26: memref<!tpu.dma_semaphore, #tpu.memory_space<semaphore_mem>>, %arg27: memref<!tpu.dma_semaphore, #tpu.memory_space<semaphore_mem>>, %arg28: memref<!tpu.dma_semaphore, #tpu.memory_space<semaphore_mem>>) attributes {dimension_semantics = [#tpu.dimension_semantics<core_parallel>, #tpu.dimension_semantics<subcore_parallel>], iteration_bounds = array<i64: 2, 16>, scalar_prefetch = 0 : i64, scratch_operands = 23 : i64, tpu.core_type = #tpu.core_type<sc_vector_subcore>, window_params = [{transform_indices = #map}, {transform_indices = #map1}, {transform_indices = #map}, {transform_indices = #map2}]} {
    %mul3A = arith.constant 632 : i32
    %mul3A_0 = arith.muli %arg1, %mul3A : i32
    %mul3A_1 = arith.constant 632 : i32
    %mul3A_2 = arith.muli %arg1, %mul3A_1 : i32
    "tpu.region"() ({
      %run_scoped3A = tpu.sem_alloc : memref<!tpu.dma_semaphore, #tpu.memory_space<semaphore_mem>>
      %dma_start3A_197 = arith.constant 0 : i32
      %dma_start3A_198 = tpu.memref_slice %arg18[%mul3A_2, %dma_start3A_197] : memref<10112x128xf32, #tpu.memory_space<vmem_shared>> -> memref<632x128xf32, #tpu.memory_space<vmem_shared>>
      %dma_start3A_199 = arith.constant 0 : i32
      %dma_start3A_200 = tpu.memref_slice %arg4[%mul3A_0, %dma_start3A_199] : memref<10112x128xf32, #tpu.memory_space<hbm>> -> memref<632x128xf32, #tpu.memory_space<hbm>>
      tpu.enqueue_dma source(%dma_start3A_200 : memref<632x128xf32, #tpu.memory_space<hbm>>) target(%dma_start3A_198 : memref<632x128xf32, #tpu.memory_space<vmem_shared>>) target_semaphore(%run_scoped3A : memref<!tpu.dma_semaphore, #tpu.memory_space<semaphore_mem>>)
      %dma_wait3A_201 = arith.constant 0 : i32
      %dma_wait3A_202 = tpu.memref_slice %arg18[%mul3A_2, %dma_wait3A_201] : memref<10112x128xf32, #tpu.memory_space<vmem_shared>> -> memref<632x128xf32, #tpu.memory_space<vmem_shared>>
      %dma_wait3A_203 = arith.constant 0 : i32
      %dma_wait3A_204 = tpu.memref_slice %arg4[%mul3A_0, %dma_wait3A_203] : memref<10112x128xf32, #tpu.memory_space<hbm>> -> memref<632x128xf32, #tpu.memory_space<hbm>>
      tpu.wait_dma2 semaphore(%run_scoped3A : memref<!tpu.dma_semaphore, #tpu.memory_space<semaphore_mem>>) src(%dma_wait3A_204 : memref<632x128xf32, #tpu.memory_space<hbm>>) dst(%dma_wait3A_202 : memref<632x128xf32, #tpu.memory_space<vmem_shared>>)
      tpu.yield
    }) : () -> ()
    %barrier3A = arith.constant 0 : index
    tpu.barrier barrier_id(%barrier3A)
    %dma_start3A = arith.constant 0 : i32
    %dma_start3A_3 = arith.constant 0 : i32
    %dma_start3A_4 = tpu.memref_slice %arg3[%arg0, %arg1, %dma_start3A, %dma_start3A_3] : memref<2x16x316x64xi32, #tpu.memory_space<hbm>> -> memref<1x1x1x64xi32, #tpu.memory_space<hbm>>
    %dma_start3A_5 = tpu.memref_squeeze %dma_start3A_4 : memref<1x1x1x64xi32, #tpu.memory_space<hbm>> -> memref<64xi32, #tpu.memory_space<hbm>>
    %dma_start3A_6 = arith.constant 0 : i32
    %dma_start3A_7 = tpu.memref_slice %arg3[%arg0, %arg1, %dma_start3A, %dma_start3A_6] : memref<2x16x316x64xi32, #tpu.memory_space<hbm>> -> memref<1x1x1x64xi32, #tpu.memory_space<hbm>>
    %dma_start3A_8 = tpu.memref_squeeze %dma_start3A_7 : memref<1x1x1x64xi32, #tpu.memory_space<hbm>> -> memref<64xi32, #tpu.memory_space<hbm>>
    tpu.enqueue_dma source(%dma_start3A_8 : memref<64xi32, #tpu.memory_space<hbm>>) target(%arg6 : memref<64xi32, #tpu.memory_space<vmem>>) target_semaphore(%arg19 : memref<!tpu.dma_semaphore, #tpu.memory_space<semaphore_mem>>)
    %dma_start3A_9 = arith.constant 1 : i32
    %dma_start3A_10 = arith.constant 0 : i32
    %dma_start3A_11 = tpu.memref_slice %arg3[%arg0, %arg1, %dma_start3A_9, %dma_start3A_10] : memref<2x16x316x64xi32, #tpu.memory_space<hbm>> -> memref<1x1x1x64xi32, #tpu.memory_space<hbm>>
    %dma_start3A_12 = tpu.memref_squeeze %dma_start3A_11 : memref<1x1x1x64xi32, #tpu.memory_space<hbm>> -> memref<64xi32, #tpu.memory_space<hbm>>
    %dma_start3A_13 = arith.constant 0 : i32
    %dma_start3A_14 = tpu.memref_slice %arg3[%arg0, %arg1, %dma_start3A_9, %dma_start3A_13] : memref<2x16x316x64xi32, #tpu.memory_space<hbm>> -> memref<1x1x1x64xi32, #tpu.memory_space<hbm>>
    %dma_start3A_15 = tpu.memref_squeeze %dma_start3A_14 : memref<1x1x1x64xi32, #tpu.memory_space<hbm>> -> memref<64xi32, #tpu.memory_space<hbm>>
    tpu.enqueue_dma source(%dma_start3A_15 : memref<64xi32, #tpu.memory_space<hbm>>) target(%arg7 : memref<64xi32, #tpu.memory_space<vmem>>) target_semaphore(%arg20 : memref<!tpu.dma_semaphore, #tpu.memory_space<semaphore_mem>>)
    %dma_start3A_16 = arith.constant 2 : i32
    %dma_start3A_17 = arith.constant 0 : i32
    %dma_start3A_18 = tpu.memref_slice %arg3[%arg0, %arg1, %dma_start3A_16, %dma_start3A_17] : memref<2x16x316x64xi32, #tpu.memory_space<hbm>> -> memref<1x1x1x64xi32, #tpu.memory_space<hbm>>
    %dma_start3A_19 = tpu.memref_squeeze %dma_start3A_18 : memref<1x1x1x64xi32, #tpu.memory_space<hbm>> -> memref<64xi32, #tpu.memory_space<hbm>>
    %dma_start3A_20 = arith.constant 0 : i32
    %dma_start3A_21 = tpu.memref_slice %arg3[%arg0, %arg1, %dma_start3A_16, %dma_start3A_20] : memref<2x16x316x64xi32, #tpu.memory_space<hbm>> -> memref<1x1x1x64xi32, #tpu.memory_space<hbm>>
    %dma_start3A_22 = tpu.memref_squeeze %dma_start3A_21 : memref<1x1x1x64xi32, #tpu.memory_space<hbm>> -> memref<64xi32, #tpu.memory_space<hbm>>
    tpu.enqueue_dma source(%dma_start3A_22 : memref<64xi32, #tpu.memory_space<hbm>>) target(%arg8 : memref<64xi32, #tpu.memory_space<vmem>>) target_semaphore(%arg21 : memref<!tpu.dma_semaphore, #tpu.memory_space<semaphore_mem>>)
    %dma_start3A_23 = arith.constant 3 : i32
    %dma_start3A_24 = arith.constant 0 : i32
    %dma_start3A_25 = tpu.memref_slice %arg3[%arg0, %arg1, %dma_start3A_23, %dma_start3A_24] : memref<2x16x316x64xi32, #tpu.memory_space<hbm>> -> memref<1x1x1x64xi32, #tpu.memory_space<hbm>>
    %dma_start3A_26 = tpu.memref_squeeze %dma_start3A_25 : memref<1x1x1x64xi32, #tpu.memory_space<hbm>> -> memref<64xi32, #tpu.memory_space<hbm>>
    %dma_start3A_27 = arith.constant 0 : i32
    %dma_start3A_28 = tpu.memref_slice %arg3[%arg0, %arg1, %dma_start3A_23, %dma_start3A_27] : memref<2x16x316x64xi32, #tpu.memory_space<hbm>> -> memref<1x1x1x64xi32, #tpu.memory_space<hbm>>
    %dma_start3A_29 = tpu.memref_squeeze %dma_start3A_28 : memref<1x1x1x64xi32, #tpu.memory_space<hbm>> -> memref<64xi32, #tpu.memory_space<hbm>>
    tpu.enqueue_dma source(%dma_start3A_29 : memref<64xi32, #tpu.memory_space<hbm>>) target(%arg9 : memref<64xi32, #tpu.memory_space<vmem>>) target_semaphore(%arg22 : memref<!tpu.dma_semaphore, #tpu.memory_space<semaphore_mem>>)
    %dma_wait3A = arith.constant 0 : i32
    %dma_wait3A_30 = arith.constant 0 : i32
    %dma_wait3A_31 = tpu.memref_slice %arg3[%arg0, %arg1, %dma_wait3A, %dma_wait3A_30] : memref<2x16x316x64xi32, #tpu.memory_space<hbm>> -> memref<1x1x1x64xi32, #tpu.memory_space<hbm>>
    %dma_wait3A_32 = tpu.memref_squeeze %dma_wait3A_31 : memref<1x1x1x64xi32, #tpu.memory_space<hbm>> -> memref<64xi32, #tpu.memory_space<hbm>>
    %dma_wait3A_33 = arith.constant 0 : i32
    %dma_wait3A_34 = tpu.memref_slice %arg3[%arg0, %arg1, %dma_wait3A, %dma_wait3A_33] : memref<2x16x316x64xi32, #tpu.memory_space<hbm>> -> memref<1x1x1x64xi32, #tpu.memory_space<hbm>>
    %dma_wait3A_35 = tpu.memref_squeeze %dma_wait3A_34 : memref<1x1x1x64xi32, #tpu.memory_space<hbm>> -> memref<64xi32, #tpu.memory_space<hbm>>
    tpu.wait_dma2 semaphore(%arg19 : memref<!tpu.dma_semaphore, #tpu.memory_space<semaphore_mem>>) src(%dma_wait3A_35 : memref<64xi32, #tpu.memory_space<hbm>>) dst(%arg6 : memref<64xi32, #tpu.memory_space<vmem>>)
    %get3A = arith.constant 0 : index
    %get3A_36 = tpu.vector_load %arg6[%get3A] {strides = array<i32>} : memref<64xi32, #tpu.memory_space<vmem>>, vector<16xi32>,
    %get3A_37 = vector.shape_cast %get3A_36 : vector<16xi32> to vector<16xi32>
    %shift_right_arithmetic3A = arith.constant 16 : i32
    %shift_right_arithmetic3A_38 = vector.broadcast %shift_right_arithmetic3A : i32 to vector<16xi32>
    %shift_right_arithmetic3A_39 = arith.shrsi %get3A_37, %shift_right_arithmetic3A_38 : vector<16xi32>
    %swap3A = arith.constant 0 : index
    %swap3A_40 = tpu.vector_load %arg10[%swap3A] {strides = array<i32>} : memref<64xi32, #tpu.memory_space<vmem>>, vector<16xi32>,
    %swap3A_41 = vector.shape_cast %swap3A_40 : vector<16xi32> to vector<16xi32>
    %swap3A_42 = vector.shape_cast %shift_right_arithmetic3A_39 : vector<16xi32> to vector<16xi32>
    tpu.vector_store %arg10[%swap3A], %swap3A_42 {strides = array<i32>} : memref<64xi32, #tpu.memory_space<vmem>>, vector<16xi32>,
    %and3A = arith.constant 65535 : i32
    %and3A_43 = vector.broadcast %and3A : i32 to vector<16xi32>
    %and3A_44 = arith.andi %get3A_37, %and3A_43 : vector<16xi32>
    %swap3A_45 = arith.constant 0 : index
    %swap3A_46 = tpu.vector_load %arg6[%swap3A_45] {strides = array<i32>} : memref<64xi32, #tpu.memory_space<vmem>>, vector<16xi32>,
    %swap3A_47 = vector.shape_cast %swap3A_46 : vector<16xi32> to vector<16xi32>
    %swap3A_48 = vector.shape_cast %and3A_44 : vector<16xi32> to vector<16xi32>
    tpu.vector_store %arg6[%swap3A_45], %swap3A_48 {strides = array<i32>} : memref<64xi32, #tpu.memory_space<vmem>>, vector<16xi32>,
    %get3A_49 = arith.constant 16 : index
    %get3A_50 = tpu.vector_load %arg6[%get3A_49] {strides = array<i32>} : memref<64xi32, #tpu.memory_space<vmem>>, vector<16xi32>,
    %get3A_51 = vector.shape_cast %get3A_50 : vector<16xi32> to vector<16xi32>
    %shift_right_arithmetic3A_52 = arith.constant 16 : i32
    %shift_right_arithmetic3A_53 = vector.broadcast %shift_right_arithmetic3A_52 : i32 to vector<16xi32>
    %shift_right_arithmetic3A_54 = arith.shrsi %get3A_51, %shift_right_arithmetic3A_53 : vector<16xi32>
    %swap3A_55 = arith.constant 16 : index
    %swap3A_56 = tpu.vector_load %arg10[%swap3A_55] {strides = array<i32>} : memref<64xi32, #tpu.memory_space<vmem>>, vector<16xi32>,
    %swap3A_57 = vector.shape_cast %swap3A_56 : vector<16xi32> to vector<16xi32>
    %swap3A_58 = vector.shape_cast %shift_right_arithmetic3A_54 : vector<16xi32> to vector<16xi32>
    tpu.vector_store %arg10[%swap3A_55], %swap3A_58 {strides = array<i32>} : memref<64xi32, #tpu.memory_space<vmem>>, vector<16xi32>,
    %and3A_59 = arith.constant 65535 : i32
    %and3A_60 = vector.broadcast %and3A_59 : i32 to vector<16xi32>
    %and3A_61 = arith.andi %get3A_51, %and3A_60 : vector<16xi32>
    %swap3A_62 = arith.constant 16 : index
    %swap3A_63 = tpu.vector_load %arg6[%swap3A_62] {strides = array<i32>} : memref<64xi32, #tpu.memory_space<vmem>>, vector<16xi32>,
    %swap3A_64 = vector.shape_cast %swap3A_63 : vector<16xi32> to vector<16xi32>
    %swap3A_65 = vector.shape_cast %and3A_61 : vector<16xi32> to vector<16xi32>
    tpu.vector_store %arg6[%swap3A_62], %swap3A_65 {strides = array<i32>} : memref<64xi32, #tpu.memory_space<vmem>>, vector<16xi32>,
    %get3A_66 = arith.constant 32 : index
    %get3A_67 = tpu.vector_load %arg6[%get3A_66] {strides = array<i32>} : memref<64xi32, #tpu.memory_space<vmem>>, vector<16xi32>,
    %get3A_68 = vector.shape_cast %get3A_67 : vector<16xi32> to vector<16xi32>
    %shift_right_arithmetic3A_69 = arith.constant 16 : i32
    %shift_right_arithmetic3A_70 = vector.broadcast %shift_right_arithmetic3A_69 : i32 to vector<16xi32>
    %shift_right_arithmetic3A_71 = arith.shrsi %get3A_68, %shift_right_arithmetic3A_70 : vector<16xi32>
    %swap3A_72 = arith.constant 32 : index
    %swap3A_73 = tpu.vector_load %arg10[%swap3A_72] {strides = array<i32>} : memref<64xi32, #tpu.memory_space<vmem>>, vector<16xi32>,
    %swap3A_74 = vector.shape_cast %swap3A_73 : vector<16xi32> to vector<16xi32>
    %swap3A_75 = vector.shape_cast %shift_right_arithmetic3A_71 : vector<16xi32> to vector<16xi32>
    tpu.vector_store %arg10[%swap3A_72], %swap3A_75 {strides = array<i32>} : memref<64xi32, #tpu.memory_space<vmem>>, vector<16xi32>,
    %and3A_76 = arith.constant 65535 : i32
    %and3A_77 = vector.broadcast %and3A_76 : i32 to vector<16xi32>
    %and3A_78 = arith.andi %get3A_68, %and3A_77 : vector<16xi32>
    %swap3A_79 = arith.constant 32 : index
    %swap3A_80 = tpu.vector_load %arg6[%swap3A_79] {strides = array<i32>} : memref<64xi32, #tpu.memory_space<vmem>>, vector<16xi32>,
    %swap3A_81 = vector.shape_cast %swap3A_80 : vector<16xi32> to vector<16xi32>
    %swap3A_82 = vector.shape_cast %and3A_78 : vector<16xi32> to vector<16xi32>
    tpu.vector_store %arg6[%swap3A_79], %swap3A_82 {strides = array<i32>} : memref<64xi32, #tpu.memory_space<vmem>>, vector<16xi32>,
    %get3A_83 = arith.constant 48 : index
    %get3A_84 = tpu.vector_load %arg6[%get3A_83] {strides = array<i32>} : memref<64xi32, #tpu.memory_space<vmem>>, vector<16xi32>,
    %get3A_85 = vector.shape_cast %get3A_84 : vector<16xi32> to vector<16xi32>
    %shift_right_arithmetic3A_86 = arith.constant 16 : i32
    %shift_right_arithmetic3A_87 = vector.broadcast %shift_right_arithmetic3A_86 : i32 to vector<16xi32>
    %shift_right_arithmetic3A_88 = arith.shrsi %get3A_85, %shift_right_arithmetic3A_87 : vector<16xi32>
    %swap3A_89 = arith.constant 48 : index
    %swap3A_90 = tpu.vector_load %arg10[%swap3A_89] {strides = array<i32>} : memref<64xi32, #tpu.memory_space<vmem>>, vector<16xi32>,
    %swap3A_91 = vector.shape_cast %swap3A_90 : vector<16xi32> to vector<16xi32>
    %swap3A_92 = vector.shape_cast %shift_right_arithmetic3A_88 : vector<16xi32> to vector<16xi32>
    tpu.vector_store %arg10[%swap3A_89], %swap3A_92 {strides = array<i32>} : memref<64xi32, #tpu.memory_space<vmem>>, vector<16xi32>,
    %and3A_93 = arith.constant 65535 : i32
    %and3A_94 = vector.broadcast %and3A_93 : i32 to vector<16xi32>
    %and3A_95 = arith.andi %get3A_85, %and3A_94 : vector<16xi32>
    %swap3A_96 = arith.constant 48 : index
    %swap3A_97 = tpu.vector_load %arg6[%swap3A_96] {strides = array<i32>} : memref<64xi32, #tpu.memory_space<vmem>>, vector<16xi32>,
    %swap3A_98 = vector.shape_cast %swap3A_97 : vector<16xi32> to vector<16xi32>
    %swap3A_99 = vector.shape_cast %and3A_95 : vector<16xi32> to vector<16xi32>
    tpu.vector_store %arg6[%swap3A_96], %swap3A_99 {strides = array<i32>} : memref<64xi32, #tpu.memory_space<vmem>>, vector<16xi32>,
    %dma_start3A_100 = arith.constant 0 : i32
    %dma_start3A_101 = arith.constant 0 : i32
    %dma_start3A_102 = tpu.memref_slice %arg2[%dma_start3A_100, %dma_start3A_101] : memref<20000x128xf32, #tpu.memory_space<hbm>> -> memref<20000x128xf32, #tpu.memory_space<hbm>>
    tpu.enqueue_indirect_dma source(%dma_start3A_102 : memref<20000x128xf32, #tpu.memory_space<hbm>>) target(%arg14 : memref<64x128xf32, #tpu.memory_space<vmem>>) offsets(%arg6 : memref<64xi32, #tpu.memory_space<vmem>>) semaphore(%arg23 : memref<!tpu.dma_semaphore, #tpu.memory_space<semaphore_mem>>)
    %dma_wait3A_103 = arith.constant 1 : i32
    %dma_wait3A_104 = arith.constant 0 : i32
    %dma_wait3A_105 = tpu.memref_slice %arg3[%arg0, %arg1, %dma_wait3A_103, %dma_wait3A_104] : memref<2x16x316x64xi32, #tpu.memory_space<hbm>> -> memref<1x1x1x64xi32, #tpu.memory_space<hbm>>
    %dma_wait3A_106 = tpu.memref_squeeze %dma_wait3A_105 : memref<1x1x1x64xi32, #tpu.memory_space<hbm>> -> memref<64xi32, #tpu.memory_space<hbm>>
    %dma_wait3A_107 = arith.constant 0 : i32
    %dma_wait3A_108 = tpu.memref_slice %arg3[%arg0, %arg1, %dma_wait3A_103, %dma_wait3A_107] : memref<2x16x316x64xi32, #tpu.memory_space<hbm>> -> memref<1x1x1x64xi32, #tpu.memory_space<hbm>>
    %dma_wait3A_109 = tpu.memref_squeeze %dma_wait3A_108 : memref<1x1x1x64xi32, #tpu.memory_space<hbm>> -> memref<64xi32, #tpu.memory_space<hbm>>
    tpu.wait_dma2 semaphore(%arg20 : memref<!tpu.dma_semaphore, #tpu.memory_space<semaphore_mem>>) src(%dma_wait3A_109 : memref<64xi32, #tpu.memory_space<hbm>>) dst(%arg7 : memref<64xi32, #tpu.memory_space<vmem>>)
    %get3A_110 = arith.constant 0 : index
    %get3A_111 = tpu.vector_load %arg7[%get3A_110] {strides = array<i32>} : memref<64xi32, #tpu.memory_space<vmem>>, vector<16xi32>,
    %get3A_112 = vector.shape_cast %get3A_111 : vector<16xi32> to vector<16xi32>
    %shift_right_arithmetic3A_113 = arith.constant 16 : i32
    %shift_right_arithmetic3A_114 = vector.broadcast %shift_right_arithmetic3A_113 : i32 to vector<16xi32>
    %shift_right_arithmetic3A_115 = arith.shrsi %get3A_112, %shift_right_arithmetic3A_114 : vector<16xi32>
    %swap3A_116 = arith.constant 0 : index
    %swap3A_117 = tpu.vector_load %arg11[%swap3A_116] {strides = array<i32>} : memref<64xi32, #tpu.memory_space<vmem>>, vector<16xi32>,
    %swap3A_118 = vector.shape_cast %swap3A_117 : vector<16xi32> to vector<16xi32>
    %swap3A_119 = vector.shape_cast %shift_right_arithmetic3A_115 : vector<16xi32> to vector<16xi32>
    tpu.vector_store %arg11[%swap3A_116], %swap3A_119 {strides = array<i32>} : memref<64xi32, #tpu.memory_space<vmem>>, vector<16xi32>,
    %and3A_120 = arith.constant 65535 : i32
    %and3A_121 = vector.broadcast %and3A_120 : i32 to vector<16xi32>
    %and3A_122 = arith.andi %get3A_112, %and3A_121 : vector<16xi32>
    %swap3A_123 = arith.constant 0 : index
    %swap3A_124 = tpu.vector_load %arg7[%swap3A_123] {strides = array<i32>} : memref<64xi32, #tpu.memory_space<vmem>>, vector<16xi32>,
    %swap3A_125 = vector.shape_cast %swap3A_124 : vector<16xi32> to vector<16xi32>
    %swap3A_126 = vector.shape_cast %and3A_122 : vector<16xi32> to vector<16xi32>
    tpu.vector_store %arg7[%swap3A_123], %swap3A_126 {strides = array<i32>} : memref<64xi32, #tpu.memory_space<vmem>>, vector<16xi32>,
    %get3A_127 = arith.constant 16 : index
    %get3A_128 = tpu.vector_load %arg7[%get3A_127] {strides = array<i32>} : memref<64xi32, #tpu.memory_space<vmem>>, vector<16xi32>,
    %get3A_129 = vector.shape_cast %get3A_128 : vector<16xi32> to vector<16xi32>
    %shift_right_arithmetic3A_130 = arith.constant 16 : i32
    %shift_right_arithmetic3A_131 = vector.broadcast %shift_right_arithmetic3A_130 : i32 to vector<16xi32>
    %shift_right_arithmetic3A_132 = arith.shrsi %get3A_129, %shift_right_arithmetic3A_131 : vector<16xi32>
    %swap3A_133 = arith.constant 16 : index
    %swap3A_134 = tpu.vector_load %arg11[%swap3A_133] {strides = array<i32>} : memref<64xi32, #tpu.memory_space<vmem>>, vector<16xi32>,
    %swap3A_135 = vector.shape_cast %swap3A_134 : vector<16xi32> to vector<16xi32>
    %swap3A_136 = vector.shape_cast %shift_right_arithmetic3A_132 : vector<16xi32> to vector<16xi32>
    tpu.vector_store %arg11[%swap3A_133], %swap3A_136 {strides = array<i32>} : memref<64xi32, #tpu.memory_space<vmem>>, vector<16xi32>,
    %and3A_137 = arith.constant 65535 : i32
    %and3A_138 = vector.broadcast %and3A_137 : i32 to vector<16xi32>
    %and3A_139 = arith.andi %get3A_129, %and3A_138 : vector<16xi32>
    %swap3A_140 = arith.constant 16 : index
    %swap3A_141 = tpu.vector_load %arg7[%swap3A_140] {strides = array<i32>} : memref<64xi32, #tpu.memory_space<vmem>>, vector<16xi32>,
    %swap3A_142 = vector.shape_cast %swap3A_141 : vector<16xi32> to vector<16xi32>
    %swap3A_143 = vector.shape_cast %and3A_139 : vector<16xi32> to vector<16xi32>
    tpu.vector_store %arg7[%swap3A_140], %swap3A_143 {strides = array<i32>} : memref<64xi32, #tpu.memory_space<vmem>>, vector<16xi32>,
    %get3A_144 = arith.constant 32 : index
    %get3A_145 = tpu.vector_load %arg7[%get3A_144] {strides = array<i32>} : memref<64xi32, #tpu.memory_space<vmem>>, vector<16xi32>,
    %get3A_146 = vector.shape_cast %get3A_145 : vector<16xi32> to vector<16xi32>
    %shift_right_arithmetic3A_147 = arith.constant 16 : i32
    %shift_right_arithmetic3A_148 = vector.broadcast %shift_right_arithmetic3A_147 : i32 to vector<16xi32>
    %shift_right_arithmetic3A_149 = arith.shrsi %get3A_146, %shift_right_arithmetic3A_148 : vector<16xi32>
    %swap3A_150 = arith.constant 32 : index
    %swap3A_151 = tpu.vector_load %arg11[%swap3A_150] {strides = array<i32>} : memref<64xi32, #tpu.memory_space<vmem>>, vector<16xi32>,
    %swap3A_152 = vector.shape_cast %swap3A_151 : vector<16xi32> to vector<16xi32>
    %swap3A_153 = vector.shape_cast %shift_right_arithmetic3A_149 : vector<16xi32> to vector<16xi32>
    tpu.vector_store %arg11[%swap3A_150], %swap3A_153 {strides = array<i32>} : memref<64xi32, #tpu.memory_space<vmem>>, vector<16xi32>,
    %and3A_154 = arith.constant 65535 : i32
    %and3A_155 = vector.broadcast %and3A_154 : i32 to vector<16xi32>
    %and3A_156 = arith.andi %get3A_146, %and3A_155 : vector<16xi32>
    %swap3A_157 = arith.constant 32 : index
    %swap3A_158 = tpu.vector_load %arg7[%swap3A_157] {strides = array<i32>} : memref<64xi32, #tpu.memory_space<vmem>>, vector<16xi32>,
    %swap3A_159 = vector.shape_cast %swap3A_158 : vector<16xi32> to vector<16xi32>
    %swap3A_160 = vector.shape_cast %and3A_156 : vector<16xi32> to vector<16xi32>
    tpu.vector_store %arg7[%swap3A_157], %swap3A_160 {strides = array<i32>} : memref<64xi32, #tpu.memory_space<vmem>>, vector<16xi32>,
    %get3A_161 = arith.constant 48 : index
    %get3A_162 = tpu.vector_load %arg7[%get3A_161] {strides = array<i32>} : memref<64xi32, #tpu.memory_space<vmem>>, vector<16xi32>,
    %get3A_163 = vector.shape_cast %get3A_162 : vector<16xi32> to vector<16xi32>
    %shift_right_arithmetic3A_164 = arith.constant 16 : i32
    %shift_right_arithmetic3A_165 = vector.broadcast %shift_right_arithmetic3A_164 : i32 to vector<16xi32>
    %shift_right_arithmetic3A_166 = arith.shrsi %get3A_163, %shift_right_arithmetic3A_165 : vector<16xi32>
    %swap3A_167 = arith.constant 48 : index
    %swap3A_168 = tpu.vector_load %arg11[%swap3A_167] {strides = array<i32>} : memref<64xi32, #tpu.memory_space<vmem>>, vector<16xi32>,
    %swap3A_169 = vector.shape_cast %swap3A_168 : vector<16xi32> to vector<16xi32>
    %swap3A_170 = vector.shape_cast %shift_right_arithmetic3A_166 : vector<16xi32> to vector<16xi32>
    tpu.vector_store %arg11[%swap3A_167], %swap3A_170 {strides = array<i32>} : memref<64xi32, #tpu.memory_space<vmem>>, vector<16xi32>,
    %and3A_171 = arith.constant 65535 : i32
    %and3A_172 = vector.broadcast %and3A_171 : i32 to vector<16xi32>
    %and3A_173 = arith.andi %get3A_163, %and3A_172 : vector<16xi32>
    %swap3A_174 = arith.constant 48 : index
    %swap3A_175 = tpu.vector_load %arg7[%swap3A_174] {strides = array<i32>} : memref<64xi32, #tpu.memory_space<vmem>>, vector<16xi32>,
    %swap3A_176 = vector.shape_cast %swap3A_175 : vector<16xi32> to vector<16xi32>
    %swap3A_177 = vector.shape_cast %and3A_173 : vector<16xi32> to vector<16xi32>
    tpu.vector_store %arg7[%swap3A_174], %swap3A_177 {strides = array<i32>} : memref<64xi32, #tpu.memory_space<vmem>>, vector<16xi32>,
    %dma_start3A_178 = arith.constant 0 : i32
    %dma_start3A_179 = arith.constant 0 : i32
    %dma_start3A_180 = tpu.memref_slice %arg2[%dma_start3A_178, %dma_start3A_179] : memref<20000x128xf32, #tpu.memory_space<hbm>> -> memref<20000x128xf32, #tpu.memory_space<hbm>>
    tpu.enqueue_indirect_dma source(%dma_start3A_180 : memref<20000x128xf32, #tpu.memory_space<hbm>>) target(%arg15 : memref<64x128xf32, #tpu.memory_space<vmem>>) offsets(%arg7 : memref<64xi32, #tpu.memory_space<vmem>>) semaphore(%arg24 : memref<!tpu.dma_semaphore, #tpu.memory_space<semaphore_mem>>)
    %scan3A = arith.constant 0 : i32
    %scan3A_181 = arith.constant 0 : i32
    %scan3A_182 = arith.constant 79 : i32
    %scan3A_183 = arith.addi %scan3A_181, %scan3A_182 : i32
    %scan3A_184 = arith.constant 1 : i32
    scf.for %scan3A_197 = %scan3A_181 to %scan3A_183 step %scan3A_184  : i32 {
      %mul3A_198 = arith.constant 4 : i32
      %mul3A_199 = arith.muli %mul3A_198, %scan3A_197 : i32
      %add3A = arith.constant 0 : i32
      %add3A_200 = arith.addi %mul3A_199, %add3A : i32
      %dma_wait3A_201 = arith.constant 0 : i32
      %dma_wait3A_202 = arith.constant 0 : i32
      %dma_wait3A_203 = tpu.memref_slice %arg2[%dma_wait3A_201, %dma_wait3A_202] : memref<20000x128xf32, #tpu.memory_space<hbm>> -> memref<20000x128xf32, #tpu.memory_space<hbm>>
      tpu.wait_indirect_dma semaphore(%arg23 : memref<!tpu.dma_semaphore, #tpu.memory_space<semaphore_mem>>) src(%dma_wait3A_203 : memref<20000x128xf32, #tpu.memory_space<hbm>>) dst(%arg14 : memref<64x128xf32, #tpu.memory_space<vmem>>)
      %ge3A = arith.constant 1 : i32
      %ge3A_204 = arith.cmpi sge, %scan3A_197, %ge3A : i32
      %convert_element_type3A = arith.extui %ge3A_204 : i1 to i32
      %cond3A = arith.constant 0 : i32
      %cond3A_205 = arith.cmpi ne, %convert_element_type3A, %cond3A : i32
      scf.if %cond3A_205 {
        %dma_wait3A_299 = arith.constant 0 : i32
        %dma_wait3A_300 = arith.constant 0 : i32
        %dma_wait3A_301 = tpu.memref_slice %arg18[%dma_wait3A_299, %dma_wait3A_300] : memref<10112x128xf32, #tpu.memory_space<vmem_shared>> -> memref<10112x128xf32, #tpu.memory_space<vmem_shared>>
        tpu.wait_indirect_dma semaphore(%arg27 : memref<!tpu.dma_semaphore, #tpu.memory_space<semaphore_mem>>) src(%arg16 : memref<64x128xf32, #tpu.memory_space<vmem>>) dst(%dma_wait3A_301 : memref<10112x128xf32, #tpu.memory_space<vmem_shared>>)
      } else {
      }
      %dma_start3A_206 = arith.constant 0 : i32
      %dma_start3A_207 = arith.constant 0 : i32
      %dma_start3A_208 = tpu.memref_slice %arg18[%dma_start3A_206, %dma_start3A_207] : memref<10112x128xf32, #tpu.memory_space<vmem_shared>> -> memref<10112x128xf32, #tpu.memory_space<vmem_shared>>
      tpu.enqueue_indirect_dma source(%arg14 : memref<64x128xf32, #tpu.memory_space<vmem>>) target(%dma_start3A_208 : memref<10112x128xf32, #tpu.memory_space<vmem_shared>>) offsets(%arg10 : memref<64xi32, #tpu.memory_space<vmem>>) semaphore(%arg27 : memref<!tpu.dma_semaphore, #tpu.memory_space<semaphore_mem>>) {add = true}
      %add3A_209 = arith.constant 2 : i32
      %add3A_210 = arith.addi %add3A_200, %add3A_209 : i32
      %lt3A = arith.constant 316 : i32
      %lt3A_211 = arith.cmpi slt, %add3A_210, %lt3A : i32
      %convert_element_type3A_212 = arith.extui %lt3A_211 : i1 to i32
      %cond3A_213 = arith.constant 0 : i32
      %cond3A_214 = arith.cmpi ne, %convert_element_type3A_212, %cond3A_213 : i32
      scf.if %cond3A_214 {
        %add3A_299 = arith.constant 2 : i32
        %add3A_300 = arith.addi %add3A_200, %add3A_299 : i32
        %dma_wait3A_301 = arith.constant 0 : i32
        %dma_wait3A_302 = tpu.memref_slice %arg3[%arg0, %arg1, %add3A_300, %dma_wait3A_301] : memref<2x16x316x64xi32, #tpu.memory_space<hbm>> -> memref<1x1x1x64xi32, #tpu.memory_space<hbm>>
        %dma_wait3A_303 = tpu.memref_squeeze %dma_wait3A_302 : memref<1x1x1x64xi32, #tpu.memory_space<hbm>> -> memref<64xi32, #tpu.memory_space<hbm>>
        %dma_wait3A_304 = arith.constant 0 : i32
        %dma_wait3A_305 = tpu.memref_slice %arg3[%arg0, %arg1, %add3A_300, %dma_wait3A_304] : memref<2x16x316x64xi32, #tpu.memory_space<hbm>> -> memref<1x1x1x64xi32, #tpu.memory_space<hbm>>
        %dma_wait3A_306 = tpu.memref_squeeze %dma_wait3A_305 : memref<1x1x1x64xi32, #tpu.memory_space<hbm>> -> memref<64xi32, #tpu.memory_space<hbm>>
        tpu.wait_dma2 semaphore(%arg21 : memref<!tpu.dma_semaphore, #tpu.memory_space<semaphore_mem>>) src(%dma_wait3A_306 : memref<64xi32, #tpu.memory_space<hbm>>) dst(%arg8 : memref<64xi32, #tpu.memory_space<vmem>>)
        %get3A_307 = arith.constant 0 : index
        %get3A_308 = tpu.vector_load %arg8[%get3A_307] {strides = array<i32>} : memref<64xi32, #tpu.memory_space<vmem>>, vector<16xi32>,
        %get3A_309 = vector.shape_cast %get3A_308 : vector<16xi32> to vector<16xi32>
        %shift_right_arithmetic3A_310 = arith.constant 16 : i32
        %shift_right_arithmetic3A_311 = vector.broadcast %shift_right_arithmetic3A_310 : i32 to vector<16xi32>
        %shift_right_arithmetic3A_312 = arith.shrsi %get3A_309, %shift_right_arithmetic3A_311 : vector<16xi32>
        %swap3A_313 = arith.constant 0 : index
        %swap3A_314 = tpu.vector_load %arg12[%swap3A_313] {strides = array<i32>} : memref<64xi32, #tpu.memory_space<vmem>>, vector<16xi32>,
        %swap3A_315 = vector.shape_cast %swap3A_314 : vector<16xi32> to vector<16xi32>
        %swap3A_316 = vector.shape_cast %shift_right_arithmetic3A_312 : vector<16xi32> to vector<16xi32>
        tpu.vector_store %arg12[%swap3A_313], %swap3A_316 {strides = array<i32>} : memref<64xi32, #tpu.memory_space<vmem>>, vector<16xi32>,
        %and3A_317 = arith.constant 65535 : i32
        %and3A_318 = vector.broadcast %and3A_317 : i32 to vector<16xi32>
        %and3A_319 = arith.andi %get3A_309, %and3A_318 : vector<16xi32>
        %swap3A_320 = arith.constant 0 : index
        %swap3A_321 = tpu.vector_load %arg8[%swap3A_320] {strides = array<i32>} : memref<64xi32, #tpu.memory_space<vmem>>, vector<16xi32>,
        %swap3A_322 = vector.shape_cast %swap3A_321 : vector<16xi32> to vector<16xi32>
        %swap3A_323 = vector.shape_cast %and3A_319 : vector<16xi32> to vector<16xi32>
        tpu.vector_store %arg8[%swap3A_320], %swap3A_323 {strides = array<i32>} : memref<64xi32, #tpu.memory_space<vmem>>, vector<16xi32>,
        %get3A_324 = arith.constant 16 : index
        %get3A_325 = tpu.vector_load %arg8[%get3A_324] {strides = array<i32>} : memref<64xi32, #tpu.memory_space<vmem>>, vector<16xi32>,
        %get3A_326 = vector.shape_cast %get3A_325 : vector<16xi32> to vector<16xi32>
        %shift_right_arithmetic3A_327 = arith.constant 16 : i32
        %shift_right_arithmetic3A_328 = vector.broadcast %shift_right_arithmetic3A_327 : i32 to vector<16xi32>
        %shift_right_arithmetic3A_329 = arith.shrsi %get3A_326, %shift_right_arithmetic3A_328 : vector<16xi32>
        %swap3A_330 = arith.constant 16 : index
        %swap3A_331 = tpu.vector_load %arg12[%swap3A_330] {strides = array<i32>} : memref<64xi32, #tpu.memory_space<vmem>>, vector<16xi32>,
        %swap3A_332 = vector.shape_cast %swap3A_331 : vector<16xi32> to vector<16xi32>
        %swap3A_333 = vector.shape_cast %shift_right_arithmetic3A_329 : vector<16xi32> to vector<16xi32>
        tpu.vector_store %arg12[%swap3A_330], %swap3A_333 {strides = array<i32>} : memref<64xi32, #tpu.memory_space<vmem>>, vector<16xi32>,
        %and3A_334 = arith.constant 65535 : i32
        %and3A_335 = vector.broadcast %and3A_334 : i32 to vector<16xi32>
        %and3A_336 = arith.andi %get3A_326, %and3A_335 : vector<16xi32>
        %swap3A_337 = arith.constant 16 : index
        %swap3A_338 = tpu.vector_load %arg8[%swap3A_337] {strides = array<i32>} : memref<64xi32, #tpu.memory_space<vmem>>, vector<16xi32>,
        %swap3A_339 = vector.shape_cast %swap3A_338 : vector<16xi32> to vector<16xi32>
        %swap3A_340 = vector.shape_cast %and3A_336 : vector<16xi32> to vector<16xi32>
        tpu.vector_store %arg8[%swap3A_337], %swap3A_340 {strides = array<i32>} : memref<64xi32, #tpu.memory_space<vmem>>, vector<16xi32>,
        %get3A_341 = arith.constant 32 : index
        %get3A_342 = tpu.vector_load %arg8[%get3A_341] {strides = array<i32>} : memref<64xi32, #tpu.memory_space<vmem>>, vector<16xi32>,
        %get3A_343 = vector.shape_cast %get3A_342 : vector<16xi32> to vector<16xi32>
        %shift_right_arithmetic3A_344 = arith.constant 16 : i32
        %shift_right_arithmetic3A_345 = vector.broadcast %shift_right_arithmetic3A_344 : i32 to vector<16xi32>
        %shift_right_arithmetic3A_346 = arith.shrsi %get3A_343, %shift_right_arithmetic3A_345 : vector<16xi32>
        %swap3A_347 = arith.constant 32 : index
        %swap3A_348 = tpu.vector_load %arg12[%swap3A_347] {strides = array<i32>} : memref<64xi32, #tpu.memory_space<vmem>>, vector<16xi32>,
        %swap3A_349 = vector.shape_cast %swap3A_348 : vector<16xi32> to vector<16xi32>
        %swap3A_350 = vector.shape_cast %shift_right_arithmetic3A_346 : vector<16xi32> to vector<16xi32>
        tpu.vector_store %arg12[%swap3A_347], %swap3A_350 {strides = array<i32>} : memref<64xi32, #tpu.memory_space<vmem>>, vector<16xi32>,
        %and3A_351 = arith.constant 65535 : i32
        %and3A_352 = vector.broadcast %and3A_351 : i32 to vector<16xi32>
        %and3A_353 = arith.andi %get3A_343, %and3A_352 : vector<16xi32>
        %swap3A_354 = arith.constant 32 : index
        %swap3A_355 = tpu.vector_load %arg8[%swap3A_354] {strides = array<i32>} : memref<64xi32, #tpu.memory_space<vmem>>, vector<16xi32>,
        %swap3A_356 = vector.shape_cast %swap3A_355 : vector<16xi32> to vector<16xi32>
        %swap3A_357 = vector.shape_cast %and3A_353 : vector<16xi32> to vector<16xi32>
        tpu.vector_store %arg8[%swap3A_354], %swap3A_357 {strides = array<i32>} : memref<64xi32, #tpu.memory_space<vmem>>, vector<16xi32>,
        %get3A_358 = arith.constant 48 : index
        %get3A_359 = tpu.vector_load %arg8[%get3A_358] {strides = array<i32>} : memref<64xi32, #tpu.memory_space<vmem>>, vector<16xi32>,
        %get3A_360 = vector.shape_cast %get3A_359 : vector<16xi32> to vector<16xi32>
        %shift_right_arithmetic3A_361 = arith.constant 16 : i32
        %shift_right_arithmetic3A_362 = vector.broadcast %shift_right_arithmetic3A_361 : i32 to vector<16xi32>
        %shift_right_arithmetic3A_363 = arith.shrsi %get3A_360, %shift_right_arithmetic3A_362 : vector<16xi32>
        %swap3A_364 = arith.constant 48 : index
        %swap3A_365 = tpu.vector_load %arg12[%swap3A_364] {strides = array<i32>} : memref<64xi32, #tpu.memory_space<vmem>>, vector<16xi32>,
        %swap3A_366 = vector.shape_cast %swap3A_365 : vector<16xi32> to vector<16xi32>
        %swap3A_367 = vector.shape_cast %shift_right_arithmetic3A_363 : vector<16xi32> to vector<16xi32>
        tpu.vector_store %arg12[%swap3A_364], %swap3A_367 {strides = array<i32>} : memref<64xi32, #tpu.memory_space<vmem>>, vector<16xi32>,
        %and3A_368 = arith.constant 65535 : i32
        %and3A_369 = vector.broadcast %and3A_368 : i32 to vector<16xi32>
        %and3A_370 = arith.andi %get3A_360, %and3A_369 : vector<16xi32>
        %swap3A_371 = arith.constant 48 : index
        %swap3A_372 = tpu.vector_load %arg8[%swap3A_371] {strides = array<i32>} : memref<64xi32, #tpu.memory_space<vmem>>, vector<16xi32>,
        %swap3A_373 = vector.shape_cast %swap3A_372 : vector<16xi32> to vector<16xi32>
        %swap3A_374 = vector.shape_cast %and3A_370 : vector<16xi32> to vector<16xi32>
        tpu.vector_store %arg8[%swap3A_371], %swap3A_374 {strides = array<i32>} : memref<64xi32, #tpu.memory_space<vmem>>, vector<16xi32>,
        %dma_start3A_375 = arith.constant 0 : i32
        %dma_start3A_376 = arith.constant 0 : i32
        %dma_start3A_377 = tpu.memref_slice %arg2[%dma_start3A_375, %dma_start3A_376] : memref<20000x128xf32, #tpu.memory_space<hbm>> -> memref<20000x128xf32, #tpu.memory_space<hbm>>
        tpu.enqueue_indirect_dma source(%dma_start3A_377 : memref<20000x128xf32, #tpu.memory_space<hbm>>) target(%arg16 : memref<64x128xf32, #tpu.memory_space<vmem>>) offsets(%arg8 : memref<64xi32, #tpu.memory_space<vmem>>) semaphore(%arg25 : memref<!tpu.dma_semaphore, #tpu.memory_space<semaphore_mem>>)
      } else {
      }
      %add3A_215 = arith.constant 4 : i32
      %add3A_216 = arith.addi %add3A_200, %add3A_215 : i32
      %lt3A_217 = arith.constant 316 : i32
      %lt3A_218 = arith.cmpi slt, %add3A_216, %lt3A_217 : i32
      %convert_element_type3A_219 = arith.extui %lt3A_218 : i1 to i32
      %cond3A_220 = arith.constant 0 : i32
      %cond3A_221 = arith.cmpi ne, %convert_element_type3A_219, %cond3A_220 : i32
      scf.if %cond3A_221 {
        %add3A_299 = arith.constant 4 : i32
        %add3A_300 = arith.addi %add3A_200, %add3A_299 : i32
        %dma_start3A_301 = arith.constant 0 : i32
        %dma_start3A_302 = tpu.memref_slice %arg3[%arg0, %arg1, %add3A_300, %dma_start3A_301] : memref<2x16x316x64xi32, #tpu.memory_space<hbm>> -> memref<1x1x1x64xi32, #tpu.memory_space<hbm>>
        %dma_start3A_303 = tpu.memref_squeeze %dma_start3A_302 : memref<1x1x1x64xi32, #tpu.memory_space<hbm>> -> memref<64xi32, #tpu.memory_space<hbm>>
        %dma_start3A_304 = arith.constant 0 : i32
        %dma_start3A_305 = tpu.memref_slice %arg3[%arg0, %arg1, %add3A_300, %dma_start3A_304] : memref<2x16x316x64xi32, #tpu.memory_space<hbm>> -> memref<1x1x1x64xi32, #tpu.memory_space<hbm>>
        %dma_start3A_306 = tpu.memref_squeeze %dma_start3A_305 : memref<1x1x1x64xi32, #tpu.memory_space<hbm>> -> memref<64xi32, #tpu.memory_space<hbm>>
        tpu.enqueue_dma source(%dma_start3A_306 : memref<64xi32, #tpu.memory_space<hbm>>) target(%arg6 : memref<64xi32, #tpu.memory_space<vmem>>) target_semaphore(%arg19 : memref<!tpu.dma_semaphore, #tpu.memory_space<semaphore_mem>>)
      } else {
      }
      %add3A_222 = arith.constant 1 : i32
      %add3A_223 = arith.addi %mul3A_199, %add3A_222 : i32
      %dma_wait3A_224 = arith.constant 0 : i32
      %dma_wait3A_225 = arith.constant 0 : i32
      %dma_wait3A_226 = tpu.memref_slice %arg2[%dma_wait3A_224, %dma_wait3A_225] : memref<20000x128xf32, #tpu.memory_space<hbm>> -> memref<20000x128xf32, #tpu.memory_space<hbm>>
      tpu.wait_indirect_dma semaphore(%arg24 : memref<!tpu.dma_semaphore, #tpu.memory_space<semaphore_mem>>) src(%dma_wait3A_226 : memref<20000x128xf32, #tpu.memory_space<hbm>>) dst(%arg15 : memref<64x128xf32, #tpu.memory_space<vmem>>)
      %ge3A_227 = arith.constant 1 : i32
      %ge3A_228 = arith.cmpi sge, %scan3A_197, %ge3A_227 : i32
      %convert_element_type3A_229 = arith.extui %ge3A_228 : i1 to i32
      %cond3A_230 = arith.constant 0 : i32
      %cond3A_231 = arith.cmpi ne, %convert_element_type3A_229, %cond3A_230 : i32
      scf.if %cond3A_231 {
        %dma_wait3A_299 = arith.constant 0 : i32
        %dma_wait3A_300 = arith.constant 0 : i32
        %dma_wait3A_301 = tpu.memref_slice %arg18[%dma_wait3A_299, %dma_wait3A_300] : memref<10112x128xf32, #tpu.memory_space<vmem_shared>> -> memref<10112x128xf32, #tpu.memory_space<vmem_shared>>
        tpu.wait_indirect_dma semaphore(%arg28 : memref<!tpu.dma_semaphore, #tpu.memory_space<semaphore_mem>>) src(%arg17 : memref<64x128xf32, #tpu.memory_space<vmem>>) dst(%dma_wait3A_301 : memref<10112x128xf32, #tpu.memory_space<vmem_shared>>)
      } else {
      }
      %dma_start3A_232 = arith.constant 0 : i32
      %dma_start3A_233 = arith.constant 0 : i32
      %dma_start3A_234 = tpu.memref_slice %arg18[%dma_start3A_232, %dma_start3A_233] : memref<10112x128xf32, #tpu.memory_space<vmem_shared>> -> memref<10112x128xf32, #tpu.memory_space<vmem_shared>>
      tpu.enqueue_indirect_dma source(%arg15 : memref<64x128xf32, #tpu.memory_space<vmem>>) target(%dma_start3A_234 : memref<10112x128xf32, #tpu.memory_space<vmem_shared>>) offsets(%arg11 : memref<64xi32, #tpu.memory_space<vmem>>) semaphore(%arg28 : memref<!tpu.dma_semaphore, #tpu.memory_space<semaphore_mem>>) {add = true}
      %add3A_235 = arith.constant 2 : i32
      %add3A_236 = arith.addi %add3A_223, %add3A_235 : i32
      %lt3A_237 = arith.constant 316 : i32
      %lt3A_238 = arith.cmpi slt, %add3A_236, %lt3A_237 : i32
      %convert_element_type3A_239 = arith.extui %lt3A_238 : i1 to i32
      %cond3A_240 = arith.constant 0 : i32
      %cond3A_241 = arith.cmpi ne, %convert_element_type3A_239, %cond3A_240 : i32
      scf.if %cond3A_241 {
        %add3A_299 = arith.constant 2 : i32
        %add3A_300 = arith.addi %add3A_223, %add3A_299 : i32
        %dma_wait3A_301 = arith.constant 0 : i32
        %dma_wait3A_302 = tpu.memref_slice %arg3[%arg0, %arg1, %add3A_300, %dma_wait3A_301] : memref<2x16x316x64xi32, #tpu.memory_space<hbm>> -> memref<1x1x1x64xi32, #tpu.memory_space<hbm>>
        %dma_wait3A_303 = tpu.memref_squeeze %dma_wait3A_302 : memref<1x1x1x64xi32, #tpu.memory_space<hbm>> -> memref<64xi32, #tpu.memory_space<hbm>>
        %dma_wait3A_304 = arith.constant 0 : i32
        %dma_wait3A_305 = tpu.memref_slice %arg3[%arg0, %arg1, %add3A_300, %dma_wait3A_304] : memref<2x16x316x64xi32, #tpu.memory_space<hbm>> -> memref<1x1x1x64xi32, #tpu.memory_space<hbm>>
        %dma_wait3A_306 = tpu.memref_squeeze %dma_wait3A_305 : memref<1x1x1x64xi32, #tpu.memory_space<hbm>> -> memref<64xi32, #tpu.memory_space<hbm>>
        tpu.wait_dma2 semaphore(%arg22 : memref<!tpu.dma_semaphore, #tpu.memory_space<semaphore_mem>>) src(%dma_wait3A_306 : memref<64xi32, #tpu.memory_space<hbm>>) dst(%arg9 : memref<64xi32, #tpu.memory_space<vmem>>)
        %get3A_307 = arith.constant 0 : index
        %get3A_308 = tpu.vector_load %arg9[%get3A_307] {strides = array<i32>} : memref<64xi32, #tpu.memory_space<vmem>>, vector<16xi32>,
        %get3A_309 = vector.shape_cast %get3A_308 : vector<16xi32> to vector<16xi32>
        %shift_right_arithmetic3A_310 = arith.constant 16 : i32
        %shift_right_arithmetic3A_311 = vector.broadcast %shift_right_arithmetic3A_310 : i32 to vector<16xi32>
        %shift_right_arithmetic3A_312 = arith.shrsi %get3A_309, %shift_right_arithmetic3A_311 : vector<16xi32>
        %swap3A_313 = arith.constant 0 : index
        %swap3A_314 = tpu.vector_load %arg13[%swap3A_313] {strides = array<i32>} : memref<64xi32, #tpu.memory_space<vmem>>, vector<16xi32>,
        %swap3A_315 = vector.shape_cast %swap3A_314 : vector<16xi32> to vector<16xi32>
        %swap3A_316 = vector.shape_cast %shift_right_arithmetic3A_312 : vector<16xi32> to vector<16xi32>
        tpu.vector_store %arg13[%swap3A_313], %swap3A_316 {strides = array<i32>} : memref<64xi32, #tpu.memory_space<vmem>>, vector<16xi32>,
        %and3A_317 = arith.constant 65535 : i32
        %and3A_318 = vector.broadcast %and3A_317 : i32 to vector<16xi32>
        %and3A_319 = arith.andi %get3A_309, %and3A_318 : vector<16xi32>
        %swap3A_320 = arith.constant 0 : index
        %swap3A_321 = tpu.vector_load %arg9[%swap3A_320] {strides = array<i32>} : memref<64xi32, #tpu.memory_space<vmem>>, vector<16xi32>,
        %swap3A_322 = vector.shape_cast %swap3A_321 : vector<16xi32> to vector<16xi32>
        %swap3A_323 = vector.shape_cast %and3A_319 : vector<16xi32> to vector<16xi32>
        tpu.vector_store %arg9[%swap3A_320], %swap3A_323 {strides = array<i32>} : memref<64xi32, #tpu.memory_space<vmem>>, vector<16xi32>,
        %get3A_324 = arith.constant 16 : index
        %get3A_325 = tpu.vector_load %arg9[%get3A_324] {strides = array<i32>} : memref<64xi32, #tpu.memory_space<vmem>>, vector<16xi32>,
        %get3A_326 = vector.shape_cast %get3A_325 : vector<16xi32> to vector<16xi32>
        %shift_right_arithmetic3A_327 = arith.constant 16 : i32
        %shift_right_arithmetic3A_328 = vector.broadcast %shift_right_arithmetic3A_327 : i32 to vector<16xi32>
        %shift_right_arithmetic3A_329 = arith.shrsi %get3A_326, %shift_right_arithmetic3A_328 : vector<16xi32>
        %swap3A_330 = arith.constant 16 : index
        %swap3A_331 = tpu.vector_load %arg13[%swap3A_330] {strides = array<i32>} : memref<64xi32, #tpu.memory_space<vmem>>, vector<16xi32>,
        %swap3A_332 = vector.shape_cast %swap3A_331 : vector<16xi32> to vector<16xi32>
        %swap3A_333 = vector.shape_cast %shift_right_arithmetic3A_329 : vector<16xi32> to vector<16xi32>
        tpu.vector_store %arg13[%swap3A_330], %swap3A_333 {strides = array<i32>} : memref<64xi32, #tpu.memory_space<vmem>>, vector<16xi32>,
        %and3A_334 = arith.constant 65535 : i32
        %and3A_335 = vector.broadcast %and3A_334 : i32 to vector<16xi32>
        %and3A_336 = arith.andi %get3A_326, %and3A_335 : vector<16xi32>
        %swap3A_337 = arith.constant 16 : index
        %swap3A_338 = tpu.vector_load %arg9[%swap3A_337] {strides = array<i32>} : memref<64xi32, #tpu.memory_space<vmem>>, vector<16xi32>,
        %swap3A_339 = vector.shape_cast %swap3A_338 : vector<16xi32> to vector<16xi32>
        %swap3A_340 = vector.shape_cast %and3A_336 : vector<16xi32> to vector<16xi32>
        tpu.vector_store %arg9[%swap3A_337], %swap3A_340 {strides = array<i32>} : memref<64xi32, #tpu.memory_space<vmem>>, vector<16xi32>,
        %get3A_341 = arith.constant 32 : index
        %get3A_342 = tpu.vector_load %arg9[%get3A_341] {strides = array<i32>} : memref<64xi32, #tpu.memory_space<vmem>>, vector<16xi32>,
        %get3A_343 = vector.shape_cast %get3A_342 : vector<16xi32> to vector<16xi32>
        %shift_right_arithmetic3A_344 = arith.constant 16 : i32
        %shift_right_arithmetic3A_345 = vector.broadcast %shift_right_arithmetic3A_344 : i32 to vector<16xi32>
        %shift_right_arithmetic3A_346 = arith.shrsi %get3A_343, %shift_right_arithmetic3A_345 : vector<16xi32>
        %swap3A_347 = arith.constant 32 : index
        %swap3A_348 = tpu.vector_load %arg13[%swap3A_347] {strides = array<i32>} : memref<64xi32, #tpu.memory_space<vmem>>, vector<16xi32>,
        %swap3A_349 = vector.shape_cast %swap3A_348 : vector<16xi32> to vector<16xi32>
        %swap3A_350 = vector.shape_cast %shift_right_arithmetic3A_346 : vector<16xi32> to vector<16xi32>
        tpu.vector_store %arg13[%swap3A_347], %swap3A_350 {strides = array<i32>} : memref<64xi32, #tpu.memory_space<vmem>>, vector<16xi32>,
        %and3A_351 = arith.constant 65535 : i32
        %and3A_352 = vector.broadcast %and3A_351 : i32 to vector<16xi32>
        %and3A_353 = arith.andi %get3A_343, %and3A_352 : vector<16xi32>
        %swap3A_354 = arith.constant 32 : index
        %swap3A_355 = tpu.vector_load %arg9[%swap3A_354] {strides = array<i32>} : memref<64xi32, #tpu.memory_space<vmem>>, vector<16xi32>,
        %swap3A_356 = vector.shape_cast %swap3A_355 : vector<16xi32> to vector<16xi32>
        %swap3A_357 = vector.shape_cast %and3A_353 : vector<16xi32> to vector<16xi32>
        tpu.vector_store %arg9[%swap3A_354], %swap3A_357 {strides = array<i32>} : memref<64xi32, #tpu.memory_space<vmem>>, vector<16xi32>,
        %get3A_358 = arith.constant 48 : index
        %get3A_359 = tpu.vector_load %arg9[%get3A_358] {strides = array<i32>} : memref<64xi32, #tpu.memory_space<vmem>>, vector<16xi32>,
        %get3A_360 = vector.shape_cast %get3A_359 : vector<16xi32> to vector<16xi32>
        %shift_right_arithmetic3A_361 = arith.constant 16 : i32
        %shift_right_arithmetic3A_362 = vector.broadcast %shift_right_arithmetic3A_361 : i32 to vector<16xi32>
        %shift_right_arithmetic3A_363 = arith.shrsi %get3A_360, %shift_right_arithmetic3A_362 : vector<16xi32>
        %swap3A_364 = arith.constant 48 : index
        %swap3A_365 = tpu.vector_load %arg13[%swap3A_364] {strides = array<i32>} : memref<64xi32, #tpu.memory_space<vmem>>, vector<16xi32>,
        %swap3A_366 = vector.shape_cast %swap3A_365 : vector<16xi32> to vector<16xi32>
        %swap3A_367 = vector.shape_cast %shift_right_arithmetic3A_363 : vector<16xi32> to vector<16xi32>
        tpu.vector_store %arg13[%swap3A_364], %swap3A_367 {strides = array<i32>} : memref<64xi32, #tpu.memory_space<vmem>>, vector<16xi32>,
        %and3A_368 = arith.constant 65535 : i32
        %and3A_369 = vector.broadcast %and3A_368 : i32 to vector<16xi32>
        %and3A_370 = arith.andi %get3A_360, %and3A_369 : vector<16xi32>
        %swap3A_371 = arith.constant 48 : index
        %swap3A_372 = tpu.vector_load %arg9[%swap3A_371] {strides = array<i32>} : memref<64xi32, #tpu.memory_space<vmem>>, vector<16xi32>,
        %swap3A_373 = vector.shape_cast %swap3A_372 : vector<16xi32> to vector<16xi32>
        %swap3A_374 = vector.shape_cast %and3A_370 : vector<16xi32> to vector<16xi32>
        tpu.vector_store %arg9[%swap3A_371], %swap3A_374 {strides = array<i32>} : memref<64xi32, #tpu.memory_space<vmem>>, vector<16xi32>,
        %dma_start3A_375 = arith.constant 0 : i32
        %dma_start3A_376 = arith.constant 0 : i32
        %dma_start3A_377 = tpu.memref_slice %arg2[%dma_start3A_375, %dma_start3A_376] : memref<20000x128xf32, #tpu.memory_space<hbm>> -> memref<20000x128xf32, #tpu.memory_space<hbm>>
        tpu.enqueue_indirect_dma source(%dma_start3A_377 : memref<20000x128xf32, #tpu.memory_space<hbm>>) target(%arg17 : memref<64x128xf32, #tpu.memory_space<vmem>>) offsets(%arg9 : memref<64xi32, #tpu.memory_space<vmem>>) semaphore(%arg26 : memref<!tpu.dma_semaphore, #tpu.memory_space<semaphore_mem>>)
      } else {
      }
      %add3A_242 = arith.constant 4 : i32
      %add3A_243 = arith.addi %add3A_223, %add3A_242 : i32
      %lt3A_244 = arith.constant 316 : i32
      %lt3A_245 = arith.cmpi slt, %add3A_243, %lt3A_244 : i32
      %convert_element_type3A_246 = arith.extui %lt3A_245 : i1 to i32
      %cond3A_247 = arith.constant 0 : i32
      %cond3A_248 = arith.cmpi ne, %convert_element_type3A_246, %cond3A_247 : i32
      scf.if %cond3A_248 {
        %add3A_299 = arith.constant 4 : i32
        %add3A_300 = arith.addi %add3A_223, %add3A_299 : i32
        %dma_start3A_301 = arith.constant 0 : i32
        %dma_start3A_302 = tpu.memref_slice %arg3[%arg0, %arg1, %add3A_300, %dma_start3A_301] : memref<2x16x316x64xi32, #tpu.memory_space<hbm>> -> memref<1x1x1x64xi32, #tpu.memory_space<hbm>>
        %dma_start3A_303 = tpu.memref_squeeze %dma_start3A_302 : memref<1x1x1x64xi32, #tpu.memory_space<hbm>> -> memref<64xi32, #tpu.memory_space<hbm>>
        %dma_start3A_304 = arith.constant 0 : i32
        %dma_start3A_305 = tpu.memref_slice %arg3[%arg0, %arg1, %add3A_300, %dma_start3A_304] : memref<2x16x316x64xi32, #tpu.memory_space<hbm>> -> memref<1x1x1x64xi32, #tpu.memory_space<hbm>>
        %dma_start3A_306 = tpu.memref_squeeze %dma_start3A_305 : memref<1x1x1x64xi32, #tpu.memory_space<hbm>> -> memref<64xi32, #tpu.memory_space<hbm>>
        tpu.enqueue_dma source(%dma_start3A_306 : memref<64xi32, #tpu.memory_space<hbm>>) target(%arg7 : memref<64xi32, #tpu.memory_space<vmem>>) target_semaphore(%arg20 : memref<!tpu.dma_semaphore, #tpu.memory_space<semaphore_mem>>)
      } else {
      }
      %add3A_249 = arith.constant 2 : i32
      %add3A_250 = arith.addi %mul3A_199, %add3A_249 : i32
      %dma_wait3A_251 = arith.constant 0 : i32
      %dma_wait3A_252 = arith.constant 0 : i32
      %dma_wait3A_253 = tpu.memref_slice %arg2[%dma_wait3A_251, %dma_wait3A_252] : memref<20000x128xf32, #tpu.memory_space<hbm>> -> memref<20000x128xf32, #tpu.memory_space<hbm>>
      tpu.wait_indirect_dma semaphore(%arg25 : memref<!tpu.dma_semaphore, #tpu.memory_space<semaphore_mem>>) src(%dma_wait3A_253 : memref<20000x128xf32, #tpu.memory_space<hbm>>) dst(%arg16 : memref<64x128xf32, #tpu.memory_space<vmem>>)
      %dma_wait3A_254 = arith.constant 0 : i32
      %dma_wait3A_255 = arith.constant 0 : i32
      %dma_wait3A_256 = tpu.memref_slice %arg18[%dma_wait3A_254, %dma_wait3A_255] : memref<10112x128xf32, #tpu.memory_space<vmem_shared>> -> memref<10112x128xf32, #tpu.memory_space<vmem_shared>>
      tpu.wait_indirect_dma semaphore(%arg27 : memref<!tpu.dma_semaphore, #tpu.memory_space<semaphore_mem>>) src(%arg14 : memref<64x128xf32, #tpu.memory_space<vmem>>) dst(%dma_wait3A_256 : memref<10112x128xf32, #tpu.memory_space<vmem_shared>>)
      %dma_start3A_257 = arith.constant 0 : i32
      %dma_start3A_258 = arith.constant 0 : i32
      %dma_start3A_259 = tpu.memref_slice %arg18[%dma_start3A_257, %dma_start3A_258] : memref<10112x128xf32, #tpu.memory_space<vmem_shared>> -> memref<10112x128xf32, #tpu.memory_space<vmem_shared>>
      tpu.enqueue_indirect_dma source(%arg16 : memref<64x128xf32, #tpu.memory_space<vmem>>) target(%dma_start3A_259 : memref<10112x128xf32, #tpu.memory_space<vmem_shared>>) offsets(%arg12 : memref<64xi32, #tpu.memory_space<vmem>>) semaphore(%arg27 : memref<!tpu.dma_semaphore, #tpu.memory_space<semaphore_mem>>) {add = true}
      %add3A_260 = arith.constant 2 : i32
      %add3A_261 = arith.addi %add3A_250, %add3A_260 : i32
      %lt3A_262 = arith.constant 316 : i32
      %lt3A_263 = arith.cmpi slt, %add3A_261, %lt3A_262 : i32
      %convert_element_type3A_264 = arith.extui %lt3A_263 : i1 to i32
      %cond3A_265 = arith.constant 0 : i32
      %cond3A_266 = arith.cmpi ne, %convert_element_type3A_264, %cond3A_265 : i32
      scf.if %cond3A_266 {
        %add3A_299 = arith.constant 2 : i32
        %add3A_300 = arith.addi %add3A_250, %add3A_299 : i32
        %dma_wait3A_301 = arith.constant 0 : i32
        %dma_wait3A_302 = tpu.memref_slice %arg3[%arg0, %arg1, %add3A_300, %dma_wait3A_301] : memref<2x16x316x64xi32, #tpu.memory_space<hbm>> -> memref<1x1x1x64xi32, #tpu.memory_space<hbm>>
        %dma_wait3A_303 = tpu.memref_squeeze %dma_wait3A_302 : memref<1x1x1x64xi32, #tpu.memory_space<hbm>> -> memref<64xi32, #tpu.memory_space<hbm>>
        %dma_wait3A_304 = arith.constant 0 : i32
        %dma_wait3A_305 = tpu.memref_slice %arg3[%arg0, %arg1, %add3A_300, %dma_wait3A_304] : memref<2x16x316x64xi32, #tpu.memory_space<hbm>> -> memref<1x1x1x64xi32, #tpu.memory_space<hbm>>
        %dma_wait3A_306 = tpu.memref_squeeze %dma_wait3A_305 : memref<1x1x1x64xi32, #tpu.memory_space<hbm>> -> memref<64xi32, #tpu.memory_space<hbm>>
        tpu.wait_dma2 semaphore(%arg19 : memref<!tpu.dma_semaphore, #tpu.memory_space<semaphore_mem>>) src(%dma_wait3A_306 : memref<64xi32, #tpu.memory_space<hbm>>) dst(%arg6 : memref<64xi32, #tpu.memory_space<vmem>>)
        %get3A_307 = arith.constant 0 : index
        %get3A_308 = tpu.vector_load %arg6[%get3A_307] {strides = array<i32>} : memref<64xi32, #tpu.memory_space<vmem>>, vector<16xi32>,
        %get3A_309 = vector.shape_cast %get3A_308 : vector<16xi32> to vector<16xi32>
        %shift_right_arithmetic3A_310 = arith.constant 16 : i32
        %shift_right_arithmetic3A_311 = vector.broadcast %shift_right_arithmetic3A_310 : i32 to vector<16xi32>
        %shift_right_arithmetic3A_312 = arith.shrsi %get3A_309, %shift_right_arithmetic3A_311 : vector<16xi32>
        %swap3A_313 = arith.constant 0 : index
        %swap3A_314 = tpu.vector_load %arg10[%swap3A_313] {strides = array<i32>} : memref<64xi32, #tpu.memory_space<vmem>>, vector<16xi32>,
        %swap3A_315 = vector.shape_cast %swap3A_314 : vector<16xi32> to vector<16xi32>
        %swap3A_316 = vector.shape_cast %shift_right_arithmetic3A_312 : vector<16xi32> to vector<16xi32>
        tpu.vector_store %arg10[%swap3A_313], %swap3A_316 {strides = array<i32>} : memref<64xi32, #tpu.memory_space<vmem>>, vector<16xi32>,
        %and3A_317 = arith.constant 65535 : i32
        %and3A_318 = vector.broadcast %and3A_317 : i32 to vector<16xi32>
        %and3A_319 = arith.andi %get3A_309, %and3A_318 : vector<16xi32>
        %swap3A_320 = arith.constant 0 : index
        %swap3A_321 = tpu.vector_load %arg6[%swap3A_320] {strides = array<i32>} : memref<64xi32, #tpu.memory_space<vmem>>, vector<16xi32>,
        %swap3A_322 = vector.shape_cast %swap3A_321 : vector<16xi32> to vector<16xi32>
        %swap3A_323 = vector.shape_cast %and3A_319 : vector<16xi32> to vector<16xi32>
        tpu.vector_store %arg6[%swap3A_320], %swap3A_323 {strides = array<i32>} : memref<64xi32, #tpu.memory_space<vmem>>, vector<16xi32>,
        %get3A_324 = arith.constant 16 : index
        %get3A_325 = tpu.vector_load %arg6[%get3A_324] {strides = array<i32>} : memref<64xi32, #tpu.memory_space<vmem>>, vector<16xi32>,
        %get3A_326 = vector.shape_cast %get3A_325 : vector<16xi32> to vector<16xi32>
        %shift_right_arithmetic3A_327 = arith.constant 16 : i32
        %shift_right_arithmetic3A_328 = vector.broadcast %shift_right_arithmetic3A_327 : i32 to vector<16xi32>
        %shift_right_arithmetic3A_329 = arith.shrsi %get3A_326, %shift_right_arithmetic3A_328 : vector<16xi32>
        %swap3A_330 = arith.constant 16 : index
        %swap3A_331 = tpu.vector_load %arg10[%swap3A_330] {strides = array<i32>} : memref<64xi32, #tpu.memory_space<vmem>>, vector<16xi32>,
        %swap3A_332 = vector.shape_cast %swap3A_331 : vector<16xi32> to vector<16xi32>
        %swap3A_333 = vector.shape_cast %shift_right_arithmetic3A_329 : vector<16xi32> to vector<16xi32>
        tpu.vector_store %arg10[%swap3A_330], %swap3A_333 {strides = array<i32>} : memref<64xi32, #tpu.memory_space<vmem>>, vector<16xi32>,
        %and3A_334 = arith.constant 65535 : i32
        %and3A_335 = vector.broadcast %and3A_334 : i32 to vector<16xi32>
        %and3A_336 = arith.andi %get3A_326, %and3A_335 : vector<16xi32>
        %swap3A_337 = arith.constant 16 : index
        %swap3A_338 = tpu.vector_load %arg6[%swap3A_337] {strides = array<i32>} : memref<64xi32, #tpu.memory_space<vmem>>, vector<16xi32>,
        %swap3A_339 = vector.shape_cast %swap3A_338 : vector<16xi32> to vector<16xi32>
        %swap3A_340 = vector.shape_cast %and3A_336 : vector<16xi32> to vector<16xi32>
        tpu.vector_store %arg6[%swap3A_337], %swap3A_340 {strides = array<i32>} : memref<64xi32, #tpu.memory_space<vmem>>, vector<16xi32>,
        %get3A_341 = arith.constant 32 : index
        %get3A_342 = tpu.vector_load %arg6[%get3A_341] {strides = array<i32>} : memref<64xi32, #tpu.memory_space<vmem>>, vector<16xi32>,
        %get3A_343 = vector.shape_cast %get3A_342 : vector<16xi32> to vector<16xi32>
        %shift_right_arithmetic3A_344 = arith.constant 16 : i32
        %shift_right_arithmetic3A_345 = vector.broadcast %shift_right_arithmetic3A_344 : i32 to vector<16xi32>
        %shift_right_arithmetic3A_346 = arith.shrsi %get3A_343, %shift_right_arithmetic3A_345 : vector<16xi32>
        %swap3A_347 = arith.constant 32 : index
        %swap3A_348 = tpu.vector_load %arg10[%swap3A_347] {strides = array<i32>} : memref<64xi32, #tpu.memory_space<vmem>>, vector<16xi32>,
        %swap3A_349 = vector.shape_cast %swap3A_348 : vector<16xi32> to vector<16xi32>
        %swap3A_350 = vector.shape_cast %shift_right_arithmetic3A_346 : vector<16xi32> to vector<16xi32>
        tpu.vector_store %arg10[%swap3A_347], %swap3A_350 {strides = array<i32>} : memref<64xi32, #tpu.memory_space<vmem>>, vector<16xi32>,
        %and3A_351 = arith.constant 65535 : i32
        %and3A_352 = vector.broadcast %and3A_351 : i32 to vector<16xi32>
        %and3A_353 = arith.andi %get3A_343, %and3A_352 : vector<16xi32>
        %swap3A_354 = arith.constant 32 : index
        %swap3A_355 = tpu.vector_load %arg6[%swap3A_354] {strides = array<i32>} : memref<64xi32, #tpu.memory_space<vmem>>, vector<16xi32>,
        %swap3A_356 = vector.shape_cast %swap3A_355 : vector<16xi32> to vector<16xi32>
        %swap3A_357 = vector.shape_cast %and3A_353 : vector<16xi32> to vector<16xi32>
        tpu.vector_store %arg6[%swap3A_354], %swap3A_357 {strides = array<i32>} : memref<64xi32, #tpu.memory_space<vmem>>, vector<16xi32>,
        %get3A_358 = arith.constant 48 : index
        %get3A_359 = tpu.vector_load %arg6[%get3A_358] {strides = array<i32>} : memref<64xi32, #tpu.memory_space<vmem>>, vector<16xi32>,
        %get3A_360 = vector.shape_cast %get3A_359 : vector<16xi32> to vector<16xi32>
        %shift_right_arithmetic3A_361 = arith.constant 16 : i32
        %shift_right_arithmetic3A_362 = vector.broadcast %shift_right_arithmetic3A_361 : i32 to vector<16xi32>
        %shift_right_arithmetic3A_363 = arith.shrsi %get3A_360, %shift_right_arithmetic3A_362 : vector<16xi32>
        %swap3A_364 = arith.constant 48 : index
        %swap3A_365 = tpu.vector_load %arg10[%swap3A_364] {strides = array<i32>} : memref<64xi32, #tpu.memory_space<vmem>>, vector<16xi32>,
        %swap3A_366 = vector.shape_cast %swap3A_365 : vector<16xi32> to vector<16xi32>
        %swap3A_367 = vector.shape_cast %shift_right_arithmetic3A_363 : vector<16xi32> to vector<16xi32>
        tpu.vector_store %arg10[%swap3A_364], %swap3A_367 {strides = array<i32>} : memref<64xi32, #tpu.memory_space<vmem>>, vector<16xi32>,
        %and3A_368 = arith.constant 65535 : i32
        %and3A_369 = vector.broadcast %and3A_368 : i32 to vector<16xi32>
        %and3A_370 = arith.andi %get3A_360, %and3A_369 : vector<16xi32>
        %swap3A_371 = arith.constant 48 : index
        %swap3A_372 = tpu.vector_load %arg6[%swap3A_371] {strides = array<i32>} : memref<64xi32, #tpu.memory_space<vmem>>, vector<16xi32>,
        %swap3A_373 = vector.shape_cast %swap3A_372 : vector<16xi32> to vector<16xi32>
        %swap3A_374 = vector.shape_cast %and3A_370 : vector<16xi32> to vector<16xi32>
        tpu.vector_store %arg6[%swap3A_371], %swap3A_374 {strides = array<i32>} : memref<64xi32, #tpu.memory_space<vmem>>, vector<16xi32>,
        %dma_start3A_375 = arith.constant 0 : i32
        %dma_start3A_376 = arith.constant 0 : i32
        %dma_start3A_377 = tpu.memref_slice %arg2[%dma_start3A_375, %dma_start3A_376] : memref<20000x128xf32, #tpu.memory_space<hbm>> -> memref<20000x128xf32, #tpu.memory_space<hbm>>
        tpu.enqueue_indirect_dma source(%dma_start3A_377 : memref<20000x128xf32, #tpu.memory_space<hbm>>) target(%arg14 : memref<64x128xf32, #tpu.memory_space<vmem>>) offsets(%arg6 : memref<64xi32, #tpu.memory_space<vmem>>) semaphore(%arg23 : memref<!tpu.dma_semaphore, #tpu.memory_space<semaphore_mem>>)
      } else {
      }
      %add3A_267 = arith.constant 4 : i32
      %add3A_268 = arith.addi %add3A_250, %add3A_267 : i32
      %lt3A_269 = arith.constant 316 : i32
      %lt3A_270 = arith.cmpi slt, %add3A_268, %lt3A_269 : i32
      %convert_element_type3A_271 = arith.extui %lt3A_270 : i1 to i32
      %cond3A_272 = arith.constant 0 : i32
      %cond3A_273 = arith.cmpi ne, %convert_element_type3A_271, %cond3A_272 : i32
      scf.if %cond3A_273 {
        %add3A_299 = arith.constant 4 : i32
        %add3A_300 = arith.addi %add3A_250, %add3A_299 : i32
        %dma_start3A_301 = arith.constant 0 : i32
        %dma_start3A_302 = tpu.memref_slice %arg3[%arg0, %arg1, %add3A_300, %dma_start3A_301] : memref<2x16x316x64xi32, #tpu.memory_space<hbm>> -> memref<1x1x1x64xi32, #tpu.memory_space<hbm>>
        %dma_start3A_303 = tpu.memref_squeeze %dma_start3A_302 : memref<1x1x1x64xi32, #tpu.memory_space<hbm>> -> memref<64xi32, #tpu.memory_space<hbm>>
        %dma_start3A_304 = arith.constant 0 : i32
        %dma_start3A_305 = tpu.memref_slice %arg3[%arg0, %arg1, %add3A_300, %dma_start3A_304] : memref<2x16x316x64xi32, #tpu.memory_space<hbm>> -> memref<1x1x1x64xi32, #tpu.memory_space<hbm>>
        %dma_start3A_306 = tpu.memref_squeeze %dma_start3A_305 : memref<1x1x1x64xi32, #tpu.memory_space<hbm>> -> memref<64xi32, #tpu.memory_space<hbm>>
        tpu.enqueue_dma source(%dma_start3A_306 : memref<64xi32, #tpu.memory_space<hbm>>) target(%arg8 : memref<64xi32, #tpu.memory_space<vmem>>) target_semaphore(%arg21 : memref<!tpu.dma_semaphore, #tpu.memory_space<semaphore_mem>>)
      } else {
      }
      %add3A_274 = arith.constant 3 : i32
      %add3A_275 = arith.addi %mul3A_199, %add3A_274 : i32
      %dma_wait3A_276 = arith.constant 0 : i32
      %dma_wait3A_277 = arith.constant 0 : i32
      %dma_wait3A_278 = tpu.memref_slice %arg2[%dma_wait3A_276, %dma_wait3A_277] : memref<20000x128xf32, #tpu.memory_space<hbm>> -> memref<20000x128xf32, #tpu.memory_space<hbm>>
      tpu.wait_indirect_dma semaphore(%arg26 : memref<!tpu.dma_semaphore, #tpu.memory_space<semaphore_mem>>) src(%dma_wait3A_278 : memref<20000x128xf32, #tpu.memory_space<hbm>>) dst(%arg17 : memref<64x128xf32, #tpu.memory_space<vmem>>)
      %dma_wait3A_279 = arith.constant 0 : i32
      %dma_wait3A_280 = arith.constant 0 : i32
      %dma_wait3A_281 = tpu.memref_slice %arg18[%dma_wait3A_279, %dma_wait3A_280] : memref<10112x128xf32, #tpu.memory_space<vmem_shared>> -> memref<10112x128xf32, #tpu.memory_space<vmem_shared>>
      tpu.wait_indirect_dma semaphore(%arg28 : memref<!tpu.dma_semaphore, #tpu.memory_space<semaphore_mem>>) src(%arg15 : memref<64x128xf32, #tpu.memory_space<vmem>>) dst(%dma_wait3A_281 : memref<10112x128xf32, #tpu.memory_space<vmem_shared>>)
      %dma_start3A_282 = arith.constant 0 : i32
      %dma_start3A_283 = arith.constant 0 : i32
      %dma_start3A_284 = tpu.memref_slice %arg18[%dma_start3A_282, %dma_start3A_283] : memref<10112x128xf32, #tpu.memory_space<vmem_shared>> -> memref<10112x128xf32, #tpu.memory_space<vmem_shared>>
      tpu.enqueue_indirect_dma source(%arg17 : memref<64x128xf32, #tpu.memory_space<vmem>>) target(%dma_start3A_284 : memref<10112x128xf32, #tpu.memory_space<vmem_shared>>) offsets(%arg13 : memref<64xi32, #tpu.memory_space<vmem>>) semaphore(%arg28 : memref<!tpu.dma_semaphore, #tpu.memory_space<semaphore_mem>>) {add = true}
      %add3A_285 = arith.constant 2 : i32
      %add3A_286 = arith.addi %add3A_275, %add3A_285 : i32
      %lt3A_287 = arith.constant 316 : i32
      %lt3A_288 = arith.cmpi slt, %add3A_286, %lt3A_287 : i32
      %convert_element_type3A_289 = arith.extui %lt3A_288 : i1 to i32
      %cond3A_290 = arith.constant 0 : i32
      %cond3A_291 = arith.cmpi ne, %convert_element_type3A_289, %cond3A_290 : i32
      scf.if %cond3A_291 {
        %add3A_299 = arith.constant 2 : i32
        %add3A_300 = arith.addi %add3A_275, %add3A_299 : i32
        %dma_wait3A_301 = arith.constant 0 : i32
        %dma_wait3A_302 = tpu.memref_slice %arg3[%arg0, %arg1, %add3A_300, %dma_wait3A_301] : memref<2x16x316x64xi32, #tpu.memory_space<hbm>> -> memref<1x1x1x64xi32, #tpu.memory_space<hbm>>
        %dma_wait3A_303 = tpu.memref_squeeze %dma_wait3A_302 : memref<1x1x1x64xi32, #tpu.memory_space<hbm>> -> memref<64xi32, #tpu.memory_space<hbm>>
        %dma_wait3A_304 = arith.constant 0 : i32
        %dma_wait3A_305 = tpu.memref_slice %arg3[%arg0, %arg1, %add3A_300, %dma_wait3A_304] : memref<2x16x316x64xi32, #tpu.memory_space<hbm>> -> memref<1x1x1x64xi32, #tpu.memory_space<hbm>>
        %dma_wait3A_306 = tpu.memref_squeeze %dma_wait3A_305 : memref<1x1x1x64xi32, #tpu.memory_space<hbm>> -> memref<64xi32, #tpu.memory_space<hbm>>
        tpu.wait_dma2 semaphore(%arg20 : memref<!tpu.dma_semaphore, #tpu.memory_space<semaphore_mem>>) src(%dma_wait3A_306 : memref<64xi32, #tpu.memory_space<hbm>>) dst(%arg7 : memref<64xi32, #tpu.memory_space<vmem>>)
        %get3A_307 = arith.constant 0 : index
        %get3A_308 = tpu.vector_load %arg7[%get3A_307] {strides = array<i32>} : memref<64xi32, #tpu.memory_space<vmem>>, vector<16xi32>,
        %get3A_309 = vector.shape_cast %get3A_308 : vector<16xi32> to vector<16xi32>
        %shift_right_arithmetic3A_310 = arith.constant 16 : i32
        %shift_right_arithmetic3A_311 = vector.broadcast %shift_right_arithmetic3A_310 : i32 to vector<16xi32>
        %shift_right_arithmetic3A_312 = arith.shrsi %get3A_309, %shift_right_arithmetic3A_311 : vector<16xi32>
        %swap3A_313 = arith.constant 0 : index
        %swap3A_314 = tpu.vector_load %arg11[%swap3A_313] {strides = array<i32>} : memref<64xi32, #tpu.memory_space<vmem>>, vector<16xi32>,
        %swap3A_315 = vector.shape_cast %swap3A_314 : vector<16xi32> to vector<16xi32>
        %swap3A_316 = vector.shape_cast %shift_right_arithmetic3A_312 : vector<16xi32> to vector<16xi32>
        tpu.vector_store %arg11[%swap3A_313], %swap3A_316 {strides = array<i32>} : memref<64xi32, #tpu.memory_space<vmem>>, vector<16xi32>,
        %and3A_317 = arith.constant 65535 : i32
        %and3A_318 = vector.broadcast %and3A_317 : i32 to vector<16xi32>
        %and3A_319 = arith.andi %get3A_309, %and3A_318 : vector<16xi32>
        %swap3A_320 = arith.constant 0 : index
        %swap3A_321 = tpu.vector_load %arg7[%swap3A_320] {strides = array<i32>} : memref<64xi32, #tpu.memory_space<vmem>>, vector<16xi32>,
        %swap3A_322 = vector.shape_cast %swap3A_321 : vector<16xi32> to vector<16xi32>
        %swap3A_323 = vector.shape_cast %and3A_319 : vector<16xi32> to vector<16xi32>
        tpu.vector_store %arg7[%swap3A_320], %swap3A_323 {strides = array<i32>} : memref<64xi32, #tpu.memory_space<vmem>>, vector<16xi32>,
        %get3A_324 = arith.constant 16 : index
        %get3A_325 = tpu.vector_load %arg7[%get3A_324] {strides = array<i32>} : memref<64xi32, #tpu.memory_space<vmem>>, vector<16xi32>,
        %get3A_326 = vector.shape_cast %get3A_325 : vector<16xi32> to vector<16xi32>
        %shift_right_arithmetic3A_327 = arith.constant 16 : i32
        %shift_right_arithmetic3A_328 = vector.broadcast %shift_right_arithmetic3A_327 : i32 to vector<16xi32>
        %shift_right_arithmetic3A_329 = arith.shrsi %get3A_326, %shift_right_arithmetic3A_328 : vector<16xi32>
        %swap3A_330 = arith.constant 16 : index
        %swap3A_331 = tpu.vector_load %arg11[%swap3A_330] {strides = array<i32>} : memref<64xi32, #tpu.memory_space<vmem>>, vector<16xi32>,
        %swap3A_332 = vector.shape_cast %swap3A_331 : vector<16xi32> to vector<16xi32>
        %swap3A_333 = vector.shape_cast %shift_right_arithmetic3A_329 : vector<16xi32> to vector<16xi32>
        tpu.vector_store %arg11[%swap3A_330], %swap3A_333 {strides = array<i32>} : memref<64xi32, #tpu.memory_space<vmem>>, vector<16xi32>,
        %and3A_334 = arith.constant 65535 : i32
        %and3A_335 = vector.broadcast %and3A_334 : i32 to vector<16xi32>
        %and3A_336 = arith.andi %get3A_326, %and3A_335 : vector<16xi32>
        %swap3A_337 = arith.constant 16 : index
        %swap3A_338 = tpu.vector_load %arg7[%swap3A_337] {strides = array<i32>} : memref<64xi32, #tpu.memory_space<vmem>>, vector<16xi32>,
        %swap3A_339 = vector.shape_cast %swap3A_338 : vector<16xi32> to vector<16xi32>
        %swap3A_340 = vector.shape_cast %and3A_336 : vector<16xi32> to vector<16xi32>
        tpu.vector_store %arg7[%swap3A_337], %swap3A_340 {strides = array<i32>} : memref<64xi32, #tpu.memory_space<vmem>>, vector<16xi32>,
        %get3A_341 = arith.constant 32 : index
        %get3A_342 = tpu.vector_load %arg7[%get3A_341] {strides = array<i32>} : memref<64xi32, #tpu.memory_space<vmem>>, vector<16xi32>,
        %get3A_343 = vector.shape_cast %get3A_342 : vector<16xi32> to vector<16xi32>
        %shift_right_arithmetic3A_344 = arith.constant 16 : i32
        %shift_right_arithmetic3A_345 = vector.broadcast %shift_right_arithmetic3A_344 : i32 to vector<16xi32>
        %shift_right_arithmetic3A_346 = arith.shrsi %get3A_343, %shift_right_arithmetic3A_345 : vector<16xi32>
        %swap3A_347 = arith.constant 32 : index
        %swap3A_348 = tpu.vector_load %arg11[%swap3A_347] {strides = array<i32>} : memref<64xi32, #tpu.memory_space<vmem>>, vector<16xi32>,
        %swap3A_349 = vector.shape_cast %swap3A_348 : vector<16xi32> to vector<16xi32>
        %swap3A_350 = vector.shape_cast %shift_right_arithmetic3A_346 : vector<16xi32> to vector<16xi32>
        tpu.vector_store %arg11[%swap3A_347], %swap3A_350 {strides = array<i32>} : memref<64xi32, #tpu.memory_space<vmem>>, vector<16xi32>,
        %and3A_351 = arith.constant 65535 : i32
        %and3A_352 = vector.broadcast %and3A_351 : i32 to vector<16xi32>
        %and3A_353 = arith.andi %get3A_343, %and3A_352 : vector<16xi32>
        %swap3A_354 = arith.constant 32 : index
        %swap3A_355 = tpu.vector_load %arg7[%swap3A_354] {strides = array<i32>} : memref<64xi32, #tpu.memory_space<vmem>>, vector<16xi32>,
        %swap3A_356 = vector.shape_cast %swap3A_355 : vector<16xi32> to vector<16xi32>
        %swap3A_357 = vector.shape_cast %and3A_353 : vector<16xi32> to vector<16xi32>
        tpu.vector_store %arg7[%swap3A_354], %swap3A_357 {strides = array<i32>} : memref<64xi32, #tpu.memory_space<vmem>>, vector<16xi32>,
        %get3A_358 = arith.constant 48 : index
        %get3A_359 = tpu.vector_load %arg7[%get3A_358] {strides = array<i32>} : memref<64xi32, #tpu.memory_space<vmem>>, vector<16xi32>,
        %get3A_360 = vector.shape_cast %get3A_359 : vector<16xi32> to vector<16xi32>
        %shift_right_arithmetic3A_361 = arith.constant 16 : i32
        %shift_right_arithmetic3A_362 = vector.broadcast %shift_right_arithmetic3A_361 : i32 to vector<16xi32>
        %shift_right_arithmetic3A_363 = arith.shrsi %get3A_360, %shift_right_arithmetic3A_362 : vector<16xi32>
        %swap3A_364 = arith.constant 48 : index
        %swap3A_365 = tpu.vector_load %arg11[%swap3A_364] {strides = array<i32>} : memref<64xi32, #tpu.memory_space<vmem>>, vector<16xi32>,
        %swap3A_366 = vector.shape_cast %swap3A_365 : vector<16xi32> to vector<16xi32>
        %swap3A_367 = vector.shape_cast %shift_right_arithmetic3A_363 : vector<16xi32> to vector<16xi32>
        tpu.vector_store %arg11[%swap3A_364], %swap3A_367 {strides = array<i32>} : memref<64xi32, #tpu.memory_space<vmem>>, vector<16xi32>,
        %and3A_368 = arith.constant 65535 : i32
        %and3A_369 = vector.broadcast %and3A_368 : i32 to vector<16xi32>
        %and3A_370 = arith.andi %get3A_360, %and3A_369 : vector<16xi32>
        %swap3A_371 = arith.constant 48 : index
        %swap3A_372 = tpu.vector_load %arg7[%swap3A_371] {strides = array<i32>} : memref<64xi32, #tpu.memory_space<vmem>>, vector<16xi32>,
        %swap3A_373 = vector.shape_cast %swap3A_372 : vector<16xi32> to vector<16xi32>
        %swap3A_374 = vector.shape_cast %and3A_370 : vector<16xi32> to vector<16xi32>
        tpu.vector_store %arg7[%swap3A_371], %swap3A_374 {strides = array<i32>} : memref<64xi32, #tpu.memory_space<vmem>>, vector<16xi32>,
        %dma_start3A_375 = arith.constant 0 : i32
        %dma_start3A_376 = arith.constant 0 : i32
        %dma_start3A_377 = tpu.memref_slice %arg2[%dma_start3A_375, %dma_start3A_376] : memref<20000x128xf32, #tpu.memory_space<hbm>> -> memref<20000x128xf32, #tpu.memory_space<hbm>>
        tpu.enqueue_indirect_dma source(%dma_start3A_377 : memref<20000x128xf32, #tpu.memory_space<hbm>>) target(%arg15 : memref<64x128xf32, #tpu.memory_space<vmem>>) offsets(%arg7 : memref<64xi32, #tpu.memory_space<vmem>>) semaphore(%arg24 : memref<!tpu.dma_semaphore, #tpu.memory_space<semaphore_mem>>)
      } else {
      }
      %add3A_292 = arith.constant 4 : i32
      %add3A_293 = arith.addi %add3A_275, %add3A_292 : i32
      %lt3A_294 = arith.constant 316 : i32
      %lt3A_295 = arith.cmpi slt, %add3A_293, %lt3A_294 : i32
      %convert_element_type3A_296 = arith.extui %lt3A_295 : i1 to i32
      %cond3A_297 = arith.constant 0 : i32
      %cond3A_298 = arith.cmpi ne, %convert_element_type3A_296, %cond3A_297 : i32
      scf.if %cond3A_298 {
        %add3A_299 = arith.constant 4 : i32
        %add3A_300 = arith.addi %add3A_275, %add3A_299 : i32
        %dma_start3A_301 = arith.constant 0 : i32
        %dma_start3A_302 = tpu.memref_slice %arg3[%arg0, %arg1, %add3A_300, %dma_start3A_301] : memref<2x16x316x64xi32, #tpu.memory_space<hbm>> -> memref<1x1x1x64xi32, #tpu.memory_space<hbm>>
        %dma_start3A_303 = tpu.memref_squeeze %dma_start3A_302 : memref<1x1x1x64xi32, #tpu.memory_space<hbm>> -> memref<64xi32, #tpu.memory_space<hbm>>
        %dma_start3A_304 = arith.constant 0 : i32
        %dma_start3A_305 = tpu.memref_slice %arg3[%arg0, %arg1, %add3A_300, %dma_start3A_304] : memref<2x16x316x64xi32, #tpu.memory_space<hbm>> -> memref<1x1x1x64xi32, #tpu.memory_space<hbm>>
        %dma_start3A_306 = tpu.memref_squeeze %dma_start3A_305 : memref<1x1x1x64xi32, #tpu.memory_space<hbm>> -> memref<64xi32, #tpu.memory_space<hbm>>
        tpu.enqueue_dma source(%dma_start3A_306 : memref<64xi32, #tpu.memory_space<hbm>>) target(%arg9 : memref<64xi32, #tpu.memory_space<vmem>>) target_semaphore(%arg22 : memref<!tpu.dma_semaphore, #tpu.memory_space<semaphore_mem>>)
      } else {
      }
    }
    %scan3A_185 = arith.constant 79 : i32
    %dma_wait3A_186 = arith.constant 0 : i32
    %dma_wait3A_187 = arith.constant 0 : i32
    %dma_wait3A_188 = tpu.memref_slice %arg18[%dma_wait3A_186, %dma_wait3A_187] : memref<10112x128xf32, #tpu.memory_space<vmem_shared>> -> memref<10112x128xf32, #tpu.memory_space<vmem_shared>>
    tpu.wait_indirect_dma semaphore(%arg27 : memref<!tpu.dma_semaphore, #tpu.memory_space<semaphore_mem>>) src(%arg16 : memref<64x128xf32, #tpu.memory_space<vmem>>) dst(%dma_wait3A_188 : memref<10112x128xf32, #tpu.memory_space<vmem_shared>>)
    %dma_wait3A_189 = arith.constant 0 : i32
    %dma_wait3A_190 = arith.constant 0 : i32
    %dma_wait3A_191 = tpu.memref_slice %arg18[%dma_wait3A_189, %dma_wait3A_190] : memref<10112x128xf32, #tpu.memory_space<vmem_shared>> -> memref<10112x128xf32, #tpu.memory_space<vmem_shared>>
    tpu.wait_indirect_dma semaphore(%arg28 : memref<!tpu.dma_semaphore, #tpu.memory_space<semaphore_mem>>) src(%arg17 : memref<64x128xf32, #tpu.memory_space<vmem>>) dst(%dma_wait3A_191 : memref<10112x128xf32, #tpu.memory_space<vmem_shared>>)
    %barrier3A_192 = arith.constant 0 : index
    tpu.barrier barrier_id(%barrier3A_192)
    %mul3A_193 = arith.constant 632 : i32
    %mul3A_194 = arith.muli %arg1, %mul3A_193 : i32
    %mul3A_195 = arith.constant 632 : i32
    %mul3A_196 = arith.muli %arg1, %mul3A_195 : i32
    "tpu.region"() ({
      %run_scoped3A = tpu.sem_alloc : memref<!tpu.dma_semaphore, #tpu.memory_space<semaphore_mem>>
      %dma_start3A_197 = arith.constant 0 : i32
      %dma_start3A_198 = tpu.memref_slice %arg5[%arg0, %mul3A_196, %dma_start3A_197] : memref<2x10112x128xf32, #tpu.memory_space<hbm>> -> memref<1x632x128xf32, #tpu.memory_space<hbm>>
      %dma_start3A_199 = tpu.memref_squeeze %dma_start3A_198 : memref<1x632x128xf32, #tpu.memory_space<hbm>> -> memref<632x128xf32, #tpu.memory_space<hbm>>
      %dma_start3A_200 = arith.constant 0 : i32
      %dma_start3A_201 = tpu.memref_slice %arg18[%mul3A_194, %dma_start3A_200] : memref<10112x128xf32, #tpu.memory_space<vmem_shared>> -> memref<632x128xf32, #tpu.memory_space<vmem_shared>>
      tpu.enqueue_dma source(%dma_start3A_201 : memref<632x128xf32, #tpu.memory_space<vmem_shared>>) target(%dma_start3A_199 : memref<632x128xf32, #tpu.memory_space<hbm>>) target_semaphore(%run_scoped3A : memref<!tpu.dma_semaphore, #tpu.memory_space<semaphore_mem>>)
      %dma_wait3A_202 = arith.constant 0 : i32
      %dma_wait3A_203 = tpu.memref_slice %arg5[%arg0, %mul3A_196, %dma_wait3A_202] : memref<2x10112x128xf32, #tpu.memory_space<hbm>> -> memref<1x632x128xf32, #tpu.memory_space<hbm>>
      %dma_wait3A_204 = tpu.memref_squeeze %dma_wait3A_203 : memref<1x632x128xf32, #tpu.memory_space<hbm>> -> memref<632x128xf32, #tpu.memory_space<hbm>>
      %dma_wait3A_205 = arith.constant 0 : i32
      %dma_wait3A_206 = tpu.memref_slice %arg18[%mul3A_194, %dma_wait3A_205] : memref<10112x128xf32, #tpu.memory_space<vmem_shared>> -> memref<632x128xf32, #tpu.memory_space<vmem_shared>>
      tpu.wait_dma2 semaphore(%run_scoped3A : memref<!tpu.dma_semaphore, #tpu.memory_space<semaphore_mem>>) src(%dma_wait3A_206 : memref<632x128xf32, #tpu.memory_space<vmem_shared>>) dst(%dma_wait3A_204 : memref<632x128xf32, #tpu.memory_space<hbm>>)
      tpu.yield
    }) : () -> ()
    return
  }
}

#map = affine_map<(d0, d1) -> (0, 0)>
#map1 = affine_map<(d0, d1) -> (0, 0, 0, 0)>
#map2 = affine_map<(d0, d1) -> (0, 0, 0)>
module attributes {stable_mosaic.version = 14 : i64} {
  func.func @segsum(%arg0: i32, %arg1: i32, %arg2: memref<20000x128xf32, #tpu.memory_space<hbm>>, %arg3: memref<2x16x316x64xi32, #tpu.memory_space<hbm>>, %arg4: memref<10112x128xf32, #tpu.memory_space<hbm>>, %arg5: memref<2x10112x128xf32, #tpu.memory_space<hbm>>, %arg6: memref<64xi32, #tpu.memory_space<vmem>>, %arg7: memref<64xi32, #tpu.memory_space<vmem>>, %arg8: memref<64xi32, #tpu.memory_space<vmem>>, %arg9: memref<64xi32, #tpu.memory_space<vmem>>, %arg10: memref<64xi32, #tpu.memory_space<vmem>>, %arg11: memref<64xi32, #tpu.memory_space<vmem>>, %arg12: memref<64xi32, #tpu.memory_space<vmem>>, %arg13: memref<64xi32, #tpu.memory_space<vmem>>, %arg14: memref<64x128xf32, #tpu.memory_space<vmem>>, %arg15: memref<64x128xf32, #tpu.memory_space<vmem>>, %arg16: memref<64x128xf32, #tpu.memory_space<vmem>>, %arg17: memref<64x128xf32, #tpu.memory_space<vmem>>, %arg18: memref<10112x128xf32, #tpu.memory_space<vmem_shared>>, %arg19: memref<!tpu.dma_semaphore, #tpu.memory_space<semaphore_mem>>, %arg20: memref<!tpu.dma_semaphore, #tpu.memory_space<semaphore_mem>>, %arg21: memref<!tpu.dma_semaphore, #tpu.memory_space<semaphore_mem>>, %arg22: memref<!tpu.dma_semaphore, #tpu.memory_space<semaphore_mem>>, %arg23: memref<!tpu.dma_semaphore, #tpu.memory_space<semaphore_mem>>, %arg24: memref<!tpu.dma_semaphore, #tpu.memory_space<semaphore_mem>>, %arg25: memref<!tpu.dma_semaphore, #tpu.memory_space<semaphore_mem>>, %arg26: memref<!tpu.dma_semaphore, #tpu.memory_space<semaphore_mem>>, %arg27: memref<!tpu.dma_semaphore, #tpu.memory_space<semaphore_mem>>, %arg28: memref<!tpu.dma_semaphore, #tpu.memory_space<semaphore_mem>>) attributes {dimension_semantics = [#tpu.dimension_semantics<core_parallel>, #tpu.dimension_semantics<subcore_parallel>], iteration_bounds = array<i64: 2, 16>, scalar_prefetch = 0 : i64, scratch_operands = 23 : i64, tpu.core_type = #tpu.core_type<sc_vector_subcore>, window_params = [{transform_indices = #map}, {transform_indices = #map1}, {transform_indices = #map}, {transform_indices = #map2}]} {
    %mul3A = arith.constant 632 : i32
    %mul3A_0 = arith.muli %arg1, %mul3A : i32
    %mul3A_1 = arith.constant 632 : i32
    %mul3A_2 = arith.muli %arg1, %mul3A_1 : i32
    "tpu.region"() ({
      %run_scoped3A = tpu.sem_alloc : memref<!tpu.dma_semaphore, #tpu.memory_space<semaphore_mem>>
      %dma_start3A_197 = arith.constant 0 : i32
      %dma_start3A_198 = tpu.memref_slice %arg18[%mul3A_2, %dma_start3A_197] : memref<10112x128xf32, #tpu.memory_space<vmem_shared>> -> memref<632x128xf32, #tpu.memory_space<vmem_shared>>
      %dma_start3A_199 = arith.constant 0 : i32
      %dma_start3A_200 = tpu.memref_slice %arg4[%mul3A_0, %dma_start3A_199] : memref<10112x128xf32, #tpu.memory_space<hbm>> -> memref<632x128xf32, #tpu.memory_space<hbm>>
      tpu.enqueue_dma source(%dma_start3A_200 : memref<632x128xf32, #tpu.memory_space<hbm>>) target(%dma_start3A_198 : memref<632x128xf32, #tpu.memory_space<vmem_shared>>) target_semaphore(%run_scoped3A : memref<!tpu.dma_semaphore, #tpu.memory_space<semaphore_mem>>)
      %dma_wait3A_201 = arith.constant 0 : i32
      %dma_wait3A_202 = tpu.memref_slice %arg18[%mul3A_2, %dma_wait3A_201] : memref<10112x128xf32, #tpu.memory_space<vmem_shared>> -> memref<632x128xf32, #tpu.memory_space<vmem_shared>>
      %dma_wait3A_203 = arith.constant 0 : i32
      %dma_wait3A_204 = tpu.memref_slice %arg4[%mul3A_0, %dma_wait3A_203] : memref<10112x128xf32, #tpu.memory_space<hbm>> -> memref<632x128xf32, #tpu.memory_space<hbm>>
      tpu.wait_dma2 semaphore(%run_scoped3A : memref<!tpu.dma_semaphore, #tpu.memory_space<semaphore_mem>>) src(%dma_wait3A_204 : memref<632x128xf32, #tpu.memory_space<hbm>>) dst(%dma_wait3A_202 : memref<632x128xf32, #tpu.memory_space<vmem_shared>>)
      tpu.yield
    }) : () -> ()
    %barrier3A = arith.constant 0 : index
    tpu.barrier barrier_id(%barrier3A)
    %dma_start3A = arith.constant 0 : i32
    %dma_start3A_3 = arith.constant 0 : i32
    %dma_start3A_4 = tpu.memref_slice %arg3[%arg0, %arg1, %dma_start3A, %dma_start3A_3] : memref<2x16x316x64xi32, #tpu.memory_space<hbm>> -> memref<1x1x1x64xi32, #tpu.memory_space<hbm>>
    %dma_start3A_5 = tpu.memref_squeeze %dma_start3A_4 : memref<1x1x1x64xi32, #tpu.memory_space<hbm>> -> memref<64xi32, #tpu.memory_space<hbm>>
    %dma_start3A_6 = arith.constant 0 : i32
    %dma_start3A_7 = tpu.memref_slice %arg3[%arg0, %arg1, %dma_start3A, %dma_start3A_6] : memref<2x16x316x64xi32, #tpu.memory_space<hbm>> -> memref<1x1x1x64xi32, #tpu.memory_space<hbm>>
    %dma_start3A_8 = tpu.memref_squeeze %dma_start3A_7 : memref<1x1x1x64xi32, #tpu.memory_space<hbm>> -> memref<64xi32, #tpu.memory_space<hbm>>
    tpu.enqueue_dma source(%dma_start3A_8 : memref<64xi32, #tpu.memory_space<hbm>>) target(%arg6 : memref<64xi32, #tpu.memory_space<vmem>>) target_semaphore(%arg19 : memref<!tpu.dma_semaphore, #tpu.memory_space<semaphore_mem>>)
    %dma_start3A_9 = arith.constant 1 : i32
    %dma_start3A_10 = arith.constant 0 : i32
    %dma_start3A_11 = tpu.memref_slice %arg3[%arg0, %arg1, %dma_start3A_9, %dma_start3A_10] : memref<2x16x316x64xi32, #tpu.memory_space<hbm>> -> memref<1x1x1x64xi32, #tpu.memory_space<hbm>>
    %dma_start3A_12 = tpu.memref_squeeze %dma_start3A_11 : memref<1x1x1x64xi32, #tpu.memory_space<hbm>> -> memref<64xi32, #tpu.memory_space<hbm>>
    %dma_start3A_13 = arith.constant 0 : i32
    %dma_start3A_14 = tpu.memref_slice %arg3[%arg0, %arg1, %dma_start3A_9, %dma_start3A_13] : memref<2x16x316x64xi32, #tpu.memory_space<hbm>> -> memref<1x1x1x64xi32, #tpu.memory_space<hbm>>
    %dma_start3A_15 = tpu.memref_squeeze %dma_start3A_14 : memref<1x1x1x64xi32, #tpu.memory_space<hbm>> -> memref<64xi32, #tpu.memory_space<hbm>>
    tpu.enqueue_dma source(%dma_start3A_15 : memref<64xi32, #tpu.memory_space<hbm>>) target(%arg7 : memref<64xi32, #tpu.memory_space<vmem>>) target_semaphore(%arg20 : memref<!tpu.dma_semaphore, #tpu.memory_space<semaphore_mem>>)
    %dma_start3A_16 = arith.constant 2 : i32
    %dma_start3A_17 = arith.constant 0 : i32
    %dma_start3A_18 = tpu.memref_slice %arg3[%arg0, %arg1, %dma_start3A_16, %dma_start3A_17] : memref<2x16x316x64xi32, #tpu.memory_space<hbm>> -> memref<1x1x1x64xi32, #tpu.memory_space<hbm>>
    %dma_start3A_19 = tpu.memref_squeeze %dma_start3A_18 : memref<1x1x1x64xi32, #tpu.memory_space<hbm>> -> memref<64xi32, #tpu.memory_space<hbm>>
    %dma_start3A_20 = arith.constant 0 : i32
    %dma_start3A_21 = tpu.memref_slice %arg3[%arg0, %arg1, %dma_start3A_16, %dma_start3A_20] : memref<2x16x316x64xi32, #tpu.memory_space<hbm>> -> memref<1x1x1x64xi32, #tpu.memory_space<hbm>>
    %dma_start3A_22 = tpu.memref_squeeze %dma_start3A_21 : memref<1x1x1x64xi32, #tpu.memory_space<hbm>> -> memref<64xi32, #tpu.memory_space<hbm>>
    tpu.enqueue_dma source(%dma_start3A_22 : memref<64xi32, #tpu.memory_space<hbm>>) target(%arg8 : memref<64xi32, #tpu.memory_space<vmem>>) target_semaphore(%arg21 : memref<!tpu.dma_semaphore, #tpu.memory_space<semaphore_mem>>)
    %dma_start3A_23 = arith.constant 3 : i32
    %dma_start3A_24 = arith.constant 0 : i32
    %dma_start3A_25 = tpu.memref_slice %arg3[%arg0, %arg1, %dma_start3A_23, %dma_start3A_24] : memref<2x16x316x64xi32, #tpu.memory_space<hbm>> -> memref<1x1x1x64xi32, #tpu.memory_space<hbm>>
    %dma_start3A_26 = tpu.memref_squeeze %dma_start3A_25 : memref<1x1x1x64xi32, #tpu.memory_space<hbm>> -> memref<64xi32, #tpu.memory_space<hbm>>
    %dma_start3A_27 = arith.constant 0 : i32
    %dma_start3A_28 = tpu.memref_slice %arg3[%arg0, %arg1, %dma_start3A_23, %dma_start3A_27] : memref<2x16x316x64xi32, #tpu.memory_space<hbm>> -> memref<1x1x1x64xi32, #tpu.memory_space<hbm>>
    %dma_start3A_29 = tpu.memref_squeeze %dma_start3A_28 : memref<1x1x1x64xi32, #tpu.memory_space<hbm>> -> memref<64xi32, #tpu.memory_space<hbm>>
    tpu.enqueue_dma source(%dma_start3A_29 : memref<64xi32, #tpu.memory_space<hbm>>) target(%arg9 : memref<64xi32, #tpu.memory_space<vmem>>) target_semaphore(%arg22 : memref<!tpu.dma_semaphore, #tpu.memory_space<semaphore_mem>>)
    %dma_wait3A = arith.constant 0 : i32
    %dma_wait3A_30 = arith.constant 0 : i32
    %dma_wait3A_31 = tpu.memref_slice %arg3[%arg0, %arg1, %dma_wait3A, %dma_wait3A_30] : memref<2x16x316x64xi32, #tpu.memory_space<hbm>> -> memref<1x1x1x64xi32, #tpu.memory_space<hbm>>
    %dma_wait3A_32 = tpu.memref_squeeze %dma_wait3A_31 : memref<1x1x1x64xi32, #tpu.memory_space<hbm>> -> memref<64xi32, #tpu.memory_space<hbm>>
    %dma_wait3A_33 = arith.constant 0 : i32
    %dma_wait3A_34 = tpu.memref_slice %arg3[%arg0, %arg1, %dma_wait3A, %dma_wait3A_33] : memref<2x16x316x64xi32, #tpu.memory_space<hbm>> -> memref<1x1x1x64xi32, #tpu.memory_space<hbm>>
    %dma_wait3A_35 = tpu.memref_squeeze %dma_wait3A_34 : memref<1x1x1x64xi32, #tpu.memory_space<hbm>> -> memref<64xi32, #tpu.memory_space<hbm>>
    tpu.wait_dma2 semaphore(%arg19 : memref<!tpu.dma_semaphore, #tpu.memory_space<semaphore_mem>>) src(%dma_wait3A_35 : memref<64xi32, #tpu.memory_space<hbm>>) dst(%arg6 : memref<64xi32, #tpu.memory_space<vmem>>)
    %get3A = arith.constant 0 : index
    %get3A_36 = tpu.vector_load %arg6[%get3A] {strides = array<i32>} : memref<64xi32, #tpu.memory_space<vmem>>, vector<16xi32>,
    %get3A_37 = vector.shape_cast %get3A_36 : vector<16xi32> to vector<16xi32>
    %shift_right_arithmetic3A = arith.constant 16 : i32
    %shift_right_arithmetic3A_38 = vector.broadcast %shift_right_arithmetic3A : i32 to vector<16xi32>
    %shift_right_arithmetic3A_39 = arith.shrsi %get3A_37, %shift_right_arithmetic3A_38 : vector<16xi32>
    %swap3A = arith.constant 0 : index
    %swap3A_40 = tpu.vector_load %arg10[%swap3A] {strides = array<i32>} : memref<64xi32, #tpu.memory_space<vmem>>, vector<16xi32>,
    %swap3A_41 = vector.shape_cast %swap3A_40 : vector<16xi32> to vector<16xi32>
    %swap3A_42 = vector.shape_cast %shift_right_arithmetic3A_39 : vector<16xi32> to vector<16xi32>
    tpu.vector_store %arg10[%swap3A], %swap3A_42 {strides = array<i32>} : memref<64xi32, #tpu.memory_space<vmem>>, vector<16xi32>,
    %and3A = arith.constant 65535 : i32
    %and3A_43 = vector.broadcast %and3A : i32 to vector<16xi32>
    %and3A_44 = arith.andi %get3A_37, %and3A_43 : vector<16xi32>
    %swap3A_45 = arith.constant 0 : index
    %swap3A_46 = tpu.vector_load %arg6[%swap3A_45] {strides = array<i32>} : memref<64xi32, #tpu.memory_space<vmem>>, vector<16xi32>,
    %swap3A_47 = vector.shape_cast %swap3A_46 : vector<16xi32> to vector<16xi32>
    %swap3A_48 = vector.shape_cast %and3A_44 : vector<16xi32> to vector<16xi32>
    tpu.vector_store %arg6[%swap3A_45], %swap3A_48 {strides = array<i32>} : memref<64xi32, #tpu.memory_space<vmem>>, vector<16xi32>,
    %get3A_49 = arith.constant 16 : index
    %get3A_50 = tpu.vector_load %arg6[%get3A_49] {strides = array<i32>} : memref<64xi32, #tpu.memory_space<vmem>>, vector<16xi32>,
    %get3A_51 = vector.shape_cast %get3A_50 : vector<16xi32> to vector<16xi32>
    %shift_right_arithmetic3A_52 = arith.constant 16 : i32
    %shift_right_arithmetic3A_53 = vector.broadcast %shift_right_arithmetic3A_52 : i32 to vector<16xi32>
    %shift_right_arithmetic3A_54 = arith.shrsi %get3A_51, %shift_right_arithmetic3A_53 : vector<16xi32>
    %swap3A_55 = arith.constant 16 : index
    %swap3A_56 = tpu.vector_load %arg10[%swap3A_55] {strides = array<i32>} : memref<64xi32, #tpu.memory_space<vmem>>, vector<16xi32>,
    %swap3A_57 = vector.shape_cast %swap3A_56 : vector<16xi32> to vector<16xi32>
    %swap3A_58 = vector.shape_cast %shift_right_arithmetic3A_54 : vector<16xi32> to vector<16xi32>
    tpu.vector_store %arg10[%swap3A_55], %swap3A_58 {strides = array<i32>} : memref<64xi32, #tpu.memory_space<vmem>>, vector<16xi32>,
    %and3A_59 = arith.constant 65535 : i32
    %and3A_60 = vector.broadcast %and3A_59 : i32 to vector<16xi32>
    %and3A_61 = arith.andi %get3A_51, %and3A_60 : vector<16xi32>
    %swap3A_62 = arith.constant 16 : index
    %swap3A_63 = tpu.vector_load %arg6[%swap3A_62] {strides = array<i32>} : memref<64xi32, #tpu.memory_space<vmem>>, vector<16xi32>,
    %swap3A_64 = vector.shape_cast %swap3A_63 : vector<16xi32> to vector<16xi32>
    %swap3A_65 = vector.shape_cast %and3A_61 : vector<16xi32> to vector<16xi32>
    tpu.vector_store %arg6[%swap3A_62], %swap3A_65 {strides = array<i32>} : memref<64xi32, #tpu.memory_space<vmem>>, vector<16xi32>,
    %get3A_66 = arith.constant 32 : index
    %get3A_67 = tpu.vector_load %arg6[%get3A_66] {strides = array<i32>} : memref<64xi32, #tpu.memory_space<vmem>>, vector<16xi32>,
    %get3A_68 = vector.shape_cast %get3A_67 : vector<16xi32> to vector<16xi32>
    %shift_right_arithmetic3A_69 = arith.constant 16 : i32
    %shift_right_arithmetic3A_70 = vector.broadcast %shift_right_arithmetic3A_69 : i32 to vector<16xi32>
    %shift_right_arithmetic3A_71 = arith.shrsi %get3A_68, %shift_right_arithmetic3A_70 : vector<16xi32>
    %swap3A_72 = arith.constant 32 : index
    %swap3A_73 = tpu.vector_load %arg10[%swap3A_72] {strides = array<i32>} : memref<64xi32, #tpu.memory_space<vmem>>, vector<16xi32>,
    %swap3A_74 = vector.shape_cast %swap3A_73 : vector<16xi32> to vector<16xi32>
    %swap3A_75 = vector.shape_cast %shift_right_arithmetic3A_71 : vector<16xi32> to vector<16xi32>
    tpu.vector_store %arg10[%swap3A_72], %swap3A_75 {strides = array<i32>} : memref<64xi32, #tpu.memory_space<vmem>>, vector<16xi32>,
    %and3A_76 = arith.constant 65535 : i32
    %and3A_77 = vector.broadcast %and3A_76 : i32 to vector<16xi32>
    %and3A_78 = arith.andi %get3A_68, %and3A_77 : vector<16xi32>
    %swap3A_79 = arith.constant 32 : index
    %swap3A_80 = tpu.vector_load %arg6[%swap3A_79] {strides = array<i32>} : memref<64xi32, #tpu.memory_space<vmem>>, vector<16xi32>,
    %swap3A_81 = vector.shape_cast %swap3A_80 : vector<16xi32> to vector<16xi32>
    %swap3A_82 = vector.shape_cast %and3A_78 : vector<16xi32> to vector<16xi32>
    tpu.vector_store %arg6[%swap3A_79], %swap3A_82 {strides = array<i32>} : memref<64xi32, #tpu.memory_space<vmem>>, vector<16xi32>,
    %get3A_83 = arith.constant 48 : index
    %get3A_84 = tpu.vector_load %arg6[%get3A_83] {strides = array<i32>} : memref<64xi32, #tpu.memory_space<vmem>>, vector<16xi32>,
    %get3A_85 = vector.shape_cast %get3A_84 : vector<16xi32> to vector<16xi32>
    %shift_right_arithmetic3A_86 = arith.constant 16 : i32
    %shift_right_arithmetic3A_87 = vector.broadcast %shift_right_arithmetic3A_86 : i32 to vector<16xi32>
    %shift_right_arithmetic3A_88 = arith.shrsi %get3A_85, %shift_right_arithmetic3A_87 : vector<16xi32>
    %swap3A_89 = arith.constant 48 : index
    %swap3A_90 = tpu.vector_load %arg10[%swap3A_89] {strides = array<i32>} : memref<64xi32, #tpu.memory_space<vmem>>, vector<16xi32>,
    %swap3A_91 = vector.shape_cast %swap3A_90 : vector<16xi32> to vector<16xi32>
    %swap3A_92 = vector.shape_cast %shift_right_arithmetic3A_88 : vector<16xi32> to vector<16xi32>
    tpu.vector_store %arg10[%swap3A_89], %swap3A_92 {strides = array<i32>} : memref<64xi32, #tpu.memory_space<vmem>>, vector<16xi32>,
    %and3A_93 = arith.constant 65535 : i32
    %and3A_94 = vector.broadcast %and3A_93 : i32 to vector<16xi32>
    %and3A_95 = arith.andi %get3A_85, %and3A_94 : vector<16xi32>
    %swap3A_96 = arith.constant 48 : index
    %swap3A_97 = tpu.vector_load %arg6[%swap3A_96] {strides = array<i32>} : memref<64xi32, #tpu.memory_space<vmem>>, vector<16xi32>,
    %swap3A_98 = vector.shape_cast %swap3A_97 : vector<16xi32> to vector<16xi32>
    %swap3A_99 = vector.shape_cast %and3A_95 : vector<16xi32> to vector<16xi32>
    tpu.vector_store %arg6[%swap3A_96], %swap3A_99 {strides = array<i32>} : memref<64xi32, #tpu.memory_space<vmem>>, vector<16xi32>,
    %dma_start3A_100 = arith.constant 0 : i32
    %dma_start3A_101 = arith.constant 0 : i32
    %dma_start3A_102 = tpu.memref_slice %arg2[%dma_start3A_100, %dma_start3A_101] : memref<20000x128xf32, #tpu.memory_space<hbm>> -> memref<20000x128xf32, #tpu.memory_space<hbm>>
    tpu.enqueue_indirect_dma source(%dma_start3A_102 : memref<20000x128xf32, #tpu.memory_space<hbm>>) target(%arg14 : memref<64x128xf32, #tpu.memory_space<vmem>>) offsets(%arg6 : memref<64xi32, #tpu.memory_space<vmem>>) semaphore(%arg23 : memref<!tpu.dma_semaphore, #tpu.memory_space<semaphore_mem>>)
    %dma_wait3A_103 = arith.constant 1 : i32
    %dma_wait3A_104 = arith.constant 0 : i32
    %dma_wait3A_105 = tpu.memref_slice %arg3[%arg0, %arg1, %dma_wait3A_103, %dma_wait3A_104] : memref<2x16x316x64xi32, #tpu.memory_space<hbm>> -> memref<1x1x1x64xi32, #tpu.memory_space<hbm>>
    %dma_wait3A_106 = tpu.memref_squeeze %dma_wait3A_105 : memref<1x1x1x64xi32, #tpu.memory_space<hbm>> -> memref<64xi32, #tpu.memory_space<hbm>>
    %dma_wait3A_107 = arith.constant 0 : i32
    %dma_wait3A_108 = tpu.memref_slice %arg3[%arg0, %arg1, %dma_wait3A_103, %dma_wait3A_107] : memref<2x16x316x64xi32, #tpu.memory_space<hbm>> -> memref<1x1x1x64xi32, #tpu.memory_space<hbm>>
    %dma_wait3A_109 = tpu.memref_squeeze %dma_wait3A_108 : memref<1x1x1x64xi32, #tpu.memory_space<hbm>> -> memref<64xi32, #tpu.memory_space<hbm>>
    tpu.wait_dma2 semaphore(%arg20 : memref<!tpu.dma_semaphore, #tpu.memory_space<semaphore_mem>>) src(%dma_wait3A_109 : memref<64xi32, #tpu.memory_space<hbm>>) dst(%arg7 : memref<64xi32, #tpu.memory_space<vmem>>)
    %get3A_110 = arith.constant 0 : index
    %get3A_111 = tpu.vector_load %arg7[%get3A_110] {strides = array<i32>} : memref<64xi32, #tpu.memory_space<vmem>>, vector<16xi32>,
    %get3A_112 = vector.shape_cast %get3A_111 : vector<16xi32> to vector<16xi32>
    %shift_right_arithmetic3A_113 = arith.constant 16 : i32
    %shift_right_arithmetic3A_114 = vector.broadcast %shift_right_arithmetic3A_113 : i32 to vector<16xi32>
    %shift_right_arithmetic3A_115 = arith.shrsi %get3A_112, %shift_right_arithmetic3A_114 : vector<16xi32>
    %swap3A_116 = arith.constant 0 : index
    %swap3A_117 = tpu.vector_load %arg11[%swap3A_116] {strides = array<i32>} : memref<64xi32, #tpu.memory_space<vmem>>, vector<16xi32>,
    %swap3A_118 = vector.shape_cast %swap3A_117 : vector<16xi32> to vector<16xi32>
    %swap3A_119 = vector.shape_cast %shift_right_arithmetic3A_115 : vector<16xi32> to vector<16xi32>
    tpu.vector_store %arg11[%swap3A_116], %swap3A_119 {strides = array<i32>} : memref<64xi32, #tpu.memory_space<vmem>>, vector<16xi32>,
    %and3A_120 = arith.constant 65535 : i32
    %and3A_121 = vector.broadcast %and3A_120 : i32 to vector<16xi32>
    %and3A_122 = arith.andi %get3A_112, %and3A_121 : vector<16xi32>
    %swap3A_123 = arith.constant 0 : index
    %swap3A_124 = tpu.vector_load %arg7[%swap3A_123] {strides = array<i32>} : memref<64xi32, #tpu.memory_space<vmem>>, vector<16xi32>,
    %swap3A_125 = vector.shape_cast %swap3A_124 : vector<16xi32> to vector<16xi32>
    %swap3A_126 = vector.shape_cast %and3A_122 : vector<16xi32> to vector<16xi32>
    tpu.vector_store %arg7[%swap3A_123], %swap3A_126 {strides = array<i32>} : memref<64xi32, #tpu.memory_space<vmem>>, vector<16xi32>,
    %get3A_127 = arith.constant 16 : index
    %get3A_128 = tpu.vector_load %arg7[%get3A_127] {strides = array<i32>} : memref<64xi32, #tpu.memory_space<vmem>>, vector<16xi32>,
    %get3A_129 = vector.shape_cast %get3A_128 : vector<16xi32> to vector<16xi32>
    %shift_right_arithmetic3A_130 = arith.constant 16 : i32
    %shift_right_arithmetic3A_131 = vector.broadcast %shift_right_arithmetic3A_130 : i32 to vector<16xi32>
    %shift_right_arithmetic3A_132 = arith.shrsi %get3A_129, %shift_right_arithmetic3A_131 : vector<16xi32>
    %swap3A_133 = arith.constant 16 : index
    %swap3A_134 = tpu.vector_load %arg11[%swap3A_133] {strides = array<i32>} : memref<64xi32, #tpu.memory_space<vmem>>, vector<16xi32>,
    %swap3A_135 = vector.shape_cast %swap3A_134 : vector<16xi32> to vector<16xi32>
    %swap3A_136 = vector.shape_cast %shift_right_arithmetic3A_132 : vector<16xi32> to vector<16xi32>
    tpu.vector_store %arg11[%swap3A_133], %swap3A_136 {strides = array<i32>} : memref<64xi32, #tpu.memory_space<vmem>>, vector<16xi32>,
    %and3A_137 = arith.constant 65535 : i32
    %and3A_138 = vector.broadcast %and3A_137 : i32 to vector<16xi32>
    %and3A_139 = arith.andi %get3A_129, %and3A_138 : vector<16xi32>
    %swap3A_140 = arith.constant 16 : index
    %swap3A_141 = tpu.vector_load %arg7[%swap3A_140] {strides = array<i32>} : memref<64xi32, #tpu.memory_space<vmem>>, vector<16xi32>,
    %swap3A_142 = vector.shape_cast %swap3A_141 : vector<16xi32> to vector<16xi32>
    %swap3A_143 = vector.shape_cast %and3A_139 : vector<16xi32> to vector<16xi32>
    tpu.vector_store %arg7[%swap3A_140], %swap3A_143 {strides = array<i32>} : memref<64xi32, #tpu.memory_space<vmem>>, vector<16xi32>,
    %get3A_144 = arith.constant 32 : index
    %get3A_145 = tpu.vector_load %arg7[%get3A_144] {strides = array<i32>} : memref<64xi32, #tpu.memory_space<vmem>>, vector<16xi32>,
    %get3A_146 = vector.shape_cast %get3A_145 : vector<16xi32> to vector<16xi32>
    %shift_right_arithmetic3A_147 = arith.constant 16 : i32
    %shift_right_arithmetic3A_148 = vector.broadcast %shift_right_arithmetic3A_147 : i32 to vector<16xi32>
    %shift_right_arithmetic3A_149 = arith.shrsi %get3A_146, %shift_right_arithmetic3A_148 : vector<16xi32>
    %swap3A_150 = arith.constant 32 : index
    %swap3A_151 = tpu.vector_load %arg11[%swap3A_150] {strides = array<i32>} : memref<64xi32, #tpu.memory_space<vmem>>, vector<16xi32>,
    %swap3A_152 = vector.shape_cast %swap3A_151 : vector<16xi32> to vector<16xi32>
    %swap3A_153 = vector.shape_cast %shift_right_arithmetic3A_149 : vector<16xi32> to vector<16xi32>
    tpu.vector_store %arg11[%swap3A_150], %swap3A_153 {strides = array<i32>} : memref<64xi32, #tpu.memory_space<vmem>>, vector<16xi32>,
    %and3A_154 = arith.constant 65535 : i32
    %and3A_155 = vector.broadcast %and3A_154 : i32 to vector<16xi32>
    %and3A_156 = arith.andi %get3A_146, %and3A_155 : vector<16xi32>
    %swap3A_157 = arith.constant 32 : index
    %swap3A_158 = tpu.vector_load %arg7[%swap3A_157] {strides = array<i32>} : memref<64xi32, #tpu.memory_space<vmem>>, vector<16xi32>,
    %swap3A_159 = vector.shape_cast %swap3A_158 : vector<16xi32> to vector<16xi32>
    %swap3A_160 = vector.shape_cast %and3A_156 : vector<16xi32> to vector<16xi32>
    tpu.vector_store %arg7[%swap3A_157], %swap3A_160 {strides = array<i32>} : memref<64xi32, #tpu.memory_space<vmem>>, vector<16xi32>,
    %get3A_161 = arith.constant 48 : index
    %get3A_162 = tpu.vector_load %arg7[%get3A_161] {strides = array<i32>} : memref<64xi32, #tpu.memory_space<vmem>>, vector<16xi32>,
    %get3A_163 = vector.shape_cast %get3A_162 : vector<16xi32> to vector<16xi32>
    %shift_right_arithmetic3A_164 = arith.constant 16 : i32
    %shift_right_arithmetic3A_165 = vector.broadcast %shift_right_arithmetic3A_164 : i32 to vector<16xi32>
    %shift_right_arithmetic3A_166 = arith.shrsi %get3A_163, %shift_right_arithmetic3A_165 : vector<16xi32>
    %swap3A_167 = arith.constant 48 : index
    %swap3A_168 = tpu.vector_load %arg11[%swap3A_167] {strides = array<i32>} : memref<64xi32, #tpu.memory_space<vmem>>, vector<16xi32>,
    %swap3A_169 = vector.shape_cast %swap3A_168 : vector<16xi32> to vector<16xi32>
    %swap3A_170 = vector.shape_cast %shift_right_arithmetic3A_166 : vector<16xi32> to vector<16xi32>
    tpu.vector_store %arg11[%swap3A_167], %swap3A_170 {strides = array<i32>} : memref<64xi32, #tpu.memory_space<vmem>>, vector<16xi32>,
    %and3A_171 = arith.constant 65535 : i32
    %and3A_172 = vector.broadcast %and3A_171 : i32 to vector<16xi32>
    %and3A_173 = arith.andi %get3A_163, %and3A_172 : vector<16xi32>
    %swap3A_174 = arith.constant 48 : index
    %swap3A_175 = tpu.vector_load %arg7[%swap3A_174] {strides = array<i32>} : memref<64xi32, #tpu.memory_space<vmem>>, vector<16xi32>,
    %swap3A_176 = vector.shape_cast %swap3A_175 : vector<16xi32> to vector<16xi32>
    %swap3A_177 = vector.shape_cast %and3A_173 : vector<16xi32> to vector<16xi32>
    tpu.vector_store %arg7[%swap3A_174], %swap3A_177 {strides = array<i32>} : memref<64xi32, #tpu.memory_space<vmem>>, vector<16xi32>,
    %dma_start3A_178 = arith.constant 0 : i32
    %dma_start3A_179 = arith.constant 0 : i32
    %dma_start3A_180 = tpu.memref_slice %arg2[%dma_start3A_178, %dma_start3A_179] : memref<20000x128xf32, #tpu.memory_space<hbm>> -> memref<20000x128xf32, #tpu.memory_space<hbm>>
    tpu.enqueue_indirect_dma source(%dma_start3A_180 : memref<20000x128xf32, #tpu.memory_space<hbm>>) target(%arg15 : memref<64x128xf32, #tpu.memory_space<vmem>>) offsets(%arg7 : memref<64xi32, #tpu.memory_space<vmem>>) semaphore(%arg24 : memref<!tpu.dma_semaphore, #tpu.memory_space<semaphore_mem>>)
    %scan3A = arith.constant 0 : i32
    %scan3A_181 = arith.constant 0 : i32
    %scan3A_182 = arith.constant 79 : i32
    %scan3A_183 = arith.addi %scan3A_181, %scan3A_182 : i32
    %scan3A_184 = arith.constant 1 : i32
    scf.for %scan3A_197 = %scan3A_181 to %scan3A_183 step %scan3A_184  : i32 {
      %mul3A_198 = arith.constant 4 : i32
      %mul3A_199 = arith.muli %mul3A_198, %scan3A_197 : i32
      %add3A = arith.constant 0 : i32
      %add3A_200 = arith.addi %mul3A_199, %add3A : i32
      %dma_wait3A_201 = arith.constant 0 : i32
      %dma_wait3A_202 = arith.constant 0 : i32
      %dma_wait3A_203 = tpu.memref_slice %arg2[%dma_wait3A_201, %dma_wait3A_202] : memref<20000x128xf32, #tpu.memory_space<hbm>> -> memref<20000x128xf32, #tpu.memory_space<hbm>>
      tpu.wait_indirect_dma semaphore(%arg23 : memref<!tpu.dma_semaphore, #tpu.memory_space<semaphore_mem>>) src(%dma_wait3A_203 : memref<20000x128xf32, #tpu.memory_space<hbm>>) dst(%arg14 : memref<64x128xf32, #tpu.memory_space<vmem>>)
      %ge3A = arith.constant 1 : i32
      %ge3A_204 = arith.cmpi sge, %scan3A_197, %ge3A : i32
      %convert_element_type3A = arith.extui %ge3A_204 : i1 to i32
      %cond3A = arith.constant 0 : i32
      %cond3A_205 = arith.cmpi ne, %convert_element_type3A, %cond3A : i32
      scf.if %cond3A_205 {
        %dma_wait3A_299 = arith.constant 0 : i32
        %dma_wait3A_300 = arith.constant 0 : i32
        %dma_wait3A_301 = tpu.memref_slice %arg18[%dma_wait3A_299, %dma_wait3A_300] : memref<10112x128xf32, #tpu.memory_space<vmem_shared>> -> memref<10112x128xf32, #tpu.memory_space<vmem_shared>>
        tpu.wait_indirect_dma semaphore(%arg27 : memref<!tpu.dma_semaphore, #tpu.memory_space<semaphore_mem>>) src(%arg16 : memref<64x128xf32, #tpu.memory_space<vmem>>) dst(%dma_wait3A_301 : memref<10112x128xf32, #tpu.memory_space<vmem_shared>>)
      } else {
      }
      %dma_start3A_206 = arith.constant 0 : i32
      %dma_start3A_207 = arith.constant 0 : i32
      %dma_start3A_208 = tpu.memref_slice %arg18[%dma_start3A_206, %dma_start3A_207] : memref<10112x128xf32, #tpu.memory_space<vmem_shared>> -> memref<10112x128xf32, #tpu.memory_space<vmem_shared>>
      tpu.enqueue_indirect_dma source(%arg14 : memref<64x128xf32, #tpu.memory_space<vmem>>) target(%dma_start3A_208 : memref<10112x128xf32, #tpu.memory_space<vmem_shared>>) offsets(%arg10 : memref<64xi32, #tpu.memory_space<vmem>>) semaphore(%arg27 : memref<!tpu.dma_semaphore, #tpu.memory_space<semaphore_mem>>) {add = true}
      %add3A_209 = arith.constant 2 : i32
      %add3A_210 = arith.addi %add3A_200, %add3A_209 : i32
      %lt3A = arith.constant 316 : i32
      %lt3A_211 = arith.cmpi slt, %add3A_210, %lt3A : i32
      %convert_element_type3A_212 = arith.extui %lt3A_211 : i1 to i32
      %cond3A_213 = arith.constant 0 : i32
      %cond3A_214 = arith.cmpi ne, %convert_element_type3A_212, %cond3A_213 : i32
      scf.if %cond3A_214 {
        %add3A_299 = arith.constant 2 : i32
        %add3A_300 = arith.addi %add3A_200, %add3A_299 : i32
        %dma_wait3A_301 = arith.constant 0 : i32
        %dma_wait3A_302 = tpu.memref_slice %arg3[%arg0, %arg1, %add3A_300, %dma_wait3A_301] : memref<2x16x316x64xi32, #tpu.memory_space<hbm>> -> memref<1x1x1x64xi32, #tpu.memory_space<hbm>>
        %dma_wait3A_303 = tpu.memref_squeeze %dma_wait3A_302 : memref<1x1x1x64xi32, #tpu.memory_space<hbm>> -> memref<64xi32, #tpu.memory_space<hbm>>
        %dma_wait3A_304 = arith.constant 0 : i32
        %dma_wait3A_305 = tpu.memref_slice %arg3[%arg0, %arg1, %add3A_300, %dma_wait3A_304] : memref<2x16x316x64xi32, #tpu.memory_space<hbm>> -> memref<1x1x1x64xi32, #tpu.memory_space<hbm>>
        %dma_wait3A_306 = tpu.memref_squeeze %dma_wait3A_305 : memref<1x1x1x64xi32, #tpu.memory_space<hbm>> -> memref<64xi32, #tpu.memory_space<hbm>>
        tpu.wait_dma2 semaphore(%arg21 : memref<!tpu.dma_semaphore, #tpu.memory_space<semaphore_mem>>) src(%dma_wait3A_306 : memref<64xi32, #tpu.memory_space<hbm>>) dst(%arg8 : memref<64xi32, #tpu.memory_space<vmem>>)
        %get3A_307 = arith.constant 0 : index
        %get3A_308 = tpu.vector_load %arg8[%get3A_307] {strides = array<i32>} : memref<64xi32, #tpu.memory_space<vmem>>, vector<16xi32>,
        %get3A_309 = vector.shape_cast %get3A_308 : vector<16xi32> to vector<16xi32>
        %shift_right_arithmetic3A_310 = arith.constant 16 : i32
        %shift_right_arithmetic3A_311 = vector.broadcast %shift_right_arithmetic3A_310 : i32 to vector<16xi32>
        %shift_right_arithmetic3A_312 = arith.shrsi %get3A_309, %shift_right_arithmetic3A_311 : vector<16xi32>
        %swap3A_313 = arith.constant 0 : index
        %swap3A_314 = tpu.vector_load %arg12[%swap3A_313] {strides = array<i32>} : memref<64xi32, #tpu.memory_space<vmem>>, vector<16xi32>,
        %swap3A_315 = vector.shape_cast %swap3A_314 : vector<16xi32> to vector<16xi32>
        %swap3A_316 = vector.shape_cast %shift_right_arithmetic3A_312 : vector<16xi32> to vector<16xi32>
        tpu.vector_store %arg12[%swap3A_313], %swap3A_316 {strides = array<i32>} : memref<64xi32, #tpu.memory_space<vmem>>, vector<16xi32>,
        %and3A_317 = arith.constant 65535 : i32
        %and3A_318 = vector.broadcast %and3A_317 : i32 to vector<16xi32>
        %and3A_319 = arith.andi %get3A_309, %and3A_318 : vector<16xi32>
        %swap3A_320 = arith.constant 0 : index
        %swap3A_321 = tpu.vector_load %arg8[%swap3A_320] {strides = array<i32>} : memref<64xi32, #tpu.memory_space<vmem>>, vector<16xi32>,
        %swap3A_322 = vector.shape_cast %swap3A_321 : vector<16xi32> to vector<16xi32>
        %swap3A_323 = vector.shape_cast %and3A_319 : vector<16xi32> to vector<16xi32>
        tpu.vector_store %arg8[%swap3A_320], %swap3A_323 {strides = array<i32>} : memref<64xi32, #tpu.memory_space<vmem>>, vector<16xi32>,
        %get3A_324 = arith.constant 16 : index
        %get3A_325 = tpu.vector_load %arg8[%get3A_324] {strides = array<i32>} : memref<64xi32, #tpu.memory_space<vmem>>, vector<16xi32>,
        %get3A_326 = vector.shape_cast %get3A_325 : vector<16xi32> to vector<16xi32>
        %shift_right_arithmetic3A_327 = arith.constant 16 : i32
        %shift_right_arithmetic3A_328 = vector.broadcast %shift_right_arithmetic3A_327 : i32 to vector<16xi32>
        %shift_right_arithmetic3A_329 = arith.shrsi %get3A_326, %shift_right_arithmetic3A_328 : vector<16xi32>
        %swap3A_330 = arith.constant 16 : index
        %swap3A_331 = tpu.vector_load %arg12[%swap3A_330] {strides = array<i32>} : memref<64xi32, #tpu.memory_space<vmem>>, vector<16xi32>,
        %swap3A_332 = vector.shape_cast %swap3A_331 : vector<16xi32> to vector<16xi32>
        %swap3A_333 = vector.shape_cast %shift_right_arithmetic3A_329 : vector<16xi32> to vector<16xi32>
        tpu.vector_store %arg12[%swap3A_330], %swap3A_333 {strides = array<i32>} : memref<64xi32, #tpu.memory_space<vmem>>, vector<16xi32>,
        %and3A_334 = arith.constant 65535 : i32
        %and3A_335 = vector.broadcast %and3A_334 : i32 to vector<16xi32>
        %and3A_336 = arith.andi %get3A_326, %and3A_335 : vector<16xi32>
        %swap3A_337 = arith.constant 16 : index
        %swap3A_338 = tpu.vector_load %arg8[%swap3A_337] {strides = array<i32>} : memref<64xi32, #tpu.memory_space<vmem>>, vector<16xi32>,
        %swap3A_339 = vector.shape_cast %swap3A_338 : vector<16xi32> to vector<16xi32>
        %swap3A_340 = vector.shape_cast %and3A_336 : vector<16xi32> to vector<16xi32>
        tpu.vector_store %arg8[%swap3A_337], %swap3A_340 {strides = array<i32>} : memref<64xi32, #tpu.memory_space<vmem>>, vector<16xi32>,
        %get3A_341 = arith.constant 32 : index
        %get3A_342 = tpu.vector_load %arg8[%get3A_341] {strides = array<i32>} : memref<64xi32, #tpu.memory_space<vmem>>, vector<16xi32>,
        %get3A_343 = vector.shape_cast %get3A_342 : vector<16xi32> to vector<16xi32>
        %shift_right_arithmetic3A_344 = arith.constant 16 : i32
        %shift_right_arithmetic3A_345 = vector.broadcast %shift_right_arithmetic3A_344 : i32 to vector<16xi32>
        %shift_right_arithmetic3A_346 = arith.shrsi %get3A_343, %shift_right_arithmetic3A_345 : vector<16xi32>
        %swap3A_347 = arith.constant 32 : index
        %swap3A_348 = tpu.vector_load %arg12[%swap3A_347] {strides = array<i32>} : memref<64xi32, #tpu.memory_space<vmem>>, vector<16xi32>,
        %swap3A_349 = vector.shape_cast %swap3A_348 : vector<16xi32> to vector<16xi32>
        %swap3A_350 = vector.shape_cast %shift_right_arithmetic3A_346 : vector<16xi32> to vector<16xi32>
        tpu.vector_store %arg12[%swap3A_347], %swap3A_350 {strides = array<i32>} : memref<64xi32, #tpu.memory_space<vmem>>, vector<16xi32>,
        %and3A_351 = arith.constant 65535 : i32
        %and3A_352 = vector.broadcast %and3A_351 : i32 to vector<16xi32>
        %and3A_353 = arith.andi %get3A_343, %and3A_352 : vector<16xi32>
        %swap3A_354 = arith.constant 32 : index
        %swap3A_355 = tpu.vector_load %arg8[%swap3A_354] {strides = array<i32>} : memref<64xi32, #tpu.memory_space<vmem>>, vector<16xi32>,
        %swap3A_356 = vector.shape_cast %swap3A_355 : vector<16xi32> to vector<16xi32>
        %swap3A_357 = vector.shape_cast %and3A_353 : vector<16xi32> to vector<16xi32>
        tpu.vector_store %arg8[%swap3A_354], %swap3A_357 {strides = array<i32>} : memref<64xi32, #tpu.memory_space<vmem>>, vector<16xi32>,
        %get3A_358 = arith.constant 48 : index
        %get3A_359 = tpu.vector_load %arg8[%get3A_358] {strides = array<i32>} : memref<64xi32, #tpu.memory_space<vmem>>, vector<16xi32>,
        %get3A_360 = vector.shape_cast %get3A_359 : vector<16xi32> to vector<16xi32>
        %shift_right_arithmetic3A_361 = arith.constant 16 : i32
        %shift_right_arithmetic3A_362 = vector.broadcast %shift_right_arithmetic3A_361 : i32 to vector<16xi32>
        %shift_right_arithmetic3A_363 = arith.shrsi %get3A_360, %shift_right_arithmetic3A_362 : vector<16xi32>
        %swap3A_364 = arith.constant 48 : index
        %swap3A_365 = tpu.vector_load %arg12[%swap3A_364] {strides = array<i32>} : memref<64xi32, #tpu.memory_space<vmem>>, vector<16xi32>,
        %swap3A_366 = vector.shape_cast %swap3A_365 : vector<16xi32> to vector<16xi32>
        %swap3A_367 = vector.shape_cast %shift_right_arithmetic3A_363 : vector<16xi32> to vector<16xi32>
        tpu.vector_store %arg12[%swap3A_364], %swap3A_367 {strides = array<i32>} : memref<64xi32, #tpu.memory_space<vmem>>, vector<16xi32>,
        %and3A_368 = arith.constant 65535 : i32
        %and3A_369 = vector.broadcast %and3A_368 : i32 to vector<16xi32>
        %and3A_370 = arith.andi %get3A_360, %and3A_369 : vector<16xi32>
        %swap3A_371 = arith.constant 48 : index
        %swap3A_372 = tpu.vector_load %arg8[%swap3A_371] {strides = array<i32>} : memref<64xi32, #tpu.memory_space<vmem>>, vector<16xi32>,
        %swap3A_373 = vector.shape_cast %swap3A_372 : vector<16xi32> to vector<16xi32>
        %swap3A_374 = vector.shape_cast %and3A_370 : vector<16xi32> to vector<16xi32>
        tpu.vector_store %arg8[%swap3A_371], %swap3A_374 {strides = array<i32>} : memref<64xi32, #tpu.memory_space<vmem>>, vector<16xi32>,
        %dma_start3A_375 = arith.constant 0 : i32
        %dma_start3A_376 = arith.constant 0 : i32
        %dma_start3A_377 = tpu.memref_slice %arg2[%dma_start3A_375, %dma_start3A_376] : memref<20000x128xf32, #tpu.memory_space<hbm>> -> memref<20000x128xf32, #tpu.memory_space<hbm>>
        tpu.enqueue_indirect_dma source(%dma_start3A_377 : memref<20000x128xf32, #tpu.memory_space<hbm>>) target(%arg16 : memref<64x128xf32, #tpu.memory_space<vmem>>) offsets(%arg8 : memref<64xi32, #tpu.memory_space<vmem>>) semaphore(%arg25 : memref<!tpu.dma_semaphore, #tpu.memory_space<semaphore_mem>>)
      } else {
      }
      %add3A_215 = arith.constant 4 : i32
      %add3A_216 = arith.addi %add3A_200, %add3A_215 : i32
      %lt3A_217 = arith.constant 316 : i32
      %lt3A_218 = arith.cmpi slt, %add3A_216, %lt3A_217 : i32
      %convert_element_type3A_219 = arith.extui %lt3A_218 : i1 to i32
      %cond3A_220 = arith.constant 0 : i32
      %cond3A_221 = arith.cmpi ne, %convert_element_type3A_219, %cond3A_220 : i32
      scf.if %cond3A_221 {
        %add3A_299 = arith.constant 4 : i32
        %add3A_300 = arith.addi %add3A_200, %add3A_299 : i32
        %dma_start3A_301 = arith.constant 0 : i32
        %dma_start3A_302 = tpu.memref_slice %arg3[%arg0, %arg1, %add3A_300, %dma_start3A_301] : memref<2x16x316x64xi32, #tpu.memory_space<hbm>> -> memref<1x1x1x64xi32, #tpu.memory_space<hbm>>
        %dma_start3A_303 = tpu.memref_squeeze %dma_start3A_302 : memref<1x1x1x64xi32, #tpu.memory_space<hbm>> -> memref<64xi32, #tpu.memory_space<hbm>>
        %dma_start3A_304 = arith.constant 0 : i32
        %dma_start3A_305 = tpu.memref_slice %arg3[%arg0, %arg1, %add3A_300, %dma_start3A_304] : memref<2x16x316x64xi32, #tpu.memory_space<hbm>> -> memref<1x1x1x64xi32, #tpu.memory_space<hbm>>
        %dma_start3A_306 = tpu.memref_squeeze %dma_start3A_305 : memref<1x1x1x64xi32, #tpu.memory_space<hbm>> -> memref<64xi32, #tpu.memory_space<hbm>>
        tpu.enqueue_dma source(%dma_start3A_306 : memref<64xi32, #tpu.memory_space<hbm>>) target(%arg6 : memref<64xi32, #tpu.memory_space<vmem>>) target_semaphore(%arg19 : memref<!tpu.dma_semaphore, #tpu.memory_space<semaphore_mem>>)
      } else {
      }
      %add3A_222 = arith.constant 1 : i32
      %add3A_223 = arith.addi %mul3A_199, %add3A_222 : i32
      %dma_wait3A_224 = arith.constant 0 : i32
      %dma_wait3A_225 = arith.constant 0 : i32
      %dma_wait3A_226 = tpu.memref_slice %arg2[%dma_wait3A_224, %dma_wait3A_225] : memref<20000x128xf32, #tpu.memory_space<hbm>> -> memref<20000x128xf32, #tpu.memory_space<hbm>>
      tpu.wait_indirect_dma semaphore(%arg24 : memref<!tpu.dma_semaphore, #tpu.memory_space<semaphore_mem>>) src(%dma_wait3A_226 : memref<20000x128xf32, #tpu.memory_space<hbm>>) dst(%arg15 : memref<64x128xf32, #tpu.memory_space<vmem>>)
      %ge3A_227 = arith.constant 1 : i32
      %ge3A_228 = arith.cmpi sge, %scan3A_197, %ge3A_227 : i32
      %convert_element_type3A_229 = arith.extui %ge3A_228 : i1 to i32
      %cond3A_230 = arith.constant 0 : i32
      %cond3A_231 = arith.cmpi ne, %convert_element_type3A_229, %cond3A_230 : i32
      scf.if %cond3A_231 {
        %dma_wait3A_299 = arith.constant 0 : i32
        %dma_wait3A_300 = arith.constant 0 : i32
        %dma_wait3A_301 = tpu.memref_slice %arg18[%dma_wait3A_299, %dma_wait3A_300] : memref<10112x128xf32, #tpu.memory_space<vmem_shared>> -> memref<10112x128xf32, #tpu.memory_space<vmem_shared>>
        tpu.wait_indirect_dma semaphore(%arg28 : memref<!tpu.dma_semaphore, #tpu.memory_space<semaphore_mem>>) src(%arg17 : memref<64x128xf32, #tpu.memory_space<vmem>>) dst(%dma_wait3A_301 : memref<10112x128xf32, #tpu.memory_space<vmem_shared>>)
      } else {
      }
      %dma_start3A_232 = arith.constant 0 : i32
      %dma_start3A_233 = arith.constant 0 : i32
      %dma_start3A_234 = tpu.memref_slice %arg18[%dma_start3A_232, %dma_start3A_233] : memref<10112x128xf32, #tpu.memory_space<vmem_shared>> -> memref<10112x128xf32, #tpu.memory_space<vmem_shared>>
      tpu.enqueue_indirect_dma source(%arg15 : memref<64x128xf32, #tpu.memory_space<vmem>>) target(%dma_start3A_234 : memref<10112x128xf32, #tpu.memory_space<vmem_shared>>) offsets(%arg11 : memref<64xi32, #tpu.memory_space<vmem>>) semaphore(%arg28 : memref<!tpu.dma_semaphore, #tpu.memory_space<semaphore_mem>>) {add = true}
      %add3A_235 = arith.constant 2 : i32
      %add3A_236 = arith.addi %add3A_223, %add3A_235 : i32
      %lt3A_237 = arith.constant 316 : i32
      %lt3A_238 = arith.cmpi slt, %add3A_236, %lt3A_237 : i32
      %convert_element_type3A_239 = arith.extui %lt3A_238 : i1 to i32
      %cond3A_240 = arith.constant 0 : i32
      %cond3A_241 = arith.cmpi ne, %convert_element_type3A_239, %cond3A_240 : i32
      scf.if %cond3A_241 {
        %add3A_299 = arith.constant 2 : i32
        %add3A_300 = arith.addi %add3A_223, %add3A_299 : i32
        %dma_wait3A_301 = arith.constant 0 : i32
        %dma_wait3A_302 = tpu.memref_slice %arg3[%arg0, %arg1, %add3A_300, %dma_wait3A_301] : memref<2x16x316x64xi32, #tpu.memory_space<hbm>> -> memref<1x1x1x64xi32, #tpu.memory_space<hbm>>
        %dma_wait3A_303 = tpu.memref_squeeze %dma_wait3A_302 : memref<1x1x1x64xi32, #tpu.memory_space<hbm>> -> memref<64xi32, #tpu.memory_space<hbm>>
        %dma_wait3A_304 = arith.constant 0 : i32
        %dma_wait3A_305 = tpu.memref_slice %arg3[%arg0, %arg1, %add3A_300, %dma_wait3A_304] : memref<2x16x316x64xi32, #tpu.memory_space<hbm>> -> memref<1x1x1x64xi32, #tpu.memory_space<hbm>>
        %dma_wait3A_306 = tpu.memref_squeeze %dma_wait3A_305 : memref<1x1x1x64xi32, #tpu.memory_space<hbm>> -> memref<64xi32, #tpu.memory_space<hbm>>
        tpu.wait_dma2 semaphore(%arg22 : memref<!tpu.dma_semaphore, #tpu.memory_space<semaphore_mem>>) src(%dma_wait3A_306 : memref<64xi32, #tpu.memory_space<hbm>>) dst(%arg9 : memref<64xi32, #tpu.memory_space<vmem>>)
        %get3A_307 = arith.constant 0 : index
        %get3A_308 = tpu.vector_load %arg9[%get3A_307] {strides = array<i32>} : memref<64xi32, #tpu.memory_space<vmem>>, vector<16xi32>,
        %get3A_309 = vector.shape_cast %get3A_308 : vector<16xi32> to vector<16xi32>
        %shift_right_arithmetic3A_310 = arith.constant 16 : i32
        %shift_right_arithmetic3A_311 = vector.broadcast %shift_right_arithmetic3A_310 : i32 to vector<16xi32>
        %shift_right_arithmetic3A_312 = arith.shrsi %get3A_309, %shift_right_arithmetic3A_311 : vector<16xi32>
        %swap3A_313 = arith.constant 0 : index
        %swap3A_314 = tpu.vector_load %arg13[%swap3A_313] {strides = array<i32>} : memref<64xi32, #tpu.memory_space<vmem>>, vector<16xi32>,
        %swap3A_315 = vector.shape_cast %swap3A_314 : vector<16xi32> to vector<16xi32>
        %swap3A_316 = vector.shape_cast %shift_right_arithmetic3A_312 : vector<16xi32> to vector<16xi32>
        tpu.vector_store %arg13[%swap3A_313], %swap3A_316 {strides = array<i32>} : memref<64xi32, #tpu.memory_space<vmem>>, vector<16xi32>,
        %and3A_317 = arith.constant 65535 : i32
        %and3A_318 = vector.broadcast %and3A_317 : i32 to vector<16xi32>
        %and3A_319 = arith.andi %get3A_309, %and3A_318 : vector<16xi32>
        %swap3A_320 = arith.constant 0 : index
        %swap3A_321 = tpu.vector_load %arg9[%swap3A_320] {strides = array<i32>} : memref<64xi32, #tpu.memory_space<vmem>>, vector<16xi32>,
        %swap3A_322 = vector.shape_cast %swap3A_321 : vector<16xi32> to vector<16xi32>
        %swap3A_323 = vector.shape_cast %and3A_319 : vector<16xi32> to vector<16xi32>
        tpu.vector_store %arg9[%swap3A_320], %swap3A_323 {strides = array<i32>} : memref<64xi32, #tpu.memory_space<vmem>>, vector<16xi32>,
        %get3A_324 = arith.constant 16 : index
        %get3A_325 = tpu.vector_load %arg9[%get3A_324] {strides = array<i32>} : memref<64xi32, #tpu.memory_space<vmem>>, vector<16xi32>,
        %get3A_326 = vector.shape_cast %get3A_325 : vector<16xi32> to vector<16xi32>
        %shift_right_arithmetic3A_327 = arith.constant 16 : i32
        %shift_right_arithmetic3A_328 = vector.broadcast %shift_right_arithmetic3A_327 : i32 to vector<16xi32>
        %shift_right_arithmetic3A_329 = arith.shrsi %get3A_326, %shift_right_arithmetic3A_328 : vector<16xi32>
        %swap3A_330 = arith.constant 16 : index
        %swap3A_331 = tpu.vector_load %arg13[%swap3A_330] {strides = array<i32>} : memref<64xi32, #tpu.memory_space<vmem>>, vector<16xi32>,
        %swap3A_332 = vector.shape_cast %swap3A_331 : vector<16xi32> to vector<16xi32>
        %swap3A_333 = vector.shape_cast %shift_right_arithmetic3A_329 : vector<16xi32> to vector<16xi32>
        tpu.vector_store %arg13[%swap3A_330], %swap3A_333 {strides = array<i32>} : memref<64xi32, #tpu.memory_space<vmem>>, vector<16xi32>,
        %and3A_334 = arith.constant 65535 : i32
        %and3A_335 = vector.broadcast %and3A_334 : i32 to vector<16xi32>
        %and3A_336 = arith.andi %get3A_326, %and3A_335 : vector<16xi32>
        %swap3A_337 = arith.constant 16 : index
        %swap3A_338 = tpu.vector_load %arg9[%swap3A_337] {strides = array<i32>} : memref<64xi32, #tpu.memory_space<vmem>>, vector<16xi32>,
        %swap3A_339 = vector.shape_cast %swap3A_338 : vector<16xi32> to vector<16xi32>
        %swap3A_340 = vector.shape_cast %and3A_336 : vector<16xi32> to vector<16xi32>
        tpu.vector_store %arg9[%swap3A_337], %swap3A_340 {strides = array<i32>} : memref<64xi32, #tpu.memory_space<vmem>>, vector<16xi32>,
        %get3A_341 = arith.constant 32 : index
        %get3A_342 = tpu.vector_load %arg9[%get3A_341] {strides = array<i32>} : memref<64xi32, #tpu.memory_space<vmem>>, vector<16xi32>,
        %get3A_343 = vector.shape_cast %get3A_342 : vector<16xi32> to vector<16xi32>
        %shift_right_arithmetic3A_344 = arith.constant 16 : i32
        %shift_right_arithmetic3A_345 = vector.broadcast %shift_right_arithmetic3A_344 : i32 to vector<16xi32>
        %shift_right_arithmetic3A_346 = arith.shrsi %get3A_343, %shift_right_arithmetic3A_345 : vector<16xi32>
        %swap3A_347 = arith.constant 32 : index
        %swap3A_348 = tpu.vector_load %arg13[%swap3A_347] {strides = array<i32>} : memref<64xi32, #tpu.memory_space<vmem>>, vector<16xi32>,
        %swap3A_349 = vector.shape_cast %swap3A_348 : vector<16xi32> to vector<16xi32>
        %swap3A_350 = vector.shape_cast %shift_right_arithmetic3A_346 : vector<16xi32> to vector<16xi32>
        tpu.vector_store %arg13[%swap3A_347], %swap3A_350 {strides = array<i32>} : memref<64xi32, #tpu.memory_space<vmem>>, vector<16xi32>,
        %and3A_351 = arith.constant 65535 : i32
        %and3A_352 = vector.broadcast %and3A_351 : i32 to vector<16xi32>
        %and3A_353 = arith.andi %get3A_343, %and3A_352 : vector<16xi32>
        %swap3A_354 = arith.constant 32 : index
        %swap3A_355 = tpu.vector_load %arg9[%swap3A_354] {strides = array<i32>} : memref<64xi32, #tpu.memory_space<vmem>>, vector<16xi32>,
        %swap3A_356 = vector.shape_cast %swap3A_355 : vector<16xi32> to vector<16xi32>
        %swap3A_357 = vector.shape_cast %and3A_353 : vector<16xi32> to vector<16xi32>
        tpu.vector_store %arg9[%swap3A_354], %swap3A_357 {strides = array<i32>} : memref<64xi32, #tpu.memory_space<vmem>>, vector<16xi32>,
        %get3A_358 = arith.constant 48 : index
        %get3A_359 = tpu.vector_load %arg9[%get3A_358] {strides = array<i32>} : memref<64xi32, #tpu.memory_space<vmem>>, vector<16xi32>,
        %get3A_360 = vector.shape_cast %get3A_359 : vector<16xi32> to vector<16xi32>
        %shift_right_arithmetic3A_361 = arith.constant 16 : i32
        %shift_right_arithmetic3A_362 = vector.broadcast %shift_right_arithmetic3A_361 : i32 to vector<16xi32>
        %shift_right_arithmetic3A_363 = arith.shrsi %get3A_360, %shift_right_arithmetic3A_362 : vector<16xi32>
        %swap3A_364 = arith.constant 48 : index
        %swap3A_365 = tpu.vector_load %arg13[%swap3A_364] {strides = array<i32>} : memref<64xi32, #tpu.memory_space<vmem>>, vector<16xi32>,
        %swap3A_366 = vector.shape_cast %swap3A_365 : vector<16xi32> to vector<16xi32>
        %swap3A_367 = vector.shape_cast %shift_right_arithmetic3A_363 : vector<16xi32> to vector<16xi32>
        tpu.vector_store %arg13[%swap3A_364], %swap3A_367 {strides = array<i32>} : memref<64xi32, #tpu.memory_space<vmem>>, vector<16xi32>,
        %and3A_368 = arith.constant 65535 : i32
        %and3A_369 = vector.broadcast %and3A_368 : i32 to vector<16xi32>
        %and3A_370 = arith.andi %get3A_360, %and3A_369 : vector<16xi32>
        %swap3A_371 = arith.constant 48 : index
        %swap3A_372 = tpu.vector_load %arg9[%swap3A_371] {strides = array<i32>} : memref<64xi32, #tpu.memory_space<vmem>>, vector<16xi32>,
        %swap3A_373 = vector.shape_cast %swap3A_372 : vector<16xi32> to vector<16xi32>
        %swap3A_374 = vector.shape_cast %and3A_370 : vector<16xi32> to vector<16xi32>
        tpu.vector_store %arg9[%swap3A_371], %swap3A_374 {strides = array<i32>} : memref<64xi32, #tpu.memory_space<vmem>>, vector<16xi32>,
        %dma_start3A_375 = arith.constant 0 : i32
        %dma_start3A_376 = arith.constant 0 : i32
        %dma_start3A_377 = tpu.memref_slice %arg2[%dma_start3A_375, %dma_start3A_376] : memref<20000x128xf32, #tpu.memory_space<hbm>> -> memref<20000x128xf32, #tpu.memory_space<hbm>>
        tpu.enqueue_indirect_dma source(%dma_start3A_377 : memref<20000x128xf32, #tpu.memory_space<hbm>>) target(%arg17 : memref<64x128xf32, #tpu.memory_space<vmem>>) offsets(%arg9 : memref<64xi32, #tpu.memory_space<vmem>>) semaphore(%arg26 : memref<!tpu.dma_semaphore, #tpu.memory_space<semaphore_mem>>)
      } else {
      }
      %add3A_242 = arith.constant 4 : i32
      %add3A_243 = arith.addi %add3A_223, %add3A_242 : i32
      %lt3A_244 = arith.constant 316 : i32
      %lt3A_245 = arith.cmpi slt, %add3A_243, %lt3A_244 : i32
      %convert_element_type3A_246 = arith.extui %lt3A_245 : i1 to i32
      %cond3A_247 = arith.constant 0 : i32
      %cond3A_248 = arith.cmpi ne, %convert_element_type3A_246, %cond3A_247 : i32
      scf.if %cond3A_248 {
        %add3A_299 = arith.constant 4 : i32
        %add3A_300 = arith.addi %add3A_223, %add3A_299 : i32
        %dma_start3A_301 = arith.constant 0 : i32
        %dma_start3A_302 = tpu.memref_slice %arg3[%arg0, %arg1, %add3A_300, %dma_start3A_301] : memref<2x16x316x64xi32, #tpu.memory_space<hbm>> -> memref<1x1x1x64xi32, #tpu.memory_space<hbm>>
        %dma_start3A_303 = tpu.memref_squeeze %dma_start3A_302 : memref<1x1x1x64xi32, #tpu.memory_space<hbm>> -> memref<64xi32, #tpu.memory_space<hbm>>
        %dma_start3A_304 = arith.constant 0 : i32
        %dma_start3A_305 = tpu.memref_slice %arg3[%arg0, %arg1, %add3A_300, %dma_start3A_304] : memref<2x16x316x64xi32, #tpu.memory_space<hbm>> -> memref<1x1x1x64xi32, #tpu.memory_space<hbm>>
        %dma_start3A_306 = tpu.memref_squeeze %dma_start3A_305 : memref<1x1x1x64xi32, #tpu.memory_space<hbm>> -> memref<64xi32, #tpu.memory_space<hbm>>
        tpu.enqueue_dma source(%dma_start3A_306 : memref<64xi32, #tpu.memory_space<hbm>>) target(%arg7 : memref<64xi32, #tpu.memory_space<vmem>>) target_semaphore(%arg20 : memref<!tpu.dma_semaphore, #tpu.memory_space<semaphore_mem>>)
      } else {
      }
      %add3A_249 = arith.constant 2 : i32
      %add3A_250 = arith.addi %mul3A_199, %add3A_249 : i32
      %dma_wait3A_251 = arith.constant 0 : i32
      %dma_wait3A_252 = arith.constant 0 : i32
      %dma_wait3A_253 = tpu.memref_slice %arg2[%dma_wait3A_251, %dma_wait3A_252] : memref<20000x128xf32, #tpu.memory_space<hbm>> -> memref<20000x128xf32, #tpu.memory_space<hbm>>
      tpu.wait_indirect_dma semaphore(%arg25 : memref<!tpu.dma_semaphore, #tpu.memory_space<semaphore_mem>>) src(%dma_wait3A_253 : memref<20000x128xf32, #tpu.memory_space<hbm>>) dst(%arg16 : memref<64x128xf32, #tpu.memory_space<vmem>>)
      %dma_wait3A_254 = arith.constant 0 : i32
      %dma_wait3A_255 = arith.constant 0 : i32
      %dma_wait3A_256 = tpu.memref_slice %arg18[%dma_wait3A_254, %dma_wait3A_255] : memref<10112x128xf32, #tpu.memory_space<vmem_shared>> -> memref<10112x128xf32, #tpu.memory_space<vmem_shared>>
      tpu.wait_indirect_dma semaphore(%arg27 : memref<!tpu.dma_semaphore, #tpu.memory_space<semaphore_mem>>) src(%arg14 : memref<64x128xf32, #tpu.memory_space<vmem>>) dst(%dma_wait3A_256 : memref<10112x128xf32, #tpu.memory_space<vmem_shared>>)
      %dma_start3A_257 = arith.constant 0 : i32
      %dma_start3A_258 = arith.constant 0 : i32
      %dma_start3A_259 = tpu.memref_slice %arg18[%dma_start3A_257, %dma_start3A_258] : memref<10112x128xf32, #tpu.memory_space<vmem_shared>> -> memref<10112x128xf32, #tpu.memory_space<vmem_shared>>
      tpu.enqueue_indirect_dma source(%arg16 : memref<64x128xf32, #tpu.memory_space<vmem>>) target(%dma_start3A_259 : memref<10112x128xf32, #tpu.memory_space<vmem_shared>>) offsets(%arg12 : memref<64xi32, #tpu.memory_space<vmem>>) semaphore(%arg27 : memref<!tpu.dma_semaphore, #tpu.memory_space<semaphore_mem>>) {add = true}
      %add3A_260 = arith.constant 2 : i32
      %add3A_261 = arith.addi %add3A_250, %add3A_260 : i32
      %lt3A_262 = arith.constant 316 : i32
      %lt3A_263 = arith.cmpi slt, %add3A_261, %lt3A_262 : i32
      %convert_element_type3A_264 = arith.extui %lt3A_263 : i1 to i32
      %cond3A_265 = arith.constant 0 : i32
      %cond3A_266 = arith.cmpi ne, %convert_element_type3A_264, %cond3A_265 : i32
      scf.if %cond3A_266 {
        %add3A_299 = arith.constant 2 : i32
        %add3A_300 = arith.addi %add3A_250, %add3A_299 : i32
        %dma_wait3A_301 = arith.constant 0 : i32
        %dma_wait3A_302 = tpu.memref_slice %arg3[%arg0, %arg1, %add3A_300, %dma_wait3A_301] : memref<2x16x316x64xi32, #tpu.memory_space<hbm>> -> memref<1x1x1x64xi32, #tpu.memory_space<hbm>>
        %dma_wait3A_303 = tpu.memref_squeeze %dma_wait3A_302 : memref<1x1x1x64xi32, #tpu.memory_space<hbm>> -> memref<64xi32, #tpu.memory_space<hbm>>
        %dma_wait3A_304 = arith.constant 0 : i32
        %dma_wait3A_305 = tpu.memref_slice %arg3[%arg0, %arg1, %add3A_300, %dma_wait3A_304] : memref<2x16x316x64xi32, #tpu.memory_space<hbm>> -> memref<1x1x1x64xi32, #tpu.memory_space<hbm>>
        %dma_wait3A_306 = tpu.memref_squeeze %dma_wait3A_305 : memref<1x1x1x64xi32, #tpu.memory_space<hbm>> -> memref<64xi32, #tpu.memory_space<hbm>>
        tpu.wait_dma2 semaphore(%arg19 : memref<!tpu.dma_semaphore, #tpu.memory_space<semaphore_mem>>) src(%dma_wait3A_306 : memref<64xi32, #tpu.memory_space<hbm>>) dst(%arg6 : memref<64xi32, #tpu.memory_space<vmem>>)
        %get3A_307 = arith.constant 0 : index
        %get3A_308 = tpu.vector_load %arg6[%get3A_307] {strides = array<i32>} : memref<64xi32, #tpu.memory_space<vmem>>, vector<16xi32>,
        %get3A_309 = vector.shape_cast %get3A_308 : vector<16xi32> to vector<16xi32>
        %shift_right_arithmetic3A_310 = arith.constant 16 : i32
        %shift_right_arithmetic3A_311 = vector.broadcast %shift_right_arithmetic3A_310 : i32 to vector<16xi32>
        %shift_right_arithmetic3A_312 = arith.shrsi %get3A_309, %shift_right_arithmetic3A_311 : vector<16xi32>
        %swap3A_313 = arith.constant 0 : index
        %swap3A_314 = tpu.vector_load %arg10[%swap3A_313] {strides = array<i32>} : memref<64xi32, #tpu.memory_space<vmem>>, vector<16xi32>,
        %swap3A_315 = vector.shape_cast %swap3A_314 : vector<16xi32> to vector<16xi32>
        %swap3A_316 = vector.shape_cast %shift_right_arithmetic3A_312 : vector<16xi32> to vector<16xi32>
        tpu.vector_store %arg10[%swap3A_313], %swap3A_316 {strides = array<i32>} : memref<64xi32, #tpu.memory_space<vmem>>, vector<16xi32>,
        %and3A_317 = arith.constant 65535 : i32
        %and3A_318 = vector.broadcast %and3A_317 : i32 to vector<16xi32>
        %and3A_319 = arith.andi %get3A_309, %and3A_318 : vector<16xi32>
        %swap3A_320 = arith.constant 0 : index
        %swap3A_321 = tpu.vector_load %arg6[%swap3A_320] {strides = array<i32>} : memref<64xi32, #tpu.memory_space<vmem>>, vector<16xi32>,
        %swap3A_322 = vector.shape_cast %swap3A_321 : vector<16xi32> to vector<16xi32>
        %swap3A_323 = vector.shape_cast %and3A_319 : vector<16xi32> to vector<16xi32>
        tpu.vector_store %arg6[%swap3A_320], %swap3A_323 {strides = array<i32>} : memref<64xi32, #tpu.memory_space<vmem>>, vector<16xi32>,
        %get3A_324 = arith.constant 16 : index
        %get3A_325 = tpu.vector_load %arg6[%get3A_324] {strides = array<i32>} : memref<64xi32, #tpu.memory_space<vmem>>, vector<16xi32>,
        %get3A_326 = vector.shape_cast %get3A_325 : vector<16xi32> to vector<16xi32>
        %shift_right_arithmetic3A_327 = arith.constant 16 : i32
        %shift_right_arithmetic3A_328 = vector.broadcast %shift_right_arithmetic3A_327 : i32 to vector<16xi32>
        %shift_right_arithmetic3A_329 = arith.shrsi %get3A_326, %shift_right_arithmetic3A_328 : vector<16xi32>
        %swap3A_330 = arith.constant 16 : index
        %swap3A_331 = tpu.vector_load %arg10[%swap3A_330] {strides = array<i32>} : memref<64xi32, #tpu.memory_space<vmem>>, vector<16xi32>,
        %swap3A_332 = vector.shape_cast %swap3A_331 : vector<16xi32> to vector<16xi32>
        %swap3A_333 = vector.shape_cast %shift_right_arithmetic3A_329 : vector<16xi32> to vector<16xi32>
        tpu.vector_store %arg10[%swap3A_330], %swap3A_333 {strides = array<i32>} : memref<64xi32, #tpu.memory_space<vmem>>, vector<16xi32>,
        %and3A_334 = arith.constant 65535 : i32
        %and3A_335 = vector.broadcast %and3A_334 : i32 to vector<16xi32>
        %and3A_336 = arith.andi %get3A_326, %and3A_335 : vector<16xi32>
        %swap3A_337 = arith.constant 16 : index
        %swap3A_338 = tpu.vector_load %arg6[%swap3A_337] {strides = array<i32>} : memref<64xi32, #tpu.memory_space<vmem>>, vector<16xi32>,
        %swap3A_339 = vector.shape_cast %swap3A_338 : vector<16xi32> to vector<16xi32>
        %swap3A_340 = vector.shape_cast %and3A_336 : vector<16xi32> to vector<16xi32>
        tpu.vector_store %arg6[%swap3A_337], %swap3A_340 {strides = array<i32>} : memref<64xi32, #tpu.memory_space<vmem>>, vector<16xi32>,
        %get3A_341 = arith.constant 32 : index
        %get3A_342 = tpu.vector_load %arg6[%get3A_341] {strides = array<i32>} : memref<64xi32, #tpu.memory_space<vmem>>, vector<16xi32>,
        %get3A_343 = vector.shape_cast %get3A_342 : vector<16xi32> to vector<16xi32>
        %shift_right_arithmetic3A_344 = arith.constant 16 : i32
        %shift_right_arithmetic3A_345 = vector.broadcast %shift_right_arithmetic3A_344 : i32 to vector<16xi32>
        %shift_right_arithmetic3A_346 = arith.shrsi %get3A_343, %shift_right_arithmetic3A_345 : vector<16xi32>
        %swap3A_347 = arith.constant 32 : index
        %swap3A_348 = tpu.vector_load %arg10[%swap3A_347] {strides = array<i32>} : memref<64xi32, #tpu.memory_space<vmem>>, vector<16xi32>,
        %swap3A_349 = vector.shape_cast %swap3A_348 : vector<16xi32> to vector<16xi32>
        %swap3A_350 = vector.shape_cast %shift_right_arithmetic3A_346 : vector<16xi32> to vector<16xi32>
        tpu.vector_store %arg10[%swap3A_347], %swap3A_350 {strides = array<i32>} : memref<64xi32, #tpu.memory_space<vmem>>, vector<16xi32>,
        %and3A_351 = arith.constant 65535 : i32
        %and3A_352 = vector.broadcast %and3A_351 : i32 to vector<16xi32>
        %and3A_353 = arith.andi %get3A_343, %and3A_352 : vector<16xi32>
        %swap3A_354 = arith.constant 32 : index
        %swap3A_355 = tpu.vector_load %arg6[%swap3A_354] {strides = array<i32>} : memref<64xi32, #tpu.memory_space<vmem>>, vector<16xi32>,
        %swap3A_356 = vector.shape_cast %swap3A_355 : vector<16xi32> to vector<16xi32>
        %swap3A_357 = vector.shape_cast %and3A_353 : vector<16xi32> to vector<16xi32>
        tpu.vector_store %arg6[%swap3A_354], %swap3A_357 {strides = array<i32>} : memref<64xi32, #tpu.memory_space<vmem>>, vector<16xi32>,
        %get3A_358 = arith.constant 48 : index
        %get3A_359 = tpu.vector_load %arg6[%get3A_358] {strides = array<i32>} : memref<64xi32, #tpu.memory_space<vmem>>, vector<16xi32>,
        %get3A_360 = vector.shape_cast %get3A_359 : vector<16xi32> to vector<16xi32>
        %shift_right_arithmetic3A_361 = arith.constant 16 : i32
        %shift_right_arithmetic3A_362 = vector.broadcast %shift_right_arithmetic3A_361 : i32 to vector<16xi32>
        %shift_right_arithmetic3A_363 = arith.shrsi %get3A_360, %shift_right_arithmetic3A_362 : vector<16xi32>
        %swap3A_364 = arith.constant 48 : index
        %swap3A_365 = tpu.vector_load %arg10[%swap3A_364] {strides = array<i32>} : memref<64xi32, #tpu.memory_space<vmem>>, vector<16xi32>,
        %swap3A_366 = vector.shape_cast %swap3A_365 : vector<16xi32> to vector<16xi32>
        %swap3A_367 = vector.shape_cast %shift_right_arithmetic3A_363 : vector<16xi32> to vector<16xi32>
        tpu.vector_store %arg10[%swap3A_364], %swap3A_367 {strides = array<i32>} : memref<64xi32, #tpu.memory_space<vmem>>, vector<16xi32>,
        %and3A_368 = arith.constant 65535 : i32
        %and3A_369 = vector.broadcast %and3A_368 : i32 to vector<16xi32>
        %and3A_370 = arith.andi %get3A_360, %and3A_369 : vector<16xi32>
        %swap3A_371 = arith.constant 48 : index
        %swap3A_372 = tpu.vector_load %arg6[%swap3A_371] {strides = array<i32>} : memref<64xi32, #tpu.memory_space<vmem>>, vector<16xi32>,
        %swap3A_373 = vector.shape_cast %swap3A_372 : vector<16xi32> to vector<16xi32>
        %swap3A_374 = vector.shape_cast %and3A_370 : vector<16xi32> to vector<16xi32>
        tpu.vector_store %arg6[%swap3A_371], %swap3A_374 {strides = array<i32>} : memref<64xi32, #tpu.memory_space<vmem>>, vector<16xi32>,
        %dma_start3A_375 = arith.constant 0 : i32
        %dma_start3A_376 = arith.constant 0 : i32
        %dma_start3A_377 = tpu.memref_slice %arg2[%dma_start3A_375, %dma_start3A_376] : memref<20000x128xf32, #tpu.memory_space<hbm>> -> memref<20000x128xf32, #tpu.memory_space<hbm>>
        tpu.enqueue_indirect_dma source(%dma_start3A_377 : memref<20000x128xf32, #tpu.memory_space<hbm>>) target(%arg14 : memref<64x128xf32, #tpu.memory_space<vmem>>) offsets(%arg6 : memref<64xi32, #tpu.memory_space<vmem>>) semaphore(%arg23 : memref<!tpu.dma_semaphore, #tpu.memory_space<semaphore_mem>>)
      } else {
      }
      %add3A_267 = arith.constant 4 : i32
      %add3A_268 = arith.addi %add3A_250, %add3A_267 : i32
      %lt3A_269 = arith.constant 316 : i32
      %lt3A_270 = arith.cmpi slt, %add3A_268, %lt3A_269 : i32
      %convert_element_type3A_271 = arith.extui %lt3A_270 : i1 to i32
      %cond3A_272 = arith.constant 0 : i32
      %cond3A_273 = arith.cmpi ne, %convert_element_type3A_271, %cond3A_272 : i32
      scf.if %cond3A_273 {
        %add3A_299 = arith.constant 4 : i32
        %add3A_300 = arith.addi %add3A_250, %add3A_299 : i32
        %dma_start3A_301 = arith.constant 0 : i32
        %dma_start3A_302 = tpu.memref_slice %arg3[%arg0, %arg1, %add3A_300, %dma_start3A_301] : memref<2x16x316x64xi32, #tpu.memory_space<hbm>> -> memref<1x1x1x64xi32, #tpu.memory_space<hbm>>
        %dma_start3A_303 = tpu.memref_squeeze %dma_start3A_302 : memref<1x1x1x64xi32, #tpu.memory_space<hbm>> -> memref<64xi32, #tpu.memory_space<hbm>>
        %dma_start3A_304 = arith.constant 0 : i32
        %dma_start3A_305 = tpu.memref_slice %arg3[%arg0, %arg1, %add3A_300, %dma_start3A_304] : memref<2x16x316x64xi32, #tpu.memory_space<hbm>> -> memref<1x1x1x64xi32, #tpu.memory_space<hbm>>
        %dma_start3A_306 = tpu.memref_squeeze %dma_start3A_305 : memref<1x1x1x64xi32, #tpu.memory_space<hbm>> -> memref<64xi32, #tpu.memory_space<hbm>>
        tpu.enqueue_dma source(%dma_start3A_306 : memref<64xi32, #tpu.memory_space<hbm>>) target(%arg8 : memref<64xi32, #tpu.memory_space<vmem>>) target_semaphore(%arg21 : memref<!tpu.dma_semaphore, #tpu.memory_space<semaphore_mem>>)
      } else {
      }
      %add3A_274 = arith.constant 3 : i32
      %add3A_275 = arith.addi %mul3A_199, %add3A_274 : i32
      %dma_wait3A_276 = arith.constant 0 : i32
      %dma_wait3A_277 = arith.constant 0 : i32
      %dma_wait3A_278 = tpu.memref_slice %arg2[%dma_wait3A_276, %dma_wait3A_277] : memref<20000x128xf32, #tpu.memory_space<hbm>> -> memref<20000x128xf32, #tpu.memory_space<hbm>>
      tpu.wait_indirect_dma semaphore(%arg26 : memref<!tpu.dma_semaphore, #tpu.memory_space<semaphore_mem>>) src(%dma_wait3A_278 : memref<20000x128xf32, #tpu.memory_space<hbm>>) dst(%arg17 : memref<64x128xf32, #tpu.memory_space<vmem>>)
      %dma_wait3A_279 = arith.constant 0 : i32
      %dma_wait3A_280 = arith.constant 0 : i32
      %dma_wait3A_281 = tpu.memref_slice %arg18[%dma_wait3A_279, %dma_wait3A_280] : memref<10112x128xf32, #tpu.memory_space<vmem_shared>> -> memref<10112x128xf32, #tpu.memory_space<vmem_shared>>
      tpu.wait_indirect_dma semaphore(%arg28 : memref<!tpu.dma_semaphore, #tpu.memory_space<semaphore_mem>>) src(%arg15 : memref<64x128xf32, #tpu.memory_space<vmem>>) dst(%dma_wait3A_281 : memref<10112x128xf32, #tpu.memory_space<vmem_shared>>)
      %dma_start3A_282 = arith.constant 0 : i32
      %dma_start3A_283 = arith.constant 0 : i32
      %dma_start3A_284 = tpu.memref_slice %arg18[%dma_start3A_282, %dma_start3A_283] : memref<10112x128xf32, #tpu.memory_space<vmem_shared>> -> memref<10112x128xf32, #tpu.memory_space<vmem_shared>>
      tpu.enqueue_indirect_dma source(%arg17 : memref<64x128xf32, #tpu.memory_space<vmem>>) target(%dma_start3A_284 : memref<10112x128xf32, #tpu.memory_space<vmem_shared>>) offsets(%arg13 : memref<64xi32, #tpu.memory_space<vmem>>) semaphore(%arg28 : memref<!tpu.dma_semaphore, #tpu.memory_space<semaphore_mem>>) {add = true}
      %add3A_285 = arith.constant 2 : i32
      %add3A_286 = arith.addi %add3A_275, %add3A_285 : i32
      %lt3A_287 = arith.constant 316 : i32
      %lt3A_288 = arith.cmpi slt, %add3A_286, %lt3A_287 : i32
      %convert_element_type3A_289 = arith.extui %lt3A_288 : i1 to i32
      %cond3A_290 = arith.constant 0 : i32
      %cond3A_291 = arith.cmpi ne, %convert_element_type3A_289, %cond3A_290 : i32
      scf.if %cond3A_291 {
        %add3A_299 = arith.constant 2 : i32
        %add3A_300 = arith.addi %add3A_275, %add3A_299 : i32
        %dma_wait3A_301 = arith.constant 0 : i32
        %dma_wait3A_302 = tpu.memref_slice %arg3[%arg0, %arg1, %add3A_300, %dma_wait3A_301] : memref<2x16x316x64xi32, #tpu.memory_space<hbm>> -> memref<1x1x1x64xi32, #tpu.memory_space<hbm>>
        %dma_wait3A_303 = tpu.memref_squeeze %dma_wait3A_302 : memref<1x1x1x64xi32, #tpu.memory_space<hbm>> -> memref<64xi32, #tpu.memory_space<hbm>>
        %dma_wait3A_304 = arith.constant 0 : i32
        %dma_wait3A_305 = tpu.memref_slice %arg3[%arg0, %arg1, %add3A_300, %dma_wait3A_304] : memref<2x16x316x64xi32, #tpu.memory_space<hbm>> -> memref<1x1x1x64xi32, #tpu.memory_space<hbm>>
        %dma_wait3A_306 = tpu.memref_squeeze %dma_wait3A_305 : memref<1x1x1x64xi32, #tpu.memory_space<hbm>> -> memref<64xi32, #tpu.memory_space<hbm>>
        tpu.wait_dma2 semaphore(%arg20 : memref<!tpu.dma_semaphore, #tpu.memory_space<semaphore_mem>>) src(%dma_wait3A_306 : memref<64xi32, #tpu.memory_space<hbm>>) dst(%arg7 : memref<64xi32, #tpu.memory_space<vmem>>)
        %get3A_307 = arith.constant 0 : index
        %get3A_308 = tpu.vector_load %arg7[%get3A_307] {strides = array<i32>} : memref<64xi32, #tpu.memory_space<vmem>>, vector<16xi32>,
        %get3A_309 = vector.shape_cast %get3A_308 : vector<16xi32> to vector<16xi32>
        %shift_right_arithmetic3A_310 = arith.constant 16 : i32
        %shift_right_arithmetic3A_311 = vector.broadcast %shift_right_arithmetic3A_310 : i32 to vector<16xi32>
        %shift_right_arithmetic3A_312 = arith.shrsi %get3A_309, %shift_right_arithmetic3A_311 : vector<16xi32>
        %swap3A_313 = arith.constant 0 : index
        %swap3A_314 = tpu.vector_load %arg11[%swap3A_313] {strides = array<i32>} : memref<64xi32, #tpu.memory_space<vmem>>, vector<16xi32>,
        %swap3A_315 = vector.shape_cast %swap3A_314 : vector<16xi32> to vector<16xi32>
        %swap3A_316 = vector.shape_cast %shift_right_arithmetic3A_312 : vector<16xi32> to vector<16xi32>
        tpu.vector_store %arg11[%swap3A_313], %swap3A_316 {strides = array<i32>} : memref<64xi32, #tpu.memory_space<vmem>>, vector<16xi32>,
        %and3A_317 = arith.constant 65535 : i32
        %and3A_318 = vector.broadcast %and3A_317 : i32 to vector<16xi32>
        %and3A_319 = arith.andi %get3A_309, %and3A_318 : vector<16xi32>
        %swap3A_320 = arith.constant 0 : index
        %swap3A_321 = tpu.vector_load %arg7[%swap3A_320] {strides = array<i32>} : memref<64xi32, #tpu.memory_space<vmem>>, vector<16xi32>,
        %swap3A_322 = vector.shape_cast %swap3A_321 : vector<16xi32> to vector<16xi32>
        %swap3A_323 = vector.shape_cast %and3A_319 : vector<16xi32> to vector<16xi32>
        tpu.vector_store %arg7[%swap3A_320], %swap3A_323 {strides = array<i32>} : memref<64xi32, #tpu.memory_space<vmem>>, vector<16xi32>,
        %get3A_324 = arith.constant 16 : index
        %get3A_325 = tpu.vector_load %arg7[%get3A_324] {strides = array<i32>} : memref<64xi32, #tpu.memory_space<vmem>>, vector<16xi32>,
        %get3A_326 = vector.shape_cast %get3A_325 : vector<16xi32> to vector<16xi32>
        %shift_right_arithmetic3A_327 = arith.constant 16 : i32
        %shift_right_arithmetic3A_328 = vector.broadcast %shift_right_arithmetic3A_327 : i32 to vector<16xi32>
        %shift_right_arithmetic3A_329 = arith.shrsi %get3A_326, %shift_right_arithmetic3A_328 : vector<16xi32>
        %swap3A_330 = arith.constant 16 : index
        %swap3A_331 = tpu.vector_load %arg11[%swap3A_330] {strides = array<i32>} : memref<64xi32, #tpu.memory_space<vmem>>, vector<16xi32>,
        %swap3A_332 = vector.shape_cast %swap3A_331 : vector<16xi32> to vector<16xi32>
        %swap3A_333 = vector.shape_cast %shift_right_arithmetic3A_329 : vector<16xi32> to vector<16xi32>
        tpu.vector_store %arg11[%swap3A_330], %swap3A_333 {strides = array<i32>} : memref<64xi32, #tpu.memory_space<vmem>>, vector<16xi32>,
        %and3A_334 = arith.constant 65535 : i32
        %and3A_335 = vector.broadcast %and3A_334 : i32 to vector<16xi32>
        %and3A_336 = arith.andi %get3A_326, %and3A_335 : vector<16xi32>
        %swap3A_337 = arith.constant 16 : index
        %swap3A_338 = tpu.vector_load %arg7[%swap3A_337] {strides = array<i32>} : memref<64xi32, #tpu.memory_space<vmem>>, vector<16xi32>,
        %swap3A_339 = vector.shape_cast %swap3A_338 : vector<16xi32> to vector<16xi32>
        %swap3A_340 = vector.shape_cast %and3A_336 : vector<16xi32> to vector<16xi32>
        tpu.vector_store %arg7[%swap3A_337], %swap3A_340 {strides = array<i32>} : memref<64xi32, #tpu.memory_space<vmem>>, vector<16xi32>,
        %get3A_341 = arith.constant 32 : index
        %get3A_342 = tpu.vector_load %arg7[%get3A_341] {strides = array<i32>} : memref<64xi32, #tpu.memory_space<vmem>>, vector<16xi32>,
        %get3A_343 = vector.shape_cast %get3A_342 : vector<16xi32> to vector<16xi32>
        %shift_right_arithmetic3A_344 = arith.constant 16 : i32
        %shift_right_arithmetic3A_345 = vector.broadcast %shift_right_arithmetic3A_344 : i32 to vector<16xi32>
        %shift_right_arithmetic3A_346 = arith.shrsi %get3A_343, %shift_right_arithmetic3A_345 : vector<16xi32>
        %swap3A_347 = arith.constant 32 : index
        %swap3A_348 = tpu.vector_load %arg11[%swap3A_347] {strides = array<i32>} : memref<64xi32, #tpu.memory_space<vmem>>, vector<16xi32>,
        %swap3A_349 = vector.shape_cast %swap3A_348 : vector<16xi32> to vector<16xi32>
        %swap3A_350 = vector.shape_cast %shift_right_arithmetic3A_346 : vector<16xi32> to vector<16xi32>
        tpu.vector_store %arg11[%swap3A_347], %swap3A_350 {strides = array<i32>} : memref<64xi32, #tpu.memory_space<vmem>>, vector<16xi32>,
        %and3A_351 = arith.constant 65535 : i32
        %and3A_352 = vector.broadcast %and3A_351 : i32 to vector<16xi32>
        %and3A_353 = arith.andi %get3A_343, %and3A_352 : vector<16xi32>
        %swap3A_354 = arith.constant 32 : index
        %swap3A_355 = tpu.vector_load %arg7[%swap3A_354] {strides = array<i32>} : memref<64xi32, #tpu.memory_space<vmem>>, vector<16xi32>,
        %swap3A_356 = vector.shape_cast %swap3A_355 : vector<16xi32> to vector<16xi32>
        %swap3A_357 = vector.shape_cast %and3A_353 : vector<16xi32> to vector<16xi32>
        tpu.vector_store %arg7[%swap3A_354], %swap3A_357 {strides = array<i32>} : memref<64xi32, #tpu.memory_space<vmem>>, vector<16xi32>,
        %get3A_358 = arith.constant 48 : index
        %get3A_359 = tpu.vector_load %arg7[%get3A_358] {strides = array<i32>} : memref<64xi32, #tpu.memory_space<vmem>>, vector<16xi32>,
        %get3A_360 = vector.shape_cast %get3A_359 : vector<16xi32> to vector<16xi32>
        %shift_right_arithmetic3A_361 = arith.constant 16 : i32
        %shift_right_arithmetic3A_362 = vector.broadcast %shift_right_arithmetic3A_361 : i32 to vector<16xi32>
        %shift_right_arithmetic3A_363 = arith.shrsi %get3A_360, %shift_right_arithmetic3A_362 : vector<16xi32>
        %swap3A_364 = arith.constant 48 : index
        %swap3A_365 = tpu.vector_load %arg11[%swap3A_364] {strides = array<i32>} : memref<64xi32, #tpu.memory_space<vmem>>, vector<16xi32>,
        %swap3A_366 = vector.shape_cast %swap3A_365 : vector<16xi32> to vector<16xi32>
        %swap3A_367 = vector.shape_cast %shift_right_arithmetic3A_363 : vector<16xi32> to vector<16xi32>
        tpu.vector_store %arg11[%swap3A_364], %swap3A_367 {strides = array<i32>} : memref<64xi32, #tpu.memory_space<vmem>>, vector<16xi32>,
        %and3A_368 = arith.constant 65535 : i32
        %and3A_369 = vector.broadcast %and3A_368 : i32 to vector<16xi32>
        %and3A_370 = arith.andi %get3A_360, %and3A_369 : vector<16xi32>
        %swap3A_371 = arith.constant 48 : index
        %swap3A_372 = tpu.vector_load %arg7[%swap3A_371] {strides = array<i32>} : memref<64xi32, #tpu.memory_space<vmem>>, vector<16xi32>,
        %swap3A_373 = vector.shape_cast %swap3A_372 : vector<16xi32> to vector<16xi32>
        %swap3A_374 = vector.shape_cast %and3A_370 : vector<16xi32> to vector<16xi32>
        tpu.vector_store %arg7[%swap3A_371], %swap3A_374 {strides = array<i32>} : memref<64xi32, #tpu.memory_space<vmem>>, vector<16xi32>,
        %dma_start3A_375 = arith.constant 0 : i32
        %dma_start3A_376 = arith.constant 0 : i32
        %dma_start3A_377 = tpu.memref_slice %arg2[%dma_start3A_375, %dma_start3A_376] : memref<20000x128xf32, #tpu.memory_space<hbm>> -> memref<20000x128xf32, #tpu.memory_space<hbm>>
        tpu.enqueue_indirect_dma source(%dma_start3A_377 : memref<20000x128xf32, #tpu.memory_space<hbm>>) target(%arg15 : memref<64x128xf32, #tpu.memory_space<vmem>>) offsets(%arg7 : memref<64xi32, #tpu.memory_space<vmem>>) semaphore(%arg24 : memref<!tpu.dma_semaphore, #tpu.memory_space<semaphore_mem>>)
      } else {
      }
      %add3A_292 = arith.constant 4 : i32
      %add3A_293 = arith.addi %add3A_275, %add3A_292 : i32
      %lt3A_294 = arith.constant 316 : i32
      %lt3A_295 = arith.cmpi slt, %add3A_293, %lt3A_294 : i32
      %convert_element_type3A_296 = arith.extui %lt3A_295 : i1 to i32
      %cond3A_297 = arith.constant 0 : i32
      %cond3A_298 = arith.cmpi ne, %convert_element_type3A_296, %cond3A_297 : i32
      scf.if %cond3A_298 {
        %add3A_299 = arith.constant 4 : i32
        %add3A_300 = arith.addi %add3A_275, %add3A_299 : i32
        %dma_start3A_301 = arith.constant 0 : i32
        %dma_start3A_302 = tpu.memref_slice %arg3[%arg0, %arg1, %add3A_300, %dma_start3A_301] : memref<2x16x316x64xi32, #tpu.memory_space<hbm>> -> memref<1x1x1x64xi32, #tpu.memory_space<hbm>>
        %dma_start3A_303 = tpu.memref_squeeze %dma_start3A_302 : memref<1x1x1x64xi32, #tpu.memory_space<hbm>> -> memref<64xi32, #tpu.memory_space<hbm>>
        %dma_start3A_304 = arith.constant 0 : i32
        %dma_start3A_305 = tpu.memref_slice %arg3[%arg0, %arg1, %add3A_300, %dma_start3A_304] : memref<2x16x316x64xi32, #tpu.memory_space<hbm>> -> memref<1x1x1x64xi32, #tpu.memory_space<hbm>>
        %dma_start3A_306 = tpu.memref_squeeze %dma_start3A_305 : memref<1x1x1x64xi32, #tpu.memory_space<hbm>> -> memref<64xi32, #tpu.memory_space<hbm>>
        tpu.enqueue_dma source(%dma_start3A_306 : memref<64xi32, #tpu.memory_space<hbm>>) target(%arg9 : memref<64xi32, #tpu.memory_space<vmem>>) target_semaphore(%arg22 : memref<!tpu.dma_semaphore, #tpu.memory_space<semaphore_mem>>)
      } else {
      }
    }
    %scan3A_185 = arith.constant 79 : i32
    %dma_wait3A_186 = arith.constant 0 : i32
    %dma_wait3A_187 = arith.constant 0 : i32
    %dma_wait3A_188 = tpu.memref_slice %arg18[%dma_wait3A_186, %dma_wait3A_187] : memref<10112x128xf32, #tpu.memory_space<vmem_shared>> -> memref<10112x128xf32, #tpu.memory_space<vmem_shared>>
    tpu.wait_indirect_dma semaphore(%arg27 : memref<!tpu.dma_semaphore, #tpu.memory_space<semaphore_mem>>) src(%arg16 : memref<64x128xf32, #tpu.memory_space<vmem>>) dst(%dma_wait3A_188 : memref<10112x128xf32, #tpu.memory_space<vmem_shared>>)
    %dma_wait3A_189 = arith.constant 0 : i32
    %dma_wait3A_190 = arith.constant 0 : i32
    %dma_wait3A_191 = tpu.memref_slice %arg18[%dma_wait3A_189, %dma_wait3A_190] : memref<10112x128xf32, #tpu.memory_space<vmem_shared>> -> memref<10112x128xf32, #tpu.memory_space<vmem_shared>>
    tpu.wait_indirect_dma semaphore(%arg28 : memref<!tpu.dma_semaphore, #tpu.memory_space<semaphore_mem>>) src(%arg17 : memref<64x128xf32, #tpu.memory_space<vmem>>) dst(%dma_wait3A_191 : memref<10112x128xf32, #tpu.memory_space<vmem_shared>>)
    %barrier3A_192 = arith.constant 0 : index
    tpu.barrier barrier_id(%barrier3A_192)
    %mul3A_193 = arith.constant 632 : i32
    %mul3A_194 = arith.muli %arg1, %mul3A_193 : i32
    %mul3A_195 = arith.constant 632 : i32
    %mul3A_196 = arith.muli %arg1, %mul3A_195 : i32
    "tpu.region"() ({
      %run_scoped3A = tpu.sem_alloc : memref<!tpu.dma_semaphore, #tpu.memory_space<semaphore_mem>>
      %dma_start3A_197 = arith.constant 0 : i32
      %dma_start3A_198 = tpu.memref_slice %arg5[%arg0, %mul3A_196, %dma_start3A_197] : memref<2x10112x128xf32, #tpu.memory_space<hbm>> -> memref<1x632x128xf32, #tpu.memory_space<hbm>>
      %dma_start3A_199 = tpu.memref_squeeze %dma_start3A_198 : memref<1x632x128xf32, #tpu.memory_space<hbm>> -> memref<632x128xf32, #tpu.memory_space<hbm>>
      %dma_start3A_200 = arith.constant 0 : i32
      %dma_start3A_201 = tpu.memref_slice %arg18[%mul3A_194, %dma_start3A_200] : memref<10112x128xf32, #tpu.memory_space<vmem_shared>> -> memref<632x128xf32, #tpu.memory_space<vmem_shared>>
      tpu.enqueue_dma source(%dma_start3A_201 : memref<632x128xf32, #tpu.memory_space<vmem_shared>>) target(%dma_start3A_199 : memref<632x128xf32, #tpu.memory_space<hbm>>) target_semaphore(%run_scoped3A : memref<!tpu.dma_semaphore, #tpu.memory_space<semaphore_mem>>)
      %dma_wait3A_202 = arith.constant 0 : i32
      %dma_wait3A_203 = tpu.memref_slice %arg5[%arg0, %mul3A_196, %dma_wait3A_202] : memref<2x10112x128xf32, #tpu.memory_space<hbm>> -> memref<1x632x128xf32, #tpu.memory_space<hbm>>
      %dma_wait3A_204 = tpu.memref_squeeze %dma_wait3A_203 : memref<1x632x128xf32, #tpu.memory_space<hbm>> -> memref<632x128xf32, #tpu.memory_space<hbm>>
      %dma_wait3A_205 = arith.constant 0 : i32
      %dma_wait3A_206 = tpu.memref_slice %arg18[%mul3A_194, %dma_wait3A_205] : memref<10112x128xf32, #tpu.memory_space<vmem_shared>> -> memref<632x128xf32, #tpu.memory_space<vmem_shared>>
      tpu.wait_dma2 semaphore(%run_scoped3A : memref<!tpu.dma_semaphore, #tpu.memory_space<semaphore_mem>>) src(%dma_wait3A_206 : memref<632x128xf32, #tpu.memory_space<vmem_shared>>) dst(%dma_wait3A_204 : memref<632x128xf32, #tpu.memory_space<hbm>>)
      tpu.yield
    }) : () -> ()
    return
  }
}

module attributes {stable_mosaic.version = 14 : i64} {
  func.func @_tc1_body(%arg0: i32, %arg1: memref<1000x128xf32, #tpu.memory_space<vmem>>, %arg2: memref<128x256xf32, #tpu.memory_space<vmem>>, %arg3: memref<1x256xf32, #tpu.memory_space<vmem>>, %arg4: memref<1000x1xf32, #tpu.memory_space<vmem>>, %arg5: memref<2x1000x128xf32, #tpu.memory_space<vmem>>) attributes {dimension_semantics = [#tpu.dimension_semantics<arbitrary>], iteration_bounds = array<i64: 10>, scalar_prefetch = 0 : i64, scratch_operands = 0 : i64, tpu.core_type = #tpu.core_type<tc>, window_params = [{transform_indices = @transform_0, window_bounds = array<i64: 1000, 128>}, {pipeline_mode = #tpu.pipeline_mode<synchronous>, transform_indices = @transform_1, window_bounds = array<i64: 128, 256>}, {pipeline_mode = #tpu.pipeline_mode<synchronous>, transform_indices = @transform_2, window_bounds = array<i64: 1, 256>}, {transform_indices = @transform_3, window_bounds = array<i64: 1000, 1>}, {transform_indices = @transform_4, window_bounds = array<i64: 2, 1000, 128>}]} {
    %get3A = arith.constant 0 : index
    %get3A_0 = arith.constant 0 : index
    %get3A_1 = vector.load %arg1[%get3A, %get3A_0] : memref<1000x128xf32, #tpu.memory_space<vmem>>, vector<1000x128xf32>
    %get3A_2 = arith.constant 0 : index
    %get3A_3 = arith.constant 0 : index
    %get3A_4 = vector.load %arg2[%get3A_2, %get3A_3] : memref<128x256xf32, #tpu.memory_space<vmem>>, vector<128x256xf32>
    %dot_general3A = arith.constant dense<0.000000e+00> : vector<1000x256xf32>
    %dot_general3A_5 = tpu.matmul %get3A_1, %get3A_4, %dot_general3A {dimension_numbers = #tpu.dot_dimension_numbers<[1], [0], [0], [1], [0, 0, 1, 1], [], []>, transpose_lhs_hint = false} : vector<1000x128xf32>, vector<128x256xf32>, vector<1000x256xf32> -> vector<1000x256xf32>
    %get3A_6 = arith.constant 0 : index
    %get3A_7 = arith.constant 0 : index
    %get3A_8 = vector.load %arg3[%get3A_6, %get3A_7] : memref<1x256xf32, #tpu.memory_space<vmem>>, vector<1x256xf32>
    %add3A = vector.broadcast %get3A_8 : vector<1x256xf32> to vector<1000x256xf32>
    %add3A_9 = arith.addf %dot_general3A_5, %add3A : vector<1000x256xf32>
    %get3A_10 = arith.constant 0 : index
    %get3A_11 = arith.constant 0 : index
    %get3A_12 = vector.load %arg4[%get3A_10, %get3A_11] : memref<1000x1xf32, #tpu.memory_space<vmem>>, vector<1000x1xf32>
    %mul3A = vector.broadcast %get3A_12 : vector<1000x1xf32> to vector<1000x256xf32>
    %mul3A_13 = arith.mulf %add3A_9, %mul3A : vector<1000x256xf32>
    %slice3A = vector.extract_strided_slice %mul3A_13 {offsets = [0, 0], sizes = [1000, 128], strides = [1, 1]} : vector<1000x256xf32> to vector<1000x128xf32>
    %swap3A = arith.constant 0 : index
    %swap3A_14 = arith.constant 0 : index
    %swap3A_15 = arith.constant 0 : index
    %swap3A_16 = vector.load %arg5[%swap3A, %swap3A_14, %swap3A_15] : memref<2x1000x128xf32, #tpu.memory_space<vmem>>, vector<1x1000x128xf32>
    %swap3A_17 = vector.shape_cast %swap3A_16 : vector<1x1000x128xf32> to vector<1000x128xf32>
    %swap3A_18 = vector.shape_cast %slice3A : vector<1000x128xf32> to vector<1x1000x128xf32>
    tpu.vector_store %arg5[%swap3A, %swap3A_14, %swap3A_15], %swap3A_18 {strides = array<i32>} : memref<2x1000x128xf32, #tpu.memory_space<vmem>>, vector<1x1000x128xf32>,
    %slice3A_19 = vector.extract_strided_slice %mul3A_13 {offsets = [0, 128], sizes = [1000, 128], strides = [1, 1]} : vector<1000x256xf32> to vector<1000x128xf32>
    %swap3A_20 = arith.constant 1 : index
    %swap3A_21 = arith.constant 0 : index
    %swap3A_22 = arith.constant 0 : index
    %swap3A_23 = vector.load %arg5[%swap3A_20, %swap3A_21, %swap3A_22] : memref<2x1000x128xf32, #tpu.memory_space<vmem>>, vector<1x1000x128xf32>
    %swap3A_24 = vector.shape_cast %swap3A_23 : vector<1x1000x128xf32> to vector<1000x128xf32>
    %swap3A_25 = vector.shape_cast %slice3A_19 : vector<1000x128xf32> to vector<1x1000x128xf32>
    tpu.vector_store %arg5[%swap3A_20, %swap3A_21, %swap3A_22], %swap3A_25 {strides = array<i32>} : memref<2x1000x128xf32, #tpu.memory_space<vmem>>, vector<1x1000x128xf32>,
    return
  }
  func.func @transform_0(%arg0: i32) -> (i32, i32) {
    %c0_i32 = arith.constant 0 : i32
    %c0_i32_0 = arith.constant 0 : i32
    return %arg0, %c0_i32 : i32, i32
  }
  func.func @transform_1(%arg0: i32) -> (i32, i32) {
    %c0_i32 = arith.constant 0 : i32
    %c0_i32_0 = arith.constant 0 : i32
    %c0_i32_1 = arith.constant 0 : i32
    return %c0_i32, %c0_i32_0 : i32, i32
  }
  func.func @transform_2(%arg0: i32) -> (i32, i32) {
    %c0_i32 = arith.constant 0 : i32
    %c0_i32_0 = arith.constant 0 : i32
    %c0_i32_1 = arith.constant 0 : i32
    return %c0_i32, %c0_i32_0 : i32, i32
  }
  func.func @transform_3(%arg0: i32) -> (i32, i32) {
    %c0_i32 = arith.constant 0 : i32
    %c0_i32_0 = arith.constant 0 : i32
    return %arg0, %c0_i32 : i32, i32
  }
  func.func @transform_4(%arg0: i32) -> (i32, i32, i32) {
    %c0_i32 = arith.constant 0 : i32
    %c0_i32_0 = arith.constant 0 : i32
    %c0_i32_1 = arith.constant 0 : i32
    return %c0_i32, %arg0, %c0_i32_0 : i32, i32, i32
  }
}

module attributes {stable_mosaic.version = 14 : i64} {
  func.func @_tc2_body(%arg0: i32, %arg1: memref<2x1000x128xf32, #tpu.memory_space<vmem>>, %arg2: memref<1000x1xf32, #tpu.memory_space<vmem>>, %arg3: memref<1000x1xf32, #tpu.memory_space<vmem>>, %arg4: memref<256x256xf32, #tpu.memory_space<vmem>>, %arg5: memref<1x256xf32, #tpu.memory_space<vmem>>, %arg6: memref<2x1000x128xf32, #tpu.memory_space<vmem>>) attributes {dimension_semantics = [#tpu.dimension_semantics<arbitrary>], iteration_bounds = array<i64: 10>, scalar_prefetch = 0 : i64, scratch_operands = 0 : i64, tpu.core_type = #tpu.core_type<tc>, window_params = [{transform_indices = @transform_0, window_bounds = array<i64: 2, 1000, 128>}, {transform_indices = @transform_1, window_bounds = array<i64: 1000, 1>}, {transform_indices = @transform_2, window_bounds = array<i64: 1000, 1>}, {pipeline_mode = #tpu.pipeline_mode<synchronous>, transform_indices = @transform_3, window_bounds = array<i64: 256, 256>}, {pipeline_mode = #tpu.pipeline_mode<synchronous>, transform_indices = @transform_4, window_bounds = array<i64: 1, 256>}, {transform_indices = @transform_5, window_bounds = array<i64: 2, 1000, 128>}]} {
    %get3A = arith.constant 0 : index
    %get3A_0 = arith.constant 0 : index
    %get3A_1 = vector.load %arg2[%get3A, %get3A_0] : memref<1000x1xf32, #tpu.memory_space<vmem>>, vector<1000x1xf32>
    %get3A_2 = arith.constant 0 : index
    %get3A_3 = arith.constant 0 : index
    %get3A_4 = arith.constant 0 : index
    %get3A_5 = vector.load %arg1[%get3A_2, %get3A_3, %get3A_4] : memref<2x1000x128xf32, #tpu.memory_space<vmem>>, vector<1x1000x128xf32>
    %get3A_6 = vector.shape_cast %get3A_5 : vector<1x1000x128xf32> to vector<1000x128xf32>
    %mul3A = vector.broadcast %get3A_1 : vector<1000x1xf32> to vector<1000x128xf32>
    %mul3A_7 = arith.mulf %get3A_6, %mul3A : vector<1000x128xf32>
    %max3A = arith.constant 0.000000e+00 : f32
    %max3A_8 = vector.broadcast %max3A : f32 to vector<1000x128xf32>
    %max3A_9 = arith.maximumf %mul3A_7, %max3A_8 : vector<1000x128xf32>
    %get3A_10 = arith.constant 1 : index
    %get3A_11 = arith.constant 0 : index
    %get3A_12 = arith.constant 0 : index
    %get3A_13 = vector.load %arg1[%get3A_10, %get3A_11, %get3A_12] : memref<2x1000x128xf32, #tpu.memory_space<vmem>>, vector<1x1000x128xf32>
    %get3A_14 = vector.shape_cast %get3A_13 : vector<1x1000x128xf32> to vector<1000x128xf32>
    %mul3A_15 = vector.broadcast %get3A_1 : vector<1000x1xf32> to vector<1000x128xf32>
    %mul3A_16 = arith.mulf %get3A_14, %mul3A_15 : vector<1000x128xf32>
    %max3A_17 = arith.constant 0.000000e+00 : f32
    %max3A_18 = vector.broadcast %max3A_17 : f32 to vector<1000x128xf32>
    %max3A_19 = arith.maximumf %mul3A_16, %max3A_18 : vector<1000x128xf32>
    %get3A_20 = arith.constant 0 : index
    %get3A_21 = arith.constant 0 : index
    %get3A_22 = vector.load %arg4[%get3A_20, %get3A_21] : memref<256x256xf32, #tpu.memory_space<vmem>>, vector<128x256xf32>
    %dot_general3A = arith.constant dense<0.000000e+00> : vector<1000x256xf32>
    %dot_general3A_23 = tpu.matmul %max3A_9, %get3A_22, %dot_general3A {dimension_numbers = #tpu.dot_dimension_numbers<[1], [0], [0], [1], [0, 0, 1, 1], [], []>, transpose_lhs_hint = false} : vector<1000x128xf32>, vector<128x256xf32>, vector<1000x256xf32> -> vector<1000x256xf32>
    %get3A_24 = arith.constant 128 : index
    %get3A_25 = arith.constant 0 : index
    %get3A_26 = vector.load %arg4[%get3A_24, %get3A_25] : memref<256x256xf32, #tpu.memory_space<vmem>>, vector<128x256xf32>
    %dot_general3A_27 = arith.constant dense<0.000000e+00> : vector<1000x256xf32>
    %dot_general3A_28 = tpu.matmul %max3A_19, %get3A_26, %dot_general3A_27 {dimension_numbers = #tpu.dot_dimension_numbers<[1], [0], [0], [1], [0, 0, 1, 1], [], []>, transpose_lhs_hint = false} : vector<1000x128xf32>, vector<128x256xf32>, vector<1000x256xf32> -> vector<1000x256xf32>
    %add3A = arith.addf %dot_general3A_23, %dot_general3A_28 : vector<1000x256xf32>
    %get3A_29 = arith.constant 0 : index
    %get3A_30 = arith.constant 0 : index
    %get3A_31 = vector.load %arg5[%get3A_29, %get3A_30] : memref<1x256xf32, #tpu.memory_space<vmem>>, vector<1x256xf32>
    %add3A_32 = vector.broadcast %get3A_31 : vector<1x256xf32> to vector<1000x256xf32>
    %add3A_33 = arith.addf %add3A, %add3A_32 : vector<1000x256xf32>
    %get3A_34 = arith.constant 0 : index
    %get3A_35 = arith.constant 0 : index
    %get3A_36 = vector.load %arg3[%get3A_34, %get3A_35] : memref<1000x1xf32, #tpu.memory_space<vmem>>, vector<1000x1xf32>
    %mul3A_37 = vector.broadcast %get3A_36 : vector<1000x1xf32> to vector<1000x256xf32>
    %mul3A_38 = arith.mulf %add3A_33, %mul3A_37 : vector<1000x256xf32>
    %slice3A = vector.extract_strided_slice %mul3A_38 {offsets = [0, 0], sizes = [1000, 128], strides = [1, 1]} : vector<1000x256xf32> to vector<1000x128xf32>
    %swap3A = arith.constant 0 : index
    %swap3A_39 = arith.constant 0 : index
    %swap3A_40 = arith.constant 0 : index
    %swap3A_41 = vector.load %arg6[%swap3A, %swap3A_39, %swap3A_40] : memref<2x1000x128xf32, #tpu.memory_space<vmem>>, vector<1x1000x128xf32>
    %swap3A_42 = vector.shape_cast %swap3A_41 : vector<1x1000x128xf32> to vector<1000x128xf32>
    %swap3A_43 = vector.shape_cast %slice3A : vector<1000x128xf32> to vector<1x1000x128xf32>
    tpu.vector_store %arg6[%swap3A, %swap3A_39, %swap3A_40], %swap3A_43 {strides = array<i32>} : memref<2x1000x128xf32, #tpu.memory_space<vmem>>, vector<1x1000x128xf32>,
    %slice3A_44 = vector.extract_strided_slice %mul3A_38 {offsets = [0, 128], sizes = [1000, 128], strides = [1, 1]} : vector<1000x256xf32> to vector<1000x128xf32>
    %swap3A_45 = arith.constant 1 : index
    %swap3A_46 = arith.constant 0 : index
    %swap3A_47 = arith.constant 0 : index
    %swap3A_48 = vector.load %arg6[%swap3A_45, %swap3A_46, %swap3A_47] : memref<2x1000x128xf32, #tpu.memory_space<vmem>>, vector<1x1000x128xf32>
    %swap3A_49 = vector.shape_cast %swap3A_48 : vector<1x1000x128xf32> to vector<1000x128xf32>
    %swap3A_50 = vector.shape_cast %slice3A_44 : vector<1000x128xf32> to vector<1x1000x128xf32>
    tpu.vector_store %arg6[%swap3A_45, %swap3A_46, %swap3A_47], %swap3A_50 {strides = array<i32>} : memref<2x1000x128xf32, #tpu.memory_space<vmem>>, vector<1x1000x128xf32>,
    return
  }
  func.func @transform_0(%arg0: i32) -> (i32, i32, i32) {
    %c0_i32 = arith.constant 0 : i32
    %c0_i32_0 = arith.constant 0 : i32
    %c0_i32_1 = arith.constant 0 : i32
    return %c0_i32, %arg0, %c0_i32_0 : i32, i32, i32
  }
  func.func @transform_1(%arg0: i32) -> (i32, i32) {
    %c0_i32 = arith.constant 0 : i32
    %c0_i32_0 = arith.constant 0 : i32
    return %arg0, %c0_i32 : i32, i32
  }
  func.func @transform_2(%arg0: i32) -> (i32, i32) {
    %c0_i32 = arith.constant 0 : i32
    %c0_i32_0 = arith.constant 0 : i32
    return %arg0, %c0_i32 : i32, i32
  }
  func.func @transform_3(%arg0: i32) -> (i32, i32) {
    %c0_i32 = arith.constant 0 : i32
    %c0_i32_0 = arith.constant 0 : i32
    %c0_i32_1 = arith.constant 0 : i32
    return %c0_i32, %c0_i32_0 : i32, i32
  }
  func.func @transform_4(%arg0: i32) -> (i32, i32) {
    %c0_i32 = arith.constant 0 : i32
    %c0_i32_0 = arith.constant 0 : i32
    %c0_i32_1 = arith.constant 0 : i32
    return %c0_i32, %c0_i32_0 : i32, i32
  }
  func.func @transform_5(%arg0: i32) -> (i32, i32, i32) {
    %c0_i32 = arith.constant 0 : i32
    %c0_i32_0 = arith.constant 0 : i32
    %c0_i32_1 = arith.constant 0 : i32
    return %c0_i32, %arg0, %c0_i32_0 : i32, i32, i32
  }
}

module attributes {stable_mosaic.version = 14 : i64} {
  func.func @_tc3_body(%arg0: i32, %arg1: memref<2x1000x128xf32, #tpu.memory_space<vmem>>, %arg2: memref<1000x1xf32, #tpu.memory_space<vmem>>, %arg3: memref<1000x1xf32, #tpu.memory_space<vmem>>, %arg4: memref<256x256xf32, #tpu.memory_space<vmem>>, %arg5: memref<1x256xf32, #tpu.memory_space<vmem>>, %arg6: memref<2x1000x128xf32, #tpu.memory_space<vmem>>) attributes {dimension_semantics = [#tpu.dimension_semantics<arbitrary>], iteration_bounds = array<i64: 10>, scalar_prefetch = 0 : i64, scratch_operands = 0 : i64, tpu.core_type = #tpu.core_type<tc>, window_params = [{transform_indices = @transform_0, window_bounds = array<i64: 2, 1000, 128>}, {transform_indices = @transform_1, window_bounds = array<i64: 1000, 1>}, {transform_indices = @transform_2, window_bounds = array<i64: 1000, 1>}, {pipeline_mode = #tpu.pipeline_mode<synchronous>, transform_indices = @transform_3, window_bounds = array<i64: 256, 256>}, {pipeline_mode = #tpu.pipeline_mode<synchronous>, transform_indices = @transform_4, window_bounds = array<i64: 1, 256>}, {transform_indices = @transform_5, window_bounds = array<i64: 2, 1000, 128>}]} {
    %get3A = arith.constant 0 : index
    %get3A_0 = arith.constant 0 : index
    %get3A_1 = vector.load %arg2[%get3A, %get3A_0] : memref<1000x1xf32, #tpu.memory_space<vmem>>, vector<1000x1xf32>
    %get3A_2 = arith.constant 0 : index
    %get3A_3 = arith.constant 0 : index
    %get3A_4 = arith.constant 0 : index
    %get3A_5 = vector.load %arg1[%get3A_2, %get3A_3, %get3A_4] : memref<2x1000x128xf32, #tpu.memory_space<vmem>>, vector<1x1000x128xf32>
    %get3A_6 = vector.shape_cast %get3A_5 : vector<1x1000x128xf32> to vector<1000x128xf32>
    %mul3A = vector.broadcast %get3A_1 : vector<1000x1xf32> to vector<1000x128xf32>
    %mul3A_7 = arith.mulf %get3A_6, %mul3A : vector<1000x128xf32>
    %max3A = arith.constant 0.000000e+00 : f32
    %max3A_8 = vector.broadcast %max3A : f32 to vector<1000x128xf32>
    %max3A_9 = arith.maximumf %mul3A_7, %max3A_8 : vector<1000x128xf32>
    %get3A_10 = arith.constant 1 : index
    %get3A_11 = arith.constant 0 : index
    %get3A_12 = arith.constant 0 : index
    %get3A_13 = vector.load %arg1[%get3A_10, %get3A_11, %get3A_12] : memref<2x1000x128xf32, #tpu.memory_space<vmem>>, vector<1x1000x128xf32>
    %get3A_14 = vector.shape_cast %get3A_13 : vector<1x1000x128xf32> to vector<1000x128xf32>
    %mul3A_15 = vector.broadcast %get3A_1 : vector<1000x1xf32> to vector<1000x128xf32>
    %mul3A_16 = arith.mulf %get3A_14, %mul3A_15 : vector<1000x128xf32>
    %max3A_17 = arith.constant 0.000000e+00 : f32
    %max3A_18 = vector.broadcast %max3A_17 : f32 to vector<1000x128xf32>
    %max3A_19 = arith.maximumf %mul3A_16, %max3A_18 : vector<1000x128xf32>
    %get3A_20 = arith.constant 0 : index
    %get3A_21 = arith.constant 0 : index
    %get3A_22 = vector.load %arg4[%get3A_20, %get3A_21] : memref<256x256xf32, #tpu.memory_space<vmem>>, vector<128x256xf32>
    %dot_general3A = arith.constant dense<0.000000e+00> : vector<1000x256xf32>
    %dot_general3A_23 = tpu.matmul %max3A_9, %get3A_22, %dot_general3A {dimension_numbers = #tpu.dot_dimension_numbers<[1], [0], [0], [1], [0, 0, 1, 1], [], []>, transpose_lhs_hint = false} : vector<1000x128xf32>, vector<128x256xf32>, vector<1000x256xf32> -> vector<1000x256xf32>
    %get3A_24 = arith.constant 128 : index
    %get3A_25 = arith.constant 0 : index
    %get3A_26 = vector.load %arg4[%get3A_24, %get3A_25] : memref<256x256xf32, #tpu.memory_space<vmem>>, vector<128x256xf32>
    %dot_general3A_27 = arith.constant dense<0.000000e+00> : vector<1000x256xf32>
    %dot_general3A_28 = tpu.matmul %max3A_19, %get3A_26, %dot_general3A_27 {dimension_numbers = #tpu.dot_dimension_numbers<[1], [0], [0], [1], [0, 0, 1, 1], [], []>, transpose_lhs_hint = false} : vector<1000x128xf32>, vector<128x256xf32>, vector<1000x256xf32> -> vector<1000x256xf32>
    %add3A = arith.addf %dot_general3A_23, %dot_general3A_28 : vector<1000x256xf32>
    %get3A_29 = arith.constant 0 : index
    %get3A_30 = arith.constant 0 : index
    %get3A_31 = vector.load %arg5[%get3A_29, %get3A_30] : memref<1x256xf32, #tpu.memory_space<vmem>>, vector<1x256xf32>
    %add3A_32 = vector.broadcast %get3A_31 : vector<1x256xf32> to vector<1000x256xf32>
    %add3A_33 = arith.addf %add3A, %add3A_32 : vector<1000x256xf32>
    %get3A_34 = arith.constant 0 : index
    %get3A_35 = arith.constant 0 : index
    %get3A_36 = vector.load %arg3[%get3A_34, %get3A_35] : memref<1000x1xf32, #tpu.memory_space<vmem>>, vector<1000x1xf32>
    %mul3A_37 = vector.broadcast %get3A_36 : vector<1000x1xf32> to vector<1000x256xf32>
    %mul3A_38 = arith.mulf %add3A_33, %mul3A_37 : vector<1000x256xf32>
    %slice3A = vector.extract_strided_slice %mul3A_38 {offsets = [0, 0], sizes = [1000, 128], strides = [1, 1]} : vector<1000x256xf32> to vector<1000x128xf32>
    %swap3A = arith.constant 0 : index
    %swap3A_39 = arith.constant 0 : index
    %swap3A_40 = arith.constant 0 : index
    %swap3A_41 = vector.load %arg6[%swap3A, %swap3A_39, %swap3A_40] : memref<2x1000x128xf32, #tpu.memory_space<vmem>>, vector<1x1000x128xf32>
    %swap3A_42 = vector.shape_cast %swap3A_41 : vector<1x1000x128xf32> to vector<1000x128xf32>
    %swap3A_43 = vector.shape_cast %slice3A : vector<1000x128xf32> to vector<1x1000x128xf32>
    tpu.vector_store %arg6[%swap3A, %swap3A_39, %swap3A_40], %swap3A_43 {strides = array<i32>} : memref<2x1000x128xf32, #tpu.memory_space<vmem>>, vector<1x1000x128xf32>,
    %slice3A_44 = vector.extract_strided_slice %mul3A_38 {offsets = [0, 128], sizes = [1000, 128], strides = [1, 1]} : vector<1000x256xf32> to vector<1000x128xf32>
    %swap3A_45 = arith.constant 1 : index
    %swap3A_46 = arith.constant 0 : index
    %swap3A_47 = arith.constant 0 : index
    %swap3A_48 = vector.load %arg6[%swap3A_45, %swap3A_46, %swap3A_47] : memref<2x1000x128xf32, #tpu.memory_space<vmem>>, vector<1x1000x128xf32>
    %swap3A_49 = vector.shape_cast %swap3A_48 : vector<1x1000x128xf32> to vector<1000x128xf32>
    %swap3A_50 = vector.shape_cast %slice3A_44 : vector<1000x128xf32> to vector<1x1000x128xf32>
    tpu.vector_store %arg6[%swap3A_45, %swap3A_46, %swap3A_47], %swap3A_50 {strides = array<i32>} : memref<2x1000x128xf32, #tpu.memory_space<vmem>>, vector<1x1000x128xf32>,
    return
  }
  func.func @transform_0(%arg0: i32) -> (i32, i32, i32) {
    %c0_i32 = arith.constant 0 : i32
    %c0_i32_0 = arith.constant 0 : i32
    %c0_i32_1 = arith.constant 0 : i32
    return %c0_i32, %arg0, %c0_i32_0 : i32, i32, i32
  }
  func.func @transform_1(%arg0: i32) -> (i32, i32) {
    %c0_i32 = arith.constant 0 : i32
    %c0_i32_0 = arith.constant 0 : i32
    return %arg0, %c0_i32 : i32, i32
  }
  func.func @transform_2(%arg0: i32) -> (i32, i32) {
    %c0_i32 = arith.constant 0 : i32
    %c0_i32_0 = arith.constant 0 : i32
    return %arg0, %c0_i32 : i32, i32
  }
  func.func @transform_3(%arg0: i32) -> (i32, i32) {
    %c0_i32 = arith.constant 0 : i32
    %c0_i32_0 = arith.constant 0 : i32
    %c0_i32_1 = arith.constant 0 : i32
    return %c0_i32, %c0_i32_0 : i32, i32
  }
  func.func @transform_4(%arg0: i32) -> (i32, i32) {
    %c0_i32 = arith.constant 0 : i32
    %c0_i32_0 = arith.constant 0 : i32
    %c0_i32_1 = arith.constant 0 : i32
    return %c0_i32, %c0_i32_0 : i32, i32
  }
  func.func @transform_5(%arg0: i32) -> (i32, i32, i32) {
    %c0_i32 = arith.constant 0 : i32
    %c0_i32_0 = arith.constant 0 : i32
    %c0_i32_1 = arith.constant 0 : i32
    return %c0_i32, %arg0, %c0_i32_0 : i32, i32, i32
  }
}

module attributes {stable_mosaic.version = 14 : i64} {
  func.func @_tc5_body(%arg0: i32, %arg1: memref<2x1000x128xf32, #tpu.memory_space<vmem>>, %arg2: memref<1000x1xf32, #tpu.memory_space<vmem>>, %arg3: memref<1000x128xf32, #tpu.memory_space<vmem>>) attributes {dimension_semantics = [#tpu.dimension_semantics<arbitrary>], iteration_bounds = array<i64: 10>, scalar_prefetch = 0 : i64, scratch_operands = 0 : i64, tpu.core_type = #tpu.core_type<tc>, window_params = [{transform_indices = @transform_0, window_bounds = array<i64: 2, 1000, 128>}, {transform_indices = @transform_1, window_bounds = array<i64: 1000, 1>}, {transform_indices = @transform_2, window_bounds = array<i64: 1000, 128>}]} {
    %get3A = arith.constant 0 : index
    %get3A_0 = arith.constant 0 : index
    %get3A_1 = arith.constant 0 : index
    %get3A_2 = vector.load %arg1[%get3A, %get3A_0, %get3A_1] : memref<2x1000x128xf32, #tpu.memory_space<vmem>>, vector<1x1000x128xf32>
    %get3A_3 = vector.shape_cast %get3A_2 : vector<1x1000x128xf32> to vector<1000x128xf32>
    %get3A_4 = arith.constant 1 : index
    %get3A_5 = arith.constant 0 : index
    %get3A_6 = arith.constant 0 : index
    %get3A_7 = vector.load %arg1[%get3A_4, %get3A_5, %get3A_6] : memref<2x1000x128xf32, #tpu.memory_space<vmem>>, vector<1x1000x128xf32>
    %get3A_8 = vector.shape_cast %get3A_7 : vector<1x1000x128xf32> to vector<1000x128xf32>
    %add3A = arith.addf %get3A_3, %get3A_8 : vector<1000x128xf32>
    %get3A_9 = arith.constant 0 : index
    %get3A_10 = arith.constant 0 : index
    %get3A_11 = vector.load %arg2[%get3A_9, %get3A_10] : memref<1000x1xf32, #tpu.memory_space<vmem>>, vector<1000x1xf32>
    %mul3A = vector.broadcast %get3A_11 : vector<1000x1xf32> to vector<1000x128xf32>
    %mul3A_12 = arith.mulf %add3A, %mul3A : vector<1000x128xf32>
    %swap3A = arith.constant 0 : index
    %swap3A_13 = arith.constant 0 : index
    %swap3A_14 = vector.load %arg3[%swap3A, %swap3A_13] : memref<1000x128xf32, #tpu.memory_space<vmem>>, vector<1000x128xf32>
    tpu.vector_store %arg3[%swap3A, %swap3A_13], %mul3A_12 {strides = array<i32>} : memref<1000x128xf32, #tpu.memory_space<vmem>>, vector<1000x128xf32>,
    return
  }
  func.func @transform_0(%arg0: i32) -> (i32, i32, i32) {
    %c0_i32 = arith.constant 0 : i32
    %c0_i32_0 = arith.constant 0 : i32
    %c0_i32_1 = arith.constant 0 : i32
    return %c0_i32, %arg0, %c0_i32_0 : i32, i32, i32
  }
  func.func @transform_1(%arg0: i32) -> (i32, i32) {
    %c0_i32 = arith.constant 0 : i32
    %c0_i32_0 = arith.constant 0 : i32
    return %arg0, %c0_i32 : i32, i32
  }
  func.func @transform_2(%arg0: i32) -> (i32, i32) {
    %c0_i32 = arith.constant 0 : i32
    %c0_i32_0 = arith.constant 0 : i32
    return %arg0, %c0_i32 : i32, i32
  }
}

module attributes {stable_mosaic.version = 14 : i64} {
  func.func @_tc4_body(%arg0: i32, %arg1: memref<2x1000x128xf32, #tpu.memory_space<vmem>>, %arg2: memref<1000x1xf32, #tpu.memory_space<vmem>>, %arg3: memref<1000x1xf32, #tpu.memory_space<vmem>>, %arg4: memref<256x128xf32, #tpu.memory_space<vmem>>, %arg5: memref<1x128xf32, #tpu.memory_space<vmem>>, %arg6: memref<1000x256xf32, #tpu.memory_space<vmem>>, %arg7: memref<1000x128xf32, #tpu.memory_space<vmem>>) attributes {dimension_semantics = [#tpu.dimension_semantics<arbitrary>], iteration_bounds = array<i64: 10>, scalar_prefetch = 0 : i64, scratch_operands = 0 : i64, tpu.core_type = #tpu.core_type<tc>, window_params = [{transform_indices = @transform_0, window_bounds = array<i64: 2, 1000, 128>}, {transform_indices = @transform_1, window_bounds = array<i64: 1000, 1>}, {transform_indices = @transform_2, window_bounds = array<i64: 1000, 1>}, {pipeline_mode = #tpu.pipeline_mode<synchronous>, transform_indices = @transform_3, window_bounds = array<i64: 256, 128>}, {pipeline_mode = #tpu.pipeline_mode<synchronous>, transform_indices = @transform_4, window_bounds = array<i64: 1, 128>}, {transform_indices = @transform_5, window_bounds = array<i64: 1000, 256>}, {transform_indices = @transform_6, window_bounds = array<i64: 1000, 128>}]} {
    %get3A = arith.constant 0 : index
    %get3A_0 = arith.constant 0 : index
    %get3A_1 = vector.load %arg2[%get3A, %get3A_0] : memref<1000x1xf32, #tpu.memory_space<vmem>>, vector<1000x1xf32>
    %get3A_2 = arith.constant 0 : index
    %get3A_3 = arith.constant 0 : index
    %get3A_4 = arith.constant 0 : index
    %get3A_5 = vector.load %arg1[%get3A_2, %get3A_3, %get3A_4] : memref<2x1000x128xf32, #tpu.memory_space<vmem>>, vector<1x1000x128xf32>
    %get3A_6 = vector.shape_cast %get3A_5 : vector<1x1000x128xf32> to vector<1000x128xf32>
    %mul3A = vector.broadcast %get3A_1 : vector<1000x1xf32> to vector<1000x128xf32>
    %mul3A_7 = arith.mulf %get3A_6, %mul3A : vector<1000x128xf32>
    %get3A_8 = arith.constant 1 : index
    %get3A_9 = arith.constant 0 : index
    %get3A_10 = arith.constant 0 : index
    %get3A_11 = vector.load %arg1[%get3A_8, %get3A_9, %get3A_10] : memref<2x1000x128xf32, #tpu.memory_space<vmem>>, vector<1x1000x128xf32>
    %get3A_12 = vector.shape_cast %get3A_11 : vector<1x1000x128xf32> to vector<1000x128xf32>
    %mul3A_13 = vector.broadcast %get3A_1 : vector<1000x1xf32> to vector<1000x128xf32>
    %mul3A_14 = arith.mulf %get3A_12, %mul3A_13 : vector<1000x128xf32>
    %swap3A = arith.constant 0 : index
    %swap3A_15 = arith.constant 0 : index
    %swap3A_16 = vector.load %arg6[%swap3A, %swap3A_15] : memref<1000x256xf32, #tpu.memory_space<vmem>>, vector<1000x128xf32>
    tpu.vector_store %arg6[%swap3A, %swap3A_15], %mul3A_7 {strides = array<i32>} : memref<1000x256xf32, #tpu.memory_space<vmem>>, vector<1000x128xf32>,
    %swap3A_17 = arith.constant 0 : index
    %swap3A_18 = arith.constant 128 : index
    %swap3A_19 = vector.load %arg6[%swap3A_17, %swap3A_18] : memref<1000x256xf32, #tpu.memory_space<vmem>>, vector<1000x128xf32>
    tpu.vector_store %arg6[%swap3A_17, %swap3A_18], %mul3A_14 {strides = array<i32>} : memref<1000x256xf32, #tpu.memory_space<vmem>>, vector<1000x128xf32>,
    %max3A = arith.constant 0.000000e+00 : f32
    %max3A_20 = vector.broadcast %max3A : f32 to vector<1000x128xf32>
    %max3A_21 = arith.maximumf %mul3A_7, %max3A_20 : vector<1000x128xf32>
    %get3A_22 = arith.constant 0 : index
    %get3A_23 = arith.constant 0 : index
    %get3A_24 = vector.load %arg4[%get3A_22, %get3A_23] : memref<256x128xf32, #tpu.memory_space<vmem>>, vector<128x128xf32>
    %dot_general3A = arith.constant dense<0.000000e+00> : vector<1000x128xf32>
    %dot_general3A_25 = tpu.matmul %max3A_21, %get3A_24, %dot_general3A {dimension_numbers = #tpu.dot_dimension_numbers<[1], [0], [0], [1], [0, 0, 1, 1], [], []>, transpose_lhs_hint = false} : vector<1000x128xf32>, vector<128x128xf32>, vector<1000x128xf32> -> vector<1000x128xf32>
    %max3A_26 = arith.constant 0.000000e+00 : f32
    %max3A_27 = vector.broadcast %max3A_26 : f32 to vector<1000x128xf32>
    %max3A_28 = arith.maximumf %mul3A_14, %max3A_27 : vector<1000x128xf32>
    %get3A_29 = arith.constant 128 : index
    %get3A_30 = arith.constant 0 : index
    %get3A_31 = vector.load %arg4[%get3A_29, %get3A_30] : memref<256x128xf32, #tpu.memory_space<vmem>>, vector<128x128xf32>
    %dot_general3A_32 = arith.constant dense<0.000000e+00> : vector<1000x128xf32>
    %dot_general3A_33 = tpu.matmul %max3A_28, %get3A_31, %dot_general3A_32 {dimension_numbers = #tpu.dot_dimension_numbers<[1], [0], [0], [1], [0, 0, 1, 1], [], []>, transpose_lhs_hint = false} : vector<1000x128xf32>, vector<128x128xf32>, vector<1000x128xf32> -> vector<1000x128xf32>
    %add3A = arith.addf %dot_general3A_25, %dot_general3A_33 : vector<1000x128xf32>
    %get3A_34 = arith.constant 0 : index
    %get3A_35 = arith.constant 0 : index
    %get3A_36 = vector.load %arg5[%get3A_34, %get3A_35] : memref<1x128xf32, #tpu.memory_space<vmem>>, vector<1x128xf32>
    %add3A_37 = vector.broadcast %get3A_36 : vector<1x128xf32> to vector<1000x128xf32>
    %add3A_38 = arith.addf %add3A, %add3A_37 : vector<1000x128xf32>
    %get3A_39 = arith.constant 0 : index
    %get3A_40 = arith.constant 0 : index
    %get3A_41 = vector.load %arg3[%get3A_39, %get3A_40] : memref<1000x1xf32, #tpu.memory_space<vmem>>, vector<1000x1xf32>
    %mul3A_42 = vector.broadcast %get3A_41 : vector<1000x1xf32> to vector<1000x128xf32>
    %mul3A_43 = arith.mulf %add3A_38, %mul3A_42 : vector<1000x128xf32>
    %swap3A_44 = arith.constant 0 : index
    %swap3A_45 = arith.constant 0 : index
    %swap3A_46 = vector.load %arg7[%swap3A_44, %swap3A_45] : memref<1000x128xf32, #tpu.memory_space<vmem>>, vector<1000x128xf32>
    tpu.vector_store %arg7[%swap3A_44, %swap3A_45], %mul3A_43 {strides = array<i32>} : memref<1000x128xf32, #tpu.memory_space<vmem>>, vector<1000x128xf32>,
    return
  }
  func.func @transform_0(%arg0: i32) -> (i32, i32, i32) {
    %c0_i32 = arith.constant 0 : i32
    %c0_i32_0 = arith.constant 0 : i32
    %c0_i32_1 = arith.constant 0 : i32
    return %c0_i32, %arg0, %c0_i32_0 : i32, i32, i32
  }
  func.func @transform_1(%arg0: i32) -> (i32, i32) {
    %c0_i32 = arith.constant 0 : i32
    %c0_i32_0 = arith.constant 0 : i32
    return %arg0, %c0_i32 : i32, i32
  }
  func.func @transform_2(%arg0: i32) -> (i32, i32) {
    %c0_i32 = arith.constant 0 : i32
    %c0_i32_0 = arith.constant 0 : i32
    return %arg0, %c0_i32 : i32, i32
  }
  func.func @transform_3(%arg0: i32) -> (i32, i32) {
    %c0_i32 = arith.constant 0 : i32
    %c0_i32_0 = arith.constant 0 : i32
    %c0_i32_1 = arith.constant 0 : i32
    return %c0_i32, %c0_i32_0 : i32, i32
  }
  func.func @transform_4(%arg0: i32) -> (i32, i32) {
    %c0_i32 = arith.constant 0 : i32
    %c0_i32_0 = arith.constant 0 : i32
    %c0_i32_1 = arith.constant 0 : i32
    return %c0_i32, %c0_i32_0 : i32, i32
  }
  func.func @transform_5(%arg0: i32) -> (i32, i32) {
    %c0_i32 = arith.constant 0 : i32
    %c0_i32_0 = arith.constant 0 : i32
    return %arg0, %c0_i32 : i32, i32
  }
  func.func @transform_6(%arg0: i32) -> (i32, i32) {
    %c0_i32 = arith.constant 0 : i32
    %c0_i32_0 = arith.constant 0 : i32
    return %arg0, %c0_i32 : i32, i32
  }
}

</mosaic_0001>

<sc_bundles>
// kernel: kernel.11.cloned.1.call-start
scs
__scs_entry_jumppad:
0x0: {  	(pc) =	sbr.rel $0x88, $3  }
0x1: {  	(tag) =	ssettag $0x0;
	lr =	simm.s32 $0x1  }
0x2: {  	[smem:$0x3F93] =	sst lr;
	_ =	strace $0xD0000000  }
0x3: {  	_ = 	snop  }
0x4: {  	_ = 	snop  }
0x5: {  	_ = 	snop  }
0x6: {  	_ = 	snop  }
0x7: {  	_ = 	snop  }
__scs_overlays_trampoline_lowered:
0x8: {  	[smem:$0x3FA2] =	sst s0  }
0x9: {  	[smem:$0x3FA3] =	sst s1  }
0xa: {  	[smem:$0x3FA4] =	sst s2  }
0xb: {  	[smem:$0x3FA5] =	sst s3  }
0xc: {  	[smem:$0x3FA6] =	sst s4  }
0xd: {  	[smem:$0x3FA7] =	sst s5  }
0xe: {  	[smem:$0x3FA8] =	sst s6  }
0xf: {  	[smem:$0x3FA9] =	sst s7  }
0x10: {  	[smem:$0x3FAA] =	sst s8  }
0x11: {  	[smem:$0x3FAB] =	sst s9;
	s0 =	simm.s32 @!p0 $0x0  }
0x12: {  	s1 =	sld [smem:$0x3F91];
	s0 =	simm.s32 @p0 $0x1  }
0x13: {  	[smem:$0x3FAC] =	sst s0;
	s0 =	simm.s32 @!p1 $0x0  }
0x14: {  	s2 =	sld [smem:$0x3F90];
	s0 =	simm.s32 @p1 $0x1  }
0x15: {  	[smem:$0x3FAD] =	sst s0;
	s0 =	simm.s32 @!p2 $0x0  }
0x16: {  	s3 =	sld [smem:$0x3FDB];
	s0 =	simm.s32 @p2 $0x1  }
0x17: {  	s4 =	simm.s32 $0x1BF5;
	[smem:$0x3FAF] =	sst s0  }
0x18: {  	s0 =	sld [smem:$0x3F92];
	_ =	swait.ge [sflag:s4], $0x0  }
0x19: {  	s7 =	sld [smem:$0x3F93]  }
0x1a: {  	s8 =	sadd.s32 $0xFFFFE003, lr  }
0x1b: {  	s9 =	sadd.s32 $0xFFFFFEF7, lr;
	s5 =	simm.s32 $0xFFFFFFFF;
	p2 =	slt.u32 s8, $0xFFFFF086  }
0x1c: {  	p1 =	slt.u32 s9, $0xF7A;
	s5 =	simm.s32 @!p2 $0x0  }
0x1d: {  	s5 =	simm.s32 @p1 $0x1;
	p0 =	seq.s32 s7, s2  }
0x1e: {  	s7 =	smul.u32 @!p0 $0xF7A, s2;
	p2 =	seq.s32 @!p0 s5, $0x0  }
0x1f: {  	s9 =	smul.u32 $0xF7A, s1;
	s8 =	simm.s32 @!p0 $0x1BF5;
	p2 =	por !p2, p0  }
0x20: {  	[sflag:s8] =	ssyncset.s32 @!p0 $0xFFFFF086;
	s6 =	sadd.s32 @!p0 s3, s7;
	s7 =	simm.s32 @!p0 $0x108  }
0x21: {  	s3 =	sadd.s32 s3, s9;
	s6 =	sadd.s32 @!p0 $0x88, s6;
	s7 =	simm.s32 @p2 $0x1082  }
0x22: {  	[simem:s7], [sflag:s8] =	dma.local @!p0 [hbm:s6], $0xF7A  }
0x23: {  	s9 =	sor.u32 $0xD0000000, s2;
	s6 =	simm.s32 $0x108;
	_ =	swait.ge @!p0 [sflag:s8], $0x0  }
0x24: {  	s3 =	sadd.s32 $0x88, s3;
	s6 =	simm.s32 @!p1 $0x1082;
	[sflag:s4] =	ssyncset.s32 $0xFFFFF086  }
0x25: {  	[simem:s6], [sflag:s4] =	dma.local [hbm:s3], $0xF7A  }
0x26: {  	[smem:$0x3F93] =	sst s1;
	(tag) =	ssettag s2;
	_ =	strace s9  }
0x27: {  	s1 =	sld [smem:$0x3FA3]  }
0x28: {  	s2 =	sld [smem:$0x3FA4]  }
0x29: {  	s4 =	sld [smem:$0x3FA6]  }
0x2a: {  	p0 =	seq.s32 s5, $0x0;
	s5 =	sld [smem:$0x3FA7]  }
0x2b: {  	s6 =	sld [smem:$0x3FA8]  }
0x2c: {  	s7 =	sld [smem:$0x3FA9]  }
0x2d: {  	s3 =	simm.s32 $0x108;
	s8 =	sld [smem:$0x3FAA]  }
0x2e: {  	s3 =	simm.s32 @!p0 $0x1082;
	s9 =	sld [smem:$0x3FAB]  }
0x2f: {  	lr =	sadd.s32 s0, s3;
	s0 =	sld [smem:$0x3FA2]  }
0x30: {  	s3 =	sld [smem:$0x3FA5]  }
0x31: {  	[smem:$0x3FAE] =	sst s10  }
0x32: {  	s10 =	sld [smem:$0x3FAC];
	_ =	sdelay $0x3  }
0x33: {  	p0 =	seq.s32 s10, $0x1;
	s10 =	sld [smem:$0x3FAE];
	_ =	sdelay $0x3  }
0x34: {  	[smem:$0x3FAE] =	sst s10  }
0x35: {  	s10 =	sld [smem:$0x3FAD];
	_ =	sdelay $0x3  }
0x36: {  	p1 =	seq.s32 s10, $0x1;
	s10 =	sld [smem:$0x3FAE];
	_ =	sdelay $0x3  }
0x37: {  	[smem:$0x3FAE] =	sst s10  }
0x38: {  	s10 =	sld [smem:$0x3FAF]  }
0x39: {  	_ = 	snop;
	(pc) =	sbr.ind lr, $3  }
0x3a: {  	_ = 	snop  }
0x3b: {  	_ = 	snop  }
0x3c: {  	p2 =	seq.s32 s10, $0x1;
	s10 =	sld [smem:$0x3FAE]  }
0x3d: {  	_ =	shalt  }
0x3e: {  	_ =	shalt  }
0x3f: {  	_ =	shalt  }
0x40: {  	_ =	shalt  }
0x41: {  	_ =	shalt  }
0x42: {  	_ =	shalt  }
0x43: {  	_ =	shalt  }
0x44: {  	_ =	shalt  }
0x45: {  	_ =	shalt  }
0x46: {  	_ =	shalt  }
0x47: {  	_ =	shalt  }
0x48: {  	_ =	shalt  }
0x49: {  	_ =	shalt  }
0x4a: {  	_ =	shalt  }
0x4b: {  	_ =	shalt  }
0x4c: {  	_ =	shalt  }
0x4d: {  	_ =	shalt  }
0x4e: {  	_ =	shalt  }
0x4f: {  	_ =	shalt  }
0x50: {  	_ =	shalt  }
0x51: {  	_ =	shalt  }
0x52: {  	_ =	shalt  }
0x53: {  	_ =	shalt  }
0x54: {  	_ =	shalt  }
0x55: {  	_ =	shalt  }
0x56: {  	_ =	shalt  }
0x57: {  	_ =	shalt  }
0x58: {  	_ =	shalt  }
0x59: {  	_ =	shalt  }
0x5a: {  	_ =	shalt  }
0x5b: {  	_ =	shalt  }
0x5c: {  	_ =	shalt  }
0x5d: {  	_ =	shalt  }
0x5e: {  	_ =	shalt  }
0x5f: {  	_ =	shalt  }
0x60: {  	_ =	shalt  }
0x61: {  	_ =	shalt  }
0x62: {  	_ =	shalt  }
0x63: {  	_ =	shalt  }
0x64: {  	_ =	shalt  }
0x65: {  	_ =	shalt  }
0x66: {  	_ =	shalt  }
0x67: {  	_ =	shalt  }
0x68: {  	_ =	shalt  }
0x69: {  	_ =	shalt  }
0x6a: {  	_ =	shalt  }
0x6b: {  	_ =	shalt  }
0x6c: {  	_ =	shalt  }
0x6d: {  	_ =	shalt  }
0x6e: {  	_ =	shalt  }
0x6f: {  	_ =	shalt  }
0x70: {  	_ =	shalt  }
0x71: {  	_ =	shalt  }
0x72: {  	_ =	shalt  }
0x73: {  	_ =	shalt  }
0x74: {  	_ =	shalt  }
0x75: {  	_ =	shalt  }
0x76: {  	_ =	shalt  }
0x77: {  	_ =	shalt  }
0x78: {  	_ =	shalt  }
0x79: {  	_ =	shalt  }
0x7a: {  	_ =	shalt  }
0x7b: {  	_ =	shalt  }
0x7c: {  	_ =	shalt  }
0x7d: {  	_ =	shalt  }
0x7e: {  	_ =	shalt  }
0x7f: {  	_ =	shalt  }
0x80: {  	_ =	shalt  }
0x81: {  	_ =	shalt  }
0x82: {  	_ =	shalt  }
0x83: {  	_ =	shalt  }
0x84: {  	_ =	shalt  }
0x85: {  	_ =	shalt  }
0x86: {  	_ =	shalt  }
0x87: {  	_ =	shalt  }
.Lfunc_end0:
.L_simem_size_0:
called_computation_lowered:
.L_overlay_start_0:
0x88: {  	s2 =	sld [smem:$0x3FD9]  }
0x89: {  	s3 =	sld [smem:$0x3FFE];
	_ =	sdelay $0x1  }
0x8a: {  	s1 =	srdreg.scid  }
0x8b: {  	s0 =	sand.u32 $0x1, s1  }
0x8c: {  	s14 =	sshll.u32 s0, $0xA;
	s2 =	sadd.s32 s3, s2  }
0x8d: {  	s2 =	sadd.s32 s2, s14  }
0x8e: {  	[smem:$0x3FBA] =	sst s2  }
0x8f: {  	_ = 	snop  }
0x90: {  	s2 =	sld [smem:$0x3FD0];
	_ =	sdelay $0x2  }
0x91: {  	s15 =	simm.s32 $0xA;
	s4 =	simm.s32 $0x10  }
0x92: {  	[smem:s4], [sflag:s15] =	dma.local [hbm:s2], $0x1  }
0x93: {  	_ =	swait.eq [sflag:s15], $0x1  }
0x94: {  	[sflag:s15] =	ssyncset.done $0x0  }
0x95: {  	[sflag:s15] =	ssyncadd.s32 $0xFFFFFFFF  }
0x96: {  	s16 =	sld [smem:$0x11];
	(tm) =	ssettm $0x1  }
0x97: {  	s17 =	sld [smem:$0x3FFB];
	_ =	sdelay $0x3  }
0x98: {  	_ =	strace s17  }
0x99: {  	s3 =	sld [smem:$0x3FFC];
	_ =	sdelay $0x3  }
0x9a: {  	_ =	strace s3  }
0x9b: {  	s3 =	sld [smem:$0x3FFD];
	_ =	sdelay $0x3  }
0x9c: {  	_ =	strace s3  }
0x9d: {  	_ =	strace $0x8FFFFFFF  }
0x9e: {  	s18 =	sld [smem:$0x3FDB];
	_ =	sdelay $0x1  }
0x9f: {  	s19 =	simm.s32 $_scs_section_size  }
0xa0: {  	s5 =	simm.s32 $_size__tile_overlayer_lowered;
	s6 =	simm.s32 $_tile_overlayer_lowered  }
0xa1: {  	s22 =	simm.s32 $0x1BFF;
	s21 =	sshll.u32 s6, $0x1;
	s3 =	sadd.s32 s19, s18  }
0xa2: {  	s7 =	simm.s32 $0x0;
	s20 =	sshll.u32 s5, $0x1;
	s5 =	sadd.s32 s21, s3  }
0xa3: {  	[timem:s7], [sflag:s22] =	dma.local [hbm:s5], s20  }
0xa4: {  	_ =	swait.ge [sflag:s22], s20  }
0xa5: {  	s4 =	ssub.s32 $0x0, s20;
	[sflag:s22] =	ssyncset.done $0x0  }
0xa6: {  	[sflag:s22] =	ssyncadd.s32 s4;
	_ =	sdelay $0x1  }
0xa7: {  	s23 =	simm.s32 $0x1B8B  }
0xa8: {  	_ =	swait.ge [sflag:s23], $0x1  }
0xa9: {  	[sflag:s23] =	ssyncset.done $0x0  }
0xaa: {  	s25 =	simm.s32 $0x1B8E;
	s24 =	sld [smem:$0x3FFE];
	[sflag:s23] =	ssyncadd.s32 $0xFFFFFFFF  }
0xab: {  	s26 =	simm.s32 $execute0_lowered;
	[smem:$0x3FD2] =	sst s25  }
0xac: {  	s5 =	sshll.u32 s26, $0x1;
	_ =	strace $0x80000046;
	[dreg:$0x1] =	wrdreg $0xFFFFFFFF  }
0xad: {  	s28 =	simm.s32 $_size_execute0_lowered;
	s3 =	sadd.s32 s3, s5;
	[dreg:$0x0] =	wrdreg $0x0  }
0xae: {  	s5 =	sshll.u32 s28, $0x1;
	[dreg:$0x2] =	wrdreg s3  }
0xaf: {  	[dreg:$0x3] =	wrdreg s5  }
0xb0: {  	[dreg:$0x4] =	wrdreg $0xC0  }
0xb1: {  	_ =	task [dreg:s7], $0x5FFFF  }
0xb2: {  	[dreg:$0x1] =	wrdreg $0xFFFFFFFF  }
0xb3: {  	[dreg:$0x0] =	wrdreg $0x60  }
0xb4: {  	[dreg:$0x2] =	wrdreg s16  }
0xb5: {  	[dreg:$0x3] =	wrdreg s24  }
0xb6: {  	[dreg:$0x4] =	wrdreg $0x82000  }
0xb7: {  	[dreg:$0x5] =	wrdreg $0x9  }
0xb8: {  	_ =	task.clear_ibuf [dreg:s7], $0x6FFFF;
	_ =	strace $0x90000046  }
0xb9: {  	s29 =	simm.s32 $0x9;
	_ =	strace $0x80000048  }
0xba: {  	_ =	swait.ge [sflag:s29], $0x1  }
0xbb: {  	[sflag:s29] =	ssyncadd.s32 $0xFFFFFFFF  }
0xbc: {  	_ =	strace $0x90000048  }
0xbd: {  	_ =	sfence  }
0xbe: {  	s30 =	sld [smem:$0x0];
	_ =	sdelay $0x2  }
0xbf: {  	s31 =	sshll.u32 s1, $0xD;
	s1 =	sshrl.u32 s1, $0x2  }
0xc0: {  	s3 =	sand.u32 $0x4000, s31;
	s1 =	sadd.s32 s1, s30  }
0xc1: {  	s0 =	sor.u32 s3, s0;
	s1 =	sshll.u32 s1, $0x11  }
0xc2: {  	s0 =	sor.u32 s1, s0  }
0xc3: {  	s0 =	sadd.s32 $0x8F2B, s0  }
0xc4: {  	[sflag:s0] =	ssyncadd.remote.s32 $0x1  }
0xc5: {  	_ =	sfence.sel $0xFFFF  }
0xc6: {  	[dreg:$0x0] =	wrdreg $0xFFFFFFFF;
	(pc) =	sbr.abs _section_cstart, $3  }
0xc7: {  	[dreg:$0x1] =	wrdreg $0xFFFFFFFF  }
0xc8: {  	_ =	task.clear_ibuf [dreg:s7], $0x2FFFF;
	_ =	strace $0x9FFFFFFF  }
0xc9: {  	(tm) =	ssettm $0x7FFFFFFF  }
tec
execute0_lowered:
.L_overlay_start_1:
0x0: {  	(tag) =	ssettag $0x1  }
0x1: {  	s2 =	rddreg [dreg:$0x0]  }
0x2: {  	s0 =	rddreg [dreg:$0x1]  }
0x3: {  	s3 =	rddreg [dreg:$0x2]  }
0x4: {  	s12 =	stileid.u32;
	s1 =	srdreg.scid;
	s4 =	simm.s32 $0x0  }
0x5: {  	s28 =	simm.s32 $0x5;
	s29 =	simm.s32 $0x100;
	s30 =	simm.s32 $0x3  }
0x6: {  	s31 =	simm.s32 $0x4200;
	s6 =	smul.u32 $0x13C00, s12;
	s1 =	sand.u32 $0x1, s1  }
0x7: {  	[smem:$0x7FF] =	sst s4;
	s5 =	sadd.s32 $0x23000, s0;
	s10 =	smul.u32 $0x4F00, s12  }
0x8: {  	s18 =	sshll.u32 s12, $0x6;
	s12 =	simm.s32 $0x1C0;
	s7 =	smul.u32 $0x13C000, s1  }
0x9: {  	s8 =	smul.u32 $0x4F000, s1;
	s1 =	ssub.s32 $0x2, s1;
	s9 =	sshrl.u32 s6, $0x3  }
0xa: {  	_ =	strace $0x80000047;
	s11 =	sshrl.u32 s1, $0x1;
	s9 =	sadd.s32 s9, s0  }
0xb: {  	s7 =	sadd.s32 s6, s7;
	s10 =	sadd.s32 s10, s8;
	s1 =	ssub.s32 s1, s11  }
0xc: {  	s6 =	sadd.s32 s6, s3;
	s8 =	sor.u32 $0x1C0B, s18;
	s18 =	simm.s32 $0xB  }
0xd: {  	s11 =	simm.s32 $0x8;
	s7 =	sshrl.u32 s7, $0x3;
	s17 =	sshrl.u32 s10, $0x3  }
0xe: {  	s9 =	sadd.s32 $0x36C00, s9;
	s21 =	smax.u32 s1, $0x1;
	s22 =	sadd.s32 $0x1C0, s10  }
0xf: {  	s23 =	sadd.s32 $0x180, s10;
	s24 =	sadd.s32 $0x140, s10;
	s26 =	sadd.s32 $0x100, s10  }
0x10: {  	s13 =	sshrl.u32 s6, $0x3;
	s10 =	simm.s32 $0x6200;
	[dreg:$0x6] =	wrdreg s8  }
0x11: {  	s0 =	sadd.s32 s7, s0;
	s7 =	sadd.s32 s5, s17;
	[dreg:$0x5] =	wrdreg s9  }
0x12: {  	[dreg:$0xb] =	wrdreg s21;
	s1 =	sshrl.u32 s23, $0x3;
	s25 =	sshrl.u32 s24, $0x3  }
0x13: {  	[dreg:$0xc] =	wrdreg s26;
	s21 =	simm.s32 $0x80;
	s24 =	simm.s32 $0x200  }
0x14: {  	s26 =	simm.s32 $0x2200;
	s9 =	simm.s32 $0x4;
	[dreg:$0xd] =	wrdreg s13  }
0x15: {  	s17 =	simm.s32 $0x0;
	s19 =	sadd.s32 $0x8, s7;
	[dreg:$0x4] =	wrdreg s7  }
0x16: {  	s20 =	sadd.s32 $0x10, s7;
	s7 =	sadd.s32 $0x18, s7;
	[dreg:$0x7] =	wrdreg s19  }
.Ltmp0:
0x17: {  	s0 =	sadd.s32 $0x5E400, s0;
	[dreg:$0x8] =	wrdreg s20;
	(pc) =	sbr.rel .LBB2_1-.Ltmp0, $4  }
0x18: {  	s15 =	sadd.s32 s1, s5;
	s16 =	sadd.s32 s25, s5;
	[dreg:$0x9] =	wrdreg s7  }
0x19: {  	s25 =	simm.s32 $0x2;
	s1 =	simm.s32 $0xA;
	[dreg:$0xa] =	wrdreg s0  }
0x1a: {  	s0 =	sshrl.u32 s22, $0x3;
	s20 =	simm.s32 $0x40;
	s22 =	simm.s32 $0xC0  }
0x1b: {  	s7 =	simm.s32 $0x140;
	s14 =	sadd.s32 s0, s5;
	s0 =	simm.s32 $0x6  }
.LBB2_8:
0x1c: {  	s6 =	simm.s32 $0x9  }
0x1d: {  	_ =	swait.ge [sflag:s6], $0x2000  }
0x1e: {  	[sflag:s6] =	ssyncset.done $0x0  }
0x1f: {  	[sflag:s6] =	ssyncadd.s32 $0xFFFFE000  }
0x20: {  	_ =	swait.ge [sflag:s1], $0x2000  }
0x21: {  	[sflag:s1] =	ssyncset.done $0x0  }
0x22: {  	[sflag:s1] =	ssyncadd.s32 $0xFFFFE000  }
0x23: {  	[bflag:$0x0] =	sbarrier.arrive $0xFFFF  }
0x24: {  	s8 =	rddreg [dreg:$0x6]  }
0x25: {  	s19 =	rddreg [dreg:$0xa]  }
0x26: {  	s18 =	simm.s32 $0xB;
	s13 =	rddreg [dreg:$0xd]  }
0x27: {  	[hbm:s19], [sflag:s8] =	dma.local [spmem:s13], $0x2780  }
0x28: {  	_ =	swait.ge [sflag:s18], $0x2780  }
0x29: {  	s17 =	sadd.s32 $0x1, s17;
	s23 =	rddreg [dreg:$0xb]  }
0x2a: {  	p0 =	sne.s32 s17, s23  }
.Ltmp1:
0x2b: {  	_ = 	snop;
	(pc) =	sbr.rel @!p0 .LBB2_9-.Ltmp1, $3  }
0x2c: {  	_ =	sdelay $0x1  }
0x2d: {  	[sflag:s18] =	ssyncset.done $0x0  }
0x2e: {  	[sflag:s18] =	ssyncadd.s32 $0xFFFFD880  }
.LBB2_1:
0x2f: {  	s6 =	rddreg [dreg:$0x5]  }
0x30: {  	[spmem:s13], [sflag:s8] =	dma.local [hbm:s6], $0x2780  }
0x31: {  	_ =	swait.ge [sflag:s18], $0x2780  }
0x32: {  	[sflag:s18] =	ssyncset.done $0x0  }
0x33: {  	[sflag:s18] =	ssyncadd.s32 $0xFFFFD880  }
0x34: {  	[bflag:$0x0] =	sbarrier.arrive $0xFFFF  }
0x35: {  	s8 =	rddreg [dreg:$0x4]  }
0x36: {  	[tilespmem:s4], [sflag:$0x1] =	stream.linear.gather [hbm4b:s8+s4], $0x40, $0x38;
	[tilespmem:$0x1BE00] =	vst v63  }
0x37: {  	s13 =	rddreg [dreg:$0x7]  }
0x38: {  	[tilespmem:s20], [sflag:$0x2] =	stream.linear.gather [hbm4b:s13+s4], $0x40, $0x38;
	[tilespmem:$0x1BE00] =	vst v63  }
0x39: {  	s18 =	rddreg [dreg:$0x8]  }
0x3a: {  	[tilespmem:s21], [sflag:$0x3] =	stream.linear.gather [hbm4b:s18+s4], $0x40, $0x38;
	[tilespmem:$0x1BE00] =	vst v63  }
0x3b: {  	s23 =	simm.s32 $0x1;
	s19 =	rddreg [dreg:$0x9]  }
0x3c: {  	[tilespmem:s22], [sflag:$0x4] =	stream.linear.gather [hbm4b:s19+s4], $0x40, $0x38;
	[tilespmem:$0x1BE00] =	vst v63  }
0x3d: {  	_ =	swait.ge [sflag:s23], $0x40  }
0x3e: {  	[sflag:s23] =	ssyncset.done $0x0  }
0x3f: {  	[sflag:s23] =	ssyncadd.s32 $0xFFFFFFC0  }
0x40: {  	v0 =	vld [tilespmem:$0x0];
	_ =	sdelay $0x1  }
0x41: {  	v1 =	vld [tilespmem:$0x10];
	_ =	sdelay $0x1  }
0x42: {  	v2 =	vld [tilespmem:$0x20]  }
0x43: {  	v3 =	vshra.s32 v0, $0x10  }
0x44: {  	v46 =	vld [tilespmem:$0x30];
	v0 =	vand.u32 $0xFFFF, v0;
	[tilespmem:$0x100] =	vst v3  }
0x45: {  	v47 =	vshra.s32 v1, $0x10;
	[tilespmem:$0x0] =	vst v0  }
0x46: {  	v48 =	vand.u32 $0xFFFF, v1;
	[tilespmem:$0x110] =	vst v47  }
0x47: {  	v49 =	vshra.s32 v2, $0x10;
	[tilespmem:$0x10] =	vst v48  }
0x48: {  	v50 =	vand.u32 $0xFFFF, v2;
	[tilespmem:$0x120] =	vst v49  }
0x49: {  	v51 =	vshra.s32 v46, $0x10;
	[tilespmem:$0x20] =	vst v50  }
0x4a: {  	v52 =	vand.u32 $0xFFFF, v46;
	[tilespmem:$0x130] =	vst v51  }
0x4b: {  	[tilespmem:$0x30] =	vst v52  }
0x4c: {  	[tilespmem:s24], [sflag:$0x5] =	stream.indirect.gather [hbm4b:s2+s20], $0x80, s4, s20, $0xb8;
	[tilespmem:$0x1BE00] =	vst v63  }
0x4d: {  	_ =	swait.ge [sflag:s25], $0x40  }
0x4e: {  	[sflag:s25] =	ssyncset.done $0x0  }
0x4f: {  	[sflag:s25] =	ssyncadd.s32 $0xFFFFFFC0  }
0x50: {  	v53 =	vld [tilespmem:$0x40];
	_ =	sdelay $0x1  }
0x51: {  	v54 =	vld [tilespmem:$0x50];
	_ =	sdelay $0x1  }
0x52: {  	v55 =	vld [tilespmem:$0x60]  }
0x53: {  	v56 =	vshra.s32 v53, $0x10  }
0x54: {  	v57 =	vld [tilespmem:$0x70];
	v0 =	vand.u32 $0xFFFF, v53;
	[tilespmem:$0x140] =	vst v56  }
0x55: {  	v58 =	vshra.s32 v54, $0x10;
	[tilespmem:$0x40] =	vst v0  }
0x56: {  	v59 =	vand.u32 $0xFFFF, v54;
	[tilespmem:$0x150] =	vst v58  }
0x57: {  	v60 =	vshra.s32 v55, $0x10;
	[tilespmem:$0x50] =	vst v59  }
0x58: {  	v61 =	vand.u32 $0xFFFF, v55;
	[tilespmem:$0x160] =	vst v60  }
0x59: {  	v62 =	vshra.s32 v57, $0x10;
	[tilespmem:$0x60] =	vst v61  }
0x5a: {  	v63 =	vand.u32 $0xFFFF, v57;
	[tilespmem:$0x170] =	vst v62  }
0x5b: {  	s23 =	simm.s32 $0x0;
	s6 =	rddreg [dreg:$0xc];
	[tilespmem:$0x70] =	vst v63  }
0x5c: {  	[tilespmem:s26], [sflag:$0x6] =	stream.indirect.gather [hbm4b:s2+s20], $0x80, s20, s20, $0xb8;
	[tilespmem:$0x1BE00] =	vst v63  }
.LBB2_2:
0x5d: {  	_ =	swait.ge [sflag:s28], $0x2000  }
0x5e: {  	p0 =	seq.s32 s23, $0x0;
	[sflag:s28] =	ssyncset.done $0x0  }
0x5f: {  	s13 =	simm.s32 @!p0 $0x9;
	[sflag:s28] =	ssyncadd.s32 $0xFFFFE000  }
0x60: {  	_ =	swait.ge @!p0 [sflag:s13], $0x2000  }
0x61: {  	[sflag:s13] =	ssyncset.done @!p0 $0x0  }
0x62: {  	[sflag:s13] =	ssyncadd.s32 @!p0 $0xFFFFE000  }
0x63: {  	[spmem:s3] =	stream.indirect.scatter.add.f32 [tilespmem:s24], [sflag:$0x9], $0x80, s29, s20, $0xb8;
	[tilespmem:$0x1BE00] =	vst v63  }
0x64: {  	_ =	swait.ge [sflag:s30], $0x40  }
0x65: {  	[sflag:s30] =	ssyncset.done $0x0  }
0x66: {  	[sflag:s30] =	ssyncadd.s32 $0xFFFFFFC0  }
0x67: {  	v0 =	vld [tilespmem:$0x80];
	_ =	sdelay $0x1  }
0x68: {  	v1 =	vld [tilespmem:$0x90];
	_ =	sdelay $0x1  }
0x69: {  	v2 =	vld [tilespmem:$0xA0]  }
0x6a: {  	v3 =	vshra.s32 v0, $0x10  }
0x6b: {  	v57 =	vld [tilespmem:$0xB0];
	v0 =	vand.u32 $0xFFFF, v0;
	[tilespmem:$0x180] =	vst v3  }
0x6c: {  	v58 =	vshra.s32 v1, $0x10;
	[tilespmem:$0x80] =	vst v0  }
0x6d: {  	v59 =	vand.u32 $0xFFFF, v1;
	[tilespmem:$0x190] =	vst v58  }
0x6e: {  	p1 =	sne.s32 s23, $0x9C0;
	v60 =	vshra.s32 v2, $0x10;
	[tilespmem:$0x90] =	vst v59  }
.Ltmp2:
0x6f: {  	v61 =	vand.u32 $0xFFFF, v2;
	[tilespmem:$0x1A0] =	vst v60;
	(pc) =	sbr.rel @p1 .LBB2_4-.Ltmp2, $4  }
0x70: {  	v62 =	vshra.s32 v57, $0x10;
	[tilespmem:$0xA0] =	vst v61  }
0x71: {  	v63 =	vand.u32 $0xFFFF, v57;
	[tilespmem:$0x1B0] =	vst v62  }
0x72: {  	[tilespmem:$0xB0] =	vst v63  }
0x73: {  	[tilespmem:s31], [sflag:$0x7] =	stream.indirect.gather [hbm4b:s2+s20], $0x80, s21, s20, $0xb8;
	[tilespmem:$0x1BE00] =	vst v63  }
.Ltmp3:
0x74: {  	(pc) =	sbr.rel .LBB2_5-.Ltmp3, $4  }
0x75: {  	_ = 	snop  }
0x76: {  	_ =	swait.ge [sflag:s0], $0x2000  }
0x77: {  	[sflag:s0] =	ssyncset.done $0x0  }
0x78: {  	[sflag:s0] =	ssyncadd.s32 $0xFFFFE000  }
.LBB2_4:
0x79: {  	s13 =	sshrl.u32 s6, $0x3  }
.Ltmp4:
0x7a: {  	s13 =	sadd.s32 s5, s13;
	(pc) =	sbr.rel @p0 .LBB2_6-.Ltmp4, $4  }
0x7b: {  	[tilespmem:s4], [sflag:$0x1] =	stream.linear.gather [hbm4b:s13+s4], $0x40, $0x38;
	[tilespmem:$0x1BE00] =	vst v63  }
0x7c: {  	_ =	swait.ge [sflag:s0], $0x2000  }
0x7d: {  	[sflag:s0] =	ssyncset.done $0x0  }
0x7e: {  	[sflag:s0] =	ssyncadd.s32 $0xFFFFE000  }
.LBB2_5:
0x7f: {  	_ =	swait.ge [sflag:s1], $0x2000  }
0x80: {  	[sflag:s1] =	ssyncset.done $0x0  }
0x81: {  	[sflag:s1] =	ssyncadd.s32 $0xFFFFE000  }
.LBB2_6:
0x82: {  	[spmem:s3] =	stream.indirect.scatter.add.f32 [tilespmem:s26], [sflag:$0xA], $0x80, s7, s20, $0xb8;
	[tilespmem:$0x1BE00] =	vst v63  }
0x83: {  	_ =	swait.ge [sflag:s9], $0x40  }
0x84: {  	[sflag:s9] =	ssyncset.done $0x0  }
0x85: {  	[sflag:s9] =	ssyncadd.s32 $0xFFFFFFC0  }
0x86: {  	v0 =	vld [tilespmem:$0xC0];
	_ =	sdelay $0x1  }
0x87: {  	v1 =	vld [tilespmem:$0xD0];
	_ =	sdelay $0x1  }
0x88: {  	v2 =	vld [tilespmem:$0xE0]  }
0x89: {  	v3 =	vshra.s32 v0, $0x10  }
0x8a: {  	v57 =	vld [tilespmem:$0xF0];
	v0 =	vand.u32 $0xFFFF, v0;
	[tilespmem:$0x1C0] =	vst v3  }
0x8b: {  	v58 =	vshra.s32 v1, $0x10;
	[tilespmem:$0xC0] =	vst v0  }
0x8c: {  	v59 =	vand.u32 $0xFFFF, v1;
	[tilespmem:$0x1D0] =	vst v58  }
0x8d: {  	v60 =	vshra.s32 v2, $0x10;
	[tilespmem:$0xD0] =	vst v59  }
0x8e: {  	v61 =	vand.u32 $0xFFFF, v2;
	[tilespmem:$0x1E0] =	vst v60  }
0x8f: {  	v62 =	vshra.s32 v57, $0x10;
	[tilespmem:$0xE0] =	vst v61  }
0x90: {  	p0 =	seq.s32 s23, $0x9C0;
	v63 =	vand.u32 $0xFFFF, v57;
	[tilespmem:$0x1F0] =	vst v62  }
0x91: {  	s13 =	simm.s32 @p0 $0x7;
	[tilespmem:$0xF0] =	vst v63  }
0x92: {  	[tilespmem:s10], [sflag:$0x8] =	stream.indirect.gather [hbm4b:s2+s20], $0x80, s22, s20, $0xb8;
	[tilespmem:$0x1BE00] =	vst v63  }
0x93: {  	_ =	swait.ge @p0 [sflag:s13], $0x2000  }
0x94: {  	[sflag:s13] =	ssyncset.done @p0 $0x0  }
0x95: {  	[sflag:s13] =	ssyncadd.s32 @p0 $0xFFFFE000;
	s13 =	simm.s32 @p0 $0x9  }
0x96: {  	_ =	swait.ge @p0 [sflag:s13], $0x2000  }
0x97: {  	s8 =	simm.s32 @p0 $0x180;
	[sflag:s13] =	ssyncset.done @p0 $0x0  }
0x98: {  	s18 =	simm.s32 @p0 $0x4200;
	[sflag:s13] =	ssyncadd.s32 @p0 $0xFFFFE000;
	s13 =	simm.s32 @p0 $0x40  }
0x99: {  	[spmem:s3] =	stream.indirect.scatter.add.f32 @p0 [tilespmem:s18], [sflag:$0x9], $0x80, s8, s13, $0xb8;
	[tilespmem:$0x1BE00] =	vst v63  }
0x9a: {  	s8 =	sadd.s32 @!p0 s23, s16;
	s13 =	simm.s32 @!p0 $0x0;
	s18 =	simm.s32 @!p0 $0x40  }
0x9b: {  	[tilespmem:s18], [sflag:$0x2] =	stream.linear.gather @!p0 [hbm4b:s8+s13], $0x40, $0x38;
	[tilespmem:$0x1BE00] =	vst v63  }
0x9c: {  	s8 =	simm.s32 @!p0 $0x7  }
0x9d: {  	_ =	swait.ge @!p0 [sflag:s8], $0x2000  }
0x9e: {  	[sflag:s8] =	ssyncset.done @!p0 $0x0  }
0x9f: {  	[sflag:s8] =	ssyncadd.s32 @!p0 $0xFFFFE000;
	s8 =	simm.s32 @!p0 $0x9  }
0xa0: {  	_ =	swait.ge @!p0 [sflag:s8], $0x2000  }
0xa1: {  	[sflag:s8] =	ssyncset.done @!p0 $0x0  }
0xa2: {  	s19 =	simm.s32 @!p0 $0x4200;
	[sflag:s8] =	ssyncadd.s32 @!p0 $0xFFFFE000;
	s8 =	simm.s32 @!p0 $0x180  }
0xa3: {  	[spmem:s3] =	stream.indirect.scatter.add.f32 @!p0 [tilespmem:s19], [sflag:$0x9], $0x80, s8, s18, $0xb8;
	[tilespmem:$0x1BE00] =	vst v63  }
0xa4: {  	s8 =	simm.s32 @!p0 $0x1  }
0xa5: {  	_ =	swait.ge @!p0 [sflag:s8], $0x40  }
0xa6: {  	[sflag:s8] =	ssyncset.done @!p0 $0x0  }
0xa7: {  	[sflag:s8] =	ssyncadd.s32 @!p0 $0xFFFFFFC0  }
0xa8: {  	v0 =	vld @!p0 [tilespmem:$0x0];
	_ =	sdelay $0x1  }
0xa9: {  	v1 =	vld @!p0 [tilespmem:$0x10];
	_ =	sdelay $0x1  }
0xaa: {  	v2 =	vld @!p0 [tilespmem:$0x20]  }
0xab: {  	v3 =	vshra.s32 @!p0 v0, $0x10  }
0xac: {  	v0 =	vand.u32 @!p0 $0xFFFF, v0;
	[tilespmem:$0x100] =	vst @!p0 v3;
	v3 =	vld @!p0 [tilespmem:$0x30]  }
0xad: {  	[tilespmem:$0x0] =	vst @!p0 v0;
	v0 =	vshra.s32 @!p0 v1, $0x10  }
0xae: {  	[tilespmem:$0x110] =	vst @!p0 v0;
	v0 =	vand.u32 @!p0 $0xFFFF, v1  }
0xaf: {  	[tilespmem:$0x10] =	vst @!p0 v0;
	v0 =	vshra.s32 @!p0 v2, $0x10  }
0xb0: {  	[tilespmem:$0x120] =	vst @!p0 v0;
	v0 =	vand.u32 @!p0 $0xFFFF, v2  }
0xb1: {  	[tilespmem:$0x20] =	vst @!p0 v0;
	v0 =	vshra.s32 @!p0 v3, $0x10  }
0xb2: {  	[tilespmem:$0x130] =	vst @!p0 v0;
	v0 =	vand.u32 @!p0 $0xFFFF, v3  }
0xb3: {  	s8 =	simm.s32 @!p0 $0x200;
	[tilespmem:$0x30] =	vst @!p0 v0  }
0xb4: {  	[tilespmem:s8], [sflag:$0x5] =	stream.indirect.gather @!p0 [hbm4b:s2+s18], $0x80, s13, s18, $0xb8;
	[tilespmem:$0x1BE00] =	vst v63  }
0xb5: {  	s8 =	sadd.s32 @!p0 s23, s15;
	s18 =	simm.s32 @!p0 $0x80  }
0xb6: {  	[tilespmem:s18], [sflag:$0x3] =	stream.linear.gather @!p0 [hbm4b:s8+s13], $0x40, $0x38;
	[tilespmem:$0x1BE00] =	vst v63  }
0xb7: {  	_ =	swait.ge [sflag:s11], $0x2000  }
0xb8: {  	[sflag:s11] =	ssyncset.done $0x0  }
.Ltmp5:
0xb9: {  	[sflag:s11] =	ssyncadd.s32 $0xFFFFE000;
	(pc) =	sbr.rel @p0 .LBB2_8-.Ltmp5, $4  }
0xba: {  	_ =	swait.ge [sflag:s1], $0x2000  }
0xbb: {  	[sflag:s1] =	ssyncset.done $0x0  }
0xbc: {  	[sflag:s1] =	ssyncadd.s32 $0xFFFFE000  }
0xbd: {  	[spmem:s3] =	stream.indirect.scatter.add.f32 [tilespmem:s10], [sflag:$0xA], $0x80, s12, s20, $0xb8;
	[tilespmem:$0x1BE00] =	vst v63  }
0xbe: {  	_ =	swait.ge [sflag:s25], $0x40  }
0xbf: {  	[sflag:s25] =	ssyncset.done $0x0  }
0xc0: {  	[sflag:s25] =	ssyncadd.s32 $0xFFFFFFC0  }
0xc1: {  	v0 =	vld [tilespmem:$0x40];
	_ =	sdelay $0x1  }
0xc2: {  	v1 =	vld [tilespmem:$0x50];
	_ =	sdelay $0x1  }
0xc3: {  	v2 =	vld [tilespmem:$0x60]  }
0xc4: {  	v3 =	vshra.s32 v0, $0x10  }
0xc5: {  	v57 =	vld [tilespmem:$0x70];
	v0 =	vand.u32 $0xFFFF, v0;
	[tilespmem:$0x140] =	vst v3  }
0xc6: {  	v58 =	vshra.s32 v1, $0x10;
	[tilespmem:$0x40] =	vst v0  }
0xc7: {  	v59 =	vand.u32 $0xFFFF, v1;
	[tilespmem:$0x150] =	vst v58  }
0xc8: {  	v60 =	vshra.s32 v2, $0x10;
	[tilespmem:$0x50] =	vst v59  }
0xc9: {  	v61 =	vand.u32 $0xFFFF, v2;
	[tilespmem:$0x160] =	vst v60  }
0xca: {  	v62 =	vshra.s32 v57, $0x10;
	[tilespmem:$0x60] =	vst v61  }
.Ltmp6:
0xcb: {  	v63 =	vand.u32 $0xFFFF, v57;
	[tilespmem:$0x170] =	vst v62;
	(pc) =	sbr.rel .LBB2_2-.Ltmp6, $4  }
0xcc: {  	[tilespmem:$0x70] =	vst v63  }
0xcd: {  	[tilespmem:s26], [sflag:$0x6] =	stream.indirect.gather [hbm4b:s2+s20], $0x80, s20, s20, $0xb8;
	[tilespmem:$0x1BE00] =	vst v63  }
0xce: {  	s8 =	sadd.s32 s23, s14;
	s23 =	sadd.s32 $0x20, s23;
	s6 =	sadd.s32 $0x100, s6  }
0xcf: {  	[tilespmem:s22], [sflag:$0x4] =	stream.linear.gather [hbm4b:s8+s4], $0x40, $0x38;
	[tilespmem:$0x1BE00] =	vst v63  }
.LBB2_9:
0xd0: {  	_ =	sfence.sel $0x180000  }
0xd1: {  	[bflag:$0x0] =	sbarrier.arrive $0xFFFF  }
0xd2: {  	_ =	strace $0x90000047  }
0xd3: {  	s0 =	stileid.u32;
	[bflag:$0x2] =	sbarrier.arrive $0xFFFF  }
0xd4: {  	p0 =	sne.s32 s0, $0x0;
	s0 =	rddreg [dreg:$0x3]  }
0xd5: {  	s0 =	sadd.s32 @!p0 $0x100000, s0  }
0xd6: {  	[sflag:s0] =	ssyncadd.tile.s32 @!p0 $0x1;
	_ =	shalt  }
.Lfunc_end2:
_tile_overlayer_lowered:
.L_overlay_start_2:
0xd7: {  	(tag) =	ssettag $0x2  }
0xd8: {  	s0 =	rddreg [dreg:$0x0];
	s2 =	stileid.u32  }
0xd9: {  	s1 =	rddreg [dreg:$0x1];
	p0 =	sne.s32 s2, $0x0  }
0xda: {  	s3 =	rddreg [dreg:$0x2];
	[bflag:$0x3] =	sbarrier.arrive $0xFFFF;
	s2 =	simm.s32 @!p0 $0x1C0B  }
0xdb: {  	[timem:s3], [sflag:s2] =	dma.local @!p0 [hbm:s0], s1  }
0xdc: {  	s0 =	simm.s32 @!p0 $0xB  }
0xdd: {  	_ =	swait.ge @!p0 [sflag:s0], s1  }
0xde: {  	s1 =	ssub.s32 @!p0 $0x0, s1;
	[sflag:s0] =	ssyncset.done @!p0 $0x0  }
0xdf: {  	[sflag:s0] =	ssyncadd.s32 @!p0 s1  }
0xe0: {  	[bflag:$0x3] =	sbarrier.arrive $0xFFFF  }
0xe1: {  	_ =	shalt  }

// kernel: kernel.14.cloned.1.call-start
scs
__scs_entry_jumppad:
0x0: {  	(pc) =	sbr.rel $0x88, $3  }
0x1: {  	(tag) =	ssettag $0x0;
	lr =	simm.s32 $0x1  }
0x2: {  	[smem:$0x3F93] =	sst lr;
	_ =	strace $0xD0000000  }
0x3: {  	_ = 	snop  }
0x4: {  	_ = 	snop  }
0x5: {  	_ = 	snop  }
0x6: {  	_ = 	snop  }
0x7: {  	_ = 	snop  }
__scs_overlays_trampoline_lowered:
0x8: {  	[smem:$0x3FA2] =	sst s0  }
0x9: {  	[smem:$0x3FA3] =	sst s1  }
0xa: {  	[smem:$0x3FA4] =	sst s2  }
0xb: {  	[smem:$0x3FA5] =	sst s3  }
0xc: {  	[smem:$0x3FA6] =	sst s4  }
0xd: {  	[smem:$0x3FA7] =	sst s5  }
0xe: {  	[smem:$0x3FA8] =	sst s6  }
0xf: {  	[smem:$0x3FA9] =	sst s7  }
0x10: {  	[smem:$0x3FAA] =	sst s8  }
0x11: {  	[smem:$0x3FAB] =	sst s9;
	s0 =	simm.s32 @!p0 $0x0  }
0x12: {  	s1 =	sld [smem:$0x3F91];
	s0 =	simm.s32 @p0 $0x1  }
0x13: {  	[smem:$0x3FAC] =	sst s0;
	s0 =	simm.s32 @!p1 $0x0  }
0x14: {  	s2 =	sld [smem:$0x3F90];
	s0 =	simm.s32 @p1 $0x1  }
0x15: {  	[smem:$0x3FAD] =	sst s0;
	s0 =	simm.s32 @!p2 $0x0  }
0x16: {  	s3 =	sld [smem:$0x3FDB];
	s0 =	simm.s32 @p2 $0x1  }
0x17: {  	s4 =	simm.s32 $0x1BF5;
	[smem:$0x3FAF] =	sst s0  }
0x18: {  	s0 =	sld [smem:$0x3F92];
	_ =	swait.ge [sflag:s4], $0x0  }
0x19: {  	s7 =	sld [smem:$0x3F93]  }
0x1a: {  	s8 =	sadd.s32 $0xFFFFE003, lr  }
0x1b: {  	s9 =	sadd.s32 $0xFFFFFEF7, lr;
	s5 =	simm.s32 $0xFFFFFFFF;
	p2 =	slt.u32 s8, $0xFFFFF086  }
0x1c: {  	p1 =	slt.u32 s9, $0xF7A;
	s5 =	simm.s32 @!p2 $0x0  }
0x1d: {  	s5 =	simm.s32 @p1 $0x1;
	p0 =	seq.s32 s7, s2  }
0x1e: {  	s7 =	smul.u32 @!p0 $0xF7A, s2;
	p2 =	seq.s32 @!p0 s5, $0x0  }
0x1f: {  	s9 =	smul.u32 $0xF7A, s1;
	s8 =	simm.s32 @!p0 $0x1BF5;
	p2 =	por !p2, p0  }
0x20: {  	[sflag:s8] =	ssyncset.s32 @!p0 $0xFFFFF086;
	s6 =	sadd.s32 @!p0 s3, s7;
	s7 =	simm.s32 @!p0 $0x108  }
0x21: {  	s3 =	sadd.s32 s3, s9;
	s6 =	sadd.s32 @!p0 $0x88, s6;
	s7 =	simm.s32 @p2 $0x1082  }
0x22: {  	[simem:s7], [sflag:s8] =	dma.local @!p0 [hbm:s6], $0xF7A  }
0x23: {  	s9 =	sor.u32 $0xD0000000, s2;
	s6 =	simm.s32 $0x108;
	_ =	swait.ge @!p0 [sflag:s8], $0x0  }
0x24: {  	s3 =	sadd.s32 $0x88, s3;
	s6 =	simm.s32 @!p1 $0x1082;
	[sflag:s4] =	ssyncset.s32 $0xFFFFF086  }
0x25: {  	[simem:s6], [sflag:s4] =	dma.local [hbm:s3], $0xF7A  }
0x26: {  	[smem:$0x3F93] =	sst s1;
	(tag) =	ssettag s2;
	_ =	strace s9  }
0x27: {  	s1 =	sld [smem:$0x3FA3]  }
0x28: {  	s2 =	sld [smem:$0x3FA4]  }
0x29: {  	s4 =	sld [smem:$0x3FA6]  }
0x2a: {  	p0 =	seq.s32 s5, $0x0;
	s5 =	sld [smem:$0x3FA7]  }
0x2b: {  	s6 =	sld [smem:$0x3FA8]  }
0x2c: {  	s7 =	sld [smem:$0x3FA9]  }
0x2d: {  	s3 =	simm.s32 $0x108;
	s8 =	sld [smem:$0x3FAA]  }
0x2e: {  	s3 =	simm.s32 @!p0 $0x1082;
	s9 =	sld [smem:$0x3FAB]  }
0x2f: {  	lr =	sadd.s32 s0, s3;
	s0 =	sld [smem:$0x3FA2]  }
0x30: {  	s3 =	sld [smem:$0x3FA5]  }
0x31: {  	[smem:$0x3FAE] =	sst s10  }
0x32: {  	s10 =	sld [smem:$0x3FAC];
	_ =	sdelay $0x3  }
0x33: {  	p0 =	seq.s32 s10, $0x1;
	s10 =	sld [smem:$0x3FAE];
	_ =	sdelay $0x3  }
0x34: {  	[smem:$0x3FAE] =	sst s10  }
0x35: {  	s10 =	sld [smem:$0x3FAD];
	_ =	sdelay $0x3  }
0x36: {  	p1 =	seq.s32 s10, $0x1;
	s10 =	sld [smem:$0x3FAE];
	_ =	sdelay $0x3  }
0x37: {  	[smem:$0x3FAE] =	sst s10  }
0x38: {  	s10 =	sld [smem:$0x3FAF]  }
0x39: {  	_ = 	snop;
	(pc) =	sbr.ind lr, $3  }
0x3a: {  	_ = 	snop  }
0x3b: {  	_ = 	snop  }
0x3c: {  	p2 =	seq.s32 s10, $0x1;
	s10 =	sld [smem:$0x3FAE]  }
0x3d: {  	_ =	shalt  }
0x3e: {  	_ =	shalt  }
0x3f: {  	_ =	shalt  }
0x40: {  	_ =	shalt  }
0x41: {  	_ =	shalt  }
0x42: {  	_ =	shalt  }
0x43: {  	_ =	shalt  }
0x44: {  	_ =	shalt  }
0x45: {  	_ =	shalt  }
0x46: {  	_ =	shalt  }
0x47: {  	_ =	shalt  }
0x48: {  	_ =	shalt  }
0x49: {  	_ =	shalt  }
0x4a: {  	_ =	shalt  }
0x4b: {  	_ =	shalt  }
0x4c: {  	_ =	shalt  }
0x4d: {  	_ =	shalt  }
0x4e: {  	_ =	shalt  }
0x4f: {  	_ =	shalt  }
0x50: {  	_ =	shalt  }
0x51: {  	_ =	shalt  }
0x52: {  	_ =	shalt  }
0x53: {  	_ =	shalt  }
0x54: {  	_ =	shalt  }
0x55: {  	_ =	shalt  }
0x56: {  	_ =	shalt  }
0x57: {  	_ =	shalt  }
0x58: {  	_ =	shalt  }
0x59: {  	_ =	shalt  }
0x5a: {  	_ =	shalt  }
0x5b: {  	_ =	shalt  }
0x5c: {  	_ =	shalt  }
0x5d: {  	_ =	shalt  }
0x5e: {  	_ =	shalt  }
0x5f: {  	_ =	shalt  }
0x60: {  	_ =	shalt  }
0x61: {  	_ =	shalt  }
0x62: {  	_ =	shalt  }
0x63: {  	_ =	shalt  }
0x64: {  	_ =	shalt  }
0x65: {  	_ =	shalt  }
0x66: {  	_ =	shalt  }
0x67: {  	_ =	shalt  }
0x68: {  	_ =	shalt  }
0x69: {  	_ =	shalt  }
0x6a: {  	_ =	shalt  }
0x6b: {  	_ =	shalt  }
0x6c: {  	_ =	shalt  }
0x6d: {  	_ =	shalt  }
0x6e: {  	_ =	shalt  }
0x6f: {  	_ =	shalt  }
0x70: {  	_ =	shalt  }
0x71: {  	_ =	shalt  }
0x72: {  	_ =	shalt  }
0x73: {  	_ =	shalt  }
0x74: {  	_ =	shalt  }
0x75: {  	_ =	shalt  }
0x76: {  	_ =	shalt  }
0x77: {  	_ =	shalt  }
0x78: {  	_ =	shalt  }
0x79: {  	_ =	shalt  }
0x7a: {  	_ =	shalt  }
0x7b: {  	_ =	shalt  }
0x7c: {  	_ =	shalt  }
0x7d: {  	_ =	shalt  }
0x7e: {  	_ =	shalt  }
0x7f: {  	_ =	shalt  }
0x80: {  	_ =	shalt  }
0x81: {  	_ =	shalt  }
0x82: {  	_ =	shalt  }
0x83: {  	_ =	shalt  }
0x84: {  	_ =	shalt  }
0x85: {  	_ =	shalt  }
0x86: {  	_ =	shalt  }
0x87: {  	_ =	shalt  }
.Lfunc_end0:
.L_simem_size_0:
called_computation.1_lowered:
.L_overlay_start_0:
0x88: {  	s2 =	sld [smem:$0x3FD9]  }
0x89: {  	s3 =	sld [smem:$0x3FFE];
	_ =	sdelay $0x1  }
0x8a: {  	s1 =	srdreg.scid  }
0x8b: {  	s0 =	sand.u32 $0x1, s1  }
0x8c: {  	s14 =	sshll.u32 s0, $0xA;
	s2 =	sadd.s32 s3, s2  }
0x8d: {  	s2 =	sadd.s32 s2, s14  }
0x8e: {  	[smem:$0x3FBA] =	sst s2  }
0x8f: {  	_ = 	snop  }
0x90: {  	s2 =	sld [smem:$0x3FD0];
	_ =	sdelay $0x2  }
0x91: {  	s15 =	simm.s32 $0xA;
	s4 =	simm.s32 $0x10  }
0x92: {  	[smem:s4], [sflag:s15] =	dma.local [hbm:s2], $0x1  }
0x93: {  	_ =	swait.eq [sflag:s15], $0x1  }
0x94: {  	[sflag:s15] =	ssyncset.done $0x0  }
0x95: {  	[sflag:s15] =	ssyncadd.s32 $0xFFFFFFFF  }
0x96: {  	s16 =	sld [smem:$0x11];
	(tm) =	ssettm $0x1  }
0x97: {  	s17 =	sld [smem:$0x3FFB];
	_ =	sdelay $0x3  }
0x98: {  	_ =	strace s17  }
0x99: {  	s3 =	sld [smem:$0x3FFC];
	_ =	sdelay $0x3  }
0x9a: {  	_ =	strace s3  }
0x9b: {  	s3 =	sld [smem:$0x3FFD];
	_ =	sdelay $0x3  }
0x9c: {  	_ =	strace s3  }
0x9d: {  	_ =	strace $0x8FFFFFFF  }
0x9e: {  	s18 =	sld [smem:$0x3FDB];
	_ =	sdelay $0x1  }
0x9f: {  	s19 =	simm.s32 $_scs_section_size  }
0xa0: {  	s5 =	simm.s32 $_size__tile_overlayer_lowered;
	s6 =	simm.s32 $_tile_overlayer_lowered  }
0xa1: {  	s22 =	simm.s32 $0x1BFF;
	s21 =	sshll.u32 s6, $0x1;
	s3 =	sadd.s32 s19, s18  }
0xa2: {  	s7 =	simm.s32 $0x0;
	s20 =	sshll.u32 s5, $0x1;
	s5 =	sadd.s32 s21, s3  }
0xa3: {  	[timem:s7], [sflag:s22] =	dma.local [hbm:s5], s20  }
0xa4: {  	_ =	swait.ge [sflag:s22], s20  }
0xa5: {  	s4 =	ssub.s32 $0x0, s20;
	[sflag:s22] =	ssyncset.done $0x0  }
0xa6: {  	[sflag:s22] =	ssyncadd.s32 s4;
	_ =	sdelay $0x1  }
0xa7: {  	s23 =	simm.s32 $0x1B8B  }
0xa8: {  	_ =	swait.ge [sflag:s23], $0x1  }
0xa9: {  	[sflag:s23] =	ssyncset.done $0x0  }
0xaa: {  	s25 =	simm.s32 $0x1B8E;
	s24 =	sld [smem:$0x3FFE];
	[sflag:s23] =	ssyncadd.s32 $0xFFFFFFFF  }
0xab: {  	s26 =	simm.s32 $execute0_lowered;
	[smem:$0x3FD2] =	sst s25  }
0xac: {  	s5 =	sshll.u32 s26, $0x1;
	_ =	strace $0x80000049;
	[dreg:$0x1] =	wrdreg $0xFFFFFFFF  }
0xad: {  	s28 =	simm.s32 $_size_execute0_lowered;
	s3 =	sadd.s32 s3, s5;
	[dreg:$0x0] =	wrdreg $0x0  }
0xae: {  	s5 =	sshll.u32 s28, $0x1;
	[dreg:$0x2] =	wrdreg s3  }
0xaf: {  	[dreg:$0x3] =	wrdreg s5  }
0xb0: {  	[dreg:$0x4] =	wrdreg $0xC0  }
0xb1: {  	_ =	task [dreg:s7], $0x5FFFF  }
0xb2: {  	[dreg:$0x1] =	wrdreg $0xFFFFFFFF  }
0xb3: {  	[dreg:$0x0] =	wrdreg $0x60  }
0xb4: {  	[dreg:$0x2] =	wrdreg s16  }
0xb5: {  	[dreg:$0x3] =	wrdreg s24  }
0xb6: {  	[dreg:$0x4] =	wrdreg $0x82000  }
0xb7: {  	[dreg:$0x5] =	wrdreg $0x9  }
0xb8: {  	_ =	task.clear_ibuf [dreg:s7], $0x6FFFF;
	_ =	strace $0x90000049  }
0xb9: {  	s29 =	simm.s32 $0x9;
	_ =	strace $0x8000004B  }
0xba: {  	_ =	swait.ge [sflag:s29], $0x1  }
0xbb: {  	[sflag:s29] =	ssyncadd.s32 $0xFFFFFFFF  }
0xbc: {  	_ =	strace $0x9000004B  }
0xbd: {  	_ =	sfence  }
0xbe: {  	s30 =	sld [smem:$0x0];
	_ =	sdelay $0x2  }
0xbf: {  	s31 =	sshll.u32 s1, $0xD;
	s1 =	sshrl.u32 s1, $0x2  }
0xc0: {  	s3 =	sand.u32 $0x4000, s31;
	s1 =	sadd.s32 s1, s30  }
0xc1: {  	s0 =	sor.u32 s3, s0;
	s1 =	sshll.u32 s1, $0x11  }
0xc2: {  	s0 =	sor.u32 s1, s0  }
0xc3: {  	s0 =	sadd.s32 $0x8F2B, s0  }
0xc4: {  	[sflag:s0] =	ssyncadd.remote.s32 $0x1  }
0xc5: {  	_ =	sfence.sel $0xFFFF  }
0xc6: {  	[dreg:$0x0] =	wrdreg $0xFFFFFFFF;
	(pc) =	sbr.abs _section_cstart, $3  }
0xc7: {  	[dreg:$0x1] =	wrdreg $0xFFFFFFFF  }
0xc8: {  	_ =	task.clear_ibuf [dreg:s7], $0x2FFFF;
	_ =	strace $0x9FFFFFFF  }
0xc9: {  	(tm) =	ssettm $0x7FFFFFFF  }
tec
execute0_lowered:
.L_overlay_start_1:
0x0: {  	(tag) =	ssettag $0x1  }
0x1: {  	s2 =	rddreg [dreg:$0x0]  }
0x2: {  	s0 =	rddreg [dreg:$0x1]  }
0x3: {  	s3 =	rddreg [dreg:$0x2]  }
0x4: {  	s12 =	stileid.u32;
	s1 =	srdreg.scid;
	s4 =	simm.s32 $0x0  }
0x5: {  	s28 =	simm.s32 $0x5;
	s29 =	simm.s32 $0x100;
	s30 =	simm.s32 $0x3  }
0x6: {  	s31 =	simm.s32 $0x4200;
	s6 =	smul.u32 $0x13C00, s12;
	s1 =	sand.u32 $0x1, s1  }
0x7: {  	[smem:$0x7FF] =	sst s4;
	s5 =	sadd.s32 $0xF400, s0;
	s10 =	smul.u32 $0x4F00, s12  }
0x8: {  	s18 =	sshll.u32 s12, $0x6;
	s12 =	simm.s32 $0x1C0;
	s7 =	smul.u32 $0x13C000, s1  }
0x9: {  	s8 =	smul.u32 $0x4F000, s1;
	s1 =	ssub.s32 $0x2, s1;
	s9 =	sshrl.u32 s6, $0x3  }
0xa: {  	_ =	strace $0x8000004A;
	s11 =	sshrl.u32 s1, $0x1;
	s9 =	sadd.s32 s9, s0  }
0xb: {  	s7 =	sadd.s32 s6, s7;
	s10 =	sadd.s32 s10, s8;
	s1 =	ssub.s32 s1, s11  }
0xc: {  	s6 =	sadd.s32 s6, s3;
	s8 =	sor.u32 $0x1C0B, s18;
	s18 =	simm.s32 $0xB  }
0xd: {  	s11 =	simm.s32 $0x8;
	s7 =	sshrl.u32 s7, $0x3;
	s17 =	sshrl.u32 s10, $0x3  }
0xe: {  	s9 =	sadd.s32 $0x36C00, s9;
	s21 =	smax.u32 s1, $0x1;
	s22 =	sadd.s32 $0x1C0, s10  }
0xf: {  	s23 =	sadd.s32 $0x180, s10;
	s24 =	sadd.s32 $0x140, s10;
	s26 =	sadd.s32 $0x100, s10  }
0x10: {  	s13 =	sshrl.u32 s6, $0x3;
	s10 =	simm.s32 $0x6200;
	[dreg:$0x6] =	wrdreg s8  }
0x11: {  	s0 =	sadd.s32 s7, s0;
	s7 =	sadd.s32 s5, s17;
	[dreg:$0x5] =	wrdreg s9  }
0x12: {  	[dreg:$0xb] =	wrdreg s21;
	s1 =	sshrl.u32 s23, $0x3;
	s25 =	sshrl.u32 s24, $0x3  }
0x13: {  	[dreg:$0xc] =	wrdreg s26;
	s21 =	simm.s32 $0x80;
	s24 =	simm.s32 $0x200  }
0x14: {  	s26 =	simm.s32 $0x2200;
	s9 =	simm.s32 $0x4;
	[dreg:$0xd] =	wrdreg s13  }
0x15: {  	s17 =	simm.s32 $0x0;
	s19 =	sadd.s32 $0x8, s7;
	[dreg:$0x4] =	wrdreg s7  }
0x16: {  	s20 =	sadd.s32 $0x10, s7;
	s7 =	sadd.s32 $0x18, s7;
	[dreg:$0x7] =	wrdreg s19  }
.Ltmp0:
0x17: {  	s0 =	sadd.s32 $0x5E400, s0;
	[dreg:$0x8] =	wrdreg s20;
	(pc) =	sbr.rel .LBB2_1-.Ltmp0, $4  }
0x18: {  	s15 =	sadd.s32 s1, s5;
	s16 =	sadd.s32 s25, s5;
	[dreg:$0x9] =	wrdreg s7  }
0x19: {  	s25 =	simm.s32 $0x2;
	s1 =	simm.s32 $0xA;
	[dreg:$0xa] =	wrdreg s0  }
0x1a: {  	s0 =	sshrl.u32 s22, $0x3;
	s20 =	simm.s32 $0x40;
	s22 =	simm.s32 $0xC0  }
0x1b: {  	s7 =	simm.s32 $0x140;
	s14 =	sadd.s32 s0, s5;
	s0 =	simm.s32 $0x6  }
.LBB2_8:
0x1c: {  	s6 =	simm.s32 $0x9  }
0x1d: {  	_ =	swait.ge [sflag:s6], $0x2000  }
0x1e: {  	[sflag:s6] =	ssyncset.done $0x0  }
0x1f: {  	[sflag:s6] =	ssyncadd.s32 $0xFFFFE000  }
0x20: {  	_ =	swait.ge [sflag:s1], $0x2000  }
0x21: {  	[sflag:s1] =	ssyncset.done $0x0  }
0x22: {  	[sflag:s1] =	ssyncadd.s32 $0xFFFFE000  }
0x23: {  	[bflag:$0x0] =	sbarrier.arrive $0xFFFF  }
0x24: {  	s8 =	rddreg [dreg:$0x6]  }
0x25: {  	s19 =	rddreg [dreg:$0xa]  }
0x26: {  	s18 =	simm.s32 $0xB;
	s13 =	rddreg [dreg:$0xd]  }
0x27: {  	[hbm:s19], [sflag:s8] =	dma.local [spmem:s13], $0x2780  }
0x28: {  	_ =	swait.ge [sflag:s18], $0x2780  }
0x29: {  	s17 =	sadd.s32 $0x1, s17;
	s23 =	rddreg [dreg:$0xb]  }
0x2a: {  	p0 =	sne.s32 s17, s23  }
.Ltmp1:
0x2b: {  	_ = 	snop;
	(pc) =	sbr.rel @!p0 .LBB2_9-.Ltmp1, $3  }
0x2c: {  	_ =	sdelay $0x1  }
0x2d: {  	[sflag:s18] =	ssyncset.done $0x0  }
0x2e: {  	[sflag:s18] =	ssyncadd.s32 $0xFFFFD880  }
.LBB2_1:
0x2f: {  	s6 =	rddreg [dreg:$0x5]  }
0x30: {  	[spmem:s13], [sflag:s8] =	dma.local [hbm:s6], $0x2780  }
0x31: {  	_ =	swait.ge [sflag:s18], $0x2780  }
0x32: {  	[sflag:s18] =	ssyncset.done $0x0  }
0x33: {  	[sflag:s18] =	ssyncadd.s32 $0xFFFFD880  }
0x34: {  	[bflag:$0x0] =	sbarrier.arrive $0xFFFF  }
0x35: {  	s8 =	rddreg [dreg:$0x4]  }
0x36: {  	[tilespmem:s4], [sflag:$0x1] =	stream.linear.gather [hbm4b:s8+s4], $0x40, $0x38;
	[tilespmem:$0x1BE00] =	vst v63  }
0x37: {  	s13 =	rddreg [dreg:$0x7]  }
0x38: {  	[tilespmem:s20], [sflag:$0x2] =	stream.linear.gather [hbm4b:s13+s4], $0x40, $0x38;
	[tilespmem:$0x1BE00] =	vst v63  }
0x39: {  	s18 =	rddreg [dreg:$0x8]  }
0x3a: {  	[tilespmem:s21], [sflag:$0x3] =	stream.linear.gather [hbm4b:s18+s4], $0x40, $0x38;
	[tilespmem:$0x1BE00] =	vst v63  }
0x3b: {  	s23 =	simm.s32 $0x1;
	s19 =	rddreg [dreg:$0x9]  }
0x3c: {  	[tilespmem:s22], [sflag:$0x4] =	stream.linear.gather [hbm4b:s19+s4], $0x40, $0x38;
	[tilespmem:$0x1BE00] =	vst v63  }
0x3d: {  	_ =	swait.ge [sflag:s23], $0x40  }
0x3e: {  	[sflag:s23] =	ssyncset.done $0x0  }
0x3f: {  	[sflag:s23] =	ssyncadd.s32 $0xFFFFFFC0  }
0x40: {  	v0 =	vld [tilespmem:$0x0];
	_ =	sdelay $0x1  }
0x41: {  	v1 =	vld [tilespmem:$0x10];
	_ =	sdelay $0x1  }
0x42: {  	v2 =	vld [tilespmem:$0x20]  }
0x43: {  	v3 =	vshra.s32 v0, $0x10  }
0x44: {  	v46 =	vld [tilespmem:$0x30];
	v0 =	vand.u32 $0xFFFF, v0;
	[tilespmem:$0x100] =	vst v3  }
0x45: {  	v47 =	vshra.s32 v1, $0x10;
	[tilespmem:$0x0] =	vst v0  }
0x46: {  	v48 =	vand.u32 $0xFFFF, v1;
	[tilespmem:$0x110] =	vst v47  }
0x47: {  	v49 =	vshra.s32 v2, $0x10;
	[tilespmem:$0x10] =	vst v48  }
0x48: {  	v50 =	vand.u32 $0xFFFF, v2;
	[tilespmem:$0x120] =	vst v49  }
0x49: {  	v51 =	vshra.s32 v46, $0x10;
	[tilespmem:$0x20] =	vst v50  }
0x4a: {  	v52 =	vand.u32 $0xFFFF, v46;
	[tilespmem:$0x130] =	vst v51  }
0x4b: {  	[tilespmem:$0x30] =	vst v52  }
0x4c: {  	[tilespmem:s24], [sflag:$0x5] =	stream.indirect.gather [hbm4b:s2+s20], $0x80, s4, s20, $0xb8;
	[tilespmem:$0x1BE00] =	vst v63  }
0x4d: {  	_ =	swait.ge [sflag:s25], $0x40  }
0x4e: {  	[sflag:s25] =	ssyncset.done $0x0  }
0x4f: {  	[sflag:s25] =	ssyncadd.s32 $0xFFFFFFC0  }
0x50: {  	v53 =	vld [tilespmem:$0x40];
	_ =	sdelay $0x1  }
0x51: {  	v54 =	vld [tilespmem:$0x50];
	_ =	sdelay $0x1  }
0x52: {  	v55 =	vld [tilespmem:$0x60]  }
0x53: {  	v56 =	vshra.s32 v53, $0x10  }
0x54: {  	v57 =	vld [tilespmem:$0x70];
	v0 =	vand.u32 $0xFFFF, v53;
	[tilespmem:$0x140] =	vst v56  }
0x55: {  	v58 =	vshra.s32 v54, $0x10;
	[tilespmem:$0x40] =	vst v0  }
0x56: {  	v59 =	vand.u32 $0xFFFF, v54;
	[tilespmem:$0x150] =	vst v58  }
0x57: {  	v60 =	vshra.s32 v55, $0x10;
	[tilespmem:$0x50] =	vst v59  }
0x58: {  	v61 =	vand.u32 $0xFFFF, v55;
	[tilespmem:$0x160] =	vst v60  }
0x59: {  	v62 =	vshra.s32 v57, $0x10;
	[tilespmem:$0x60] =	vst v61  }
0x5a: {  	v63 =	vand.u32 $0xFFFF, v57;
	[tilespmem:$0x170] =	vst v62  }
0x5b: {  	s23 =	simm.s32 $0x0;
	s6 =	rddreg [dreg:$0xc];
	[tilespmem:$0x70] =	vst v63  }
0x5c: {  	[tilespmem:s26], [sflag:$0x6] =	stream.indirect.gather [hbm4b:s2+s20], $0x80, s20, s20, $0xb8;
	[tilespmem:$0x1BE00] =	vst v63  }
.LBB2_2:
0x5d: {  	_ =	swait.ge [sflag:s28], $0x2000  }
0x5e: {  	p0 =	seq.s32 s23, $0x0;
	[sflag:s28] =	ssyncset.done $0x0  }
0x5f: {  	s13 =	simm.s32 @!p0 $0x9;
	[sflag:s28] =	ssyncadd.s32 $0xFFFFE000  }
0x60: {  	_ =	swait.ge @!p0 [sflag:s13], $0x2000  }
0x61: {  	[sflag:s13] =	ssyncset.done @!p0 $0x0  }
0x62: {  	[sflag:s13] =	ssyncadd.s32 @!p0 $0xFFFFE000  }
0x63: {  	[spmem:s3] =	stream.indirect.scatter.add.f32 [tilespmem:s24], [sflag:$0x9], $0x80, s29, s20, $0xb8;
	[tilespmem:$0x1BE00] =	vst v63  }
0x64: {  	_ =	swait.ge [sflag:s30], $0x40  }
0x65: {  	[sflag:s30] =	ssyncset.done $0x0  }
0x66: {  	[sflag:s30] =	ssyncadd.s32 $0xFFFFFFC0  }
0x67: {  	v0 =	vld [tilespmem:$0x80];
	_ =	sdelay $0x1  }
0x68: {  	v1 =	vld [tilespmem:$0x90];
	_ =	sdelay $0x1  }
0x69: {  	v2 =	vld [tilespmem:$0xA0]  }
0x6a: {  	v3 =	vshra.s32 v0, $0x10  }
0x6b: {  	v57 =	vld [tilespmem:$0xB0];
	v0 =	vand.u32 $0xFFFF, v0;
	[tilespmem:$0x180] =	vst v3  }
0x6c: {  	v58 =	vshra.s32 v1, $0x10;
	[tilespmem:$0x80] =	vst v0  }
0x6d: {  	v59 =	vand.u32 $0xFFFF, v1;
	[tilespmem:$0x190] =	vst v58  }
0x6e: {  	p1 =	sne.s32 s23, $0x9C0;
	v60 =	vshra.s32 v2, $0x10;
	[tilespmem:$0x90] =	vst v59  }
.Ltmp2:
0x6f: {  	v61 =	vand.u32 $0xFFFF, v2;
	[tilespmem:$0x1A0] =	vst v60;
	(pc) =	sbr.rel @p1 .LBB2_4-.Ltmp2, $4  }
0x70: {  	v62 =	vshra.s32 v57, $0x10;
	[tilespmem:$0xA0] =	vst v61  }
0x71: {  	v63 =	vand.u32 $0xFFFF, v57;
	[tilespmem:$0x1B0] =	vst v62  }
0x72: {  	[tilespmem:$0xB0] =	vst v63  }
0x73: {  	[tilespmem:s31], [sflag:$0x7] =	stream.indirect.gather [hbm4b:s2+s20], $0x80, s21, s20, $0xb8;
	[tilespmem:$0x1BE00] =	vst v63  }
.Ltmp3:
0x74: {  	(pc) =	sbr.rel .LBB2_5-.Ltmp3, $4  }
0x75: {  	_ = 	snop  }
0x76: {  	_ =	swait.ge [sflag:s0], $0x2000  }
0x77: {  	[sflag:s0] =	ssyncset.done $0x0  }
0x78: {  	[sflag:s0] =	ssyncadd.s32 $0xFFFFE000  }
.LBB2_4:
0x79: {  	s13 =	sshrl.u32 s6, $0x3  }
.Ltmp4:
0x7a: {  	s13 =	sadd.s32 s5, s13;
	(pc) =	sbr.rel @p0 .LBB2_6-.Ltmp4, $4  }
0x7b: {  	[tilespmem:s4], [sflag:$0x1] =	stream.linear.gather [hbm4b:s13+s4], $0x40, $0x38;
	[tilespmem:$0x1BE00] =	vst v63  }
0x7c: {  	_ =	swait.ge [sflag:s0], $0x2000  }
0x7d: {  	[sflag:s0] =	ssyncset.done $0x0  }
0x7e: {  	[sflag:s0] =	ssyncadd.s32 $0xFFFFE000  }
.LBB2_5:
0x7f: {  	_ =	swait.ge [sflag:s1], $0x2000  }
0x80: {  	[sflag:s1] =	ssyncset.done $0x0  }
0x81: {  	[sflag:s1] =	ssyncadd.s32 $0xFFFFE000  }
.LBB2_6:
0x82: {  	[spmem:s3] =	stream.indirect.scatter.add.f32 [tilespmem:s26], [sflag:$0xA], $0x80, s7, s20, $0xb8;
	[tilespmem:$0x1BE00] =	vst v63  }
0x83: {  	_ =	swait.ge [sflag:s9], $0x40  }
0x84: {  	[sflag:s9] =	ssyncset.done $0x0  }
0x85: {  	[sflag:s9] =	ssyncadd.s32 $0xFFFFFFC0  }
0x86: {  	v0 =	vld [tilespmem:$0xC0];
	_ =	sdelay $0x1  }
0x87: {  	v1 =	vld [tilespmem:$0xD0];
	_ =	sdelay $0x1  }
0x88: {  	v2 =	vld [tilespmem:$0xE0]  }
0x89: {  	v3 =	vshra.s32 v0, $0x10  }
0x8a: {  	v57 =	vld [tilespmem:$0xF0];
	v0 =	vand.u32 $0xFFFF, v0;
	[tilespmem:$0x1C0] =	vst v3  }
0x8b: {  	v58 =	vshra.s32 v1, $0x10;
	[tilespmem:$0xC0] =	vst v0  }
0x8c: {  	v59 =	vand.u32 $0xFFFF, v1;
	[tilespmem:$0x1D0] =	vst v58  }
0x8d: {  	v60 =	vshra.s32 v2, $0x10;
	[tilespmem:$0xD0] =	vst v59  }
0x8e: {  	v61 =	vand.u32 $0xFFFF, v2;
	[tilespmem:$0x1E0] =	vst v60  }
0x8f: {  	v62 =	vshra.s32 v57, $0x10;
	[tilespmem:$0xE0] =	vst v61  }
0x90: {  	p0 =	seq.s32 s23, $0x9C0;
	v63 =	vand.u32 $0xFFFF, v57;
	[tilespmem:$0x1F0] =	vst v62  }
0x91: {  	s13 =	simm.s32 @p0 $0x7;
	[tilespmem:$0xF0] =	vst v63  }
0x92: {  	[tilespmem:s10], [sflag:$0x8] =	stream.indirect.gather [hbm4b:s2+s20], $0x80, s22, s20, $0xb8;
	[tilespmem:$0x1BE00] =	vst v63  }
0x93: {  	_ =	swait.ge @p0 [sflag:s13], $0x2000  }
0x94: {  	[sflag:s13] =	ssyncset.done @p0 $0x0  }
0x95: {  	[sflag:s13] =	ssyncadd.s32 @p0 $0xFFFFE000;
	s13 =	simm.s32 @p0 $0x9  }
0x96: {  	_ =	swait.ge @p0 [sflag:s13], $0x2000  }
0x97: {  	s8 =	simm.s32 @p0 $0x180;
	[sflag:s13] =	ssyncset.done @p0 $0x0  }
0x98: {  	s18 =	simm.s32 @p0 $0x4200;
	[sflag:s13] =	ssyncadd.s32 @p0 $0xFFFFE000;
	s13 =	simm.s32 @p0 $0x40  }
0x99: {  	[spmem:s3] =	stream.indirect.scatter.add.f32 @p0 [tilespmem:s18], [sflag:$0x9], $0x80, s8, s13, $0xb8;
	[tilespmem:$0x1BE00] =	vst v63  }
0x9a: {  	s8 =	sadd.s32 @!p0 s23, s16;
	s13 =	simm.s32 @!p0 $0x0;
	s18 =	simm.s32 @!p0 $0x40  }
0x9b: {  	[tilespmem:s18], [sflag:$0x2] =	stream.linear.gather @!p0 [hbm4b:s8+s13], $0x40, $0x38;
	[tilespmem:$0x1BE00] =	vst v63  }
0x9c: {  	s8 =	simm.s32 @!p0 $0x7  }
0x9d: {  	_ =	swait.ge @!p0 [sflag:s8], $0x2000  }
0x9e: {  	[sflag:s8] =	ssyncset.done @!p0 $0x0  }
0x9f: {  	[sflag:s8] =	ssyncadd.s32 @!p0 $0xFFFFE000;
	s8 =	simm.s32 @!p0 $0x9  }
0xa0: {  	_ =	swait.ge @!p0 [sflag:s8], $0x2000  }
0xa1: {  	[sflag:s8] =	ssyncset.done @!p0 $0x0  }
0xa2: {  	s19 =	simm.s32 @!p0 $0x4200;
	[sflag:s8] =	ssyncadd.s32 @!p0 $0xFFFFE000;
	s8 =	simm.s32 @!p0 $0x180  }
0xa3: {  	[spmem:s3] =	stream.indirect.scatter.add.f32 @!p0 [tilespmem:s19], [sflag:$0x9], $0x80, s8, s18, $0xb8;
	[tilespmem:$0x1BE00] =	vst v63  }
0xa4: {  	s8 =	simm.s32 @!p0 $0x1  }
0xa5: {  	_ =	swait.ge @!p0 [sflag:s8], $0x40  }
0xa6: {  	[sflag:s8] =	ssyncset.done @!p0 $0x0  }
0xa7: {  	[sflag:s8] =	ssyncadd.s32 @!p0 $0xFFFFFFC0  }
0xa8: {  	v0 =	vld @!p0 [tilespmem:$0x0];
	_ =	sdelay $0x1  }
0xa9: {  	v1 =	vld @!p0 [tilespmem:$0x10];
	_ =	sdelay $0x1  }
0xaa: {  	v2 =	vld @!p0 [tilespmem:$0x20]  }
0xab: {  	v3 =	vshra.s32 @!p0 v0, $0x10  }
0xac: {  	v0 =	vand.u32 @!p0 $0xFFFF, v0;
	[tilespmem:$0x100] =	vst @!p0 v3;
	v3 =	vld @!p0 [tilespmem:$0x30]  }
0xad: {  	[tilespmem:$0x0] =	vst @!p0 v0;
	v0 =	vshra.s32 @!p0 v1, $0x10  }
0xae: {  	[tilespmem:$0x110] =	vst @!p0 v0;
	v0 =	vand.u32 @!p0 $0xFFFF, v1  }
0xaf: {  	[tilespmem:$0x10] =	vst @!p0 v0;
	v0 =	vshra.s32 @!p0 v2, $0x10  }
0xb0: {  	[tilespmem:$0x120] =	vst @!p0 v0;
	v0 =	vand.u32 @!p0 $0xFFFF, v2  }
0xb1: {  	[tilespmem:$0x20] =	vst @!p0 v0;
	v0 =	vshra.s32 @!p0 v3, $0x10  }
0xb2: {  	[tilespmem:$0x130] =	vst @!p0 v0;
	v0 =	vand.u32 @!p0 $0xFFFF, v3  }
0xb3: {  	s8 =	simm.s32 @!p0 $0x200;
	[tilespmem:$0x30] =	vst @!p0 v0  }
0xb4: {  	[tilespmem:s8], [sflag:$0x5] =	stream.indirect.gather @!p0 [hbm4b:s2+s18], $0x80, s13, s18, $0xb8;
	[tilespmem:$0x1BE00] =	vst v63  }
0xb5: {  	s8 =	sadd.s32 @!p0 s23, s15;
	s18 =	simm.s32 @!p0 $0x80  }
0xb6: {  	[tilespmem:s18], [sflag:$0x3] =	stream.linear.gather @!p0 [hbm4b:s8+s13], $0x40, $0x38;
	[tilespmem:$0x1BE00] =	vst v63  }
0xb7: {  	_ =	swait.ge [sflag:s11], $0x2000  }
0xb8: {  	[sflag:s11] =	ssyncset.done $0x0  }
.Ltmp5:
0xb9: {  	[sflag:s11] =	ssyncadd.s32 $0xFFFFE000;
	(pc) =	sbr.rel @p0 .LBB2_8-.Ltmp5, $4  }
0xba: {  	_ =	swait.ge [sflag:s1], $0x2000  }
0xbb: {  	[sflag:s1] =	ssyncset.done $0x0  }
0xbc: {  	[sflag:s1] =	ssyncadd.s32 $0xFFFFE000  }
0xbd: {  	[spmem:s3] =	stream.indirect.scatter.add.f32 [tilespmem:s10], [sflag:$0xA], $0x80, s12, s20, $0xb8;
	[tilespmem:$0x1BE00] =	vst v63  }
0xbe: {  	_ =	swait.ge [sflag:s25], $0x40  }
0xbf: {  	[sflag:s25] =	ssyncset.done $0x0  }
0xc0: {  	[sflag:s25] =	ssyncadd.s32 $0xFFFFFFC0  }
0xc1: {  	v0 =	vld [tilespmem:$0x40];
	_ =	sdelay $0x1  }
0xc2: {  	v1 =	vld [tilespmem:$0x50];
	_ =	sdelay $0x1  }
0xc3: {  	v2 =	vld [tilespmem:$0x60]  }
0xc4: {  	v3 =	vshra.s32 v0, $0x10  }
0xc5: {  	v57 =	vld [tilespmem:$0x70];
	v0 =	vand.u32 $0xFFFF, v0;
	[tilespmem:$0x140] =	vst v3  }
0xc6: {  	v58 =	vshra.s32 v1, $0x10;
	[tilespmem:$0x40] =	vst v0  }
0xc7: {  	v59 =	vand.u32 $0xFFFF, v1;
	[tilespmem:$0x150] =	vst v58  }
0xc8: {  	v60 =	vshra.s32 v2, $0x10;
	[tilespmem:$0x50] =	vst v59  }
0xc9: {  	v61 =	vand.u32 $0xFFFF, v2;
	[tilespmem:$0x160] =	vst v60  }
0xca: {  	v62 =	vshra.s32 v57, $0x10;
	[tilespmem:$0x60] =	vst v61  }
.Ltmp6:
0xcb: {  	v63 =	vand.u32 $0xFFFF, v57;
	[tilespmem:$0x170] =	vst v62;
	(pc) =	sbr.rel .LBB2_2-.Ltmp6, $4  }
0xcc: {  	[tilespmem:$0x70] =	vst v63  }
0xcd: {  	[tilespmem:s26], [sflag:$0x6] =	stream.indirect.gather [hbm4b:s2+s20], $0x80, s20, s20, $0xb8;
	[tilespmem:$0x1BE00] =	vst v63  }
0xce: {  	s8 =	sadd.s32 s23, s14;
	s23 =	sadd.s32 $0x20, s23;
	s6 =	sadd.s32 $0x100, s6  }
0xcf: {  	[tilespmem:s22], [sflag:$0x4] =	stream.linear.gather [hbm4b:s8+s4], $0x40, $0x38;
	[tilespmem:$0x1BE00] =	vst v63  }
.LBB2_9:
0xd0: {  	_ =	sfence.sel $0x180000  }
0xd1: {  	[bflag:$0x0] =	sbarrier.arrive $0xFFFF  }
0xd2: {  	_ =	strace $0x9000004A  }
0xd3: {  	s0 =	stileid.u32;
	[bflag:$0x2] =	sbarrier.arrive $0xFFFF  }
0xd4: {  	p0 =	sne.s32 s0, $0x0;
	s0 =	rddreg [dreg:$0x3]  }
0xd5: {  	s0 =	sadd.s32 @!p0 $0x100000, s0  }
0xd6: {  	[sflag:s0] =	ssyncadd.tile.s32 @!p0 $0x1;
	_ =	shalt  }
.Lfunc_end2:
_tile_overlayer_lowered:
.L_overlay_start_2:
0xd7: {  	(tag) =	ssettag $0x2  }
0xd8: {  	s0 =	rddreg [dreg:$0x0];
	s2 =	stileid.u32  }
0xd9: {  	s1 =	rddreg [dreg:$0x1];
	p0 =	sne.s32 s2, $0x0  }
0xda: {  	s3 =	rddreg [dreg:$0x2];
	[bflag:$0x3] =	sbarrier.arrive $0xFFFF;
	s2 =	simm.s32 @!p0 $0x1C0B  }
0xdb: {  	[timem:s3], [sflag:s2] =	dma.local @!p0 [hbm:s0], s1  }
0xdc: {  	s0 =	simm.s32 @!p0 $0xB  }
0xdd: {  	_ =	swait.ge @!p0 [sflag:s0], s1  }
0xde: {  	s1 =	ssub.s32 @!p0 $0x0, s1;
	[sflag:s0] =	ssyncset.done @!p0 $0x0  }
0xdf: {  	[sflag:s0] =	ssyncadd.s32 @!p0 s1  }
0xe0: {  	[bflag:$0x3] =	sbarrier.arrive $0xFFFF  }
0xe1: {  	_ =	shalt  }

// kernel: kernel.17.cloned.1.call-start
scs
__scs_entry_jumppad:
0x0: {  	(pc) =	sbr.rel $0x88, $3  }
0x1: {  	(tag) =	ssettag $0x0;
	lr =	simm.s32 $0x1  }
0x2: {  	[smem:$0x3F93] =	sst lr;
	_ =	strace $0xD0000000  }
0x3: {  	_ = 	snop  }
0x4: {  	_ = 	snop  }
0x5: {  	_ = 	snop  }
0x6: {  	_ = 	snop  }
0x7: {  	_ = 	snop  }
__scs_overlays_trampoline_lowered:
0x8: {  	[smem:$0x3FA2] =	sst s0  }
0x9: {  	[smem:$0x3FA3] =	sst s1  }
0xa: {  	[smem:$0x3FA4] =	sst s2  }
0xb: {  	[smem:$0x3FA5] =	sst s3  }
0xc: {  	[smem:$0x3FA6] =	sst s4  }
0xd: {  	[smem:$0x3FA7] =	sst s5  }
0xe: {  	[smem:$0x3FA8] =	sst s6  }
0xf: {  	[smem:$0x3FA9] =	sst s7  }
0x10: {  	[smem:$0x3FAA] =	sst s8  }
0x11: {  	[smem:$0x3FAB] =	sst s9;
	s0 =	simm.s32 @!p0 $0x0  }
0x12: {  	s1 =	sld [smem:$0x3F91];
	s0 =	simm.s32 @p0 $0x1  }
0x13: {  	[smem:$0x3FAC] =	sst s0;
	s0 =	simm.s32 @!p1 $0x0  }
0x14: {  	s2 =	sld [smem:$0x3F90];
	s0 =	simm.s32 @p1 $0x1  }
0x15: {  	[smem:$0x3FAD] =	sst s0;
	s0 =	simm.s32 @!p2 $0x0  }
0x16: {  	s3 =	sld [smem:$0x3FDB];
	s0 =	simm.s32 @p2 $0x1  }
0x17: {  	s4 =	simm.s32 $0x1BF5;
	[smem:$0x3FAF] =	sst s0  }
0x18: {  	s0 =	sld [smem:$0x3F92];
	_ =	swait.ge [sflag:s4], $0x0  }
0x19: {  	s7 =	sld [smem:$0x3F93]  }
0x1a: {  	s8 =	sadd.s32 $0xFFFFE003, lr  }
0x1b: {  	s9 =	sadd.s32 $0xFFFFFEF7, lr;
	s5 =	simm.s32 $0xFFFFFFFF;
	p2 =	slt.u32 s8, $0xFFFFF086  }
0x1c: {  	p1 =	slt.u32 s9, $0xF7A;
	s5 =	simm.s32 @!p2 $0x0  }
0x1d: {  	s5 =	simm.s32 @p1 $0x1;
	p0 =	seq.s32 s7, s2  }
0x1e: {  	s7 =	smul.u32 @!p0 $0xF7A, s2;
	p2 =	seq.s32 @!p0 s5, $0x0  }
0x1f: {  	s9 =	smul.u32 $0xF7A, s1;
	s8 =	simm.s32 @!p0 $0x1BF5;
	p2 =	por !p2, p0  }
0x20: {  	[sflag:s8] =	ssyncset.s32 @!p0 $0xFFFFF086;
	s6 =	sadd.s32 @!p0 s3, s7;
	s7 =	simm.s32 @!p0 $0x108  }
0x21: {  	s3 =	sadd.s32 s3, s9;
	s6 =	sadd.s32 @!p0 $0x88, s6;
	s7 =	simm.s32 @p2 $0x1082  }
0x22: {  	[simem:s7], [sflag:s8] =	dma.local @!p0 [hbm:s6], $0xF7A  }
0x23: {  	s9 =	sor.u32 $0xD0000000, s2;
	s6 =	simm.s32 $0x108;
	_ =	swait.ge @!p0 [sflag:s8], $0x0  }
0x24: {  	s3 =	sadd.s32 $0x88, s3;
	s6 =	simm.s32 @!p1 $0x1082;
	[sflag:s4] =	ssyncset.s32 $0xFFFFF086  }
0x25: {  	[simem:s6], [sflag:s4] =	dma.local [hbm:s3], $0xF7A  }
0x26: {  	[smem:$0x3F93] =	sst s1;
	(tag) =	ssettag s2;
	_ =	strace s9  }
0x27: {  	s1 =	sld [smem:$0x3FA3]  }
0x28: {  	s2 =	sld [smem:$0x3FA4]  }
0x29: {  	s4 =	sld [smem:$0x3FA6]  }
0x2a: {  	p0 =	seq.s32 s5, $0x0;
	s5 =	sld [smem:$0x3FA7]  }
0x2b: {  	s6 =	sld [smem:$0x3FA8]  }
0x2c: {  	s7 =	sld [smem:$0x3FA9]  }
0x2d: {  	s3 =	simm.s32 $0x108;
	s8 =	sld [smem:$0x3FAA]  }
0x2e: {  	s3 =	simm.s32 @!p0 $0x1082;
	s9 =	sld [smem:$0x3FAB]  }
0x2f: {  	lr =	sadd.s32 s0, s3;
	s0 =	sld [smem:$0x3FA2]  }
0x30: {  	s3 =	sld [smem:$0x3FA5]  }
0x31: {  	[smem:$0x3FAE] =	sst s10  }
0x32: {  	s10 =	sld [smem:$0x3FAC];
	_ =	sdelay $0x3  }
0x33: {  	p0 =	seq.s32 s10, $0x1;
	s10 =	sld [smem:$0x3FAE];
	_ =	sdelay $0x3  }
0x34: {  	[smem:$0x3FAE] =	sst s10  }
0x35: {  	s10 =	sld [smem:$0x3FAD];
	_ =	sdelay $0x3  }
0x36: {  	p1 =	seq.s32 s10, $0x1;
	s10 =	sld [smem:$0x3FAE];
	_ =	sdelay $0x3  }
0x37: {  	[smem:$0x3FAE] =	sst s10  }
0x38: {  	s10 =	sld [smem:$0x3FAF]  }
0x39: {  	_ = 	snop;
	(pc) =	sbr.ind lr, $3  }
0x3a: {  	_ = 	snop  }
0x3b: {  	_ = 	snop  }
0x3c: {  	p2 =	seq.s32 s10, $0x1;
	s10 =	sld [smem:$0x3FAE]  }
0x3d: {  	_ =	shalt  }
0x3e: {  	_ =	shalt  }
0x3f: {  	_ =	shalt  }
0x40: {  	_ =	shalt  }
0x41: {  	_ =	shalt  }
0x42: {  	_ =	shalt  }
0x43: {  	_ =	shalt  }
0x44: {  	_ =	shalt  }
0x45: {  	_ =	shalt  }
0x46: {  	_ =	shalt  }
0x47: {  	_ =	shalt  }
0x48: {  	_ =	shalt  }
0x49: {  	_ =	shalt  }
0x4a: {  	_ =	shalt  }
0x4b: {  	_ =	shalt  }
0x4c: {  	_ =	shalt  }
0x4d: {  	_ =	shalt  }
0x4e: {  	_ =	shalt  }
0x4f: {  	_ =	shalt  }
0x50: {  	_ =	shalt  }
0x51: {  	_ =	shalt  }
0x52: {  	_ =	shalt  }
0x53: {  	_ =	shalt  }
0x54: {  	_ =	shalt  }
0x55: {  	_ =	shalt  }
0x56: {  	_ =	shalt  }
0x57: {  	_ =	shalt  }
0x58: {  	_ =	shalt  }
0x59: {  	_ =	shalt  }
0x5a: {  	_ =	shalt  }
0x5b: {  	_ =	shalt  }
0x5c: {  	_ =	shalt  }
0x5d: {  	_ =	shalt  }
0x5e: {  	_ =	shalt  }
0x5f: {  	_ =	shalt  }
0x60: {  	_ =	shalt  }
0x61: {  	_ =	shalt  }
0x62: {  	_ =	shalt  }
0x63: {  	_ =	shalt  }
0x64: {  	_ =	shalt  }
0x65: {  	_ =	shalt  }
0x66: {  	_ =	shalt  }
0x67: {  	_ =	shalt  }
0x68: {  	_ =	shalt  }
0x69: {  	_ =	shalt  }
0x6a: {  	_ =	shalt  }
0x6b: {  	_ =	shalt  }
0x6c: {  	_ =	shalt  }
0x6d: {  	_ =	shalt  }
0x6e: {  	_ =	shalt  }
0x6f: {  	_ =	shalt  }
0x70: {  	_ =	shalt  }
0x71: {  	_ =	shalt  }
0x72: {  	_ =	shalt  }
0x73: {  	_ =	shalt  }
0x74: {  	_ =	shalt  }
0x75: {  	_ =	shalt  }
0x76: {  	_ =	shalt  }
0x77: {  	_ =	shalt  }
0x78: {  	_ =	shalt  }
0x79: {  	_ =	shalt  }
0x7a: {  	_ =	shalt  }
0x7b: {  	_ =	shalt  }
0x7c: {  	_ =	shalt  }
0x7d: {  	_ =	shalt  }
0x7e: {  	_ =	shalt  }
0x7f: {  	_ =	shalt  }
0x80: {  	_ =	shalt  }
0x81: {  	_ =	shalt  }
0x82: {  	_ =	shalt  }
0x83: {  	_ =	shalt  }
0x84: {  	_ =	shalt  }
0x85: {  	_ =	shalt  }
0x86: {  	_ =	shalt  }
0x87: {  	_ =	shalt  }
.Lfunc_end0:
.L_simem_size_0:
called_computation.2_lowered:
.L_overlay_start_0:
0x88: {  	s2 =	sld [smem:$0x3FD9]  }
0x89: {  	s3 =	sld [smem:$0x3FFE];
	_ =	sdelay $0x1  }
0x8a: {  	s1 =	srdreg.scid  }
0x8b: {  	s0 =	sand.u32 $0x1, s1  }
0x8c: {  	s14 =	sshll.u32 s0, $0xA;
	s2 =	sadd.s32 s3, s2  }
0x8d: {  	s2 =	sadd.s32 s2, s14  }
0x8e: {  	[smem:$0x3FBA] =	sst s2  }
0x8f: {  	_ = 	snop  }
0x90: {  	s2 =	sld [smem:$0x3FD0];
	_ =	sdelay $0x2  }
0x91: {  	s15 =	simm.s32 $0xA;
	s4 =	simm.s32 $0x10  }
0x92: {  	[smem:s4], [sflag:s15] =	dma.local [hbm:s2], $0x1  }
0x93: {  	_ =	swait.eq [sflag:s15], $0x1  }
0x94: {  	[sflag:s15] =	ssyncset.done $0x0  }
0x95: {  	[sflag:s15] =	ssyncadd.s32 $0xFFFFFFFF  }
0x96: {  	s16 =	sld [smem:$0x11];
	(tm) =	ssettm $0x1  }
0x97: {  	s17 =	sld [smem:$0x3FFB];
	_ =	sdelay $0x3  }
0x98: {  	_ =	strace s17  }
0x99: {  	s3 =	sld [smem:$0x3FFC];
	_ =	sdelay $0x3  }
0x9a: {  	_ =	strace s3  }
0x9b: {  	s3 =	sld [smem:$0x3FFD];
	_ =	sdelay $0x3  }
0x9c: {  	_ =	strace s3  }
0x9d: {  	_ =	strace $0x8FFFFFFF  }
0x9e: {  	s18 =	sld [smem:$0x3FDB];
	_ =	sdelay $0x1  }
0x9f: {  	s19 =	simm.s32 $_scs_section_size  }
0xa0: {  	s5 =	simm.s32 $_size__tile_overlayer_lowered;
	s6 =	simm.s32 $_tile_overlayer_lowered  }
0xa1: {  	s22 =	simm.s32 $0x1BFF;
	s21 =	sshll.u32 s6, $0x1;
	s3 =	sadd.s32 s19, s18  }
0xa2: {  	s7 =	simm.s32 $0x0;
	s20 =	sshll.u32 s5, $0x1;
	s5 =	sadd.s32 s21, s3  }
0xa3: {  	[timem:s7], [sflag:s22] =	dma.local [hbm:s5], s20  }
0xa4: {  	_ =	swait.ge [sflag:s22], s20  }
0xa5: {  	s4 =	ssub.s32 $0x0, s20;
	[sflag:s22] =	ssyncset.done $0x0  }
0xa6: {  	[sflag:s22] =	ssyncadd.s32 s4;
	_ =	sdelay $0x1  }
0xa7: {  	s23 =	simm.s32 $0x1B8B  }
0xa8: {  	_ =	swait.ge [sflag:s23], $0x1  }
0xa9: {  	[sflag:s23] =	ssyncset.done $0x0  }
0xaa: {  	s25 =	simm.s32 $0x1B8E;
	s24 =	sld [smem:$0x3FFE];
	[sflag:s23] =	ssyncadd.s32 $0xFFFFFFFF  }
0xab: {  	s26 =	simm.s32 $execute0_lowered;
	[smem:$0x3FD2] =	sst s25  }
0xac: {  	s5 =	sshll.u32 s26, $0x1;
	_ =	strace $0x8000004C;
	[dreg:$0x1] =	wrdreg $0xFFFFFFFF  }
0xad: {  	s28 =	simm.s32 $_size_execute0_lowered;
	s3 =	sadd.s32 s3, s5;
	[dreg:$0x0] =	wrdreg $0x0  }
0xae: {  	s5 =	sshll.u32 s28, $0x1;
	[dreg:$0x2] =	wrdreg s3  }
0xaf: {  	[dreg:$0x3] =	wrdreg s5  }
0xb0: {  	[dreg:$0x4] =	wrdreg $0xC0  }
0xb1: {  	_ =	task [dreg:s7], $0x5FFFF  }
0xb2: {  	[dreg:$0x1] =	wrdreg $0xFFFFFFFF  }
0xb3: {  	[dreg:$0x0] =	wrdreg $0x60  }
0xb4: {  	[dreg:$0x2] =	wrdreg s16  }
0xb5: {  	[dreg:$0x3] =	wrdreg s24  }
0xb6: {  	[dreg:$0x4] =	wrdreg $0x82000  }
0xb7: {  	[dreg:$0x5] =	wrdreg $0x9  }
0xb8: {  	_ =	task.clear_ibuf [dreg:s7], $0x6FFFF;
	_ =	strace $0x9000004C  }
0xb9: {  	s29 =	simm.s32 $0x9;
	_ =	strace $0x8000004E  }
0xba: {  	_ =	swait.ge [sflag:s29], $0x1  }
0xbb: {  	[sflag:s29] =	ssyncadd.s32 $0xFFFFFFFF  }
0xbc: {  	_ =	strace $0x9000004E  }
0xbd: {  	_ =	sfence  }
0xbe: {  	s30 =	sld [smem:$0x0];
	_ =	sdelay $0x2  }
0xbf: {  	s31 =	sshll.u32 s1, $0xD;
	s1 =	sshrl.u32 s1, $0x2  }
0xc0: {  	s3 =	sand.u32 $0x4000, s31;
	s1 =	sadd.s32 s1, s30  }
0xc1: {  	s0 =	sor.u32 s3, s0;
	s1 =	sshll.u32 s1, $0x11  }
0xc2: {  	s0 =	sor.u32 s1, s0  }
0xc3: {  	s0 =	sadd.s32 $0x8F2B, s0  }
0xc4: {  	[sflag:s0] =	ssyncadd.remote.s32 $0x1  }
0xc5: {  	_ =	sfence.sel $0xFFFF  }
0xc6: {  	[dreg:$0x0] =	wrdreg $0xFFFFFFFF;
	(pc) =	sbr.abs _section_cstart, $3  }
0xc7: {  	[dreg:$0x1] =	wrdreg $0xFFFFFFFF  }
0xc8: {  	_ =	task.clear_ibuf [dreg:s7], $0x2FFFF;
	_ =	strace $0x9FFFFFFF  }
0xc9: {  	(tm) =	ssettm $0x7FFFFFFF  }
tec
execute0_lowered:
.L_overlay_start_1:
0x0: {  	(tag) =	ssettag $0x1  }
0x1: {  	s2 =	rddreg [dreg:$0x0]  }
0x2: {  	s0 =	rddreg [dreg:$0x1]  }
0x3: {  	s3 =	rddreg [dreg:$0x2]  }
0x4: {  	s12 =	stileid.u32;
	s1 =	srdreg.scid;
	s4 =	simm.s32 $0x0  }
0x5: {  	s28 =	simm.s32 $0x5;
	s29 =	simm.s32 $0x100;
	s30 =	simm.s32 $0x3  }
0x6: {  	s31 =	simm.s32 $0x4200;
	s6 =	smul.u32 $0x13C00, s12;
	s1 =	sand.u32 $0x1, s1  }
0x7: {  	[smem:$0x7FF] =	sst s4;
	s5 =	sadd.s32 $0x23000, s0;
	s10 =	smul.u32 $0x4F00, s12  }
0x8: {  	s18 =	sshll.u32 s12, $0x6;
	s12 =	simm.s32 $0x1C0;
	s7 =	smul.u32 $0x13C000, s1  }
0x9: {  	s8 =	smul.u32 $0x4F000, s1;
	s1 =	ssub.s32 $0x2, s1;
	s9 =	sshrl.u32 s6, $0x3  }
0xa: {  	_ =	strace $0x8000004D;
	s11 =	sshrl.u32 s1, $0x1;
	s9 =	sadd.s32 s9, s0  }
0xb: {  	s7 =	sadd.s32 s6, s7;
	s10 =	sadd.s32 s10, s8;
	s1 =	ssub.s32 s1, s11  }
0xc: {  	s6 =	sadd.s32 s6, s3;
	s8 =	sor.u32 $0x1C0B, s18;
	s18 =	simm.s32 $0xB  }
0xd: {  	s11 =	simm.s32 $0x8;
	s7 =	sshrl.u32 s7, $0x3;
	s17 =	sshrl.u32 s10, $0x3  }
0xe: {  	s9 =	sadd.s32 $0x36C00, s9;
	s21 =	smax.u32 s1, $0x1;
	s22 =	sadd.s32 $0x1C0, s10  }
0xf: {  	s23 =	sadd.s32 $0x180, s10;
	s24 =	sadd.s32 $0x140, s10;
	s26 =	sadd.s32 $0x100, s10  }
0x10: {  	s13 =	sshrl.u32 s6, $0x3;
	s10 =	simm.s32 $0x6200;
	[dreg:$0x6] =	wrdreg s8  }
0x11: {  	s0 =	sadd.s32 s7, s0;
	s7 =	sadd.s32 s5, s17;
	[dreg:$0x5] =	wrdreg s9  }
0x12: {  	[dreg:$0xb] =	wrdreg s21;
	s1 =	sshrl.u32 s23, $0x3;
	s25 =	sshrl.u32 s24, $0x3  }
0x13: {  	[dreg:$0xc] =	wrdreg s26;
	s21 =	simm.s32 $0x80;
	s24 =	simm.s32 $0x200  }
0x14: {  	s26 =	simm.s32 $0x2200;
	s9 =	simm.s32 $0x4;
	[dreg:$0xd] =	wrdreg s13  }
0x15: {  	s17 =	simm.s32 $0x0;
	s19 =	sadd.s32 $0x8, s7;
	[dreg:$0x4] =	wrdreg s7  }
0x16: {  	s20 =	sadd.s32 $0x10, s7;
	s7 =	sadd.s32 $0x18, s7;
	[dreg:$0x7] =	wrdreg s19  }
.Ltmp0:
0x17: {  	s0 =	sadd.s32 $0x5E400, s0;
	[dreg:$0x8] =	wrdreg s20;
	(pc) =	sbr.rel .LBB2_1-.Ltmp0, $4  }
0x18: {  	s15 =	sadd.s32 s1, s5;
	s16 =	sadd.s32 s25, s5;
	[dreg:$0x9] =	wrdreg s7  }
0x19: {  	s25 =	simm.s32 $0x2;
	s1 =	simm.s32 $0xA;
	[dreg:$0xa] =	wrdreg s0  }
0x1a: {  	s0 =	sshrl.u32 s22, $0x3;
	s20 =	simm.s32 $0x40;
	s22 =	simm.s32 $0xC0  }
0x1b: {  	s7 =	simm.s32 $0x140;
	s14 =	sadd.s32 s0, s5;
	s0 =	simm.s32 $0x6  }
.LBB2_8:
0x1c: {  	s6 =	simm.s32 $0x9  }
0x1d: {  	_ =	swait.ge [sflag:s6], $0x2000  }
0x1e: {  	[sflag:s6] =	ssyncset.done $0x0  }
0x1f: {  	[sflag:s6] =	ssyncadd.s32 $0xFFFFE000  }
0x20: {  	_ =	swait.ge [sflag:s1], $0x2000  }
0x21: {  	[sflag:s1] =	ssyncset.done $0x0  }
0x22: {  	[sflag:s1] =	ssyncadd.s32 $0xFFFFE000  }
0x23: {  	[bflag:$0x0] =	sbarrier.arrive $0xFFFF  }
0x24: {  	s8 =	rddreg [dreg:$0x6]  }
0x25: {  	s19 =	rddreg [dreg:$0xa]  }
0x26: {  	s18 =	simm.s32 $0xB;
	s13 =	rddreg [dreg:$0xd]  }
0x27: {  	[hbm:s19], [sflag:s8] =	dma.local [spmem:s13], $0x2780  }
0x28: {  	_ =	swait.ge [sflag:s18], $0x2780  }
0x29: {  	s17 =	sadd.s32 $0x1, s17;
	s23 =	rddreg [dreg:$0xb]  }
0x2a: {  	p0 =	sne.s32 s17, s23  }
.Ltmp1:
0x2b: {  	_ = 	snop;
	(pc) =	sbr.rel @!p0 .LBB2_9-.Ltmp1, $3  }
0x2c: {  	_ =	sdelay $0x1  }
0x2d: {  	[sflag:s18] =	ssyncset.done $0x0  }
0x2e: {  	[sflag:s18] =	ssyncadd.s32 $0xFFFFD880  }
.LBB2_1:
0x2f: {  	s6 =	rddreg [dreg:$0x5]  }
0x30: {  	[spmem:s13], [sflag:s8] =	dma.local [hbm:s6], $0x2780  }
0x31: {  	_ =	swait.ge [sflag:s18], $0x2780  }
0x32: {  	[sflag:s18] =	ssyncset.done $0x0  }
0x33: {  	[sflag:s18] =	ssyncadd.s32 $0xFFFFD880  }
0x34: {  	[bflag:$0x0] =	sbarrier.arrive $0xFFFF  }
0x35: {  	s8 =	rddreg [dreg:$0x4]  }
0x36: {  	[tilespmem:s4], [sflag:$0x1] =	stream.linear.gather [hbm4b:s8+s4], $0x40, $0x38;
	[tilespmem:$0x1BE00] =	vst v63  }
0x37: {  	s13 =	rddreg [dreg:$0x7]  }
0x38: {  	[tilespmem:s20], [sflag:$0x2] =	stream.linear.gather [hbm4b:s13+s4], $0x40, $0x38;
	[tilespmem:$0x1BE00] =	vst v63  }
0x39: {  	s18 =	rddreg [dreg:$0x8]  }
0x3a: {  	[tilespmem:s21], [sflag:$0x3] =	stream.linear.gather [hbm4b:s18+s4], $0x40, $0x38;
	[tilespmem:$0x1BE00] =	vst v63  }
0x3b: {  	s23 =	simm.s32 $0x1;
	s19 =	rddreg [dreg:$0x9]  }
0x3c: {  	[tilespmem:s22], [sflag:$0x4] =	stream.linear.gather [hbm4b:s19+s4], $0x40, $0x38;
	[tilespmem:$0x1BE00] =	vst v63  }
0x3d: {  	_ =	swait.ge [sflag:s23], $0x40  }
0x3e: {  	[sflag:s23] =	ssyncset.done $0x0  }
0x3f: {  	[sflag:s23] =	ssyncadd.s32 $0xFFFFFFC0  }
0x40: {  	v0 =	vld [tilespmem:$0x0];
	_ =	sdelay $0x1  }
0x41: {  	v1 =	vld [tilespmem:$0x10];
	_ =	sdelay $0x1  }
0x42: {  	v2 =	vld [tilespmem:$0x20]  }
0x43: {  	v3 =	vshra.s32 v0, $0x10  }
0x44: {  	v46 =	vld [tilespmem:$0x30];
	v0 =	vand.u32 $0xFFFF, v0;
	[tilespmem:$0x100] =	vst v3  }
0x45: {  	v47 =	vshra.s32 v1, $0x10;
	[tilespmem:$0x0] =	vst v0  }
0x46: {  	v48 =	vand.u32 $0xFFFF, v1;
	[tilespmem:$0x110] =	vst v47  }
0x47: {  	v49 =	vshra.s32 v2, $0x10;
	[tilespmem:$0x10] =	vst v48  }
0x48: {  	v50 =	vand.u32 $0xFFFF, v2;
	[tilespmem:$0x120] =	vst v49  }
0x49: {  	v51 =	vshra.s32 v46, $0x10;
	[tilespmem:$0x20] =	vst v50  }
0x4a: {  	v52 =	vand.u32 $0xFFFF, v46;
	[tilespmem:$0x130] =	vst v51  }
0x4b: {  	[tilespmem:$0x30] =	vst v52  }
0x4c: {  	[tilespmem:s24], [sflag:$0x5] =	stream.indirect.gather [hbm4b:s2+s20], $0x80, s4, s20, $0xb8;
	[tilespmem:$0x1BE00] =	vst v63  }
0x4d: {  	_ =	swait.ge [sflag:s25], $0x40  }
0x4e: {  	[sflag:s25] =	ssyncset.done $0x0  }
0x4f: {  	[sflag:s25] =	ssyncadd.s32 $0xFFFFFFC0  }
0x50: {  	v53 =	vld [tilespmem:$0x40];
	_ =	sdelay $0x1  }
0x51: {  	v54 =	vld [tilespmem:$0x50];
	_ =	sdelay $0x1  }
0x52: {  	v55 =	vld [tilespmem:$0x60]  }
0x53: {  	v56 =	vshra.s32 v53, $0x10  }
0x54: {  	v57 =	vld [tilespmem:$0x70];
	v0 =	vand.u32 $0xFFFF, v53;
	[tilespmem:$0x140] =	vst v56  }
0x55: {  	v58 =	vshra.s32 v54, $0x10;
	[tilespmem:$0x40] =	vst v0  }
0x56: {  	v59 =	vand.u32 $0xFFFF, v54;
	[tilespmem:$0x150] =	vst v58  }
0x57: {  	v60 =	vshra.s32 v55, $0x10;
	[tilespmem:$0x50] =	vst v59  }
0x58: {  	v61 =	vand.u32 $0xFFFF, v55;
	[tilespmem:$0x160] =	vst v60  }
0x59: {  	v62 =	vshra.s32 v57, $0x10;
	[tilespmem:$0x60] =	vst v61  }
0x5a: {  	v63 =	vand.u32 $0xFFFF, v57;
	[tilespmem:$0x170] =	vst v62  }
0x5b: {  	s23 =	simm.s32 $0x0;
	s6 =	rddreg [dreg:$0xc];
	[tilespmem:$0x70] =	vst v63  }
0x5c: {  	[tilespmem:s26], [sflag:$0x6] =	stream.indirect.gather [hbm4b:s2+s20], $0x80, s20, s20, $0xb8;
	[tilespmem:$0x1BE00] =	vst v63  }
.LBB2_2:
0x5d: {  	_ =	swait.ge [sflag:s28], $0x2000  }
0x5e: {  	p0 =	seq.s32 s23, $0x0;
	[sflag:s28] =	ssyncset.done $0x0  }
0x5f: {  	s13 =	simm.s32 @!p0 $0x9;
	[sflag:s28] =	ssyncadd.s32 $0xFFFFE000  }
0x60: {  	_ =	swait.ge @!p0 [sflag:s13], $0x2000  }
0x61: {  	[sflag:s13] =	ssyncset.done @!p0 $0x0  }
0x62: {  	[sflag:s13] =	ssyncadd.s32 @!p0 $0xFFFFE000  }
0x63: {  	[spmem:s3] =	stream.indirect.scatter.add.f32 [tilespmem:s24], [sflag:$0x9], $0x80, s29, s20, $0xb8;
	[tilespmem:$0x1BE00] =	vst v63  }
0x64: {  	_ =	swait.ge [sflag:s30], $0x40  }
0x65: {  	[sflag:s30] =	ssyncset.done $0x0  }
0x66: {  	[sflag:s30] =	ssyncadd.s32 $0xFFFFFFC0  }
0x67: {  	v0 =	vld [tilespmem:$0x80];
	_ =	sdelay $0x1  }
0x68: {  	v1 =	vld [tilespmem:$0x90];
	_ =	sdelay $0x1  }
0x69: {  	v2 =	vld [tilespmem:$0xA0]  }
0x6a: {  	v3 =	vshra.s32 v0, $0x10  }
0x6b: {  	v57 =	vld [tilespmem:$0xB0];
	v0 =	vand.u32 $0xFFFF, v0;
	[tilespmem:$0x180] =	vst v3  }
0x6c: {  	v58 =	vshra.s32 v1, $0x10;
	[tilespmem:$0x80] =	vst v0  }
0x6d: {  	v59 =	vand.u32 $0xFFFF, v1;
	[tilespmem:$0x190] =	vst v58  }
0x6e: {  	p1 =	sne.s32 s23, $0x9C0;
	v60 =	vshra.s32 v2, $0x10;
	[tilespmem:$0x90] =	vst v59  }
.Ltmp2:
0x6f: {  	v61 =	vand.u32 $0xFFFF, v2;
	[tilespmem:$0x1A0] =	vst v60;
	(pc) =	sbr.rel @p1 .LBB2_4-.Ltmp2, $4  }
0x70: {  	v62 =	vshra.s32 v57, $0x10;
	[tilespmem:$0xA0] =	vst v61  }
0x71: {  	v63 =	vand.u32 $0xFFFF, v57;
	[tilespmem:$0x1B0] =	vst v62  }
0x72: {  	[tilespmem:$0xB0] =	vst v63  }
0x73: {  	[tilespmem:s31], [sflag:$0x7] =	stream.indirect.gather [hbm4b:s2+s20], $0x80, s21, s20, $0xb8;
	[tilespmem:$0x1BE00] =	vst v63  }
.Ltmp3:
0x74: {  	(pc) =	sbr.rel .LBB2_5-.Ltmp3, $4  }
0x75: {  	_ = 	snop  }
0x76: {  	_ =	swait.ge [sflag:s0], $0x2000  }
0x77: {  	[sflag:s0] =	ssyncset.done $0x0  }
0x78: {  	[sflag:s0] =	ssyncadd.s32 $0xFFFFE000  }
.LBB2_4:
0x79: {  	s13 =	sshrl.u32 s6, $0x3  }
.Ltmp4:
0x7a: {  	s13 =	sadd.s32 s5, s13;
	(pc) =	sbr.rel @p0 .LBB2_6-.Ltmp4, $4  }
0x7b: {  	[tilespmem:s4], [sflag:$0x1] =	stream.linear.gather [hbm4b:s13+s4], $0x40, $0x38;
	[tilespmem:$0x1BE00] =	vst v63  }
0x7c: {  	_ =	swait.ge [sflag:s0], $0x2000  }
0x7d: {  	[sflag:s0] =	ssyncset.done $0x0  }
0x7e: {  	[sflag:s0] =	ssyncadd.s32 $0xFFFFE000  }
.LBB2_5:
0x7f: {  	_ =	swait.ge [sflag:s1], $0x2000  }
0x80: {  	[sflag:s1] =	ssyncset.done $0x0  }
0x81: {  	[sflag:s1] =	ssyncadd.s32 $0xFFFFE000  }
.LBB2_6:
0x82: {  	[spmem:s3] =	stream.indirect.scatter.add.f32 [tilespmem:s26], [sflag:$0xA], $0x80, s7, s20, $0xb8;
	[tilespmem:$0x1BE00] =	vst v63  }
0x83: {  	_ =	swait.ge [sflag:s9], $0x40  }
0x84: {  	[sflag:s9] =	ssyncset.done $0x0  }
0x85: {  	[sflag:s9] =	ssyncadd.s32 $0xFFFFFFC0  }
0x86: {  	v0 =	vld [tilespmem:$0xC0];
	_ =	sdelay $0x1  }
0x87: {  	v1 =	vld [tilespmem:$0xD0];
	_ =	sdelay $0x1  }
0x88: {  	v2 =	vld [tilespmem:$0xE0]  }
0x89: {  	v3 =	vshra.s32 v0, $0x10  }
0x8a: {  	v57 =	vld [tilespmem:$0xF0];
	v0 =	vand.u32 $0xFFFF, v0;
	[tilespmem:$0x1C0] =	vst v3  }
0x8b: {  	v58 =	vshra.s32 v1, $0x10;
	[tilespmem:$0xC0] =	vst v0  }
0x8c: {  	v59 =	vand.u32 $0xFFFF, v1;
	[tilespmem:$0x1D0] =	vst v58  }
0x8d: {  	v60 =	vshra.s32 v2, $0x10;
	[tilespmem:$0xD0] =	vst v59  }
0x8e: {  	v61 =	vand.u32 $0xFFFF, v2;
	[tilespmem:$0x1E0] =	vst v60  }
0x8f: {  	v62 =	vshra.s32 v57, $0x10;
	[tilespmem:$0xE0] =	vst v61  }
0x90: {  	p0 =	seq.s32 s23, $0x9C0;
	v63 =	vand.u32 $0xFFFF, v57;
	[tilespmem:$0x1F0] =	vst v62  }
0x91: {  	s13 =	simm.s32 @p0 $0x7;
	[tilespmem:$0xF0] =	vst v63  }
0x92: {  	[tilespmem:s10], [sflag:$0x8] =	stream.indirect.gather [hbm4b:s2+s20], $0x80, s22, s20, $0xb8;
	[tilespmem:$0x1BE00] =	vst v63  }
0x93: {  	_ =	swait.ge @p0 [sflag:s13], $0x2000  }
0x94: {  	[sflag:s13] =	ssyncset.done @p0 $0x0  }
0x95: {  	[sflag:s13] =	ssyncadd.s32 @p0 $0xFFFFE000;
	s13 =	simm.s32 @p0 $0x9  }
0x96: {  	_ =	swait.ge @p0 [sflag:s13], $0x2000  }
0x97: {  	s8 =	simm.s32 @p0 $0x180;
	[sflag:s13] =	ssyncset.done @p0 $0x0  }
0x98: {  	s18 =	simm.s32 @p0 $0x4200;
	[sflag:s13] =	ssyncadd.s32 @p0 $0xFFFFE000;
	s13 =	simm.s32 @p0 $0x40  }
0x99: {  	[spmem:s3] =	stream.indirect.scatter.add.f32 @p0 [tilespmem:s18], [sflag:$0x9], $0x80, s8, s13, $0xb8;
	[tilespmem:$0x1BE00] =	vst v63  }
0x9a: {  	s8 =	sadd.s32 @!p0 s23, s16;
	s13 =	simm.s32 @!p0 $0x0;
	s18 =	simm.s32 @!p0 $0x40  }
0x9b: {  	[tilespmem:s18], [sflag:$0x2] =	stream.linear.gather @!p0 [hbm4b:s8+s13], $0x40, $0x38;
	[tilespmem:$0x1BE00] =	vst v63  }
0x9c: {  	s8 =	simm.s32 @!p0 $0x7  }
0x9d: {  	_ =	swait.ge @!p0 [sflag:s8], $0x2000  }
0x9e: {  	[sflag:s8] =	ssyncset.done @!p0 $0x0  }
0x9f: {  	[sflag:s8] =	ssyncadd.s32 @!p0 $0xFFFFE000;
	s8 =	simm.s32 @!p0 $0x9  }
0xa0: {  	_ =	swait.ge @!p0 [sflag:s8], $0x2000  }
0xa1: {  	[sflag:s8] =	ssyncset.done @!p0 $0x0  }
0xa2: {  	s19 =	simm.s32 @!p0 $0x4200;
	[sflag:s8] =	ssyncadd.s32 @!p0 $0xFFFFE000;
	s8 =	simm.s32 @!p0 $0x180  }
0xa3: {  	[spmem:s3] =	stream.indirect.scatter.add.f32 @!p0 [tilespmem:s19], [sflag:$0x9], $0x80, s8, s18, $0xb8;
	[tilespmem:$0x1BE00] =	vst v63  }
0xa4: {  	s8 =	simm.s32 @!p0 $0x1  }
0xa5: {  	_ =	swait.ge @!p0 [sflag:s8], $0x40  }
0xa6: {  	[sflag:s8] =	ssyncset.done @!p0 $0x0  }
0xa7: {  	[sflag:s8] =	ssyncadd.s32 @!p0 $0xFFFFFFC0  }
0xa8: {  	v0 =	vld @!p0 [tilespmem:$0x0];
	_ =	sdelay $0x1  }
0xa9: {  	v1 =	vld @!p0 [tilespmem:$0x10];
	_ =	sdelay $0x1  }
0xaa: {  	v2 =	vld @!p0 [tilespmem:$0x20]  }
0xab: {  	v3 =	vshra.s32 @!p0 v0, $0x10  }
0xac: {  	v0 =	vand.u32 @!p0 $0xFFFF, v0;
	[tilespmem:$0x100] =	vst @!p0 v3;
	v3 =	vld @!p0 [tilespmem:$0x30]  }
0xad: {  	[tilespmem:$0x0] =	vst @!p0 v0;
	v0 =	vshra.s32 @!p0 v1, $0x10  }
0xae: {  	[tilespmem:$0x110] =	vst @!p0 v0;
	v0 =	vand.u32 @!p0 $0xFFFF, v1  }
0xaf: {  	[tilespmem:$0x10] =	vst @!p0 v0;
	v0 =	vshra.s32 @!p0 v2, $0x10  }
0xb0: {  	[tilespmem:$0x120] =	vst @!p0 v0;
	v0 =	vand.u32 @!p0 $0xFFFF, v2  }
0xb1: {  	[tilespmem:$0x20] =	vst @!p0 v0;
	v0 =	vshra.s32 @!p0 v3, $0x10  }
0xb2: {  	[tilespmem:$0x130] =	vst @!p0 v0;
	v0 =	vand.u32 @!p0 $0xFFFF, v3  }
0xb3: {  	s8 =	simm.s32 @!p0 $0x200;
	[tilespmem:$0x30] =	vst @!p0 v0  }
0xb4: {  	[tilespmem:s8], [sflag:$0x5] =	stream.indirect.gather @!p0 [hbm4b:s2+s18], $0x80, s13, s18, $0xb8;
	[tilespmem:$0x1BE00] =	vst v63  }
0xb5: {  	s8 =	sadd.s32 @!p0 s23, s15;
	s18 =	simm.s32 @!p0 $0x80  }
0xb6: {  	[tilespmem:s18], [sflag:$0x3] =	stream.linear.gather @!p0 [hbm4b:s8+s13], $0x40, $0x38;
	[tilespmem:$0x1BE00] =	vst v63  }
0xb7: {  	_ =	swait.ge [sflag:s11], $0x2000  }
0xb8: {  	[sflag:s11] =	ssyncset.done $0x0  }
.Ltmp5:
0xb9: {  	[sflag:s11] =	ssyncadd.s32 $0xFFFFE000;
	(pc) =	sbr.rel @p0 .LBB2_8-.Ltmp5, $4  }
0xba: {  	_ =	swait.ge [sflag:s1], $0x2000  }
0xbb: {  	[sflag:s1] =	ssyncset.done $0x0  }
0xbc: {  	[sflag:s1] =	ssyncadd.s32 $0xFFFFE000  }
0xbd: {  	[spmem:s3] =	stream.indirect.scatter.add.f32 [tilespmem:s10], [sflag:$0xA], $0x80, s12, s20, $0xb8;
	[tilespmem:$0x1BE00] =	vst v63  }
0xbe: {  	_ =	swait.ge [sflag:s25], $0x40  }
0xbf: {  	[sflag:s25] =	ssyncset.done $0x0  }
0xc0: {  	[sflag:s25] =	ssyncadd.s32 $0xFFFFFFC0  }
0xc1: {  	v0 =	vld [tilespmem:$0x40];
	_ =	sdelay $0x1  }
0xc2: {  	v1 =	vld [tilespmem:$0x50];
	_ =	sdelay $0x1  }
0xc3: {  	v2 =	vld [tilespmem:$0x60]  }
0xc4: {  	v3 =	vshra.s32 v0, $0x10  }
0xc5: {  	v57 =	vld [tilespmem:$0x70];
	v0 =	vand.u32 $0xFFFF, v0;
	[tilespmem:$0x140] =	vst v3  }
0xc6: {  	v58 =	vshra.s32 v1, $0x10;
	[tilespmem:$0x40] =	vst v0  }
0xc7: {  	v59 =	vand.u32 $0xFFFF, v1;
	[tilespmem:$0x150] =	vst v58  }
0xc8: {  	v60 =	vshra.s32 v2, $0x10;
	[tilespmem:$0x50] =	vst v59  }
0xc9: {  	v61 =	vand.u32 $0xFFFF, v2;
	[tilespmem:$0x160] =	vst v60  }
0xca: {  	v62 =	vshra.s32 v57, $0x10;
	[tilespmem:$0x60] =	vst v61  }
.Ltmp6:
0xcb: {  	v63 =	vand.u32 $0xFFFF, v57;
	[tilespmem:$0x170] =	vst v62;
	(pc) =	sbr.rel .LBB2_2-.Ltmp6, $4  }
0xcc: {  	[tilespmem:$0x70] =	vst v63  }
0xcd: {  	[tilespmem:s26], [sflag:$0x6] =	stream.indirect.gather [hbm4b:s2+s20], $0x80, s20, s20, $0xb8;
	[tilespmem:$0x1BE00] =	vst v63  }
0xce: {  	s8 =	sadd.s32 s23, s14;
	s23 =	sadd.s32 $0x20, s23;
	s6 =	sadd.s32 $0x100, s6  }
0xcf: {  	[tilespmem:s22], [sflag:$0x4] =	stream.linear.gather [hbm4b:s8+s4], $0x40, $0x38;
	[tilespmem:$0x1BE00] =	vst v63  }
.LBB2_9:
0xd0: {  	_ =	sfence.sel $0x180000  }
0xd1: {  	[bflag:$0x0] =	sbarrier.arrive $0xFFFF  }
0xd2: {  	_ =	strace $0x9000004D  }
0xd3: {  	s0 =	stileid.u32;
	[bflag:$0x2] =	sbarrier.arrive $0xFFFF  }
0xd4: {  	p0 =	sne.s32 s0, $0x0;
	s0 =	rddreg [dreg:$0x3]  }
0xd5: {  	s0 =	sadd.s32 @!p0 $0x100000, s0  }
0xd6: {  	[sflag:s0] =	ssyncadd.tile.s32 @!p0 $0x1;
	_ =	shalt  }
.Lfunc_end2:
_tile_overlayer_lowered:
.L_overlay_start_2:
0xd7: {  	(tag) =	ssettag $0x2  }
0xd8: {  	s0 =	rddreg [dreg:$0x0];
	s2 =	stileid.u32  }
0xd9: {  	s1 =	rddreg [dreg:$0x1];
	p0 =	sne.s32 s2, $0x0  }
0xda: {  	s3 =	rddreg [dreg:$0x2];
	[bflag:$0x3] =	sbarrier.arrive $0xFFFF;
	s2 =	simm.s32 @!p0 $0x1C0B  }
0xdb: {  	[timem:s3], [sflag:s2] =	dma.local @!p0 [hbm:s0], s1  }
0xdc: {  	s0 =	simm.s32 @!p0 $0xB  }
0xdd: {  	_ =	swait.ge @!p0 [sflag:s0], s1  }
0xde: {  	s1 =	ssub.s32 @!p0 $0x0, s1;
	[sflag:s0] =	ssyncset.done @!p0 $0x0  }
0xdf: {  	[sflag:s0] =	ssyncadd.s32 @!p0 s1  }
0xe0: {  	[bflag:$0x3] =	sbarrier.arrive $0xFFFF  }
0xe1: {  	_ =	shalt  }

// kernel: kernel.20.cloned.1.call-start
scs
__scs_entry_jumppad:
0x0: {  	(pc) =	sbr.rel $0x88, $3  }
0x1: {  	(tag) =	ssettag $0x0;
	lr =	simm.s32 $0x1  }
0x2: {  	[smem:$0x3F93] =	sst lr;
	_ =	strace $0xD0000000  }
0x3: {  	_ = 	snop  }
0x4: {  	_ = 	snop  }
0x5: {  	_ = 	snop  }
0x6: {  	_ = 	snop  }
0x7: {  	_ = 	snop  }
__scs_overlays_trampoline_lowered:
0x8: {  	[smem:$0x3FA2] =	sst s0  }
0x9: {  	[smem:$0x3FA3] =	sst s1  }
0xa: {  	[smem:$0x3FA4] =	sst s2  }
0xb: {  	[smem:$0x3FA5] =	sst s3  }
0xc: {  	[smem:$0x3FA6] =	sst s4  }
0xd: {  	[smem:$0x3FA7] =	sst s5  }
0xe: {  	[smem:$0x3FA8] =	sst s6  }
0xf: {  	[smem:$0x3FA9] =	sst s7  }
0x10: {  	[smem:$0x3FAA] =	sst s8  }
0x11: {  	[smem:$0x3FAB] =	sst s9;
	s0 =	simm.s32 @!p0 $0x0  }
0x12: {  	s1 =	sld [smem:$0x3F91];
	s0 =	simm.s32 @p0 $0x1  }
0x13: {  	[smem:$0x3FAC] =	sst s0;
	s0 =	simm.s32 @!p1 $0x0  }
0x14: {  	s2 =	sld [smem:$0x3F90];
	s0 =	simm.s32 @p1 $0x1  }
0x15: {  	[smem:$0x3FAD] =	sst s0;
	s0 =	simm.s32 @!p2 $0x0  }
0x16: {  	s3 =	sld [smem:$0x3FDB];
	s0 =	simm.s32 @p2 $0x1  }
0x17: {  	s4 =	simm.s32 $0x1BF5;
	[smem:$0x3FAF] =	sst s0  }
0x18: {  	s0 =	sld [smem:$0x3F92];
	_ =	swait.ge [sflag:s4], $0x0  }
0x19: {  	s7 =	sld [smem:$0x3F93]  }
0x1a: {  	s8 =	sadd.s32 $0xFFFFE003, lr  }
0x1b: {  	s9 =	sadd.s32 $0xFFFFFEF7, lr;
	s5 =	simm.s32 $0xFFFFFFFF;
	p2 =	slt.u32 s8, $0xFFFFF086  }
0x1c: {  	p1 =	slt.u32 s9, $0xF7A;
	s5 =	simm.s32 @!p2 $0x0  }
0x1d: {  	s5 =	simm.s32 @p1 $0x1;
	p0 =	seq.s32 s7, s2  }
0x1e: {  	s7 =	smul.u32 @!p0 $0xF7A, s2;
	p2 =	seq.s32 @!p0 s5, $0x0  }
0x1f: {  	s9 =	smul.u32 $0xF7A, s1;
	s8 =	simm.s32 @!p0 $0x1BF5;
	p2 =	por !p2, p0  }
0x20: {  	[sflag:s8] =	ssyncset.s32 @!p0 $0xFFFFF086;
	s6 =	sadd.s32 @!p0 s3, s7;
	s7 =	simm.s32 @!p0 $0x108  }
0x21: {  	s3 =	sadd.s32 s3, s9;
	s6 =	sadd.s32 @!p0 $0x88, s6;
	s7 =	simm.s32 @p2 $0x1082  }
0x22: {  	[simem:s7], [sflag:s8] =	dma.local @!p0 [hbm:s6], $0xF7A  }
0x23: {  	s9 =	sor.u32 $0xD0000000, s2;
	s6 =	simm.s32 $0x108;
	_ =	swait.ge @!p0 [sflag:s8], $0x0  }
0x24: {  	s3 =	sadd.s32 $0x88, s3;
	s6 =	simm.s32 @!p1 $0x1082;
	[sflag:s4] =	ssyncset.s32 $0xFFFFF086  }
0x25: {  	[simem:s6], [sflag:s4] =	dma.local [hbm:s3], $0xF7A  }
0x26: {  	[smem:$0x3F93] =	sst s1;
	(tag) =	ssettag s2;
	_ =	strace s9  }
0x27: {  	s1 =	sld [smem:$0x3FA3]  }
0x28: {  	s2 =	sld [smem:$0x3FA4]  }
0x29: {  	s4 =	sld [smem:$0x3FA6]  }
0x2a: {  	p0 =	seq.s32 s5, $0x0;
	s5 =	sld [smem:$0x3FA7]  }
0x2b: {  	s6 =	sld [smem:$0x3FA8]  }
0x2c: {  	s7 =	sld [smem:$0x3FA9]  }
0x2d: {  	s3 =	simm.s32 $0x108;
	s8 =	sld [smem:$0x3FAA]  }
0x2e: {  	s3 =	simm.s32 @!p0 $0x1082;
	s9 =	sld [smem:$0x3FAB]  }
0x2f: {  	lr =	sadd.s32 s0, s3;
	s0 =	sld [smem:$0x3FA2]  }
0x30: {  	s3 =	sld [smem:$0x3FA5]  }
0x31: {  	[smem:$0x3FAE] =	sst s10  }
0x32: {  	s10 =	sld [smem:$0x3FAC];
	_ =	sdelay $0x3  }
0x33: {  	p0 =	seq.s32 s10, $0x1;
	s10 =	sld [smem:$0x3FAE];
	_ =	sdelay $0x3  }
0x34: {  	[smem:$0x3FAE] =	sst s10  }
0x35: {  	s10 =	sld [smem:$0x3FAD];
	_ =	sdelay $0x3  }
0x36: {  	p1 =	seq.s32 s10, $0x1;
	s10 =	sld [smem:$0x3FAE];
	_ =	sdelay $0x3  }
0x37: {  	[smem:$0x3FAE] =	sst s10  }
0x38: {  	s10 =	sld [smem:$0x3FAF]  }
0x39: {  	_ = 	snop;
	(pc) =	sbr.ind lr, $3  }
0x3a: {  	_ = 	snop  }
0x3b: {  	_ = 	snop  }
0x3c: {  	p2 =	seq.s32 s10, $0x1;
	s10 =	sld [smem:$0x3FAE]  }
0x3d: {  	_ =	shalt  }
0x3e: {  	_ =	shalt  }
0x3f: {  	_ =	shalt  }
0x40: {  	_ =	shalt  }
0x41: {  	_ =	shalt  }
0x42: {  	_ =	shalt  }
0x43: {  	_ =	shalt  }
0x44: {  	_ =	shalt  }
0x45: {  	_ =	shalt  }
0x46: {  	_ =	shalt  }
0x47: {  	_ =	shalt  }
0x48: {  	_ =	shalt  }
0x49: {  	_ =	shalt  }
0x4a: {  	_ =	shalt  }
0x4b: {  	_ =	shalt  }
0x4c: {  	_ =	shalt  }
0x4d: {  	_ =	shalt  }
0x4e: {  	_ =	shalt  }
0x4f: {  	_ =	shalt  }
0x50: {  	_ =	shalt  }
0x51: {  	_ =	shalt  }
0x52: {  	_ =	shalt  }
0x53: {  	_ =	shalt  }
0x54: {  	_ =	shalt  }
0x55: {  	_ =	shalt  }
0x56: {  	_ =	shalt  }
0x57: {  	_ =	shalt  }
0x58: {  	_ =	shalt  }
0x59: {  	_ =	shalt  }
0x5a: {  	_ =	shalt  }
0x5b: {  	_ =	shalt  }
0x5c: {  	_ =	shalt  }
0x5d: {  	_ =	shalt  }
0x5e: {  	_ =	shalt  }
0x5f: {  	_ =	shalt  }
0x60: {  	_ =	shalt  }
0x61: {  	_ =	shalt  }
0x62: {  	_ =	shalt  }
0x63: {  	_ =	shalt  }
0x64: {  	_ =	shalt  }
0x65: {  	_ =	shalt  }
0x66: {  	_ =	shalt  }
0x67: {  	_ =	shalt  }
0x68: {  	_ =	shalt  }
0x69: {  	_ =	shalt  }
0x6a: {  	_ =	shalt  }
0x6b: {  	_ =	shalt  }
0x6c: {  	_ =	shalt  }
0x6d: {  	_ =	shalt  }
0x6e: {  	_ =	shalt  }
0x6f: {  	_ =	shalt  }
0x70: {  	_ =	shalt  }
0x71: {  	_ =	shalt  }
0x72: {  	_ =	shalt  }
0x73: {  	_ =	shalt  }
0x74: {  	_ =	shalt  }
0x75: {  	_ =	shalt  }
0x76: {  	_ =	shalt  }
0x77: {  	_ =	shalt  }
0x78: {  	_ =	shalt  }
0x79: {  	_ =	shalt  }
0x7a: {  	_ =	shalt  }
0x7b: {  	_ =	shalt  }
0x7c: {  	_ =	shalt  }
0x7d: {  	_ =	shalt  }
0x7e: {  	_ =	shalt  }
0x7f: {  	_ =	shalt  }
0x80: {  	_ =	shalt  }
0x81: {  	_ =	shalt  }
0x82: {  	_ =	shalt  }
0x83: {  	_ =	shalt  }
0x84: {  	_ =	shalt  }
0x85: {  	_ =	shalt  }
0x86: {  	_ =	shalt  }
0x87: {  	_ =	shalt  }
.Lfunc_end0:
.L_simem_size_0:
called_computation.3_lowered:
.L_overlay_start_0:
0x88: {  	s2 =	sld [smem:$0x3FD9]  }
0x89: {  	s3 =	sld [smem:$0x3FFE];
	_ =	sdelay $0x1  }
0x8a: {  	s1 =	srdreg.scid  }
0x8b: {  	s0 =	sand.u32 $0x1, s1  }
0x8c: {  	s14 =	sshll.u32 s0, $0xA;
	s2 =	sadd.s32 s3, s2  }
0x8d: {  	s2 =	sadd.s32 s2, s14  }
0x8e: {  	[smem:$0x3FBA] =	sst s2  }
0x8f: {  	_ = 	snop  }
0x90: {  	s2 =	sld [smem:$0x3FD0];
	_ =	sdelay $0x2  }
0x91: {  	s15 =	simm.s32 $0xA;
	s4 =	simm.s32 $0x10  }
0x92: {  	[smem:s4], [sflag:s15] =	dma.local [hbm:s2], $0x1  }
0x93: {  	_ =	swait.eq [sflag:s15], $0x1  }
0x94: {  	[sflag:s15] =	ssyncset.done $0x0  }
0x95: {  	[sflag:s15] =	ssyncadd.s32 $0xFFFFFFFF  }
0x96: {  	s16 =	sld [smem:$0x10];
	(tm) =	ssettm $0x1  }
0x97: {  	s17 =	sld [smem:$0x3FFB];
	_ =	sdelay $0x3  }
0x98: {  	_ =	strace s17  }
0x99: {  	s3 =	sld [smem:$0x3FFC];
	_ =	sdelay $0x3  }
0x9a: {  	_ =	strace s3  }
0x9b: {  	s3 =	sld [smem:$0x3FFD];
	_ =	sdelay $0x3  }
0x9c: {  	_ =	strace s3  }
0x9d: {  	_ =	strace $0x8FFFFFFF  }
0x9e: {  	s18 =	sld [smem:$0x3FDB];
	_ =	sdelay $0x1  }
0x9f: {  	s19 =	simm.s32 $_scs_section_size  }
0xa0: {  	s5 =	simm.s32 $_size__tile_overlayer_lowered;
	s6 =	simm.s32 $_tile_overlayer_lowered  }
0xa1: {  	s22 =	simm.s32 $0x1BFF;
	s21 =	sshll.u32 s6, $0x1;
	s3 =	sadd.s32 s19, s18  }
0xa2: {  	s7 =	simm.s32 $0x0;
	s20 =	sshll.u32 s5, $0x1;
	s5 =	sadd.s32 s21, s3  }
0xa3: {  	[timem:s7], [sflag:s22] =	dma.local [hbm:s5], s20  }
0xa4: {  	_ =	swait.ge [sflag:s22], s20  }
0xa5: {  	s4 =	ssub.s32 $0x0, s20;
	[sflag:s22] =	ssyncset.done $0x0  }
0xa6: {  	[sflag:s22] =	ssyncadd.s32 s4;
	_ =	sdelay $0x1  }
0xa7: {  	s23 =	simm.s32 $0x1B8B  }
0xa8: {  	_ =	swait.ge [sflag:s23], $0x1  }
0xa9: {  	[sflag:s23] =	ssyncset.done $0x0  }
0xaa: {  	s25 =	simm.s32 $0x1B8E;
	s24 =	sld [smem:$0x3FFE];
	[sflag:s23] =	ssyncadd.s32 $0xFFFFFFFF  }
0xab: {  	s26 =	simm.s32 $execute0_lowered;
	[smem:$0x3FD2] =	sst s25  }
0xac: {  	s5 =	sshll.u32 s26, $0x1;
	_ =	strace $0x8000004F;
	[dreg:$0x1] =	wrdreg $0xFFFFFFFF  }
0xad: {  	s28 =	simm.s32 $_size_execute0_lowered;
	s3 =	sadd.s32 s3, s5;
	[dreg:$0x0] =	wrdreg $0x0  }
0xae: {  	s5 =	sshll.u32 s28, $0x1;
	[dreg:$0x2] =	wrdreg s3  }
0xaf: {  	[dreg:$0x3] =	wrdreg s5  }
0xb0: {  	[dreg:$0x4] =	wrdreg $0xC0  }
0xb1: {  	_ =	task [dreg:s7], $0x5FFFF  }
0xb2: {  	[dreg:$0x1] =	wrdreg $0xFFFFFFFF  }
0xb3: {  	[dreg:$0x0] =	wrdreg $0x60  }
0xb4: {  	[dreg:$0x2] =	wrdreg s16  }
0xb5: {  	[dreg:$0x3] =	wrdreg s24  }
0xb6: {  	[dreg:$0x4] =	wrdreg $0x82000  }
0xb7: {  	[dreg:$0x5] =	wrdreg $0x9  }
0xb8: {  	_ =	task.clear_ibuf [dreg:s7], $0x6FFFF;
	_ =	strace $0x9000004F  }
0xb9: {  	s29 =	simm.s32 $0x9;
	_ =	strace $0x80000051  }
0xba: {  	_ =	swait.ge [sflag:s29], $0x1  }
0xbb: {  	[sflag:s29] =	ssyncadd.s32 $0xFFFFFFFF  }
0xbc: {  	_ =	strace $0x90000051  }
0xbd: {  	_ =	sfence  }
0xbe: {  	s30 =	sld [smem:$0x0];
	_ =	sdelay $0x2  }
0xbf: {  	s31 =	sshll.u32 s1, $0xD;
	s1 =	sshrl.u32 s1, $0x2  }
0xc0: {  	s3 =	sand.u32 $0x4000, s31;
	s1 =	sadd.s32 s1, s30  }
0xc1: {  	s0 =	sor.u32 s3, s0;
	s1 =	sshll.u32 s1, $0x11  }
0xc2: {  	s0 =	sor.u32 s1, s0  }
0xc3: {  	s0 =	sadd.s32 $0x8F2B, s0  }
0xc4: {  	[sflag:s0] =	ssyncadd.remote.s32 $0x1  }
0xc5: {  	_ =	sfence.sel $0xFFFF  }
0xc6: {  	[dreg:$0x0] =	wrdreg $0xFFFFFFFF;
	(pc) =	sbr.abs _section_cstart, $3  }
0xc7: {  	[dreg:$0x1] =	wrdreg $0xFFFFFFFF  }
0xc8: {  	_ =	task.clear_ibuf [dreg:s7], $0x2FFFF;
	_ =	strace $0x9FFFFFFF  }
0xc9: {  	(tm) =	ssettm $0x7FFFFFFF  }
tec
execute0_lowered:
.L_overlay_start_1:
0x0: {  	(tag) =	ssettag $0x1  }
0x1: {  	s1 =	rddreg [dreg:$0x0]  }
0x2: {  	s0 =	rddreg [dreg:$0x1]  }
0x3: {  	s3 =	rddreg [dreg:$0x2];
	s4 =	simm.s32 $0x0  }
0x4: {  	s12 =	stileid.u32;
	s2 =	srdreg.scid;
	s28 =	simm.s32 $0x100  }
0x5: {  	s29 =	simm.s32 $0x3;
	s30 =	simm.s32 $0x4200;
	s31 =	simm.s32 $0x6  }
0x6: {  	[smem:$0x7FF] =	sst s4;
	s5 =	smul.u32 $0x13C00, s12;
	s2 =	sand.u32 $0x1, s2  }
0x7: {  	s7 =	sadd.s32 $0x5600, s0;
	s10 =	smul.u32 $0x2800, s12;
	s16 =	sshll.u32 s12, $0x6  }
0x8: {  	s12 =	simm.s32 $0x0;
	_ =	strace $0x80000050;
	s6 =	smul.u32 $0x13C000, s2  }
0x9: {  	s9 =	smul.u32 $0x28000, s2;
	s2 =	ssub.s32 $0x2, s2;
	s8 =	sshrl.u32 s5, $0x3  }
0xa: {  	s11 =	sshrl.u32 s2, $0x1;
	s6 =	sadd.s32 s5, s6;
	s8 =	sadd.s32 s8, s0  }
0xb: {  	s2 =	ssub.s32 s2, s11;
	s9 =	sadd.s32 s10, s9;
	s5 =	sadd.s32 s5, s3  }
0xc: {  	s11 =	sor.u32 $0x1C0B, s16;
	s6 =	sshrl.u32 s6, $0x3;
	s10 =	sshrl.u32 s9, $0x3  }
0xd: {  	s8 =	sadd.s32 $0x36C00, s8;
	s20 =	sor.u32 $0x1C0, s9;
	s2 =	smax.u32 s2, $0x1  }
0xe: {  	s22 =	sor.u32 $0x180, s9;
	s23 =	sor.u32 $0x140, s9;
	s24 =	sor.u32 $0x100, s9  }
0xf: {  	s9 =	simm.s32 $0x8;
	[dreg:$0x5] =	wrdreg s11;
	s0 =	sadd.s32 s6, s0  }
0x10: {  	[dreg:$0x4] =	wrdreg s8;
	s17 =	sadd.s32 s7, s10;
	s21 =	sshrl.u32 s20, $0x3  }
0x11: {  	[dreg:$0xb] =	wrdreg s2;
	s25 =	sshrl.u32 s23, $0x3;
	s26 =	sshrl.u32 s24, $0x3  }
0x12: {  	s20 =	simm.s32 $0x80;
	s23 =	simm.s32 $0x200;
	s24 =	simm.s32 $0x2  }
0x13: {  	s2 =	simm.s32 $0x140;
	s8 =	simm.s32 $0x6200;
	s10 =	simm.s32 $0x1C0  }
0x14: {  	s18 =	sadd.s32 $0x8, s17;
	s19 =	sadd.s32 $0x10, s17;
	[dreg:$0x6] =	wrdreg s17  }
0x15: {  	s6 =	sadd.s32 $0x18, s17;
	s0 =	sadd.s32 $0x5E400, s0;
	s13 =	sadd.s32 s21, s7  }
0x16: {  	s15 =	sadd.s32 s25, s7;
	s16 =	sadd.s32 s26, s7;
	[dreg:$0x7] =	wrdreg s18  }
.Ltmp0:
0x17: {  	s21 =	simm.s32 $0xC0;
	[dreg:$0x8] =	wrdreg s19;
	(pc) =	sbr.rel .LBB2_1-.Ltmp0, $4  }
0x18: {  	s25 =	simm.s32 $0x2200;
	s26 =	simm.s32 $0x5;
	[dreg:$0x9] =	wrdreg s6  }
0x19: {  	[dreg:$0xa] =	wrdreg s0;
	s0 =	sshrl.u32 s22, $0x3;
	s18 =	simm.s32 $0xB  }
0x1a: {  	s19 =	simm.s32 $0x40;
	s14 =	sadd.s32 s0, s7;
	s7 =	sshrl.u32 s5, $0x3  }
0x1b: {  	s0 =	simm.s32 $0xA;
	s5 =	simm.s32 $0x4;
	[dreg:$0xc] =	wrdreg s7  }
.LBB2_8:
0x1c: {  	s6 =	simm.s32 $0x9  }
0x1d: {  	_ =	swait.ge [sflag:s6], $0x2000  }
0x1e: {  	[sflag:s6] =	ssyncset.done $0x0  }
0x1f: {  	[sflag:s6] =	ssyncadd.s32 $0xFFFFE000  }
0x20: {  	_ =	swait.ge [sflag:s0], $0x2000  }
0x21: {  	[sflag:s0] =	ssyncset.done $0x0  }
0x22: {  	[sflag:s0] =	ssyncadd.s32 $0xFFFFE000  }
0x23: {  	[bflag:$0x0] =	sbarrier.arrive $0xFFFF  }
0x24: {  	s11 =	rddreg [dreg:$0x5]  }
0x25: {  	s17 =	rddreg [dreg:$0xa]  }
0x26: {  	s7 =	rddreg [dreg:$0xc]  }
0x27: {  	[hbm:s17], [sflag:s11] =	dma.local [spmem:s7], $0x2780  }
0x28: {  	_ =	swait.ge [sflag:s18], $0x2780  }
0x29: {  	s12 =	sadd.s32 $0x1, s12;
	s22 =	rddreg [dreg:$0xb]  }
0x2a: {  	p0 =	sne.s32 s12, s22  }
.Ltmp1:
0x2b: {  	_ = 	snop;
	(pc) =	sbr.rel @!p0 .LBB2_9-.Ltmp1, $3  }
0x2c: {  	_ =	sdelay $0x1  }
0x2d: {  	[sflag:s18] =	ssyncset.done $0x0  }
0x2e: {  	[sflag:s18] =	ssyncadd.s32 $0xFFFFD880  }
.LBB2_1:
0x2f: {  	s6 =	rddreg [dreg:$0x4]  }
0x30: {  	[spmem:s7], [sflag:s11] =	dma.local [hbm:s6], $0x2780  }
0x31: {  	_ =	swait.ge [sflag:s18], $0x2780  }
0x32: {  	[sflag:s18] =	ssyncset.done $0x0  }
0x33: {  	[sflag:s18] =	ssyncadd.s32 $0xFFFFD880  }
0x34: {  	[bflag:$0x0] =	sbarrier.arrive $0xFFFF  }
0x35: {  	s22 =	rddreg [dreg:$0x6]  }
0x36: {  	[tilespmem:s4], [sflag:$0x1] =	stream.linear.gather [hbm4b:s22+s4], $0x40, $0x38;
	[tilespmem:$0x1BE00] =	vst v63  }
0x37: {  	s7 =	rddreg [dreg:$0x7]  }
0x38: {  	[tilespmem:s19], [sflag:$0x2] =	stream.linear.gather [hbm4b:s7+s4], $0x40, $0x38;
	[tilespmem:$0x1BE00] =	vst v63  }
0x39: {  	s11 =	rddreg [dreg:$0x8]  }
0x3a: {  	[tilespmem:s20], [sflag:$0x3] =	stream.linear.gather [hbm4b:s11+s4], $0x40, $0x38;
	[tilespmem:$0x1BE00] =	vst v63  }
0x3b: {  	s17 =	rddreg [dreg:$0x9];
	s22 =	simm.s32 $0x1  }
0x3c: {  	[tilespmem:s21], [sflag:$0x4] =	stream.linear.gather [hbm4b:s17+s4], $0x40, $0x38;
	[tilespmem:$0x1BE00] =	vst v63  }
0x3d: {  	_ =	swait.ge [sflag:s22], $0x40  }
0x3e: {  	[sflag:s22] =	ssyncset.done $0x0  }
0x3f: {  	[sflag:s22] =	ssyncadd.s32 $0xFFFFFFC0  }
0x40: {  	v0 =	vld [tilespmem:$0x0];
	_ =	sdelay $0x1  }
0x41: {  	v1 =	vld [tilespmem:$0x10];
	_ =	sdelay $0x1  }
0x42: {  	v2 =	vld [tilespmem:$0x20]  }
0x43: {  	v3 =	vshra.s32 v0, $0x10  }
0x44: {  	v46 =	vld [tilespmem:$0x30];
	v0 =	vand.u32 $0xFFFF, v0;
	[tilespmem:$0x100] =	vst v3  }
0x45: {  	v47 =	vshra.s32 v1, $0x10;
	[tilespmem:$0x0] =	vst v0  }
0x46: {  	v48 =	vand.u32 $0xFFFF, v1;
	[tilespmem:$0x110] =	vst v47  }
0x47: {  	v49 =	vshra.s32 v2, $0x10;
	[tilespmem:$0x10] =	vst v48  }
0x48: {  	v50 =	vand.u32 $0xFFFF, v2;
	[tilespmem:$0x120] =	vst v49  }
0x49: {  	v51 =	vshra.s32 v46, $0x10;
	[tilespmem:$0x20] =	vst v50  }
0x4a: {  	v52 =	vand.u32 $0xFFFF, v46;
	[tilespmem:$0x130] =	vst v51  }
0x4b: {  	[tilespmem:$0x30] =	vst v52  }
0x4c: {  	[tilespmem:s23], [sflag:$0x5] =	stream.indirect.gather [hbm4b:s1+s19], $0x80, s4, s19, $0xb8;
	[tilespmem:$0x1BE00] =	vst v63  }
0x4d: {  	_ =	swait.ge [sflag:s24], $0x40  }
0x4e: {  	[sflag:s24] =	ssyncset.done $0x0  }
0x4f: {  	[sflag:s24] =	ssyncadd.s32 $0xFFFFFFC0  }
0x50: {  	v53 =	vld [tilespmem:$0x40];
	_ =	sdelay $0x1  }
0x51: {  	v54 =	vld [tilespmem:$0x50];
	_ =	sdelay $0x1  }
0x52: {  	v55 =	vld [tilespmem:$0x60]  }
0x53: {  	v56 =	vshra.s32 v53, $0x10  }
0x54: {  	v57 =	vld [tilespmem:$0x70];
	v0 =	vand.u32 $0xFFFF, v53;
	[tilespmem:$0x140] =	vst v56  }
0x55: {  	v58 =	vshra.s32 v54, $0x10;
	[tilespmem:$0x40] =	vst v0  }
0x56: {  	v59 =	vand.u32 $0xFFFF, v54;
	[tilespmem:$0x150] =	vst v58  }
0x57: {  	v60 =	vshra.s32 v55, $0x10;
	[tilespmem:$0x50] =	vst v59  }
0x58: {  	v61 =	vand.u32 $0xFFFF, v55;
	[tilespmem:$0x160] =	vst v60  }
0x59: {  	v62 =	vshra.s32 v57, $0x10;
	[tilespmem:$0x60] =	vst v61  }
0x5a: {  	v63 =	vand.u32 $0xFFFF, v57;
	[tilespmem:$0x170] =	vst v62  }
0x5b: {  	s7 =	simm.s32 $0x0;
	[tilespmem:$0x70] =	vst v63  }
0x5c: {  	[tilespmem:s25], [sflag:$0x6] =	stream.indirect.gather [hbm4b:s1+s19], $0x80, s19, s19, $0xb8;
	[tilespmem:$0x1BE00] =	vst v63  }
.LBB2_2:
0x5d: {  	_ =	swait.ge [sflag:s26], $0x2000  }
0x5e: {  	p0 =	seq.s32 s7, $0x0;
	[sflag:s26] =	ssyncset.done $0x0  }
0x5f: {  	s22 =	simm.s32 @!p0 $0x9;
	[sflag:s26] =	ssyncadd.s32 $0xFFFFE000  }
0x60: {  	_ =	swait.ge @!p0 [sflag:s22], $0x2000  }
0x61: {  	[sflag:s22] =	ssyncset.done @!p0 $0x0  }
0x62: {  	[sflag:s22] =	ssyncadd.s32 @!p0 $0xFFFFE000  }
0x63: {  	[spmem:s3] =	stream.indirect.scatter.add.f32 [tilespmem:s23], [sflag:$0x9], $0x80, s28, s19, $0xb8;
	[tilespmem:$0x1BE00] =	vst v63  }
0x64: {  	_ =	swait.ge [sflag:s29], $0x40  }
0x65: {  	[sflag:s29] =	ssyncset.done $0x0  }
0x66: {  	[sflag:s29] =	ssyncadd.s32 $0xFFFFFFC0  }
0x67: {  	v0 =	vld [tilespmem:$0x80];
	_ =	sdelay $0x1  }
0x68: {  	v1 =	vld [tilespmem:$0x90];
	_ =	sdelay $0x1  }
0x69: {  	v2 =	vld [tilespmem:$0xA0]  }
0x6a: {  	v3 =	vshra.s32 v0, $0x10  }
0x6b: {  	v57 =	vld [tilespmem:$0xB0];
	v0 =	vand.u32 $0xFFFF, v0;
	[tilespmem:$0x180] =	vst v3  }
0x6c: {  	v58 =	vshra.s32 v1, $0x10;
	[tilespmem:$0x80] =	vst v0  }
0x6d: {  	v59 =	vand.u32 $0xFFFF, v1;
	[tilespmem:$0x190] =	vst v58  }
0x6e: {  	p1 =	sne.s32 s7, $0x4E0;
	v60 =	vshra.s32 v2, $0x10;
	[tilespmem:$0x90] =	vst v59  }
.Ltmp2:
0x6f: {  	v61 =	vand.u32 $0xFFFF, v2;
	[tilespmem:$0x1A0] =	vst v60;
	(pc) =	sbr.rel @p1 .LBB2_4-.Ltmp2, $4  }
0x70: {  	v62 =	vshra.s32 v57, $0x10;
	[tilespmem:$0xA0] =	vst v61  }
0x71: {  	v63 =	vand.u32 $0xFFFF, v57;
	[tilespmem:$0x1B0] =	vst v62  }
0x72: {  	[tilespmem:$0xB0] =	vst v63  }
0x73: {  	[tilespmem:s30], [sflag:$0x7] =	stream.indirect.gather [hbm4b:s1+s19], $0x80, s20, s19, $0xb8;
	[tilespmem:$0x1BE00] =	vst v63  }
.Ltmp3:
0x74: {  	(pc) =	sbr.rel .LBB2_5-.Ltmp3, $4  }
0x75: {  	_ = 	snop  }
0x76: {  	_ =	swait.ge [sflag:s31], $0x2000  }
0x77: {  	[sflag:s31] =	ssyncset.done $0x0  }
0x78: {  	[sflag:s31] =	ssyncadd.s32 $0xFFFFE000  }
.LBB2_4:
.Ltmp4:
0x79: {  	s22 =	sadd.s32 s7, s16;
	(pc) =	sbr.rel @p0 .LBB2_6-.Ltmp4, $4  }
0x7a: {  	[tilespmem:s4], [sflag:$0x1] =	stream.linear.gather [hbm4b:s22+s4], $0x40, $0x38;
	[tilespmem:$0x1BE00] =	vst v63  }
0x7b: {  	_ =	swait.ge [sflag:s31], $0x2000  }
0x7c: {  	[sflag:s31] =	ssyncset.done $0x0  }
0x7d: {  	[sflag:s31] =	ssyncadd.s32 $0xFFFFE000  }
.LBB2_5:
0x7e: {  	_ =	swait.ge [sflag:s0], $0x2000  }
0x7f: {  	[sflag:s0] =	ssyncset.done $0x0  }
0x80: {  	[sflag:s0] =	ssyncadd.s32 $0xFFFFE000  }
.LBB2_6:
0x81: {  	[spmem:s3] =	stream.indirect.scatter.add.f32 [tilespmem:s25], [sflag:$0xA], $0x80, s2, s19, $0xb8;
	[tilespmem:$0x1BE00] =	vst v63  }
0x82: {  	_ =	swait.ge [sflag:s5], $0x40  }
0x83: {  	[sflag:s5] =	ssyncset.done $0x0  }
0x84: {  	[sflag:s5] =	ssyncadd.s32 $0xFFFFFFC0  }
0x85: {  	v0 =	vld [tilespmem:$0xC0];
	_ =	sdelay $0x1  }
0x86: {  	v1 =	vld [tilespmem:$0xD0];
	_ =	sdelay $0x1  }
0x87: {  	v2 =	vld [tilespmem:$0xE0]  }
0x88: {  	v3 =	vshra.s32 v0, $0x10  }
0x89: {  	v57 =	vld [tilespmem:$0xF0];
	v0 =	vand.u32 $0xFFFF, v0;
	[tilespmem:$0x1C0] =	vst v3  }
0x8a: {  	v58 =	vshra.s32 v1, $0x10;
	[tilespmem:$0xC0] =	vst v0  }
0x8b: {  	v59 =	vand.u32 $0xFFFF, v1;
	[tilespmem:$0x1D0] =	vst v58  }
0x8c: {  	v60 =	vshra.s32 v2, $0x10;
	[tilespmem:$0xD0] =	vst v59  }
0x8d: {  	v61 =	vand.u32 $0xFFFF, v2;
	[tilespmem:$0x1E0] =	vst v60  }
0x8e: {  	v62 =	vshra.s32 v57, $0x10;
	[tilespmem:$0xE0] =	vst v61  }
0x8f: {  	p0 =	seq.s32 s7, $0x4E0;
	v63 =	vand.u32 $0xFFFF, v57;
	[tilespmem:$0x1F0] =	vst v62  }
0x90: {  	s22 =	simm.s32 @p0 $0x7;
	[tilespmem:$0xF0] =	vst v63  }
0x91: {  	[tilespmem:s8], [sflag:$0x8] =	stream.indirect.gather [hbm4b:s1+s19], $0x80, s21, s19, $0xb8;
	[tilespmem:$0x1BE00] =	vst v63  }
0x92: {  	_ =	swait.ge @p0 [sflag:s22], $0x2000  }
0x93: {  	[sflag:s22] =	ssyncset.done @p0 $0x0  }
0x94: {  	[sflag:s22] =	ssyncadd.s32 @p0 $0xFFFFE000;
	s22 =	simm.s32 @p0 $0x9  }
0x95: {  	_ =	swait.ge @p0 [sflag:s22], $0x2000  }
0x96: {  	s11 =	simm.s32 @p0 $0x180;
	[sflag:s22] =	ssyncset.done @p0 $0x0  }
0x97: {  	s6 =	simm.s32 @p0 $0x4200;
	[sflag:s22] =	ssyncadd.s32 @p0 $0xFFFFE000;
	s22 =	simm.s32 @p0 $0x40  }
0x98: {  	[spmem:s3] =	stream.indirect.scatter.add.f32 @p0 [tilespmem:s6], [sflag:$0x9], $0x80, s11, s22, $0xb8;
	[tilespmem:$0x1BE00] =	vst v63  }
0x99: {  	s6 =	sadd.s32 @!p0 s7, s15;
	s11 =	simm.s32 @!p0 $0x0;
	s22 =	simm.s32 @!p0 $0x40  }
0x9a: {  	[tilespmem:s22], [sflag:$0x2] =	stream.linear.gather @!p0 [hbm4b:s6+s11], $0x40, $0x38;
	[tilespmem:$0x1BE00] =	vst v63  }
0x9b: {  	s6 =	simm.s32 @!p0 $0x7  }
0x9c: {  	_ =	swait.ge @!p0 [sflag:s6], $0x2000  }
0x9d: {  	[sflag:s6] =	ssyncset.done @!p0 $0x0  }
0x9e: {  	[sflag:s6] =	ssyncadd.s32 @!p0 $0xFFFFE000;
	s6 =	simm.s32 @!p0 $0x9  }
0x9f: {  	_ =	swait.ge @!p0 [sflag:s6], $0x2000  }
0xa0: {  	[sflag:s6] =	ssyncset.done @!p0 $0x0  }
0xa1: {  	s17 =	simm.s32 @!p0 $0x4200;
	[sflag:s6] =	ssyncadd.s32 @!p0 $0xFFFFE000;
	s6 =	simm.s32 @!p0 $0x180  }
0xa2: {  	[spmem:s3] =	stream.indirect.scatter.add.f32 @!p0 [tilespmem:s17], [sflag:$0x9], $0x80, s6, s22, $0xb8;
	[tilespmem:$0x1BE00] =	vst v63  }
0xa3: {  	s6 =	simm.s32 @!p0 $0x1  }
0xa4: {  	_ =	swait.ge @!p0 [sflag:s6], $0x40  }
0xa5: {  	[sflag:s6] =	ssyncset.done @!p0 $0x0  }
0xa6: {  	[sflag:s6] =	ssyncadd.s32 @!p0 $0xFFFFFFC0  }
0xa7: {  	v0 =	vld @!p0 [tilespmem:$0x0];
	_ =	sdelay $0x1  }
0xa8: {  	v1 =	vld @!p0 [tilespmem:$0x10];
	_ =	sdelay $0x1  }
0xa9: {  	v2 =	vld @!p0 [tilespmem:$0x20]  }
0xaa: {  	v3 =	vshra.s32 @!p0 v0, $0x10  }
0xab: {  	v0 =	vand.u32 @!p0 $0xFFFF, v0;
	[tilespmem:$0x100] =	vst @!p0 v3;
	v3 =	vld @!p0 [tilespmem:$0x30]  }
0xac: {  	[tilespmem:$0x0] =	vst @!p0 v0;
	v0 =	vshra.s32 @!p0 v1, $0x10  }
0xad: {  	[tilespmem:$0x110] =	vst @!p0 v0;
	v0 =	vand.u32 @!p0 $0xFFFF, v1  }
0xae: {  	[tilespmem:$0x10] =	vst @!p0 v0;
	v0 =	vshra.s32 @!p0 v2, $0x10  }
0xaf: {  	[tilespmem:$0x120] =	vst @!p0 v0;
	v0 =	vand.u32 @!p0 $0xFFFF, v2  }
0xb0: {  	[tilespmem:$0x20] =	vst @!p0 v0;
	v0 =	vshra.s32 @!p0 v3, $0x10  }
0xb1: {  	[tilespmem:$0x130] =	vst @!p0 v0;
	v0 =	vand.u32 @!p0 $0xFFFF, v3  }
0xb2: {  	s6 =	simm.s32 @!p0 $0x200;
	[tilespmem:$0x30] =	vst @!p0 v0  }
0xb3: {  	[tilespmem:s6], [sflag:$0x5] =	stream.indirect.gather @!p0 [hbm4b:s1+s22], $0x80, s11, s22, $0xb8;
	[tilespmem:$0x1BE00] =	vst v63  }
0xb4: {  	s17 =	simm.s32 @!p0 $0x80;
	s6 =	sadd.s32 @!p0 s7, s14  }
0xb5: {  	[tilespmem:s17], [sflag:$0x3] =	stream.linear.gather @!p0 [hbm4b:s6+s11], $0x40, $0x38;
	[tilespmem:$0x1BE00] =	vst v63  }
0xb6: {  	_ =	swait.ge [sflag:s9], $0x2000  }
0xb7: {  	[sflag:s9] =	ssyncset.done $0x0  }
.Ltmp5:
0xb8: {  	[sflag:s9] =	ssyncadd.s32 $0xFFFFE000;
	(pc) =	sbr.rel @p0 .LBB2_8-.Ltmp5, $4  }
0xb9: {  	_ =	swait.ge [sflag:s0], $0x2000  }
0xba: {  	[sflag:s0] =	ssyncset.done $0x0  }
0xbb: {  	[sflag:s0] =	ssyncadd.s32 $0xFFFFE000  }
0xbc: {  	[spmem:s3] =	stream.indirect.scatter.add.f32 [tilespmem:s8], [sflag:$0xA], $0x80, s10, s19, $0xb8;
	[tilespmem:$0x1BE00] =	vst v63  }
0xbd: {  	_ =	swait.ge [sflag:s24], $0x40  }
0xbe: {  	[sflag:s24] =	ssyncset.done $0x0  }
0xbf: {  	[sflag:s24] =	ssyncadd.s32 $0xFFFFFFC0  }
0xc0: {  	v0 =	vld [tilespmem:$0x40];
	_ =	sdelay $0x1  }
0xc1: {  	v1 =	vld [tilespmem:$0x50];
	_ =	sdelay $0x1  }
0xc2: {  	v2 =	vld [tilespmem:$0x60]  }
0xc3: {  	v3 =	vshra.s32 v0, $0x10  }
0xc4: {  	v57 =	vld [tilespmem:$0x70];
	v0 =	vand.u32 $0xFFFF, v0;
	[tilespmem:$0x140] =	vst v3  }
0xc5: {  	v58 =	vshra.s32 v1, $0x10;
	[tilespmem:$0x40] =	vst v0  }
0xc6: {  	v59 =	vand.u32 $0xFFFF, v1;
	[tilespmem:$0x150] =	vst v58  }
0xc7: {  	v60 =	vshra.s32 v2, $0x10;
	[tilespmem:$0x50] =	vst v59  }
0xc8: {  	v61 =	vand.u32 $0xFFFF, v2;
	[tilespmem:$0x160] =	vst v60  }
0xc9: {  	v62 =	vshra.s32 v57, $0x10;
	[tilespmem:$0x60] =	vst v61  }
.Ltmp6:
0xca: {  	v63 =	vand.u32 $0xFFFF, v57;
	[tilespmem:$0x170] =	vst v62;
	(pc) =	sbr.rel .LBB2_2-.Ltmp6, $4  }
0xcb: {  	[tilespmem:$0x70] =	vst v63  }
0xcc: {  	[tilespmem:s25], [sflag:$0x6] =	stream.indirect.gather [hbm4b:s1+s19], $0x80, s19, s19, $0xb8;
	[tilespmem:$0x1BE00] =	vst v63  }
0xcd: {  	s6 =	sadd.s32 s7, s13;
	s7 =	sadd.s32 $0x20, s7  }
0xce: {  	[tilespmem:s21], [sflag:$0x4] =	stream.linear.gather [hbm4b:s6+s4], $0x40, $0x38;
	[tilespmem:$0x1BE00] =	vst v63  }
.LBB2_9:
0xcf: {  	_ =	sfence.sel $0x180000  }
0xd0: {  	[bflag:$0x0] =	sbarrier.arrive $0xFFFF  }
0xd1: {  	_ =	strace $0x90000050  }
0xd2: {  	s0 =	stileid.u32;
	[bflag:$0x2] =	sbarrier.arrive $0xFFFF  }
0xd3: {  	p0 =	sne.s32 s0, $0x0;
	s0 =	rddreg [dreg:$0x3]  }
0xd4: {  	s0 =	sadd.s32 @!p0 $0x100000, s0  }
0xd5: {  	[sflag:s0] =	ssyncadd.tile.s32 @!p0 $0x1;
	_ =	shalt  }
.Lfunc_end2:
_tile_overlayer_lowered:
.L_overlay_start_2:
0xd6: {  	(tag) =	ssettag $0x2  }
0xd7: {  	s0 =	rddreg [dreg:$0x0];
	s2 =	stileid.u32  }
0xd8: {  	s1 =	rddreg [dreg:$0x1];
	p0 =	sne.s32 s2, $0x0  }
0xd9: {  	s3 =	rddreg [dreg:$0x2];
	[bflag:$0x3] =	sbarrier.arrive $0xFFFF;
	s2 =	simm.s32 @!p0 $0x1C0B  }
0xda: {  	[timem:s3], [sflag:s2] =	dma.local @!p0 [hbm:s0], s1  }
0xdb: {  	s0 =	simm.s32 @!p0 $0xB  }
0xdc: {  	_ =	swait.ge @!p0 [sflag:s0], s1  }
0xdd: {  	s1 =	ssub.s32 @!p0 $0x0, s1;
	[sflag:s0] =	ssyncset.done @!p0 $0x0  }
0xde: {  	[sflag:s0] =	ssyncadd.s32 @!p0 s1  }
0xdf: {  	[bflag:$0x3] =	sbarrier.arrive $0xFFFF  }
0xe0: {  	_ =	shalt  }

</sc_bundles>
